<compile_context>
chip_gen: v7x
topology: tpu7x:2x2x1
jax: 0.10.2.dev20260603
libtpu: 0.0.44.dev20260713+nightly
codegen_flags: <defaults>
</compile_context>

<pallas_src>
import functools

import jax
import jax.numpy as jnp
from jax import lax
from jax.experimental import pallas as pl
from jax.experimental.pallas import tpu as pltpu
from jax.experimental.pallas import tpu_sc as plsc

N = 10000
D = 128
E = 320000
G_OUT = 64
CHUNK = 128
N_CHUNKS = E // CHUNK
NC, NS = 2, 16
NW = NC * NS
CPW = 80
R = 2000
N_BLOCKS = N // R
N_PAD = 10240
SLAB = N_PAD // NS

_mesh = plsc.VectorSubcoreMesh(core_axis_name="c", subcore_axis_name="s")


def _span(wid):
    start = 80 * wid - 8 * jnp.maximum(0, wid - 25)
    n = jnp.where(wid < 25, 80, jnp.where(wid < 31, 72, 68))
    return start, n


@functools.partial(
    pl.kernel,
    out_type=jax.ShapeDtypeStruct((NC, N_PAD), jnp.float32),
    mesh=_mesh,
    scratch_types=[
        pltpu.VMEM((CPW, CHUNK), jnp.int32),
        pltpu.VMEM((CHUNK,), jnp.float32),
        pltpu.VMEM_SHARED((N_PAD,), jnp.float32),
        pltpu.SemaphoreType.DMA,
    ],
)
def _deg(e3_hbm, out_hbm, idx_v, val_v, hacc, sem):
    cid = lax.axis_index("c")
    sid = lax.axis_index("s")
    wid = sid * NC + cid
    start, n_my = _span(wid)

    zeros = jnp.zeros((16,), jnp.float32)

    def zbody(i, carry):
        val_v[pl.ds(i * 16, 16)] = zeros
        return carry

    lax.fori_loop(0, CHUNK // 16, zbody, 0)
    base = sid * SLAB
    for k in range(SLAB // CHUNK):
        pltpu.sync_copy(val_v, hacc.at[pl.ds(base + k * CHUNK, CHUNK)])
    plsc.subcore_barrier()

    ones = jnp.ones((16,), jnp.float32)

    def obody(i, carry):
        val_v[pl.ds(i * 16, 16)] = ones
        return carry

    lax.fori_loop(0, CHUNK // 16, obody, 0)

    @pl.when(n_my == 80)
    def _():
        pltpu.sync_copy(e3_hbm.at[1, pl.ds(start, 80)], idx_v)

    @pl.when(n_my < 80)
    def _():
        pltpu.sync_copy(e3_hbm.at[1, pl.ds(start, 72)],
                        idx_v.at[pl.ds(0, 72)])

    def fire(i, carry):
        pltpu.async_copy(val_v, hacc.at[idx_v.at[i]], sem, add=True)
        return carry

    lax.fori_loop(0, n_my, fire, 0)

    def drain(i, carry):
        pltpu.make_async_copy(val_v, hacc.at[idx_v.at[0]], sem).wait()
        return carry

    lax.fori_loop(0, n_my, drain, 0)
    plsc.subcore_barrier()
    pltpu.sync_copy(hacc.at[pl.ds(base, SLAB)],
                    out_hbm.at[cid, pl.ds(base, SLAB)])


@functools.partial(
    pl.kernel,
    out_type=jax.ShapeDtypeStruct((NC, N, D), jnp.float32),
    mesh=_mesh,
    scratch_types=[
        pltpu.VMEM((2, CPW // 2, CHUNK), jnp.int32),
        pltpu.VMEM((CHUNK, D), jnp.float32),
        pltpu.VMEM((CHUNK, D), jnp.float32),
        pltpu.VMEM_SHARED((N_PAD, D), jnp.float32),
        pltpu.SemaphoreType.DMA,
        pltpu.SemaphoreType.DMA,
        pltpu.SemaphoreType.DMA,
        pltpu.SemaphoreType.DMA,
    ],
)
def _prop(g_hbm, e3_hbm, out_hbm, eidx, rows0, rows1, acc, sem0a, sem0b,
          sem1a, sem1b):
    cid = lax.axis_index("c")
    sid = lax.axis_index("s")
    wid = sid * NC + cid
    start, n_my = _span(wid)
    rows = (rows0, rows1)
    sems = ((sem0a, sem0b), (sem1a, sem1b))
    H = CHUNK // 2

    zeros = jnp.zeros((16,), jnp.float32)

    def zbody(i, carry):
        rows1[i // 8, pl.ds((i % 8) * 16, 16)] = zeros
        return carry

    lax.fori_loop(0, CHUNK * 8, zbody, 0)
    base = sid * SLAB

    def gather(t, slot):
        pltpu.async_copy(g_hbm.at[eidx.at[0, t, pl.ds(0, H)]],
                         rows[slot].at[pl.ds(0, H)], sems[slot][0])
        pltpu.async_copy(g_hbm.at[eidx.at[0, t, pl.ds(H, H)]],
                         rows[slot].at[pl.ds(H, H)], sems[slot][1])

    def gwait(slot):
        pltpu.make_async_copy(g_hbm.at[eidx.at[0, 0, pl.ds(0, H)]],
                              rows[slot].at[pl.ds(0, H)],
                              sems[slot][0]).wait()
        pltpu.make_async_copy(g_hbm.at[eidx.at[0, 0, pl.ds(0, H)]],
                              rows[slot].at[pl.ds(H, H)],
                              sems[slot][1]).wait()

    def scatter(t, slot):
        pltpu.sync_copy(rows[slot], acc.at[eidx.at[1, t]], add=True)

    def run_phase(p_start, nt, first):
        @pl.when(nt == 40)
        def _():
            pltpu.sync_copy(e3_hbm.at[:, pl.ds(p_start, 40)], eidx)

        @pl.when(nt < 40)
        def _():
            pltpu.sync_copy(e3_hbm.at[:, pl.ds(p_start, 32)],
                            eidx.at[:, pl.ds(0, 32)])

        gather(0, 0)
        if first:
            for k in range(SLAB // CHUNK):
                pltpu.sync_copy(rows1,
                                acc.at[pl.ds(base + k * CHUNK, CHUNK)])
            plsc.subcore_barrier()
        gather(1, 1)

        def pair(u, carry):
            tl = 2 * u
            gwait(0)
            scatter(tl, 0)

            @pl.when(tl + 2 < nt)
            def _():
                gather(tl + 2, 0)

            gwait(1)
            scatter(tl + 1, 1)

            @pl.when(tl + 3 < nt)
            def _():
                gather(tl + 3, 1)

            return carry

        lax.fori_loop(0, nt // 2, pair, 0)

    run_phase(start, jnp.int32(40), True)
    run_phase(start + 40, n_my - 40, False)
    plsc.subcore_barrier()

    @pl.when(sid < NS - 1)
    def _():
        pltpu.sync_copy(acc.at[pl.ds(base, SLAB)],
                        out_hbm.at[cid, pl.ds(base, SLAB)])

    @pl.when(sid == NS - 1)
    def _():
        last = (NS - 1) * SLAB
        pltpu.sync_copy(acc.at[pl.ds(last, N - last)],
                        out_hbm.at[cid, pl.ds(last, N - last)])


def _prep_body(x_ref, w_ref, hist_ref, g_ref, dis_ref):
    deg = 1.0 + jnp.sum(hist_ref[...], axis=1, keepdims=True)
    dis = lax.rsqrt(deg)
    dis_ref[...] = dis
    xw = jnp.dot(x_ref[...], w_ref[...], preferred_element_type=jnp.float32)
    g_ref[...] = xw * dis


def _prep(x, w1, hist):
    return pl.pallas_call(
        _prep_body,
        grid=(N_BLOCKS,),
        in_specs=[
            pl.BlockSpec((R, D), lambda i: (i, 0)),
            pl.BlockSpec((D, D), lambda i: (0, 0)),
            pl.BlockSpec((R, NC), lambda i: (i, 0)),
        ],
        out_specs=[
            pl.BlockSpec((R, D), lambda i: (i, 0)),
            pl.BlockSpec((R, 1), lambda i: (i, 0)),
        ],
        out_shape=[
            jax.ShapeDtypeStruct((N, D), jnp.float32),
            jax.ShapeDtypeStruct((N, 1), jnp.float32),
        ],
    )(x, w1, hist)


def _mid_body(a0_ref, a1_ref, g_ref, dis_ref, b_ref, w_ref, gout_ref):
    dis = dis_ref[...]
    h = dis * (a0_ref[...] + a1_ref[...] + g_ref[...]) + b_ref[...]
    h = jnp.maximum(h, 0.0)
    hw = jnp.dot(h, w_ref[...], preferred_element_type=jnp.float32)
    gout_ref[...] = hw * dis


def _mid(a0, a1, g, dis, b, w):
    return pl.pallas_call(
        _mid_body,
        grid=(N_BLOCKS,),
        in_specs=[
            pl.BlockSpec((R, D), lambda i: (i, 0)),
            pl.BlockSpec((R, D), lambda i: (i, 0)),
            pl.BlockSpec((R, D), lambda i: (i, 0)),
            pl.BlockSpec((R, 1), lambda i: (i, 0)),
            pl.BlockSpec((1, D), lambda i: (0, 0)),
            pl.BlockSpec((D, D), lambda i: (0, 0)),
        ],
        out_specs=pl.BlockSpec((R, D), lambda i: (i, 0)),
        out_shape=jax.ShapeDtypeStruct((N, D), jnp.float32),
    )(a0, a1, g, dis, b, w)


def _final_body(a0_ref, a1_ref, g_ref, dis_ref, b_ref, batch_ref, wl_ref,
                bl_ref, out_ref, sums, cnts):
    i = pl.program_id(0)

    @pl.when(i == 0)
    def _():
        sums[...] = jnp.zeros_like(sums)
        cnts[...] = jnp.zeros_like(cnts)

    h = dis_ref[...] * (a0_ref[...] + a1_ref[...] + g_ref[...]) + b_ref[...]
    bt = batch_ref[...][:, 0]
    gid = lax.broadcasted_iota(jnp.int32, (G_OUT, R), 0)
    onehot = (gid == bt[None, :]).astype(jnp.float32)
    sums[...] += jnp.dot(onehot, h, preferred_element_type=jnp.float32)
    cnts[...] += jnp.sum(onehot, axis=1)[:, None]

    @pl.when(i == N_BLOCKS - 1)
    def _():
        pooled = sums[...] / jnp.maximum(cnts[...], 1.0)
        out_ref[...] = (
            jnp.dot(pooled, wl_ref[...], preferred_element_type=jnp.float32)
            + bl_ref[...]
        )


def _final(a0, a1, g, dis, b, batch2d, wl, bl):
    return pl.pallas_call(
        _final_body,
        grid=(N_BLOCKS,),
        in_specs=[
            pl.BlockSpec((R, D), lambda i: (i, 0)),
            pl.BlockSpec((R, D), lambda i: (i, 0)),
            pl.BlockSpec((R, D), lambda i: (i, 0)),
            pl.BlockSpec((R, 1), lambda i: (i, 0)),
            pl.BlockSpec((1, D), lambda i: (0, 0)),
            pl.BlockSpec((R, 1), lambda i: (i, 0)),
            pl.BlockSpec((D, G_OUT), lambda i: (0, 0)),
            pl.BlockSpec((1, G_OUT), lambda i: (0, 0)),
        ],
        out_specs=pl.BlockSpec((G_OUT, G_OUT), lambda i: (0, 0)),
        out_shape=jax.ShapeDtypeStruct((G_OUT, G_OUT), jnp.float32),
        scratch_shapes=[
            pltpu.VMEM((G_OUT, D), jnp.float32),
            pltpu.VMEM((G_OUT, 1), jnp.float32),
        ],
    )(a0, a1, g, dis, b, batch2d, wl, bl)


def kernel(x, edge_index, batch, layers, W1, b1, W2, b2, W3, b3, Wl, bl):
    x = x.reshape(-1, x.shape[-1]).astype(jnp.float32)
    e3 = edge_index.reshape(2, N_CHUNKS, CHUNK)
    batch2d = batch.reshape(N, 1)
    b1r = b1.reshape(1, D)
    b2r = b2.reshape(1, D)
    b3r = b3.reshape(1, D)
    blr = bl.reshape(1, G_OUT)

    hist = _deg(e3).T
    g1, dis = _prep(x, W1, hist)
    p1 = _prop(g1, e3)
    g2 = _mid(p1[0], p1[1], g1, dis, b1r, W2)
    p2 = _prop(g2, e3)
    g3 = _mid(p2[0], p2[1], g2, dis, b2r, W3)
    p3 = _prop(g3, e3)
    return _final(p3[0], p3[1], g3, dis, b3r, batch2d, Wl, blr)

# --- scband reference (transcript-rebuilt; emitter-appended) ---
"""Pipeline reference for scband-gcn-10866267259524 (READ-ONLY COPY).

The authoritative reference and input builder live on the scoring server;
editing this copy changes nothing except your own understanding.
"""

import jax, jax.numpy as jnp
import numpy as np

N_NODES = 10000
N_EDGES = 320000
D_FEAT = 128
HIDDEN = 128
OUT_DIM = 64
NUM_GRAPHS = 64


def gcn_conv(x, src, dst, W, b, n):
    # x' = D^{-1/2} (A + I) D^{-1/2} X W + b  (PyG GCNConv with add_self_loops=True)
    h = x @ W
    ones = jnp.ones(src.shape[0], dtype=h.dtype)
    deg = jax.ops.segment_sum(ones, dst, num_segments=n)
    deg_inv_sqrt = jnp.where(deg > 0, deg ** -0.5, 0.0)
    norm = deg_inv_sqrt[src] * deg_inv_sqrt[dst]
    msgs = h[src] * norm[:, None]
    out = jax.ops.segment_sum(msgs, dst, num_segments=n)
    return out + b


def setup_inputs(seed: int = 0):
    key = jax.random.key(seed)
    ks = jax.random.split(key, 12)
    x = jax.random.normal(ks[0], (N_NODES, D_FEAT), dtype=jnp.float32)
    edge_index = jax.random.randint(ks[1], (2, N_EDGES), 0, N_NODES, dtype=jnp.int32)
    batch = jnp.sort(jax.random.randint(ks[2], (N_NODES,), 0, NUM_GRAPHS, dtype=jnp.int32))
    s = 0.05
    W1 = jax.random.normal(ks[3], (D_FEAT, HIDDEN), dtype=jnp.float32) * s
    b1 = jnp.zeros((HIDDEN,), dtype=jnp.float32)
    W2 = jax.random.normal(ks[4], (HIDDEN, HIDDEN), dtype=jnp.float32) * s
    b2 = jnp.zeros((HIDDEN,), dtype=jnp.float32)
    W3 = jax.random.normal(ks[5], (HIDDEN, HIDDEN), dtype=jnp.float32) * s
    b3 = jnp.zeros((HIDDEN,), dtype=jnp.float32)
    Wl = jax.random.normal(ks[6], (HIDDEN, OUT_DIM), dtype=jnp.float32) * s
    bl = jnp.zeros((OUT_DIM,), dtype=jnp.float32)
    return {"x": x, "edge_index": edge_index, "batch": batch, "layers": 3,
            "W1": W1, "b1": b1, "W2": W2, "b2": b2, "W3": W3, "b3": b3,
            "Wl": Wl, "bl": bl}


def reference(x, edge_index, batch, layers, W1, b1, W2, b2, W3, b3, Wl, bl):
    x = x.reshape(-1, x.shape[-1]).astype(jnp.float32)
    src = edge_index[0]
    dst = edge_index[1]
    loop = jnp.arange(N_NODES, dtype=src.dtype)
    src = jnp.concatenate([src, loop])
    dst = jnp.concatenate([dst, loop])
    h = jax.nn.relu(gcn_conv(x, src, dst, W1, b1, N_NODES))

    def deep_branch(h_in):
        h2 = jax.nn.relu(gcn_conv(h_in, src, dst, W2, b2, N_NODES))
        return gcn_conv(h2, src, dst, W3, b3, N_NODES)

    def shallow_branch(h_in):
        return h_in

    h = jax.lax.cond(layers == 3, deep_branch, shallow_branch, h)
    # global_mean_pool
    sums = jax.ops.segment_sum(h, batch, num_segments=NUM_GRAPHS)
    counts = jax.ops.segment_sum(jnp.ones((h.shape[0],), dtype=h.dtype), batch, num_segments=NUM_GRAPHS)
    pooled = sums / jnp.clip(counts, 1.0, None)[:, None]
    # dropout is identity in eval mode
    out = pooled @ Wl + bl
    return out

if __name__ == "__main__":
    import jax
    _d = setup_inputs()
    print(jax.jit(kernel)(*tuple(_d.values())))

</pallas_src>

<mosaic_0001>
#map = affine_map<(d0, d1) -> (0, 0)>
#map1 = affine_map<(d0, d1) -> (0, 0, 0)>
module attributes {stable_mosaic.version = 14 : i64} {
  func.func @_prop(%arg0: i32, %arg1: i32, %arg2: memref<10000x128xf32, #tpu.memory_space<hbm>>, %arg3: memref<2x2500x128xi32, #tpu.memory_space<hbm>>, %arg4: memref<2x10000x128xf32, #tpu.memory_space<hbm>>, %arg5: memref<2x40x128xi32, #tpu.memory_space<vmem>>, %arg6: memref<128x128xf32, #tpu.memory_space<vmem>>, %arg7: memref<128x128xf32, #tpu.memory_space<vmem>>, %arg8: memref<10240x128xf32, #tpu.memory_space<vmem_shared>>, %arg9: memref<!tpu.dma_semaphore, #tpu.memory_space<semaphore_mem>>, %arg10: memref<!tpu.dma_semaphore, #tpu.memory_space<semaphore_mem>>, %arg11: memref<!tpu.dma_semaphore, #tpu.memory_space<semaphore_mem>>, %arg12: memref<!tpu.dma_semaphore, #tpu.memory_space<semaphore_mem>>) attributes {dimension_semantics = [#tpu.dimension_semantics<core_parallel>, #tpu.dimension_semantics<subcore_parallel>], iteration_bounds = array<i64: 2, 16>, scalar_prefetch = 0 : i64, scratch_operands = 8 : i64, tpu.core_type = #tpu.core_type<sc_vector_subcore>, window_params = [{transform_indices = #map}, {transform_indices = #map1}, {transform_indices = #map1}]} {
    %mul3A = arith.constant 2 : i32
    %mul3A_0 = arith.muli %arg1, %mul3A : i32
    %add3A = arith.addi %mul3A_0, %arg0 : i32
    %mul3A_1 = arith.constant 80 : i32
    %mul3A_2 = arith.muli %mul3A_1, %add3A : i32
    %sub3A = arith.constant 25 : i32
    %sub3A_3 = arith.subi %add3A, %sub3A : i32
    %max3A = arith.constant 0 : i32
    %max3A_4 = arith.maxsi %max3A, %sub3A_3 : i32
    %mul3A_5 = arith.constant 8 : i32
    %mul3A_6 = arith.muli %mul3A_5, %max3A_4 : i32
    %sub3A_7 = arith.subi %mul3A_2, %mul3A_6 : i32
    %lt3A = arith.constant 25 : i32
    %lt3A_8 = arith.cmpi slt, %add3A, %lt3A : i32
    %lt3A_9 = arith.constant 31 : i32
    %lt3A_10 = arith.cmpi slt, %add3A, %lt3A_9 : i32
    %jit3A = arith.constant 72 : i32
    %jit3A_11 = arith.constant 68 : i32
    %select_n3A = arith.select %lt3A_10, %jit3A, %jit3A_11 : i32
    %jit3A_12 = arith.constant 80 : i32
    %select_n3A_13 = arith.select %lt3A_8, %jit3A_12, %select_n3A : i32
    %broadcast_in_dim3A = arith.constant 0.000000e+00 : f32
    %broadcast_in_dim3A_14 = vector.broadcast %broadcast_in_dim3A : f32 to vector<16xf32>
    %scan3A = arith.constant 0 : i32
    %scan3A_15 = arith.constant 0 : i32
    %scan3A_16 = arith.constant 1024 : i32
    %scan3A_17 = arith.addi %scan3A_15, %scan3A_16 : i32
    %scan3A_18 = arith.constant 1 : i32
    scf.for %scan3A_217 = %scan3A_15 to %scan3A_17 step %scan3A_18  : i32 {
      %jit3A_218 = arith.constant 8 : i32
      %div3A_219 = arith.divsi %scan3A_217, %jit3A_218 : i32
      %sign3A_220 = arith.constant 0 : i32
      %sign3A_221 = arith.cmpi sgt, %scan3A_217, %sign3A_220 : i32
      %sign3A_222 = arith.extui %sign3A_221 : i1 to i32
      %sign3A_223 = arith.constant 0 : i32
      %sign3A_224 = arith.cmpi slt, %scan3A_217, %sign3A_223 : i32
      %sign3A_225 = arith.extui %sign3A_224 : i1 to i32
      %sign3A_226 = arith.subi %sign3A_222, %sign3A_225 : i32
      %sign3A_227 = arith.constant 0 : i32
      %sign3A_228 = arith.cmpi sgt, %jit3A_218, %sign3A_227 : i32
      %sign3A_229 = arith.extui %sign3A_228 : i1 to i32
      %sign3A_230 = arith.constant 0 : i32
      %sign3A_231 = arith.cmpi slt, %jit3A_218, %sign3A_230 : i32
      %sign3A_232 = arith.extui %sign3A_231 : i1 to i32
      %sign3A_233 = arith.subi %sign3A_229, %sign3A_232 : i32
      %ne3A_234 = arith.cmpi ne, %sign3A_226, %sign3A_233 : i32
      %rem3A_235 = arith.remsi %scan3A_217, %jit3A_218 : i32
      %ne3A_236 = arith.constant 0 : i32
      %ne3A_237 = arith.cmpi ne, %rem3A_235, %ne3A_236 : i32
      %and3A_238 = arith.andi %ne3A_234, %ne3A_237 : i1
      %sub3A_239 = arith.constant 1 : i32
      %sub3A_240 = arith.subi %div3A_219, %sub3A_239 : i32
      %select_n3A_241 = arith.select %and3A_238, %sub3A_240, %div3A_219 : i32
      %jit3A_242 = arith.constant 8 : i32
      %eq3A_243 = arith.constant 0 : i32
      %eq3A_244 = arith.cmpi eq, %jit3A_242, %eq3A_243 : i32
      %jit3A_245 = arith.constant 1 : i32
      %select_n3A_246 = arith.select %eq3A_244, %jit3A_245, %jit3A_242 : i32
      %rem3A_247 = arith.remsi %scan3A_217, %select_n3A_246 : i32
      %ne3A_248 = arith.constant 0 : i32
      %ne3A_249 = arith.cmpi ne, %rem3A_247, %ne3A_248 : i32
      %lt3A_250 = arith.constant 0 : i32
      %lt3A_251 = arith.cmpi slt, %rem3A_247, %lt3A_250 : i32
      %lt3A_252 = arith.constant 0 : i32
      %lt3A_253 = arith.cmpi slt, %select_n3A_246, %lt3A_252 : i32
      %ne3A_254 = arith.xori %lt3A_251, %lt3A_253 : i1
      %and3A_255 = arith.andi %ne3A_254, %ne3A_249 : i1
      %add3A_256 = arith.addi %rem3A_247, %select_n3A_246 : i32
      %select_n3A_257 = arith.select %and3A_255, %add3A_256, %rem3A_247 : i32
      %mul3A_258 = arith.constant 16 : i32
      %mul3A_259 = arith.muli %select_n3A_257, %mul3A_258 : i32
      %swap3A = arith.index_cast %select_n3A_241 : i32 to index
      %swap3A_260 = arith.index_cast %mul3A_259 : i32 to index
      %swap3A_261 = tpu.vector_load %arg7[%swap3A, %swap3A_260] {strides = array<i32>} : memref<128x128xf32, #tpu.memory_space<vmem>>, vector<1x16xf32>,
      %swap3A_262 = vector.shape_cast %swap3A_261 : vector<1x16xf32> to vector<16xf32>
      %swap3A_263 = vector.shape_cast %broadcast_in_dim3A_14 : vector<16xf32> to vector<1x16xf32>
      tpu.vector_store %arg7[%swap3A, %swap3A_260], %swap3A_263 {strides = array<i32>} : memref<128x128xf32, #tpu.memory_space<vmem>>, vector<1x16xf32>,
    }
    %scan3A_19 = arith.constant 1024 : i32
    %mul3A_20 = arith.constant 640 : i32
    %mul3A_21 = arith.muli %arg1, %mul3A_20 : i32
    %eq3A = arith.constant 40 : i32
    %eq3A_22 = arith.constant 40 : i32
    %eq3A_23 = arith.cmpi eq, %eq3A, %eq3A_22 : i32
    %convert_element_type3A = arith.extui %eq3A_23 : i1 to i32
    %cond3A = arith.constant 0 : i32
    %cond3A_24 = arith.cmpi ne, %convert_element_type3A, %cond3A : i32
    scf.if %cond3A_24 {
      "tpu.region"() ({
        %run_scoped3A = tpu.sem_alloc : memref<!tpu.dma_semaphore, #tpu.memory_space<semaphore_mem>>
        %dma_start3A_217 = arith.constant 0 : i32
        %dma_start3A_218 = arith.constant 0 : i32
        %dma_start3A_219 = tpu.memref_slice %arg3[%dma_start3A_217, %sub3A_7, %dma_start3A_218] : memref<2x2500x128xi32, #tpu.memory_space<hbm>> -> memref<2x40x128xi32, #tpu.memory_space<hbm>>
        %dma_start3A_220 = arith.constant 0 : i32
        %dma_start3A_221 = arith.constant 0 : i32
        %dma_start3A_222 = tpu.memref_slice %arg3[%dma_start3A_220, %sub3A_7, %dma_start3A_221] : memref<2x2500x128xi32, #tpu.memory_space<hbm>> -> memref<2x40x128xi32, #tpu.memory_space<hbm>>
        tpu.enqueue_dma source(%dma_start3A_222 : memref<2x40x128xi32, #tpu.memory_space<hbm>>) target(%arg5 : memref<2x40x128xi32, #tpu.memory_space<vmem>>) target_semaphore(%run_scoped3A : memref<!tpu.dma_semaphore, #tpu.memory_space<semaphore_mem>>)
        %dma_wait3A = arith.constant 0 : i32
        %dma_wait3A_223 = arith.constant 0 : i32
        %dma_wait3A_224 = tpu.memref_slice %arg3[%dma_wait3A, %sub3A_7, %dma_wait3A_223] : memref<2x2500x128xi32, #tpu.memory_space<hbm>> -> memref<2x40x128xi32, #tpu.memory_space<hbm>>
        %dma_wait3A_225 = arith.constant 0 : i32
        %dma_wait3A_226 = arith.constant 0 : i32
        %dma_wait3A_227 = tpu.memref_slice %arg3[%dma_wait3A_225, %sub3A_7, %dma_wait3A_226] : memref<2x2500x128xi32, #tpu.memory_space<hbm>> -> memref<2x40x128xi32, #tpu.memory_space<hbm>>
        tpu.wait_dma2 semaphore(%run_scoped3A : memref<!tpu.dma_semaphore, #tpu.memory_space<semaphore_mem>>) src(%dma_wait3A_227 : memref<2x40x128xi32, #tpu.memory_space<hbm>>) dst(%arg5 : memref<2x40x128xi32, #tpu.memory_space<vmem>>)
        tpu.yield
      }) : () -> ()
    } else {
    }
    %lt3A_25 = arith.constant 40 : i32
    %lt3A_26 = arith.constant 40 : i32
    %lt3A_27 = arith.cmpi slt, %lt3A_25, %lt3A_26 : i32
    %convert_element_type3A_28 = arith.extui %lt3A_27 : i1 to i32
    %cond3A_29 = arith.constant 0 : i32
    %cond3A_30 = arith.cmpi ne, %convert_element_type3A_28, %cond3A_29 : i32
    scf.if %cond3A_30 {
      "tpu.region"() ({
        %run_scoped3A = tpu.sem_alloc : memref<!tpu.dma_semaphore, #tpu.memory_space<semaphore_mem>>
        %dma_start3A_217 = arith.constant 0 : i32
        %dma_start3A_218 = arith.constant 0 : i32
        %dma_start3A_219 = arith.constant 0 : i32
        %dma_start3A_220 = tpu.memref_slice %arg5[%dma_start3A_217, %dma_start3A_218, %dma_start3A_219] : memref<2x40x128xi32, #tpu.memory_space<vmem>> -> memref<2x32x128xi32, #tpu.memory_space<vmem>>
        %dma_start3A_221 = arith.constant 0 : i32
        %dma_start3A_222 = arith.constant 0 : i32
        %dma_start3A_223 = tpu.memref_slice %arg3[%dma_start3A_221, %sub3A_7, %dma_start3A_222] : memref<2x2500x128xi32, #tpu.memory_space<hbm>> -> memref<2x32x128xi32, #tpu.memory_space<hbm>>
        %dma_start3A_224 = arith.constant 0 : i32
        %dma_start3A_225 = arith.constant 0 : i32
        %dma_start3A_226 = arith.constant 0 : i32
        %dma_start3A_227 = tpu.memref_slice %arg5[%dma_start3A_224, %dma_start3A_225, %dma_start3A_226] : memref<2x40x128xi32, #tpu.memory_space<vmem>> -> memref<2x32x128xi32, #tpu.memory_space<vmem>>
        %dma_start3A_228 = arith.constant 0 : i32
        %dma_start3A_229 = arith.constant 0 : i32
        %dma_start3A_230 = tpu.memref_slice %arg3[%dma_start3A_228, %sub3A_7, %dma_start3A_229] : memref<2x2500x128xi32, #tpu.memory_space<hbm>> -> memref<2x32x128xi32, #tpu.memory_space<hbm>>
        tpu.enqueue_dma source(%dma_start3A_230 : memref<2x32x128xi32, #tpu.memory_space<hbm>>) target(%dma_start3A_227 : memref<2x32x128xi32, #tpu.memory_space<vmem>>) target_semaphore(%run_scoped3A : memref<!tpu.dma_semaphore, #tpu.memory_space<semaphore_mem>>)
        %dma_wait3A = arith.constant 0 : i32
        %dma_wait3A_231 = arith.constant 0 : i32
        %dma_wait3A_232 = arith.constant 0 : i32
        %dma_wait3A_233 = tpu.memref_slice %arg5[%dma_wait3A, %dma_wait3A_231, %dma_wait3A_232] : memref<2x40x128xi32, #tpu.memory_space<vmem>> -> memref<2x32x128xi32, #tpu.memory_space<vmem>>
        %dma_wait3A_234 = arith.constant 0 : i32
        %dma_wait3A_235 = arith.constant 0 : i32
        %dma_wait3A_236 = tpu.memref_slice %arg3[%dma_wait3A_234, %sub3A_7, %dma_wait3A_235] : memref<2x2500x128xi32, #tpu.memory_space<hbm>> -> memref<2x32x128xi32, #tpu.memory_space<hbm>>
        %dma_wait3A_237 = arith.constant 0 : i32
        %dma_wait3A_238 = arith.constant 0 : i32
        %dma_wait3A_239 = arith.constant 0 : i32
        %dma_wait3A_240 = tpu.memref_slice %arg5[%dma_wait3A_237, %dma_wait3A_238, %dma_wait3A_239] : memref<2x40x128xi32, #tpu.memory_space<vmem>> -> memref<2x32x128xi32, #tpu.memory_space<vmem>>
        %dma_wait3A_241 = arith.constant 0 : i32
        %dma_wait3A_242 = arith.constant 0 : i32
        %dma_wait3A_243 = tpu.memref_slice %arg3[%dma_wait3A_241, %sub3A_7, %dma_wait3A_242] : memref<2x2500x128xi32, #tpu.memory_space<hbm>> -> memref<2x32x128xi32, #tpu.memory_space<hbm>>
        tpu.wait_dma2 semaphore(%run_scoped3A : memref<!tpu.dma_semaphore, #tpu.memory_space<semaphore_mem>>) src(%dma_wait3A_243 : memref<2x32x128xi32, #tpu.memory_space<hbm>>) dst(%dma_wait3A_240 : memref<2x32x128xi32, #tpu.memory_space<vmem>>)
        tpu.yield
      }) : () -> ()
    } else {
    }
    %dma_start3A = arith.constant 0 : i32
    %dma_start3A_31 = arith.constant 0 : i32
    %dma_start3A_32 = arith.constant 0 : i32
    %dma_start3A_33 = arith.constant 0 : i32
    %dma_start3A_34 = tpu.memref_slice %arg6[%dma_start3A_32, %dma_start3A_33] : memref<128x128xf32, #tpu.memory_space<vmem>> -> memref<64x128xf32, #tpu.memory_space<vmem>>
    %dma_start3A_35 = arith.constant 0 : i32
    %dma_start3A_36 = tpu.memref_slice %arg5[%dma_start3A, %dma_start3A_31, %dma_start3A_35] : memref<2x40x128xi32, #tpu.memory_space<vmem>> -> memref<1x1x64xi32, #tpu.memory_space<vmem>>
    %dma_start3A_37 = tpu.memref_squeeze %dma_start3A_36 : memref<1x1x64xi32, #tpu.memory_space<vmem>> -> memref<64xi32, #tpu.memory_space<vmem>>
    %dma_start3A_38 = arith.constant 0 : i32
    %dma_start3A_39 = arith.constant 0 : i32
    %dma_start3A_40 = tpu.memref_slice %arg2[%dma_start3A_38, %dma_start3A_39] : memref<10000x128xf32, #tpu.memory_space<hbm>> -> memref<10000x128xf32, #tpu.memory_space<hbm>>
    tpu.enqueue_indirect_dma source(%dma_start3A_40 : memref<10000x128xf32, #tpu.memory_space<hbm>>) target(%dma_start3A_34 : memref<64x128xf32, #tpu.memory_space<vmem>>) offsets(%dma_start3A_37 : memref<64xi32, #tpu.memory_space<vmem>>) semaphore(%arg9 : memref<!tpu.dma_semaphore, #tpu.memory_space<semaphore_mem>>)
    %dma_start3A_41 = arith.constant 0 : i32
    %dma_start3A_42 = arith.constant 0 : i32
    %dma_start3A_43 = arith.constant 64 : i32
    %dma_start3A_44 = arith.constant 0 : i32
    %dma_start3A_45 = tpu.memref_slice %arg6[%dma_start3A_43, %dma_start3A_44] : memref<128x128xf32, #tpu.memory_space<vmem>> -> memref<64x128xf32, #tpu.memory_space<vmem>>
    %dma_start3A_46 = arith.constant 64 : i32
    %dma_start3A_47 = tpu.memref_slice %arg5[%dma_start3A_41, %dma_start3A_42, %dma_start3A_46] : memref<2x40x128xi32, #tpu.memory_space<vmem>> -> memref<1x1x64xi32, #tpu.memory_space<vmem>>
    %dma_start3A_48 = tpu.memref_squeeze %dma_start3A_47 : memref<1x1x64xi32, #tpu.memory_space<vmem>> -> memref<64xi32, #tpu.memory_space<vmem>>
    %dma_start3A_49 = arith.constant 0 : i32
    %dma_start3A_50 = arith.constant 0 : i32
    %dma_start3A_51 = tpu.memref_slice %arg2[%dma_start3A_49, %dma_start3A_50] : memref<10000x128xf32, #tpu.memory_space<hbm>> -> memref<10000x128xf32, #tpu.memory_space<hbm>>
    tpu.enqueue_indirect_dma source(%dma_start3A_51 : memref<10000x128xf32, #tpu.memory_space<hbm>>) target(%dma_start3A_45 : memref<64x128xf32, #tpu.memory_space<vmem>>) offsets(%dma_start3A_48 : memref<64xi32, #tpu.memory_space<vmem>>) semaphore(%arg10 : memref<!tpu.dma_semaphore, #tpu.memory_space<semaphore_mem>>)
    %add3A_52 = arith.constant 0 : i32
    %add3A_53 = arith.addi %mul3A_21, %add3A_52 : i32
    "tpu.region"() ({
      %run_scoped3A = tpu.sem_alloc : memref<!tpu.dma_semaphore, #tpu.memory_space<semaphore_mem>>
      %dma_start3A_217 = arith.constant 0 : i32
      %dma_start3A_218 = tpu.memref_slice %arg8[%add3A_53, %dma_start3A_217] : memref<10240x128xf32, #tpu.memory_space<vmem_shared>> -> memref<128x128xf32, #tpu.memory_space<vmem_shared>>
      %dma_start3A_219 = arith.constant 0 : i32
      %dma_start3A_220 = tpu.memref_slice %arg8[%add3A_53, %dma_start3A_219] : memref<10240x128xf32, #tpu.memory_space<vmem_shared>> -> memref<128x128xf32, #tpu.memory_space<vmem_shared>>
      tpu.enqueue_dma source(%arg7 : memref<128x128xf32, #tpu.memory_space<vmem>>) target(%dma_start3A_220 : memref<128x128xf32, #tpu.memory_space<vmem_shared>>) target_semaphore(%run_scoped3A : memref<!tpu.dma_semaphore, #tpu.memory_space<semaphore_mem>>)
      %dma_wait3A = arith.constant 0 : i32
      %dma_wait3A_221 = tpu.memref_slice %arg8[%add3A_53, %dma_wait3A] : memref<10240x128xf32, #tpu.memory_space<vmem_shared>> -> memref<128x128xf32, #tpu.memory_space<vmem_shared>>
      %dma_wait3A_222 = arith.constant 0 : i32
      %dma_wait3A_223 = tpu.memref_slice %arg8[%add3A_53, %dma_wait3A_222] : memref<10240x128xf32, #tpu.memory_space<vmem_shared>> -> memref<128x128xf32, #tpu.memory_space<vmem_shared>>
      tpu.wait_dma2 semaphore(%run_scoped3A : memref<!tpu.dma_semaphore, #tpu.memory_space<semaphore_mem>>) src(%arg7 : memref<128x128xf32, #tpu.memory_space<vmem>>) dst(%dma_wait3A_223 : memref<128x128xf32, #tpu.memory_space<vmem_shared>>)
      tpu.yield
    }) : () -> ()
    %add3A_54 = arith.constant 128 : i32
    %add3A_55 = arith.addi %mul3A_21, %add3A_54 : i32
    "tpu.region"() ({
      %run_scoped3A = tpu.sem_alloc : memref<!tpu.dma_semaphore, #tpu.memory_space<semaphore_mem>>
      %dma_start3A_217 = arith.constant 0 : i32
      %dma_start3A_218 = tpu.memref_slice %arg8[%add3A_55, %dma_start3A_217] : memref<10240x128xf32, #tpu.memory_space<vmem_shared>> -> memref<128x128xf32, #tpu.memory_space<vmem_shared>>
      %dma_start3A_219 = arith.constant 0 : i32
      %dma_start3A_220 = tpu.memref_slice %arg8[%add3A_55, %dma_start3A_219] : memref<10240x128xf32, #tpu.memory_space<vmem_shared>> -> memref<128x128xf32, #tpu.memory_space<vmem_shared>>
      tpu.enqueue_dma source(%arg7 : memref<128x128xf32, #tpu.memory_space<vmem>>) target(%dma_start3A_220 : memref<128x128xf32, #tpu.memory_space<vmem_shared>>) target_semaphore(%run_scoped3A : memref<!tpu.dma_semaphore, #tpu.memory_space<semaphore_mem>>)
      %dma_wait3A = arith.constant 0 : i32
      %dma_wait3A_221 = tpu.memref_slice %arg8[%add3A_55, %dma_wait3A] : memref<10240x128xf32, #tpu.memory_space<vmem_shared>> -> memref<128x128xf32, #tpu.memory_space<vmem_shared>>
      %dma_wait3A_222 = arith.constant 0 : i32
      %dma_wait3A_223 = tpu.memref_slice %arg8[%add3A_55, %dma_wait3A_222] : memref<10240x128xf32, #tpu.memory_space<vmem_shared>> -> memref<128x128xf32, #tpu.memory_space<vmem_shared>>
      tpu.wait_dma2 semaphore(%run_scoped3A : memref<!tpu.dma_semaphore, #tpu.memory_space<semaphore_mem>>) src(%arg7 : memref<128x128xf32, #tpu.memory_space<vmem>>) dst(%dma_wait3A_223 : memref<128x128xf32, #tpu.memory_space<vmem_shared>>)
      tpu.yield
    }) : () -> ()
    %add3A_56 = arith.constant 256 : i32
    %add3A_57 = arith.addi %mul3A_21, %add3A_56 : i32
    "tpu.region"() ({
      %run_scoped3A = tpu.sem_alloc : memref<!tpu.dma_semaphore, #tpu.memory_space<semaphore_mem>>
      %dma_start3A_217 = arith.constant 0 : i32
      %dma_start3A_218 = tpu.memref_slice %arg8[%add3A_57, %dma_start3A_217] : memref<10240x128xf32, #tpu.memory_space<vmem_shared>> -> memref<128x128xf32, #tpu.memory_space<vmem_shared>>
      %dma_start3A_219 = arith.constant 0 : i32
      %dma_start3A_220 = tpu.memref_slice %arg8[%add3A_57, %dma_start3A_219] : memref<10240x128xf32, #tpu.memory_space<vmem_shared>> -> memref<128x128xf32, #tpu.memory_space<vmem_shared>>
      tpu.enqueue_dma source(%arg7 : memref<128x128xf32, #tpu.memory_space<vmem>>) target(%dma_start3A_220 : memref<128x128xf32, #tpu.memory_space<vmem_shared>>) target_semaphore(%run_scoped3A : memref<!tpu.dma_semaphore, #tpu.memory_space<semaphore_mem>>)
      %dma_wait3A = arith.constant 0 : i32
      %dma_wait3A_221 = tpu.memref_slice %arg8[%add3A_57, %dma_wait3A] : memref<10240x128xf32, #tpu.memory_space<vmem_shared>> -> memref<128x128xf32, #tpu.memory_space<vmem_shared>>
      %dma_wait3A_222 = arith.constant 0 : i32
      %dma_wait3A_223 = tpu.memref_slice %arg8[%add3A_57, %dma_wait3A_222] : memref<10240x128xf32, #tpu.memory_space<vmem_shared>> -> memref<128x128xf32, #tpu.memory_space<vmem_shared>>
      tpu.wait_dma2 semaphore(%run_scoped3A : memref<!tpu.dma_semaphore, #tpu.memory_space<semaphore_mem>>) src(%arg7 : memref<128x128xf32, #tpu.memory_space<vmem>>) dst(%dma_wait3A_223 : memref<128x128xf32, #tpu.memory_space<vmem_shared>>)
      tpu.yield
    }) : () -> ()
    %add3A_58 = arith.constant 384 : i32
    %add3A_59 = arith.addi %mul3A_21, %add3A_58 : i32
    "tpu.region"() ({
      %run_scoped3A = tpu.sem_alloc : memref<!tpu.dma_semaphore, #tpu.memory_space<semaphore_mem>>
      %dma_start3A_217 = arith.constant 0 : i32
      %dma_start3A_218 = tpu.memref_slice %arg8[%add3A_59, %dma_start3A_217] : memref<10240x128xf32, #tpu.memory_space<vmem_shared>> -> memref<128x128xf32, #tpu.memory_space<vmem_shared>>
      %dma_start3A_219 = arith.constant 0 : i32
      %dma_start3A_220 = tpu.memref_slice %arg8[%add3A_59, %dma_start3A_219] : memref<10240x128xf32, #tpu.memory_space<vmem_shared>> -> memref<128x128xf32, #tpu.memory_space<vmem_shared>>
      tpu.enqueue_dma source(%arg7 : memref<128x128xf32, #tpu.memory_space<vmem>>) target(%dma_start3A_220 : memref<128x128xf32, #tpu.memory_space<vmem_shared>>) target_semaphore(%run_scoped3A : memref<!tpu.dma_semaphore, #tpu.memory_space<semaphore_mem>>)
      %dma_wait3A = arith.constant 0 : i32
      %dma_wait3A_221 = tpu.memref_slice %arg8[%add3A_59, %dma_wait3A] : memref<10240x128xf32, #tpu.memory_space<vmem_shared>> -> memref<128x128xf32, #tpu.memory_space<vmem_shared>>
      %dma_wait3A_222 = arith.constant 0 : i32
      %dma_wait3A_223 = tpu.memref_slice %arg8[%add3A_59, %dma_wait3A_222] : memref<10240x128xf32, #tpu.memory_space<vmem_shared>> -> memref<128x128xf32, #tpu.memory_space<vmem_shared>>
      tpu.wait_dma2 semaphore(%run_scoped3A : memref<!tpu.dma_semaphore, #tpu.memory_space<semaphore_mem>>) src(%arg7 : memref<128x128xf32, #tpu.memory_space<vmem>>) dst(%dma_wait3A_223 : memref<128x128xf32, #tpu.memory_space<vmem_shared>>)
      tpu.yield
    }) : () -> ()
    %add3A_60 = arith.constant 512 : i32
    %add3A_61 = arith.addi %mul3A_21, %add3A_60 : i32
    "tpu.region"() ({
      %run_scoped3A = tpu.sem_alloc : memref<!tpu.dma_semaphore, #tpu.memory_space<semaphore_mem>>
      %dma_start3A_217 = arith.constant 0 : i32
      %dma_start3A_218 = tpu.memref_slice %arg8[%add3A_61, %dma_start3A_217] : memref<10240x128xf32, #tpu.memory_space<vmem_shared>> -> memref<128x128xf32, #tpu.memory_space<vmem_shared>>
      %dma_start3A_219 = arith.constant 0 : i32
      %dma_start3A_220 = tpu.memref_slice %arg8[%add3A_61, %dma_start3A_219] : memref<10240x128xf32, #tpu.memory_space<vmem_shared>> -> memref<128x128xf32, #tpu.memory_space<vmem_shared>>
      tpu.enqueue_dma source(%arg7 : memref<128x128xf32, #tpu.memory_space<vmem>>) target(%dma_start3A_220 : memref<128x128xf32, #tpu.memory_space<vmem_shared>>) target_semaphore(%run_scoped3A : memref<!tpu.dma_semaphore, #tpu.memory_space<semaphore_mem>>)
      %dma_wait3A = arith.constant 0 : i32
      %dma_wait3A_221 = tpu.memref_slice %arg8[%add3A_61, %dma_wait3A] : memref<10240x128xf32, #tpu.memory_space<vmem_shared>> -> memref<128x128xf32, #tpu.memory_space<vmem_shared>>
      %dma_wait3A_222 = arith.constant 0 : i32
      %dma_wait3A_223 = tpu.memref_slice %arg8[%add3A_61, %dma_wait3A_222] : memref<10240x128xf32, #tpu.memory_space<vmem_shared>> -> memref<128x128xf32, #tpu.memory_space<vmem_shared>>
      tpu.wait_dma2 semaphore(%run_scoped3A : memref<!tpu.dma_semaphore, #tpu.memory_space<semaphore_mem>>) src(%arg7 : memref<128x128xf32, #tpu.memory_space<vmem>>) dst(%dma_wait3A_223 : memref<128x128xf32, #tpu.memory_space<vmem_shared>>)
      tpu.yield
    }) : () -> ()
    %barrier3A = arith.constant 0 : index
    tpu.barrier barrier_id(%barrier3A)
    %dma_start3A_62 = arith.constant 0 : i32
    %dma_start3A_63 = arith.constant 1 : i32
    %dma_start3A_64 = arith.constant 0 : i32
    %dma_start3A_65 = arith.constant 0 : i32
    %dma_start3A_66 = tpu.memref_slice %arg7[%dma_start3A_64, %dma_start3A_65] : memref<128x128xf32, #tpu.memory_space<vmem>> -> memref<64x128xf32, #tpu.memory_space<vmem>>
    %dma_start3A_67 = arith.constant 0 : i32
    %dma_start3A_68 = tpu.memref_slice %arg5[%dma_start3A_62, %dma_start3A_63, %dma_start3A_67] : memref<2x40x128xi32, #tpu.memory_space<vmem>> -> memref<1x1x64xi32, #tpu.memory_space<vmem>>
    %dma_start3A_69 = tpu.memref_squeeze %dma_start3A_68 : memref<1x1x64xi32, #tpu.memory_space<vmem>> -> memref<64xi32, #tpu.memory_space<vmem>>
    %dma_start3A_70 = arith.constant 0 : i32
    %dma_start3A_71 = arith.constant 0 : i32
    %dma_start3A_72 = tpu.memref_slice %arg2[%dma_start3A_70, %dma_start3A_71] : memref<10000x128xf32, #tpu.memory_space<hbm>> -> memref<10000x128xf32, #tpu.memory_space<hbm>>
    tpu.enqueue_indirect_dma source(%dma_start3A_72 : memref<10000x128xf32, #tpu.memory_space<hbm>>) target(%dma_start3A_66 : memref<64x128xf32, #tpu.memory_space<vmem>>) offsets(%dma_start3A_69 : memref<64xi32, #tpu.memory_space<vmem>>) semaphore(%arg11 : memref<!tpu.dma_semaphore, #tpu.memory_space<semaphore_mem>>)
    %dma_start3A_73 = arith.constant 0 : i32
    %dma_start3A_74 = arith.constant 1 : i32
    %dma_start3A_75 = arith.constant 64 : i32
    %dma_start3A_76 = arith.constant 0 : i32
    %dma_start3A_77 = tpu.memref_slice %arg7[%dma_start3A_75, %dma_start3A_76] : memref<128x128xf32, #tpu.memory_space<vmem>> -> memref<64x128xf32, #tpu.memory_space<vmem>>
    %dma_start3A_78 = arith.constant 64 : i32
    %dma_start3A_79 = tpu.memref_slice %arg5[%dma_start3A_73, %dma_start3A_74, %dma_start3A_78] : memref<2x40x128xi32, #tpu.memory_space<vmem>> -> memref<1x1x64xi32, #tpu.memory_space<vmem>>
    %dma_start3A_80 = tpu.memref_squeeze %dma_start3A_79 : memref<1x1x64xi32, #tpu.memory_space<vmem>> -> memref<64xi32, #tpu.memory_space<vmem>>
    %dma_start3A_81 = arith.constant 0 : i32
    %dma_start3A_82 = arith.constant 0 : i32
    %dma_start3A_83 = tpu.memref_slice %arg2[%dma_start3A_81, %dma_start3A_82] : memref<10000x128xf32, #tpu.memory_space<hbm>> -> memref<10000x128xf32, #tpu.memory_space<hbm>>
    tpu.enqueue_indirect_dma source(%dma_start3A_83 : memref<10000x128xf32, #tpu.memory_space<hbm>>) target(%dma_start3A_77 : memref<64x128xf32, #tpu.memory_space<vmem>>) offsets(%dma_start3A_80 : memref<64xi32, #tpu.memory_space<vmem>>) semaphore(%arg12 : memref<!tpu.dma_semaphore, #tpu.memory_space<semaphore_mem>>)
    %jit3A_84 = arith.constant 40 : i32
    %jit3A_85 = arith.constant 2 : i32
    %div3A = arith.divsi %jit3A_84, %jit3A_85 : i32
    %sign3A = arith.constant 0 : i32
    %sign3A_86 = arith.cmpi sgt, %jit3A_84, %sign3A : i32
    %sign3A_87 = arith.extui %sign3A_86 : i1 to i32
    %sign3A_88 = arith.constant 0 : i32
    %sign3A_89 = arith.cmpi slt, %jit3A_84, %sign3A_88 : i32
    %sign3A_90 = arith.extui %sign3A_89 : i1 to i32
    %sign3A_91 = arith.subi %sign3A_87, %sign3A_90 : i32
    %sign3A_92 = arith.constant 0 : i32
    %sign3A_93 = arith.cmpi sgt, %jit3A_85, %sign3A_92 : i32
    %sign3A_94 = arith.extui %sign3A_93 : i1 to i32
    %sign3A_95 = arith.constant 0 : i32
    %sign3A_96 = arith.cmpi slt, %jit3A_85, %sign3A_95 : i32
    %sign3A_97 = arith.extui %sign3A_96 : i1 to i32
    %sign3A_98 = arith.subi %sign3A_94, %sign3A_97 : i32
    %ne3A = arith.cmpi ne, %sign3A_91, %sign3A_98 : i32
    %rem3A = arith.remsi %jit3A_84, %jit3A_85 : i32
    %ne3A_99 = arith.constant 0 : i32
    %ne3A_100 = arith.cmpi ne, %rem3A, %ne3A_99 : i32
    %and3A = arith.andi %ne3A, %ne3A_100 : i1
    %sub3A_101 = arith.constant 1 : i32
    %sub3A_102 = arith.subi %div3A, %sub3A_101 : i32
    %select_n3A_103 = arith.select %and3A, %sub3A_102, %div3A : i32
    %while3A = arith.constant 0 : i32
    %while3A_104 = arith.constant 40 : i32
    %while3A_105 = arith.constant 0 : i32
    %while3A_106 = arith.subi %select_n3A_103, %while3A_105 : i32
    %while3A_107 = arith.addi %while3A_105, %while3A_106 : i32
    %while3A_108 = arith.constant 1 : i32
    %while3A_109 = arith.divsi %while3A_106, %while3A_108 : i32
    %while3A_110 = arith.muli %while3A_109, %while3A_108 : i32
    %while3A_111 = arith.addi %while3A_105, %while3A_110 : i32
    %while3A_112 = arith.constant 1 : i32
    scf.for %while3A_217 = %while3A_105 to %while3A_111 step %while3A_112  : i32 {
      %mul3A_218 = arith.constant 2 : i32
      %mul3A_219 = arith.muli %mul3A_218, %while3A_217 : i32
      %dma_wait3A = arith.constant 0 : i32
      %dma_wait3A_220 = arith.constant 0 : i32
      %dma_wait3A_221 = arith.constant 0 : i32
      %dma_wait3A_222 = arith.constant 0 : i32
      %dma_wait3A_223 = tpu.memref_slice %arg6[%dma_wait3A_221, %dma_wait3A_222] : memref<128x128xf32, #tpu.memory_space<vmem>> -> memref<64x128xf32, #tpu.memory_space<vmem>>
      %dma_wait3A_224 = arith.constant 0 : i32
      %dma_wait3A_225 = tpu.memref_slice %arg5[%dma_wait3A, %dma_wait3A_220, %dma_wait3A_224] : memref<2x40x128xi32, #tpu.memory_space<vmem>> -> memref<1x1x64xi32, #tpu.memory_space<vmem>>
      %dma_wait3A_226 = tpu.memref_squeeze %dma_wait3A_225 : memref<1x1x64xi32, #tpu.memory_space<vmem>> -> memref<64xi32, #tpu.memory_space<vmem>>
      %dma_wait3A_227 = arith.constant 0 : i32
      %dma_wait3A_228 = arith.constant 0 : i32
      %dma_wait3A_229 = tpu.memref_slice %arg2[%dma_wait3A_227, %dma_wait3A_228] : memref<10000x128xf32, #tpu.memory_space<hbm>> -> memref<10000x128xf32, #tpu.memory_space<hbm>>
      tpu.wait_indirect_dma semaphore(%arg9 : memref<!tpu.dma_semaphore, #tpu.memory_space<semaphore_mem>>) src(%dma_wait3A_229 : memref<10000x128xf32, #tpu.memory_space<hbm>>) dst(%dma_wait3A_223 : memref<64x128xf32, #tpu.memory_space<vmem>>)
      %dma_wait3A_230 = arith.constant 0 : i32
      %dma_wait3A_231 = arith.constant 0 : i32
      %dma_wait3A_232 = arith.constant 64 : i32
      %dma_wait3A_233 = arith.constant 0 : i32
      %dma_wait3A_234 = tpu.memref_slice %arg6[%dma_wait3A_232, %dma_wait3A_233] : memref<128x128xf32, #tpu.memory_space<vmem>> -> memref<64x128xf32, #tpu.memory_space<vmem>>
      %dma_wait3A_235 = arith.constant 0 : i32
      %dma_wait3A_236 = tpu.memref_slice %arg5[%dma_wait3A_230, %dma_wait3A_231, %dma_wait3A_235] : memref<2x40x128xi32, #tpu.memory_space<vmem>> -> memref<1x1x64xi32, #tpu.memory_space<vmem>>
      %dma_wait3A_237 = tpu.memref_squeeze %dma_wait3A_236 : memref<1x1x64xi32, #tpu.memory_space<vmem>> -> memref<64xi32, #tpu.memory_space<vmem>>
      %dma_wait3A_238 = arith.constant 0 : i32
      %dma_wait3A_239 = arith.constant 0 : i32
      %dma_wait3A_240 = tpu.memref_slice %arg2[%dma_wait3A_238, %dma_wait3A_239] : memref<10000x128xf32, #tpu.memory_space<hbm>> -> memref<10000x128xf32, #tpu.memory_space<hbm>>
      tpu.wait_indirect_dma semaphore(%arg10 : memref<!tpu.dma_semaphore, #tpu.memory_space<semaphore_mem>>) src(%dma_wait3A_240 : memref<10000x128xf32, #tpu.memory_space<hbm>>) dst(%dma_wait3A_234 : memref<64x128xf32, #tpu.memory_space<vmem>>)
      %run_scoped3A = arith.constant 1 : i32
      "tpu.region"() ({
        %run_scoped3A_278 = tpu.sem_alloc : memref<!tpu.dma_semaphore, #tpu.memory_space<semaphore_mem>>
        %dma_start3A_279 = arith.constant 0 : i32
        %dma_start3A_280 = tpu.memref_slice %arg5[%run_scoped3A, %mul3A_219, %dma_start3A_279] : memref<2x40x128xi32, #tpu.memory_space<vmem>> -> memref<1x1x128xi32, #tpu.memory_space<vmem>>
        %dma_start3A_281 = tpu.memref_squeeze %dma_start3A_280 : memref<1x1x128xi32, #tpu.memory_space<vmem>> -> memref<128xi32, #tpu.memory_space<vmem>>
        %dma_start3A_282 = arith.constant 0 : i32
        %dma_start3A_283 = arith.constant 0 : i32
        %dma_start3A_284 = tpu.memref_slice %arg8[%dma_start3A_282, %dma_start3A_283] : memref<10240x128xf32, #tpu.memory_space<vmem_shared>> -> memref<10240x128xf32, #tpu.memory_space<vmem_shared>>
        tpu.enqueue_indirect_dma source(%arg6 : memref<128x128xf32, #tpu.memory_space<vmem>>) target(%dma_start3A_284 : memref<10240x128xf32, #tpu.memory_space<vmem_shared>>) offsets(%dma_start3A_281 : memref<128xi32, #tpu.memory_space<vmem>>) semaphore(%run_scoped3A_278 : memref<!tpu.dma_semaphore, #tpu.memory_space<semaphore_mem>>) {add = true}
        %dma_wait3A_285 = arith.constant 0 : i32
        %dma_wait3A_286 = tpu.memref_slice %arg5[%run_scoped3A, %mul3A_219, %dma_wait3A_285] : memref<2x40x128xi32, #tpu.memory_space<vmem>> -> memref<1x1x128xi32, #tpu.memory_space<vmem>>
        %dma_wait3A_287 = tpu.memref_squeeze %dma_wait3A_286 : memref<1x1x128xi32, #tpu.memory_space<vmem>> -> memref<128xi32, #tpu.memory_space<vmem>>
        %dma_wait3A_288 = arith.constant 0 : i32
        %dma_wait3A_289 = arith.constant 0 : i32
        %dma_wait3A_290 = tpu.memref_slice %arg8[%dma_wait3A_288, %dma_wait3A_289] : memref<10240x128xf32, #tpu.memory_space<vmem_shared>> -> memref<10240x128xf32, #tpu.memory_space<vmem_shared>>
        tpu.wait_indirect_dma semaphore(%run_scoped3A_278 : memref<!tpu.dma_semaphore, #tpu.memory_space<semaphore_mem>>) src(%arg6 : memref<128x128xf32, #tpu.memory_space<vmem>>) dst(%dma_wait3A_290 : memref<10240x128xf32, #tpu.memory_space<vmem_shared>>)
        tpu.yield
      }) : () -> ()
      %add3A_241 = arith.constant 2 : i32
      %add3A_242 = arith.addi %mul3A_219, %add3A_241 : i32
      %lt3A_243 = arith.cmpi slt, %add3A_242, %while3A_104 : i32
      %convert_element_type3A_244 = arith.extui %lt3A_243 : i1 to i32
      %cond3A_245 = arith.constant 0 : i32
      %cond3A_246 = arith.cmpi ne, %convert_element_type3A_244, %cond3A_245 : i32
      scf.if %cond3A_246 {
        %add3A_278 = arith.constant 2 : i32
        %add3A_279 = arith.addi %mul3A_219, %add3A_278 : i32
        %dma_start3A_280 = arith.constant 0 : i32
        %dma_start3A_281 = arith.constant 0 : i32
        %dma_start3A_282 = arith.constant 0 : i32
        %dma_start3A_283 = tpu.memref_slice %arg6[%dma_start3A_281, %dma_start3A_282] : memref<128x128xf32, #tpu.memory_space<vmem>> -> memref<64x128xf32, #tpu.memory_space<vmem>>
        %dma_start3A_284 = arith.constant 0 : i32
        %dma_start3A_285 = tpu.memref_slice %arg5[%dma_start3A_280, %add3A_279, %dma_start3A_284] : memref<2x40x128xi32, #tpu.memory_space<vmem>> -> memref<1x1x64xi32, #tpu.memory_space<vmem>>
        %dma_start3A_286 = tpu.memref_squeeze %dma_start3A_285 : memref<1x1x64xi32, #tpu.memory_space<vmem>> -> memref<64xi32, #tpu.memory_space<vmem>>
        %dma_start3A_287 = arith.constant 0 : i32
        %dma_start3A_288 = arith.constant 0 : i32
        %dma_start3A_289 = tpu.memref_slice %arg2[%dma_start3A_287, %dma_start3A_288] : memref<10000x128xf32, #tpu.memory_space<hbm>> -> memref<10000x128xf32, #tpu.memory_space<hbm>>
        tpu.enqueue_indirect_dma source(%dma_start3A_289 : memref<10000x128xf32, #tpu.memory_space<hbm>>) target(%dma_start3A_283 : memref<64x128xf32, #tpu.memory_space<vmem>>) offsets(%dma_start3A_286 : memref<64xi32, #tpu.memory_space<vmem>>) semaphore(%arg9 : memref<!tpu.dma_semaphore, #tpu.memory_space<semaphore_mem>>)
        %dma_start3A_290 = arith.constant 0 : i32
        %dma_start3A_291 = arith.constant 64 : i32
        %dma_start3A_292 = arith.constant 0 : i32
        %dma_start3A_293 = tpu.memref_slice %arg6[%dma_start3A_291, %dma_start3A_292] : memref<128x128xf32, #tpu.memory_space<vmem>> -> memref<64x128xf32, #tpu.memory_space<vmem>>
        %dma_start3A_294 = arith.constant 64 : i32
        %dma_start3A_295 = tpu.memref_slice %arg5[%dma_start3A_290, %add3A_279, %dma_start3A_294] : memref<2x40x128xi32, #tpu.memory_space<vmem>> -> memref<1x1x64xi32, #tpu.memory_space<vmem>>
        %dma_start3A_296 = tpu.memref_squeeze %dma_start3A_295 : memref<1x1x64xi32, #tpu.memory_space<vmem>> -> memref<64xi32, #tpu.memory_space<vmem>>
        %dma_start3A_297 = arith.constant 0 : i32
        %dma_start3A_298 = arith.constant 0 : i32
        %dma_start3A_299 = tpu.memref_slice %arg2[%dma_start3A_297, %dma_start3A_298] : memref<10000x128xf32, #tpu.memory_space<hbm>> -> memref<10000x128xf32, #tpu.memory_space<hbm>>
        tpu.enqueue_indirect_dma source(%dma_start3A_299 : memref<10000x128xf32, #tpu.memory_space<hbm>>) target(%dma_start3A_293 : memref<64x128xf32, #tpu.memory_space<vmem>>) offsets(%dma_start3A_296 : memref<64xi32, #tpu.memory_space<vmem>>) semaphore(%arg10 : memref<!tpu.dma_semaphore, #tpu.memory_space<semaphore_mem>>)
      } else {
      }
      %dma_wait3A_247 = arith.constant 0 : i32
      %dma_wait3A_248 = arith.constant 0 : i32
      %dma_wait3A_249 = arith.constant 0 : i32
      %dma_wait3A_250 = arith.constant 0 : i32
      %dma_wait3A_251 = tpu.memref_slice %arg7[%dma_wait3A_249, %dma_wait3A_250] : memref<128x128xf32, #tpu.memory_space<vmem>> -> memref<64x128xf32, #tpu.memory_space<vmem>>
      %dma_wait3A_252 = arith.constant 0 : i32
      %dma_wait3A_253 = tpu.memref_slice %arg5[%dma_wait3A_247, %dma_wait3A_248, %dma_wait3A_252] : memref<2x40x128xi32, #tpu.memory_space<vmem>> -> memref<1x1x64xi32, #tpu.memory_space<vmem>>
      %dma_wait3A_254 = tpu.memref_squeeze %dma_wait3A_253 : memref<1x1x64xi32, #tpu.memory_space<vmem>> -> memref<64xi32, #tpu.memory_space<vmem>>
      %dma_wait3A_255 = arith.constant 0 : i32
      %dma_wait3A_256 = arith.constant 0 : i32
      %dma_wait3A_257 = tpu.memref_slice %arg2[%dma_wait3A_255, %dma_wait3A_256] : memref<10000x128xf32, #tpu.memory_space<hbm>> -> memref<10000x128xf32, #tpu.memory_space<hbm>>
      tpu.wait_indirect_dma semaphore(%arg11 : memref<!tpu.dma_semaphore, #tpu.memory_space<semaphore_mem>>) src(%dma_wait3A_257 : memref<10000x128xf32, #tpu.memory_space<hbm>>) dst(%dma_wait3A_251 : memref<64x128xf32, #tpu.memory_space<vmem>>)
      %dma_wait3A_258 = arith.constant 0 : i32
      %dma_wait3A_259 = arith.constant 0 : i32
      %dma_wait3A_260 = arith.constant 64 : i32
      %dma_wait3A_261 = arith.constant 0 : i32
      %dma_wait3A_262 = tpu.memref_slice %arg7[%dma_wait3A_260, %dma_wait3A_261] : memref<128x128xf32, #tpu.memory_space<vmem>> -> memref<64x128xf32, #tpu.memory_space<vmem>>
      %dma_wait3A_263 = arith.constant 0 : i32
      %dma_wait3A_264 = tpu.memref_slice %arg5[%dma_wait3A_258, %dma_wait3A_259, %dma_wait3A_263] : memref<2x40x128xi32, #tpu.memory_space<vmem>> -> memref<1x1x64xi32, #tpu.memory_space<vmem>>
      %dma_wait3A_265 = tpu.memref_squeeze %dma_wait3A_264 : memref<1x1x64xi32, #tpu.memory_space<vmem>> -> memref<64xi32, #tpu.memory_space<vmem>>
      %dma_wait3A_266 = arith.constant 0 : i32
      %dma_wait3A_267 = arith.constant 0 : i32
      %dma_wait3A_268 = tpu.memref_slice %arg2[%dma_wait3A_266, %dma_wait3A_267] : memref<10000x128xf32, #tpu.memory_space<hbm>> -> memref<10000x128xf32, #tpu.memory_space<hbm>>
      tpu.wait_indirect_dma semaphore(%arg12 : memref<!tpu.dma_semaphore, #tpu.memory_space<semaphore_mem>>) src(%dma_wait3A_268 : memref<10000x128xf32, #tpu.memory_space<hbm>>) dst(%dma_wait3A_262 : memref<64x128xf32, #tpu.memory_space<vmem>>)
      %add3A_269 = arith.constant 1 : i32
      %add3A_270 = arith.addi %mul3A_219, %add3A_269 : i32
      %run_scoped3A_271 = arith.constant 1 : i32
      "tpu.region"() ({
        %run_scoped3A_278 = tpu.sem_alloc : memref<!tpu.dma_semaphore, #tpu.memory_space<semaphore_mem>>
        %dma_start3A_279 = arith.constant 0 : i32
        %dma_start3A_280 = tpu.memref_slice %arg5[%run_scoped3A_271, %add3A_270, %dma_start3A_279] : memref<2x40x128xi32, #tpu.memory_space<vmem>> -> memref<1x1x128xi32, #tpu.memory_space<vmem>>
        %dma_start3A_281 = tpu.memref_squeeze %dma_start3A_280 : memref<1x1x128xi32, #tpu.memory_space<vmem>> -> memref<128xi32, #tpu.memory_space<vmem>>
        %dma_start3A_282 = arith.constant 0 : i32
        %dma_start3A_283 = arith.constant 0 : i32
        %dma_start3A_284 = tpu.memref_slice %arg8[%dma_start3A_282, %dma_start3A_283] : memref<10240x128xf32, #tpu.memory_space<vmem_shared>> -> memref<10240x128xf32, #tpu.memory_space<vmem_shared>>
        tpu.enqueue_indirect_dma source(%arg7 : memref<128x128xf32, #tpu.memory_space<vmem>>) target(%dma_start3A_284 : memref<10240x128xf32, #tpu.memory_space<vmem_shared>>) offsets(%dma_start3A_281 : memref<128xi32, #tpu.memory_space<vmem>>) semaphore(%run_scoped3A_278 : memref<!tpu.dma_semaphore, #tpu.memory_space<semaphore_mem>>) {add = true}
        %dma_wait3A_285 = arith.constant 0 : i32
        %dma_wait3A_286 = tpu.memref_slice %arg5[%run_scoped3A_271, %add3A_270, %dma_wait3A_285] : memref<2x40x128xi32, #tpu.memory_space<vmem>> -> memref<1x1x128xi32, #tpu.memory_space<vmem>>
        %dma_wait3A_287 = tpu.memref_squeeze %dma_wait3A_286 : memref<1x1x128xi32, #tpu.memory_space<vmem>> -> memref<128xi32, #tpu.memory_space<vmem>>
        %dma_wait3A_288 = arith.constant 0 : i32
        %dma_wait3A_289 = arith.constant 0 : i32
        %dma_wait3A_290 = tpu.memref_slice %arg8[%dma_wait3A_288, %dma_wait3A_289] : memref<10240x128xf32, #tpu.memory_space<vmem_shared>> -> memref<10240x128xf32, #tpu.memory_space<vmem_shared>>
        tpu.wait_indirect_dma semaphore(%run_scoped3A_278 : memref<!tpu.dma_semaphore, #tpu.memory_space<semaphore_mem>>) src(%arg7 : memref<128x128xf32, #tpu.memory_space<vmem>>) dst(%dma_wait3A_290 : memref<10240x128xf32, #tpu.memory_space<vmem_shared>>)
        tpu.yield
      }) : () -> ()
      %add3A_272 = arith.constant 3 : i32
      %add3A_273 = arith.addi %mul3A_219, %add3A_272 : i32
      %lt3A_274 = arith.cmpi slt, %add3A_273, %while3A_104 : i32
      %convert_element_type3A_275 = arith.extui %lt3A_274 : i1 to i32
      %cond3A_276 = arith.constant 0 : i32
      %cond3A_277 = arith.cmpi ne, %convert_element_type3A_275, %cond3A_276 : i32
      scf.if %cond3A_277 {
        %add3A_278 = arith.constant 3 : i32
        %add3A_279 = arith.addi %mul3A_219, %add3A_278 : i32
        %dma_start3A_280 = arith.constant 0 : i32
        %dma_start3A_281 = arith.constant 0 : i32
        %dma_start3A_282 = arith.constant 0 : i32
        %dma_start3A_283 = tpu.memref_slice %arg7[%dma_start3A_281, %dma_start3A_282] : memref<128x128xf32, #tpu.memory_space<vmem>> -> memref<64x128xf32, #tpu.memory_space<vmem>>
        %dma_start3A_284 = arith.constant 0 : i32
        %dma_start3A_285 = tpu.memref_slice %arg5[%dma_start3A_280, %add3A_279, %dma_start3A_284] : memref<2x40x128xi32, #tpu.memory_space<vmem>> -> memref<1x1x64xi32, #tpu.memory_space<vmem>>
        %dma_start3A_286 = tpu.memref_squeeze %dma_start3A_285 : memref<1x1x64xi32, #tpu.memory_space<vmem>> -> memref<64xi32, #tpu.memory_space<vmem>>
        %dma_start3A_287 = arith.constant 0 : i32
        %dma_start3A_288 = arith.constant 0 : i32
        %dma_start3A_289 = tpu.memref_slice %arg2[%dma_start3A_287, %dma_start3A_288] : memref<10000x128xf32, #tpu.memory_space<hbm>> -> memref<10000x128xf32, #tpu.memory_space<hbm>>
        tpu.enqueue_indirect_dma source(%dma_start3A_289 : memref<10000x128xf32, #tpu.memory_space<hbm>>) target(%dma_start3A_283 : memref<64x128xf32, #tpu.memory_space<vmem>>) offsets(%dma_start3A_286 : memref<64xi32, #tpu.memory_space<vmem>>) semaphore(%arg11 : memref<!tpu.dma_semaphore, #tpu.memory_space<semaphore_mem>>)
        %dma_start3A_290 = arith.constant 0 : i32
        %dma_start3A_291 = arith.constant 64 : i32
        %dma_start3A_292 = arith.constant 0 : i32
        %dma_start3A_293 = tpu.memref_slice %arg7[%dma_start3A_291, %dma_start3A_292] : memref<128x128xf32, #tpu.memory_space<vmem>> -> memref<64x128xf32, #tpu.memory_space<vmem>>
        %dma_start3A_294 = arith.constant 64 : i32
        %dma_start3A_295 = tpu.memref_slice %arg5[%dma_start3A_290, %add3A_279, %dma_start3A_294] : memref<2x40x128xi32, #tpu.memory_space<vmem>> -> memref<1x1x64xi32, #tpu.memory_space<vmem>>
        %dma_start3A_296 = tpu.memref_squeeze %dma_start3A_295 : memref<1x1x64xi32, #tpu.memory_space<vmem>> -> memref<64xi32, #tpu.memory_space<vmem>>
        %dma_start3A_297 = arith.constant 0 : i32
        %dma_start3A_298 = arith.constant 0 : i32
        %dma_start3A_299 = tpu.memref_slice %arg2[%dma_start3A_297, %dma_start3A_298] : memref<10000x128xf32, #tpu.memory_space<hbm>> -> memref<10000x128xf32, #tpu.memory_space<hbm>>
        tpu.enqueue_indirect_dma source(%dma_start3A_299 : memref<10000x128xf32, #tpu.memory_space<hbm>>) target(%dma_start3A_293 : memref<64x128xf32, #tpu.memory_space<vmem>>) offsets(%dma_start3A_296 : memref<64xi32, #tpu.memory_space<vmem>>) semaphore(%arg12 : memref<!tpu.dma_semaphore, #tpu.memory_space<semaphore_mem>>)
      } else {
      }
    }
    %while3A_113 = arith.constant 1 : i32
    scf.for %while3A_217 = %while3A_111 to %while3A_107 step %while3A_113  : i32 {
      %mul3A_218 = arith.constant 2 : i32
      %mul3A_219 = arith.muli %mul3A_218, %while3A_217 : i32
      %dma_wait3A = arith.constant 0 : i32
      %dma_wait3A_220 = arith.constant 0 : i32
      %dma_wait3A_221 = arith.constant 0 : i32
      %dma_wait3A_222 = arith.constant 0 : i32
      %dma_wait3A_223 = tpu.memref_slice %arg6[%dma_wait3A_221, %dma_wait3A_222] : memref<128x128xf32, #tpu.memory_space<vmem>> -> memref<64x128xf32, #tpu.memory_space<vmem>>
      %dma_wait3A_224 = arith.constant 0 : i32
      %dma_wait3A_225 = tpu.memref_slice %arg5[%dma_wait3A, %dma_wait3A_220, %dma_wait3A_224] : memref<2x40x128xi32, #tpu.memory_space<vmem>> -> memref<1x1x64xi32, #tpu.memory_space<vmem>>
      %dma_wait3A_226 = tpu.memref_squeeze %dma_wait3A_225 : memref<1x1x64xi32, #tpu.memory_space<vmem>> -> memref<64xi32, #tpu.memory_space<vmem>>
      %dma_wait3A_227 = arith.constant 0 : i32
      %dma_wait3A_228 = arith.constant 0 : i32
      %dma_wait3A_229 = tpu.memref_slice %arg2[%dma_wait3A_227, %dma_wait3A_228] : memref<10000x128xf32, #tpu.memory_space<hbm>> -> memref<10000x128xf32, #tpu.memory_space<hbm>>
      tpu.wait_indirect_dma semaphore(%arg9 : memref<!tpu.dma_semaphore, #tpu.memory_space<semaphore_mem>>) src(%dma_wait3A_229 : memref<10000x128xf32, #tpu.memory_space<hbm>>) dst(%dma_wait3A_223 : memref<64x128xf32, #tpu.memory_space<vmem>>)
      %dma_wait3A_230 = arith.constant 0 : i32
      %dma_wait3A_231 = arith.constant 0 : i32
      %dma_wait3A_232 = arith.constant 64 : i32
      %dma_wait3A_233 = arith.constant 0 : i32
      %dma_wait3A_234 = tpu.memref_slice %arg6[%dma_wait3A_232, %dma_wait3A_233] : memref<128x128xf32, #tpu.memory_space<vmem>> -> memref<64x128xf32, #tpu.memory_space<vmem>>
      %dma_wait3A_235 = arith.constant 0 : i32
      %dma_wait3A_236 = tpu.memref_slice %arg5[%dma_wait3A_230, %dma_wait3A_231, %dma_wait3A_235] : memref<2x40x128xi32, #tpu.memory_space<vmem>> -> memref<1x1x64xi32, #tpu.memory_space<vmem>>
      %dma_wait3A_237 = tpu.memref_squeeze %dma_wait3A_236 : memref<1x1x64xi32, #tpu.memory_space<vmem>> -> memref<64xi32, #tpu.memory_space<vmem>>
      %dma_wait3A_238 = arith.constant 0 : i32
      %dma_wait3A_239 = arith.constant 0 : i32
      %dma_wait3A_240 = tpu.memref_slice %arg2[%dma_wait3A_238, %dma_wait3A_239] : memref<10000x128xf32, #tpu.memory_space<hbm>> -> memref<10000x128xf32, #tpu.memory_space<hbm>>
      tpu.wait_indirect_dma semaphore(%arg10 : memref<!tpu.dma_semaphore, #tpu.memory_space<semaphore_mem>>) src(%dma_wait3A_240 : memref<10000x128xf32, #tpu.memory_space<hbm>>) dst(%dma_wait3A_234 : memref<64x128xf32, #tpu.memory_space<vmem>>)
      %run_scoped3A = arith.constant 1 : i32
      "tpu.region"() ({
        %run_scoped3A_278 = tpu.sem_alloc : memref<!tpu.dma_semaphore, #tpu.memory_space<semaphore_mem>>
        %dma_start3A_279 = arith.constant 0 : i32
        %dma_start3A_280 = tpu.memref_slice %arg5[%run_scoped3A, %mul3A_219, %dma_start3A_279] : memref<2x40x128xi32, #tpu.memory_space<vmem>> -> memref<1x1x128xi32, #tpu.memory_space<vmem>>
        %dma_start3A_281 = tpu.memref_squeeze %dma_start3A_280 : memref<1x1x128xi32, #tpu.memory_space<vmem>> -> memref<128xi32, #tpu.memory_space<vmem>>
        %dma_start3A_282 = arith.constant 0 : i32
        %dma_start3A_283 = arith.constant 0 : i32
        %dma_start3A_284 = tpu.memref_slice %arg8[%dma_start3A_282, %dma_start3A_283] : memref<10240x128xf32, #tpu.memory_space<vmem_shared>> -> memref<10240x128xf32, #tpu.memory_space<vmem_shared>>
        tpu.enqueue_indirect_dma source(%arg6 : memref<128x128xf32, #tpu.memory_space<vmem>>) target(%dma_start3A_284 : memref<10240x128xf32, #tpu.memory_space<vmem_shared>>) offsets(%dma_start3A_281 : memref<128xi32, #tpu.memory_space<vmem>>) semaphore(%run_scoped3A_278 : memref<!tpu.dma_semaphore, #tpu.memory_space<semaphore_mem>>) {add = true}
        %dma_wait3A_285 = arith.constant 0 : i32
        %dma_wait3A_286 = tpu.memref_slice %arg5[%run_scoped3A, %mul3A_219, %dma_wait3A_285] : memref<2x40x128xi32, #tpu.memory_space<vmem>> -> memref<1x1x128xi32, #tpu.memory_space<vmem>>
        %dma_wait3A_287 = tpu.memref_squeeze %dma_wait3A_286 : memref<1x1x128xi32, #tpu.memory_space<vmem>> -> memref<128xi32, #tpu.memory_space<vmem>>
        %dma_wait3A_288 = arith.constant 0 : i32
        %dma_wait3A_289 = arith.constant 0 : i32
        %dma_wait3A_290 = tpu.memref_slice %arg8[%dma_wait3A_288, %dma_wait3A_289] : memref<10240x128xf32, #tpu.memory_space<vmem_shared>> -> memref<10240x128xf32, #tpu.memory_space<vmem_shared>>
        tpu.wait_indirect_dma semaphore(%run_scoped3A_278 : memref<!tpu.dma_semaphore, #tpu.memory_space<semaphore_mem>>) src(%arg6 : memref<128x128xf32, #tpu.memory_space<vmem>>) dst(%dma_wait3A_290 : memref<10240x128xf32, #tpu.memory_space<vmem_shared>>)
        tpu.yield
      }) : () -> ()
      %add3A_241 = arith.constant 2 : i32
      %add3A_242 = arith.addi %mul3A_219, %add3A_241 : i32
      %lt3A_243 = arith.cmpi slt, %add3A_242, %while3A_104 : i32
      %convert_element_type3A_244 = arith.extui %lt3A_243 : i1 to i32
      %cond3A_245 = arith.constant 0 : i32
      %cond3A_246 = arith.cmpi ne, %convert_element_type3A_244, %cond3A_245 : i32
      scf.if %cond3A_246 {
        %add3A_278 = arith.constant 2 : i32
        %add3A_279 = arith.addi %mul3A_219, %add3A_278 : i32
        %dma_start3A_280 = arith.constant 0 : i32
        %dma_start3A_281 = arith.constant 0 : i32
        %dma_start3A_282 = arith.constant 0 : i32
        %dma_start3A_283 = tpu.memref_slice %arg6[%dma_start3A_281, %dma_start3A_282] : memref<128x128xf32, #tpu.memory_space<vmem>> -> memref<64x128xf32, #tpu.memory_space<vmem>>
        %dma_start3A_284 = arith.constant 0 : i32
        %dma_start3A_285 = tpu.memref_slice %arg5[%dma_start3A_280, %add3A_279, %dma_start3A_284] : memref<2x40x128xi32, #tpu.memory_space<vmem>> -> memref<1x1x64xi32, #tpu.memory_space<vmem>>
        %dma_start3A_286 = tpu.memref_squeeze %dma_start3A_285 : memref<1x1x64xi32, #tpu.memory_space<vmem>> -> memref<64xi32, #tpu.memory_space<vmem>>
        %dma_start3A_287 = arith.constant 0 : i32
        %dma_start3A_288 = arith.constant 0 : i32
        %dma_start3A_289 = tpu.memref_slice %arg2[%dma_start3A_287, %dma_start3A_288] : memref<10000x128xf32, #tpu.memory_space<hbm>> -> memref<10000x128xf32, #tpu.memory_space<hbm>>
        tpu.enqueue_indirect_dma source(%dma_start3A_289 : memref<10000x128xf32, #tpu.memory_space<hbm>>) target(%dma_start3A_283 : memref<64x128xf32, #tpu.memory_space<vmem>>) offsets(%dma_start3A_286 : memref<64xi32, #tpu.memory_space<vmem>>) semaphore(%arg9 : memref<!tpu.dma_semaphore, #tpu.memory_space<semaphore_mem>>)
        %dma_start3A_290 = arith.constant 0 : i32
        %dma_start3A_291 = arith.constant 64 : i32
        %dma_start3A_292 = arith.constant 0 : i32
        %dma_start3A_293 = tpu.memref_slice %arg6[%dma_start3A_291, %dma_start3A_292] : memref<128x128xf32, #tpu.memory_space<vmem>> -> memref<64x128xf32, #tpu.memory_space<vmem>>
        %dma_start3A_294 = arith.constant 64 : i32
        %dma_start3A_295 = tpu.memref_slice %arg5[%dma_start3A_290, %add3A_279, %dma_start3A_294] : memref<2x40x128xi32, #tpu.memory_space<vmem>> -> memref<1x1x64xi32, #tpu.memory_space<vmem>>
        %dma_start3A_296 = tpu.memref_squeeze %dma_start3A_295 : memref<1x1x64xi32, #tpu.memory_space<vmem>> -> memref<64xi32, #tpu.memory_space<vmem>>
        %dma_start3A_297 = arith.constant 0 : i32
        %dma_start3A_298 = arith.constant 0 : i32
        %dma_start3A_299 = tpu.memref_slice %arg2[%dma_start3A_297, %dma_start3A_298] : memref<10000x128xf32, #tpu.memory_space<hbm>> -> memref<10000x128xf32, #tpu.memory_space<hbm>>
        tpu.enqueue_indirect_dma source(%dma_start3A_299 : memref<10000x128xf32, #tpu.memory_space<hbm>>) target(%dma_start3A_293 : memref<64x128xf32, #tpu.memory_space<vmem>>) offsets(%dma_start3A_296 : memref<64xi32, #tpu.memory_space<vmem>>) semaphore(%arg10 : memref<!tpu.dma_semaphore, #tpu.memory_space<semaphore_mem>>)
      } else {
      }
      %dma_wait3A_247 = arith.constant 0 : i32
      %dma_wait3A_248 = arith.constant 0 : i32
      %dma_wait3A_249 = arith.constant 0 : i32
      %dma_wait3A_250 = arith.constant 0 : i32
      %dma_wait3A_251 = tpu.memref_slice %arg7[%dma_wait3A_249, %dma_wait3A_250] : memref<128x128xf32, #tpu.memory_space<vmem>> -> memref<64x128xf32, #tpu.memory_space<vmem>>
      %dma_wait3A_252 = arith.constant 0 : i32
      %dma_wait3A_253 = tpu.memref_slice %arg5[%dma_wait3A_247, %dma_wait3A_248, %dma_wait3A_252] : memref<2x40x128xi32, #tpu.memory_space<vmem>> -> memref<1x1x64xi32, #tpu.memory_space<vmem>>
      %dma_wait3A_254 = tpu.memref_squeeze %dma_wait3A_253 : memref<1x1x64xi32, #tpu.memory_space<vmem>> -> memref<64xi32, #tpu.memory_space<vmem>>
      %dma_wait3A_255 = arith.constant 0 : i32
      %dma_wait3A_256 = arith.constant 0 : i32
      %dma_wait3A_257 = tpu.memref_slice %arg2[%dma_wait3A_255, %dma_wait3A_256] : memref<10000x128xf32, #tpu.memory_space<hbm>> -> memref<10000x128xf32, #tpu.memory_space<hbm>>
      tpu.wait_indirect_dma semaphore(%arg11 : memref<!tpu.dma_semaphore, #tpu.memory_space<semaphore_mem>>) src(%dma_wait3A_257 : memref<10000x128xf32, #tpu.memory_space<hbm>>) dst(%dma_wait3A_251 : memref<64x128xf32, #tpu.memory_space<vmem>>)
      %dma_wait3A_258 = arith.constant 0 : i32
      %dma_wait3A_259 = arith.constant 0 : i32
      %dma_wait3A_260 = arith.constant 64 : i32
      %dma_wait3A_261 = arith.constant 0 : i32
      %dma_wait3A_262 = tpu.memref_slice %arg7[%dma_wait3A_260, %dma_wait3A_261] : memref<128x128xf32, #tpu.memory_space<vmem>> -> memref<64x128xf32, #tpu.memory_space<vmem>>
      %dma_wait3A_263 = arith.constant 0 : i32
      %dma_wait3A_264 = tpu.memref_slice %arg5[%dma_wait3A_258, %dma_wait3A_259, %dma_wait3A_263] : memref<2x40x128xi32, #tpu.memory_space<vmem>> -> memref<1x1x64xi32, #tpu.memory_space<vmem>>
      %dma_wait3A_265 = tpu.memref_squeeze %dma_wait3A_264 : memref<1x1x64xi32, #tpu.memory_space<vmem>> -> memref<64xi32, #tpu.memory_space<vmem>>
      %dma_wait3A_266 = arith.constant 0 : i32
      %dma_wait3A_267 = arith.constant 0 : i32
      %dma_wait3A_268 = tpu.memref_slice %arg2[%dma_wait3A_266, %dma_wait3A_267] : memref<10000x128xf32, #tpu.memory_space<hbm>> -> memref<10000x128xf32, #tpu.memory_space<hbm>>
      tpu.wait_indirect_dma semaphore(%arg12 : memref<!tpu.dma_semaphore, #tpu.memory_space<semaphore_mem>>) src(%dma_wait3A_268 : memref<10000x128xf32, #tpu.memory_space<hbm>>) dst(%dma_wait3A_262 : memref<64x128xf32, #tpu.memory_space<vmem>>)
      %add3A_269 = arith.constant 1 : i32
      %add3A_270 = arith.addi %mul3A_219, %add3A_269 : i32
      %run_scoped3A_271 = arith.constant 1 : i32
      "tpu.region"() ({
        %run_scoped3A_278 = tpu.sem_alloc : memref<!tpu.dma_semaphore, #tpu.memory_space<semaphore_mem>>
        %dma_start3A_279 = arith.constant 0 : i32
        %dma_start3A_280 = tpu.memref_slice %arg5[%run_scoped3A_271, %add3A_270, %dma_start3A_279] : memref<2x40x128xi32, #tpu.memory_space<vmem>> -> memref<1x1x128xi32, #tpu.memory_space<vmem>>
        %dma_start3A_281 = tpu.memref_squeeze %dma_start3A_280 : memref<1x1x128xi32, #tpu.memory_space<vmem>> -> memref<128xi32, #tpu.memory_space<vmem>>
        %dma_start3A_282 = arith.constant 0 : i32
        %dma_start3A_283 = arith.constant 0 : i32
        %dma_start3A_284 = tpu.memref_slice %arg8[%dma_start3A_282, %dma_start3A_283] : memref<10240x128xf32, #tpu.memory_space<vmem_shared>> -> memref<10240x128xf32, #tpu.memory_space<vmem_shared>>
        tpu.enqueue_indirect_dma source(%arg7 : memref<128x128xf32, #tpu.memory_space<vmem>>) target(%dma_start3A_284 : memref<10240x128xf32, #tpu.memory_space<vmem_shared>>) offsets(%dma_start3A_281 : memref<128xi32, #tpu.memory_space<vmem>>) semaphore(%run_scoped3A_278 : memref<!tpu.dma_semaphore, #tpu.memory_space<semaphore_mem>>) {add = true}
        %dma_wait3A_285 = arith.constant 0 : i32
        %dma_wait3A_286 = tpu.memref_slice %arg5[%run_scoped3A_271, %add3A_270, %dma_wait3A_285] : memref<2x40x128xi32, #tpu.memory_space<vmem>> -> memref<1x1x128xi32, #tpu.memory_space<vmem>>
        %dma_wait3A_287 = tpu.memref_squeeze %dma_wait3A_286 : memref<1x1x128xi32, #tpu.memory_space<vmem>> -> memref<128xi32, #tpu.memory_space<vmem>>
        %dma_wait3A_288 = arith.constant 0 : i32
        %dma_wait3A_289 = arith.constant 0 : i32
        %dma_wait3A_290 = tpu.memref_slice %arg8[%dma_wait3A_288, %dma_wait3A_289] : memref<10240x128xf32, #tpu.memory_space<vmem_shared>> -> memref<10240x128xf32, #tpu.memory_space<vmem_shared>>
        tpu.wait_indirect_dma semaphore(%run_scoped3A_278 : memref<!tpu.dma_semaphore, #tpu.memory_space<semaphore_mem>>) src(%arg7 : memref<128x128xf32, #tpu.memory_space<vmem>>) dst(%dma_wait3A_290 : memref<10240x128xf32, #tpu.memory_space<vmem_shared>>)
        tpu.yield
      }) : () -> ()
      %add3A_272 = arith.constant 3 : i32
      %add3A_273 = arith.addi %mul3A_219, %add3A_272 : i32
      %lt3A_274 = arith.cmpi slt, %add3A_273, %while3A_104 : i32
      %convert_element_type3A_275 = arith.extui %lt3A_274 : i1 to i32
      %cond3A_276 = arith.constant 0 : i32
      %cond3A_277 = arith.cmpi ne, %convert_element_type3A_275, %cond3A_276 : i32
      scf.if %cond3A_277 {
        %add3A_278 = arith.constant 3 : i32
        %add3A_279 = arith.addi %mul3A_219, %add3A_278 : i32
        %dma_start3A_280 = arith.constant 0 : i32
        %dma_start3A_281 = arith.constant 0 : i32
        %dma_start3A_282 = arith.constant 0 : i32
        %dma_start3A_283 = tpu.memref_slice %arg7[%dma_start3A_281, %dma_start3A_282] : memref<128x128xf32, #tpu.memory_space<vmem>> -> memref<64x128xf32, #tpu.memory_space<vmem>>
        %dma_start3A_284 = arith.constant 0 : i32
        %dma_start3A_285 = tpu.memref_slice %arg5[%dma_start3A_280, %add3A_279, %dma_start3A_284] : memref<2x40x128xi32, #tpu.memory_space<vmem>> -> memref<1x1x64xi32, #tpu.memory_space<vmem>>
        %dma_start3A_286 = tpu.memref_squeeze %dma_start3A_285 : memref<1x1x64xi32, #tpu.memory_space<vmem>> -> memref<64xi32, #tpu.memory_space<vmem>>
        %dma_start3A_287 = arith.constant 0 : i32
        %dma_start3A_288 = arith.constant 0 : i32
        %dma_start3A_289 = tpu.memref_slice %arg2[%dma_start3A_287, %dma_start3A_288] : memref<10000x128xf32, #tpu.memory_space<hbm>> -> memref<10000x128xf32, #tpu.memory_space<hbm>>
        tpu.enqueue_indirect_dma source(%dma_start3A_289 : memref<10000x128xf32, #tpu.memory_space<hbm>>) target(%dma_start3A_283 : memref<64x128xf32, #tpu.memory_space<vmem>>) offsets(%dma_start3A_286 : memref<64xi32, #tpu.memory_space<vmem>>) semaphore(%arg11 : memref<!tpu.dma_semaphore, #tpu.memory_space<semaphore_mem>>)
        %dma_start3A_290 = arith.constant 0 : i32
        %dma_start3A_291 = arith.constant 64 : i32
        %dma_start3A_292 = arith.constant 0 : i32
        %dma_start3A_293 = tpu.memref_slice %arg7[%dma_start3A_291, %dma_start3A_292] : memref<128x128xf32, #tpu.memory_space<vmem>> -> memref<64x128xf32, #tpu.memory_space<vmem>>
        %dma_start3A_294 = arith.constant 64 : i32
        %dma_start3A_295 = tpu.memref_slice %arg5[%dma_start3A_290, %add3A_279, %dma_start3A_294] : memref<2x40x128xi32, #tpu.memory_space<vmem>> -> memref<1x1x64xi32, #tpu.memory_space<vmem>>
        %dma_start3A_296 = tpu.memref_squeeze %dma_start3A_295 : memref<1x1x64xi32, #tpu.memory_space<vmem>> -> memref<64xi32, #tpu.memory_space<vmem>>
        %dma_start3A_297 = arith.constant 0 : i32
        %dma_start3A_298 = arith.constant 0 : i32
        %dma_start3A_299 = tpu.memref_slice %arg2[%dma_start3A_297, %dma_start3A_298] : memref<10000x128xf32, #tpu.memory_space<hbm>> -> memref<10000x128xf32, #tpu.memory_space<hbm>>
        tpu.enqueue_indirect_dma source(%dma_start3A_299 : memref<10000x128xf32, #tpu.memory_space<hbm>>) target(%dma_start3A_293 : memref<64x128xf32, #tpu.memory_space<vmem>>) offsets(%dma_start3A_296 : memref<64xi32, #tpu.memory_space<vmem>>) semaphore(%arg12 : memref<!tpu.dma_semaphore, #tpu.memory_space<semaphore_mem>>)
      } else {
      }
    }
    %add3A_114 = arith.constant 40 : i32
    %add3A_115 = arith.addi %sub3A_7, %add3A_114 : i32
    %sub3A_116 = arith.constant 40 : i32
    %sub3A_117 = arith.subi %select_n3A_13, %sub3A_116 : i32
    %eq3A_118 = arith.constant 40 : i32
    %eq3A_119 = arith.cmpi eq, %sub3A_117, %eq3A_118 : i32
    %convert_element_type3A_120 = arith.extui %eq3A_119 : i1 to i32
    %cond3A_121 = arith.constant 0 : i32
    %cond3A_122 = arith.cmpi ne, %convert_element_type3A_120, %cond3A_121 : i32
    scf.if %cond3A_122 {
      "tpu.region"() ({
        %run_scoped3A = tpu.sem_alloc : memref<!tpu.dma_semaphore, #tpu.memory_space<semaphore_mem>>
        %dma_start3A_217 = arith.constant 0 : i32
        %dma_start3A_218 = arith.constant 0 : i32
        %dma_start3A_219 = tpu.memref_slice %arg3[%dma_start3A_217, %add3A_115, %dma_start3A_218] : memref<2x2500x128xi32, #tpu.memory_space<hbm>> -> memref<2x40x128xi32, #tpu.memory_space<hbm>>
        %dma_start3A_220 = arith.constant 0 : i32
        %dma_start3A_221 = arith.constant 0 : i32
        %dma_start3A_222 = tpu.memref_slice %arg3[%dma_start3A_220, %add3A_115, %dma_start3A_221] : memref<2x2500x128xi32, #tpu.memory_space<hbm>> -> memref<2x40x128xi32, #tpu.memory_space<hbm>>
        tpu.enqueue_dma source(%dma_start3A_222 : memref<2x40x128xi32, #tpu.memory_space<hbm>>) target(%arg5 : memref<2x40x128xi32, #tpu.memory_space<vmem>>) target_semaphore(%run_scoped3A : memref<!tpu.dma_semaphore, #tpu.memory_space<semaphore_mem>>)
        %dma_wait3A = arith.constant 0 : i32
        %dma_wait3A_223 = arith.constant 0 : i32
        %dma_wait3A_224 = tpu.memref_slice %arg3[%dma_wait3A, %add3A_115, %dma_wait3A_223] : memref<2x2500x128xi32, #tpu.memory_space<hbm>> -> memref<2x40x128xi32, #tpu.memory_space<hbm>>
        %dma_wait3A_225 = arith.constant 0 : i32
        %dma_wait3A_226 = arith.constant 0 : i32
        %dma_wait3A_227 = tpu.memref_slice %arg3[%dma_wait3A_225, %add3A_115, %dma_wait3A_226] : memref<2x2500x128xi32, #tpu.memory_space<hbm>> -> memref<2x40x128xi32, #tpu.memory_space<hbm>>
        tpu.wait_dma2 semaphore(%run_scoped3A : memref<!tpu.dma_semaphore, #tpu.memory_space<semaphore_mem>>) src(%dma_wait3A_227 : memref<2x40x128xi32, #tpu.memory_space<hbm>>) dst(%arg5 : memref<2x40x128xi32, #tpu.memory_space<vmem>>)
        tpu.yield
      }) : () -> ()
    } else {
    }
    %lt3A_123 = arith.constant 40 : i32
    %lt3A_124 = arith.cmpi slt, %sub3A_117, %lt3A_123 : i32
    %convert_element_type3A_125 = arith.extui %lt3A_124 : i1 to i32
    %cond3A_126 = arith.constant 0 : i32
    %cond3A_127 = arith.cmpi ne, %convert_element_type3A_125, %cond3A_126 : i32
    scf.if %cond3A_127 {
      "tpu.region"() ({
        %run_scoped3A = tpu.sem_alloc : memref<!tpu.dma_semaphore, #tpu.memory_space<semaphore_mem>>
        %dma_start3A_217 = arith.constant 0 : i32
        %dma_start3A_218 = arith.constant 0 : i32
        %dma_start3A_219 = arith.constant 0 : i32
        %dma_start3A_220 = tpu.memref_slice %arg5[%dma_start3A_217, %dma_start3A_218, %dma_start3A_219] : memref<2x40x128xi32, #tpu.memory_space<vmem>> -> memref<2x32x128xi32, #tpu.memory_space<vmem>>
        %dma_start3A_221 = arith.constant 0 : i32
        %dma_start3A_222 = arith.constant 0 : i32
        %dma_start3A_223 = tpu.memref_slice %arg3[%dma_start3A_221, %add3A_115, %dma_start3A_222] : memref<2x2500x128xi32, #tpu.memory_space<hbm>> -> memref<2x32x128xi32, #tpu.memory_space<hbm>>
        %dma_start3A_224 = arith.constant 0 : i32
        %dma_start3A_225 = arith.constant 0 : i32
        %dma_start3A_226 = arith.constant 0 : i32
        %dma_start3A_227 = tpu.memref_slice %arg5[%dma_start3A_224, %dma_start3A_225, %dma_start3A_226] : memref<2x40x128xi32, #tpu.memory_space<vmem>> -> memref<2x32x128xi32, #tpu.memory_space<vmem>>
        %dma_start3A_228 = arith.constant 0 : i32
        %dma_start3A_229 = arith.constant 0 : i32
        %dma_start3A_230 = tpu.memref_slice %arg3[%dma_start3A_228, %add3A_115, %dma_start3A_229] : memref<2x2500x128xi32, #tpu.memory_space<hbm>> -> memref<2x32x128xi32, #tpu.memory_space<hbm>>
        tpu.enqueue_dma source(%dma_start3A_230 : memref<2x32x128xi32, #tpu.memory_space<hbm>>) target(%dma_start3A_227 : memref<2x32x128xi32, #tpu.memory_space<vmem>>) target_semaphore(%run_scoped3A : memref<!tpu.dma_semaphore, #tpu.memory_space<semaphore_mem>>)
        %dma_wait3A = arith.constant 0 : i32
        %dma_wait3A_231 = arith.constant 0 : i32
        %dma_wait3A_232 = arith.constant 0 : i32
        %dma_wait3A_233 = tpu.memref_slice %arg5[%dma_wait3A, %dma_wait3A_231, %dma_wait3A_232] : memref<2x40x128xi32, #tpu.memory_space<vmem>> -> memref<2x32x128xi32, #tpu.memory_space<vmem>>
        %dma_wait3A_234 = arith.constant 0 : i32
        %dma_wait3A_235 = arith.constant 0 : i32
        %dma_wait3A_236 = tpu.memref_slice %arg3[%dma_wait3A_234, %add3A_115, %dma_wait3A_235] : memref<2x2500x128xi32, #tpu.memory_space<hbm>> -> memref<2x32x128xi32, #tpu.memory_space<hbm>>
        %dma_wait3A_237 = arith.constant 0 : i32
        %dma_wait3A_238 = arith.constant 0 : i32
        %dma_wait3A_239 = arith.constant 0 : i32
        %dma_wait3A_240 = tpu.memref_slice %arg5[%dma_wait3A_237, %dma_wait3A_238, %dma_wait3A_239] : memref<2x40x128xi32, #tpu.memory_space<vmem>> -> memref<2x32x128xi32, #tpu.memory_space<vmem>>
        %dma_wait3A_241 = arith.constant 0 : i32
        %dma_wait3A_242 = arith.constant 0 : i32
        %dma_wait3A_243 = tpu.memref_slice %arg3[%dma_wait3A_241, %add3A_115, %dma_wait3A_242] : memref<2x2500x128xi32, #tpu.memory_space<hbm>> -> memref<2x32x128xi32, #tpu.memory_space<hbm>>
        tpu.wait_dma2 semaphore(%run_scoped3A : memref<!tpu.dma_semaphore, #tpu.memory_space<semaphore_mem>>) src(%dma_wait3A_243 : memref<2x32x128xi32, #tpu.memory_space<hbm>>) dst(%dma_wait3A_240 : memref<2x32x128xi32, #tpu.memory_space<vmem>>)
        tpu.yield
      }) : () -> ()
    } else {
    }
    %dma_start3A_128 = arith.constant 0 : i32
    %dma_start3A_129 = arith.constant 0 : i32
    %dma_start3A_130 = arith.constant 0 : i32
    %dma_start3A_131 = arith.constant 0 : i32
    %dma_start3A_132 = tpu.memref_slice %arg6[%dma_start3A_130, %dma_start3A_131] : memref<128x128xf32, #tpu.memory_space<vmem>> -> memref<64x128xf32, #tpu.memory_space<vmem>>
    %dma_start3A_133 = arith.constant 0 : i32
    %dma_start3A_134 = tpu.memref_slice %arg5[%dma_start3A_128, %dma_start3A_129, %dma_start3A_133] : memref<2x40x128xi32, #tpu.memory_space<vmem>> -> memref<1x1x64xi32, #tpu.memory_space<vmem>>
    %dma_start3A_135 = tpu.memref_squeeze %dma_start3A_134 : memref<1x1x64xi32, #tpu.memory_space<vmem>> -> memref<64xi32, #tpu.memory_space<vmem>>
    %dma_start3A_136 = arith.constant 0 : i32
    %dma_start3A_137 = arith.constant 0 : i32
    %dma_start3A_138 = tpu.memref_slice %arg2[%dma_start3A_136, %dma_start3A_137] : memref<10000x128xf32, #tpu.memory_space<hbm>> -> memref<10000x128xf32, #tpu.memory_space<hbm>>
    tpu.enqueue_indirect_dma source(%dma_start3A_138 : memref<10000x128xf32, #tpu.memory_space<hbm>>) target(%dma_start3A_132 : memref<64x128xf32, #tpu.memory_space<vmem>>) offsets(%dma_start3A_135 : memref<64xi32, #tpu.memory_space<vmem>>) semaphore(%arg9 : memref<!tpu.dma_semaphore, #tpu.memory_space<semaphore_mem>>)
    %dma_start3A_139 = arith.constant 0 : i32
    %dma_start3A_140 = arith.constant 0 : i32
    %dma_start3A_141 = arith.constant 64 : i32
    %dma_start3A_142 = arith.constant 0 : i32
    %dma_start3A_143 = tpu.memref_slice %arg6[%dma_start3A_141, %dma_start3A_142] : memref<128x128xf32, #tpu.memory_space<vmem>> -> memref<64x128xf32, #tpu.memory_space<vmem>>
    %dma_start3A_144 = arith.constant 64 : i32
    %dma_start3A_145 = tpu.memref_slice %arg5[%dma_start3A_139, %dma_start3A_140, %dma_start3A_144] : memref<2x40x128xi32, #tpu.memory_space<vmem>> -> memref<1x1x64xi32, #tpu.memory_space<vmem>>
    %dma_start3A_146 = tpu.memref_squeeze %dma_start3A_145 : memref<1x1x64xi32, #tpu.memory_space<vmem>> -> memref<64xi32, #tpu.memory_space<vmem>>
    %dma_start3A_147 = arith.constant 0 : i32
    %dma_start3A_148 = arith.constant 0 : i32
    %dma_start3A_149 = tpu.memref_slice %arg2[%dma_start3A_147, %dma_start3A_148] : memref<10000x128xf32, #tpu.memory_space<hbm>> -> memref<10000x128xf32, #tpu.memory_space<hbm>>
    tpu.enqueue_indirect_dma source(%dma_start3A_149 : memref<10000x128xf32, #tpu.memory_space<hbm>>) target(%dma_start3A_143 : memref<64x128xf32, #tpu.memory_space<vmem>>) offsets(%dma_start3A_146 : memref<64xi32, #tpu.memory_space<vmem>>) semaphore(%arg10 : memref<!tpu.dma_semaphore, #tpu.memory_space<semaphore_mem>>)
    %dma_start3A_150 = arith.constant 0 : i32
    %dma_start3A_151 = arith.constant 1 : i32
    %dma_start3A_152 = arith.constant 0 : i32
    %dma_start3A_153 = arith.constant 0 : i32
    %dma_start3A_154 = tpu.memref_slice %arg7[%dma_start3A_152, %dma_start3A_153] : memref<128x128xf32, #tpu.memory_space<vmem>> -> memref<64x128xf32, #tpu.memory_space<vmem>>
    %dma_start3A_155 = arith.constant 0 : i32
    %dma_start3A_156 = tpu.memref_slice %arg5[%dma_start3A_150, %dma_start3A_151, %dma_start3A_155] : memref<2x40x128xi32, #tpu.memory_space<vmem>> -> memref<1x1x64xi32, #tpu.memory_space<vmem>>
    %dma_start3A_157 = tpu.memref_squeeze %dma_start3A_156 : memref<1x1x64xi32, #tpu.memory_space<vmem>> -> memref<64xi32, #tpu.memory_space<vmem>>
    %dma_start3A_158 = arith.constant 0 : i32
    %dma_start3A_159 = arith.constant 0 : i32
    %dma_start3A_160 = tpu.memref_slice %arg2[%dma_start3A_158, %dma_start3A_159] : memref<10000x128xf32, #tpu.memory_space<hbm>> -> memref<10000x128xf32, #tpu.memory_space<hbm>>
    tpu.enqueue_indirect_dma source(%dma_start3A_160 : memref<10000x128xf32, #tpu.memory_space<hbm>>) target(%dma_start3A_154 : memref<64x128xf32, #tpu.memory_space<vmem>>) offsets(%dma_start3A_157 : memref<64xi32, #tpu.memory_space<vmem>>) semaphore(%arg11 : memref<!tpu.dma_semaphore, #tpu.memory_space<semaphore_mem>>)
    %dma_start3A_161 = arith.constant 0 : i32
    %dma_start3A_162 = arith.constant 1 : i32
    %dma_start3A_163 = arith.constant 64 : i32
    %dma_start3A_164 = arith.constant 0 : i32
    %dma_start3A_165 = tpu.memref_slice %arg7[%dma_start3A_163, %dma_start3A_164] : memref<128x128xf32, #tpu.memory_space<vmem>> -> memref<64x128xf32, #tpu.memory_space<vmem>>
    %dma_start3A_166 = arith.constant 64 : i32
    %dma_start3A_167 = tpu.memref_slice %arg5[%dma_start3A_161, %dma_start3A_162, %dma_start3A_166] : memref<2x40x128xi32, #tpu.memory_space<vmem>> -> memref<1x1x64xi32, #tpu.memory_space<vmem>>
    %dma_start3A_168 = tpu.memref_squeeze %dma_start3A_167 : memref<1x1x64xi32, #tpu.memory_space<vmem>> -> memref<64xi32, #tpu.memory_space<vmem>>
    %dma_start3A_169 = arith.constant 0 : i32
    %dma_start3A_170 = arith.constant 0 : i32
    %dma_start3A_171 = tpu.memref_slice %arg2[%dma_start3A_169, %dma_start3A_170] : memref<10000x128xf32, #tpu.memory_space<hbm>> -> memref<10000x128xf32, #tpu.memory_space<hbm>>
    tpu.enqueue_indirect_dma source(%dma_start3A_171 : memref<10000x128xf32, #tpu.memory_space<hbm>>) target(%dma_start3A_165 : memref<64x128xf32, #tpu.memory_space<vmem>>) offsets(%dma_start3A_168 : memref<64xi32, #tpu.memory_space<vmem>>) semaphore(%arg12 : memref<!tpu.dma_semaphore, #tpu.memory_space<semaphore_mem>>)
    %jit3A_172 = arith.constant 2 : i32
    %div3A_173 = arith.divsi %sub3A_117, %jit3A_172 : i32
    %sign3A_174 = arith.constant 0 : i32
    %sign3A_175 = arith.cmpi sgt, %sub3A_117, %sign3A_174 : i32
    %sign3A_176 = arith.extui %sign3A_175 : i1 to i32
    %sign3A_177 = arith.constant 0 : i32
    %sign3A_178 = arith.cmpi slt, %sub3A_117, %sign3A_177 : i32
    %sign3A_179 = arith.extui %sign3A_178 : i1 to i32
    %sign3A_180 = arith.subi %sign3A_176, %sign3A_179 : i32
    %sign3A_181 = arith.constant 0 : i32
    %sign3A_182 = arith.cmpi sgt, %jit3A_172, %sign3A_181 : i32
    %sign3A_183 = arith.extui %sign3A_182 : i1 to i32
    %sign3A_184 = arith.constant 0 : i32
    %sign3A_185 = arith.cmpi slt, %jit3A_172, %sign3A_184 : i32
    %sign3A_186 = arith.extui %sign3A_185 : i1 to i32
    %sign3A_187 = arith.subi %sign3A_183, %sign3A_186 : i32
    %ne3A_188 = arith.cmpi ne, %sign3A_180, %sign3A_187 : i32
    %rem3A_189 = arith.remsi %sub3A_117, %jit3A_172 : i32
    %ne3A_190 = arith.constant 0 : i32
    %ne3A_191 = arith.cmpi ne, %rem3A_189, %ne3A_190 : i32
    %and3A_192 = arith.andi %ne3A_188, %ne3A_191 : i1
    %sub3A_193 = arith.constant 1 : i32
    %sub3A_194 = arith.subi %div3A_173, %sub3A_193 : i32
    %select_n3A_195 = arith.select %and3A_192, %sub3A_194, %div3A_173 : i32
    %while3A_196 = arith.constant 0 : i32
    %while3A_197 = arith.constant 0 : i32
    %while3A_198 = arith.subi %select_n3A_195, %while3A_197 : i32
    %while3A_199 = arith.addi %while3A_197, %while3A_198 : i32
    %while3A_200 = arith.constant 1 : i32
    %while3A_201 = arith.divsi %while3A_198, %while3A_200 : i32
    %while3A_202 = arith.muli %while3A_201, %while3A_200 : i32
    %while3A_203 = arith.addi %while3A_197, %while3A_202 : i32
    %while3A_204 = arith.constant 1 : i32
    scf.for %while3A_217 = %while3A_197 to %while3A_203 step %while3A_204  : i32 {
      %mul3A_218 = arith.constant 2 : i32
      %mul3A_219 = arith.muli %mul3A_218, %while3A_217 : i32
      %dma_wait3A = arith.constant 0 : i32
      %dma_wait3A_220 = arith.constant 0 : i32
      %dma_wait3A_221 = arith.constant 0 : i32
      %dma_wait3A_222 = arith.constant 0 : i32
      %dma_wait3A_223 = tpu.memref_slice %arg6[%dma_wait3A_221, %dma_wait3A_222] : memref<128x128xf32, #tpu.memory_space<vmem>> -> memref<64x128xf32, #tpu.memory_space<vmem>>
      %dma_wait3A_224 = arith.constant 0 : i32
      %dma_wait3A_225 = tpu.memref_slice %arg5[%dma_wait3A, %dma_wait3A_220, %dma_wait3A_224] : memref<2x40x128xi32, #tpu.memory_space<vmem>> -> memref<1x1x64xi32, #tpu.memory_space<vmem>>
      %dma_wait3A_226 = tpu.memref_squeeze %dma_wait3A_225 : memref<1x1x64xi32, #tpu.memory_space<vmem>> -> memref<64xi32, #tpu.memory_space<vmem>>
      %dma_wait3A_227 = arith.constant 0 : i32
      %dma_wait3A_228 = arith.constant 0 : i32
      %dma_wait3A_229 = tpu.memref_slice %arg2[%dma_wait3A_227, %dma_wait3A_228] : memref<10000x128xf32, #tpu.memory_space<hbm>> -> memref<10000x128xf32, #tpu.memory_space<hbm>>
      tpu.wait_indirect_dma semaphore(%arg9 : memref<!tpu.dma_semaphore, #tpu.memory_space<semaphore_mem>>) src(%dma_wait3A_229 : memref<10000x128xf32, #tpu.memory_space<hbm>>) dst(%dma_wait3A_223 : memref<64x128xf32, #tpu.memory_space<vmem>>)
      %dma_wait3A_230 = arith.constant 0 : i32
      %dma_wait3A_231 = arith.constant 0 : i32
      %dma_wait3A_232 = arith.constant 64 : i32
      %dma_wait3A_233 = arith.constant 0 : i32
      %dma_wait3A_234 = tpu.memref_slice %arg6[%dma_wait3A_232, %dma_wait3A_233] : memref<128x128xf32, #tpu.memory_space<vmem>> -> memref<64x128xf32, #tpu.memory_space<vmem>>
      %dma_wait3A_235 = arith.constant 0 : i32
      %dma_wait3A_236 = tpu.memref_slice %arg5[%dma_wait3A_230, %dma_wait3A_231, %dma_wait3A_235] : memref<2x40x128xi32, #tpu.memory_space<vmem>> -> memref<1x1x64xi32, #tpu.memory_space<vmem>>
      %dma_wait3A_237 = tpu.memref_squeeze %dma_wait3A_236 : memref<1x1x64xi32, #tpu.memory_space<vmem>> -> memref<64xi32, #tpu.memory_space<vmem>>
      %dma_wait3A_238 = arith.constant 0 : i32
      %dma_wait3A_239 = arith.constant 0 : i32
      %dma_wait3A_240 = tpu.memref_slice %arg2[%dma_wait3A_238, %dma_wait3A_239] : memref<10000x128xf32, #tpu.memory_space<hbm>> -> memref<10000x128xf32, #tpu.memory_space<hbm>>
      tpu.wait_indirect_dma semaphore(%arg10 : memref<!tpu.dma_semaphore, #tpu.memory_space<semaphore_mem>>) src(%dma_wait3A_240 : memref<10000x128xf32, #tpu.memory_space<hbm>>) dst(%dma_wait3A_234 : memref<64x128xf32, #tpu.memory_space<vmem>>)
      %run_scoped3A = arith.constant 1 : i32
      "tpu.region"() ({
        %run_scoped3A_278 = tpu.sem_alloc : memref<!tpu.dma_semaphore, #tpu.memory_space<semaphore_mem>>
        %dma_start3A_279 = arith.constant 0 : i32
        %dma_start3A_280 = tpu.memref_slice %arg5[%run_scoped3A, %mul3A_219, %dma_start3A_279] : memref<2x40x128xi32, #tpu.memory_space<vmem>> -> memref<1x1x128xi32, #tpu.memory_space<vmem>>
        %dma_start3A_281 = tpu.memref_squeeze %dma_start3A_280 : memref<1x1x128xi32, #tpu.memory_space<vmem>> -> memref<128xi32, #tpu.memory_space<vmem>>
        %dma_start3A_282 = arith.constant 0 : i32
        %dma_start3A_283 = arith.constant 0 : i32
        %dma_start3A_284 = tpu.memref_slice %arg8[%dma_start3A_282, %dma_start3A_283] : memref<10240x128xf32, #tpu.memory_space<vmem_shared>> -> memref<10240x128xf32, #tpu.memory_space<vmem_shared>>
        tpu.enqueue_indirect_dma source(%arg6 : memref<128x128xf32, #tpu.memory_space<vmem>>) target(%dma_start3A_284 : memref<10240x128xf32, #tpu.memory_space<vmem_shared>>) offsets(%dma_start3A_281 : memref<128xi32, #tpu.memory_space<vmem>>) semaphore(%run_scoped3A_278 : memref<!tpu.dma_semaphore, #tpu.memory_space<semaphore_mem>>) {add = true}
        %dma_wait3A_285 = arith.constant 0 : i32
        %dma_wait3A_286 = tpu.memref_slice %arg5[%run_scoped3A, %mul3A_219, %dma_wait3A_285] : memref<2x40x128xi32, #tpu.memory_space<vmem>> -> memref<1x1x128xi32, #tpu.memory_space<vmem>>
        %dma_wait3A_287 = tpu.memref_squeeze %dma_wait3A_286 : memref<1x1x128xi32, #tpu.memory_space<vmem>> -> memref<128xi32, #tpu.memory_space<vmem>>
        %dma_wait3A_288 = arith.constant 0 : i32
        %dma_wait3A_289 = arith.constant 0 : i32
        %dma_wait3A_290 = tpu.memref_slice %arg8[%dma_wait3A_288, %dma_wait3A_289] : memref<10240x128xf32, #tpu.memory_space<vmem_shared>> -> memref<10240x128xf32, #tpu.memory_space<vmem_shared>>
        tpu.wait_indirect_dma semaphore(%run_scoped3A_278 : memref<!tpu.dma_semaphore, #tpu.memory_space<semaphore_mem>>) src(%arg6 : memref<128x128xf32, #tpu.memory_space<vmem>>) dst(%dma_wait3A_290 : memref<10240x128xf32, #tpu.memory_space<vmem_shared>>)
        tpu.yield
      }) : () -> ()
      %add3A_241 = arith.constant 2 : i32
      %add3A_242 = arith.addi %mul3A_219, %add3A_241 : i32
      %lt3A_243 = arith.cmpi slt, %add3A_242, %sub3A_117 : i32
      %convert_element_type3A_244 = arith.extui %lt3A_243 : i1 to i32
      %cond3A_245 = arith.constant 0 : i32
      %cond3A_246 = arith.cmpi ne, %convert_element_type3A_244, %cond3A_245 : i32
      scf.if %cond3A_246 {
        %add3A_278 = arith.constant 2 : i32
        %add3A_279 = arith.addi %mul3A_219, %add3A_278 : i32
        %dma_start3A_280 = arith.constant 0 : i32
        %dma_start3A_281 = arith.constant 0 : i32
        %dma_start3A_282 = arith.constant 0 : i32
        %dma_start3A_283 = tpu.memref_slice %arg6[%dma_start3A_281, %dma_start3A_282] : memref<128x128xf32, #tpu.memory_space<vmem>> -> memref<64x128xf32, #tpu.memory_space<vmem>>
        %dma_start3A_284 = arith.constant 0 : i32
        %dma_start3A_285 = tpu.memref_slice %arg5[%dma_start3A_280, %add3A_279, %dma_start3A_284] : memref<2x40x128xi32, #tpu.memory_space<vmem>> -> memref<1x1x64xi32, #tpu.memory_space<vmem>>
        %dma_start3A_286 = tpu.memref_squeeze %dma_start3A_285 : memref<1x1x64xi32, #tpu.memory_space<vmem>> -> memref<64xi32, #tpu.memory_space<vmem>>
        %dma_start3A_287 = arith.constant 0 : i32
        %dma_start3A_288 = arith.constant 0 : i32
        %dma_start3A_289 = tpu.memref_slice %arg2[%dma_start3A_287, %dma_start3A_288] : memref<10000x128xf32, #tpu.memory_space<hbm>> -> memref<10000x128xf32, #tpu.memory_space<hbm>>
        tpu.enqueue_indirect_dma source(%dma_start3A_289 : memref<10000x128xf32, #tpu.memory_space<hbm>>) target(%dma_start3A_283 : memref<64x128xf32, #tpu.memory_space<vmem>>) offsets(%dma_start3A_286 : memref<64xi32, #tpu.memory_space<vmem>>) semaphore(%arg9 : memref<!tpu.dma_semaphore, #tpu.memory_space<semaphore_mem>>)
        %dma_start3A_290 = arith.constant 0 : i32
        %dma_start3A_291 = arith.constant 64 : i32
        %dma_start3A_292 = arith.constant 0 : i32
        %dma_start3A_293 = tpu.memref_slice %arg6[%dma_start3A_291, %dma_start3A_292] : memref<128x128xf32, #tpu.memory_space<vmem>> -> memref<64x128xf32, #tpu.memory_space<vmem>>
        %dma_start3A_294 = arith.constant 64 : i32
        %dma_start3A_295 = tpu.memref_slice %arg5[%dma_start3A_290, %add3A_279, %dma_start3A_294] : memref<2x40x128xi32, #tpu.memory_space<vmem>> -> memref<1x1x64xi32, #tpu.memory_space<vmem>>
        %dma_start3A_296 = tpu.memref_squeeze %dma_start3A_295 : memref<1x1x64xi32, #tpu.memory_space<vmem>> -> memref<64xi32, #tpu.memory_space<vmem>>
        %dma_start3A_297 = arith.constant 0 : i32
        %dma_start3A_298 = arith.constant 0 : i32
        %dma_start3A_299 = tpu.memref_slice %arg2[%dma_start3A_297, %dma_start3A_298] : memref<10000x128xf32, #tpu.memory_space<hbm>> -> memref<10000x128xf32, #tpu.memory_space<hbm>>
        tpu.enqueue_indirect_dma source(%dma_start3A_299 : memref<10000x128xf32, #tpu.memory_space<hbm>>) target(%dma_start3A_293 : memref<64x128xf32, #tpu.memory_space<vmem>>) offsets(%dma_start3A_296 : memref<64xi32, #tpu.memory_space<vmem>>) semaphore(%arg10 : memref<!tpu.dma_semaphore, #tpu.memory_space<semaphore_mem>>)
      } else {
      }
      %dma_wait3A_247 = arith.constant 0 : i32
      %dma_wait3A_248 = arith.constant 0 : i32
      %dma_wait3A_249 = arith.constant 0 : i32
      %dma_wait3A_250 = arith.constant 0 : i32
      %dma_wait3A_251 = tpu.memref_slice %arg7[%dma_wait3A_249, %dma_wait3A_250] : memref<128x128xf32, #tpu.memory_space<vmem>> -> memref<64x128xf32, #tpu.memory_space<vmem>>
      %dma_wait3A_252 = arith.constant 0 : i32
      %dma_wait3A_253 = tpu.memref_slice %arg5[%dma_wait3A_247, %dma_wait3A_248, %dma_wait3A_252] : memref<2x40x128xi32, #tpu.memory_space<vmem>> -> memref<1x1x64xi32, #tpu.memory_space<vmem>>
      %dma_wait3A_254 = tpu.memref_squeeze %dma_wait3A_253 : memref<1x1x64xi32, #tpu.memory_space<vmem>> -> memref<64xi32, #tpu.memory_space<vmem>>
      %dma_wait3A_255 = arith.constant 0 : i32
      %dma_wait3A_256 = arith.constant 0 : i32
      %dma_wait3A_257 = tpu.memref_slice %arg2[%dma_wait3A_255, %dma_wait3A_256] : memref<10000x128xf32, #tpu.memory_space<hbm>> -> memref<10000x128xf32, #tpu.memory_space<hbm>>
      tpu.wait_indirect_dma semaphore(%arg11 : memref<!tpu.dma_semaphore, #tpu.memory_space<semaphore_mem>>) src(%dma_wait3A_257 : memref<10000x128xf32, #tpu.memory_space<hbm>>) dst(%dma_wait3A_251 : memref<64x128xf32, #tpu.memory_space<vmem>>)
      %dma_wait3A_258 = arith.constant 0 : i32
      %dma_wait3A_259 = arith.constant 0 : i32
      %dma_wait3A_260 = arith.constant 64 : i32
      %dma_wait3A_261 = arith.constant 0 : i32
      %dma_wait3A_262 = tpu.memref_slice %arg7[%dma_wait3A_260, %dma_wait3A_261] : memref<128x128xf32, #tpu.memory_space<vmem>> -> memref<64x128xf32, #tpu.memory_space<vmem>>
      %dma_wait3A_263 = arith.constant 0 : i32
      %dma_wait3A_264 = tpu.memref_slice %arg5[%dma_wait3A_258, %dma_wait3A_259, %dma_wait3A_263] : memref<2x40x128xi32, #tpu.memory_space<vmem>> -> memref<1x1x64xi32, #tpu.memory_space<vmem>>
      %dma_wait3A_265 = tpu.memref_squeeze %dma_wait3A_264 : memref<1x1x64xi32, #tpu.memory_space<vmem>> -> memref<64xi32, #tpu.memory_space<vmem>>
      %dma_wait3A_266 = arith.constant 0 : i32
      %dma_wait3A_267 = arith.constant 0 : i32
      %dma_wait3A_268 = tpu.memref_slice %arg2[%dma_wait3A_266, %dma_wait3A_267] : memref<10000x128xf32, #tpu.memory_space<hbm>> -> memref<10000x128xf32, #tpu.memory_space<hbm>>
      tpu.wait_indirect_dma semaphore(%arg12 : memref<!tpu.dma_semaphore, #tpu.memory_space<semaphore_mem>>) src(%dma_wait3A_268 : memref<10000x128xf32, #tpu.memory_space<hbm>>) dst(%dma_wait3A_262 : memref<64x128xf32, #tpu.memory_space<vmem>>)
      %add3A_269 = arith.constant 1 : i32
      %add3A_270 = arith.addi %mul3A_219, %add3A_269 : i32
      %run_scoped3A_271 = arith.constant 1 : i32
      "tpu.region"() ({
        %run_scoped3A_278 = tpu.sem_alloc : memref<!tpu.dma_semaphore, #tpu.memory_space<semaphore_mem>>
        %dma_start3A_279 = arith.constant 0 : i32
        %dma_start3A_280 = tpu.memref_slice %arg5[%run_scoped3A_271, %add3A_270, %dma_start3A_279] : memref<2x40x128xi32, #tpu.memory_space<vmem>> -> memref<1x1x128xi32, #tpu.memory_space<vmem>>
        %dma_start3A_281 = tpu.memref_squeeze %dma_start3A_280 : memref<1x1x128xi32, #tpu.memory_space<vmem>> -> memref<128xi32, #tpu.memory_space<vmem>>
        %dma_start3A_282 = arith.constant 0 : i32
        %dma_start3A_283 = arith.constant 0 : i32
        %dma_start3A_284 = tpu.memref_slice %arg8[%dma_start3A_282, %dma_start3A_283] : memref<10240x128xf32, #tpu.memory_space<vmem_shared>> -> memref<10240x128xf32, #tpu.memory_space<vmem_shared>>
        tpu.enqueue_indirect_dma source(%arg7 : memref<128x128xf32, #tpu.memory_space<vmem>>) target(%dma_start3A_284 : memref<10240x128xf32, #tpu.memory_space<vmem_shared>>) offsets(%dma_start3A_281 : memref<128xi32, #tpu.memory_space<vmem>>) semaphore(%run_scoped3A_278 : memref<!tpu.dma_semaphore, #tpu.memory_space<semaphore_mem>>) {add = true}
        %dma_wait3A_285 = arith.constant 0 : i32
        %dma_wait3A_286 = tpu.memref_slice %arg5[%run_scoped3A_271, %add3A_270, %dma_wait3A_285] : memref<2x40x128xi32, #tpu.memory_space<vmem>> -> memref<1x1x128xi32, #tpu.memory_space<vmem>>
        %dma_wait3A_287 = tpu.memref_squeeze %dma_wait3A_286 : memref<1x1x128xi32, #tpu.memory_space<vmem>> -> memref<128xi32, #tpu.memory_space<vmem>>
        %dma_wait3A_288 = arith.constant 0 : i32
        %dma_wait3A_289 = arith.constant 0 : i32
        %dma_wait3A_290 = tpu.memref_slice %arg8[%dma_wait3A_288, %dma_wait3A_289] : memref<10240x128xf32, #tpu.memory_space<vmem_shared>> -> memref<10240x128xf32, #tpu.memory_space<vmem_shared>>
        tpu.wait_indirect_dma semaphore(%run_scoped3A_278 : memref<!tpu.dma_semaphore, #tpu.memory_space<semaphore_mem>>) src(%arg7 : memref<128x128xf32, #tpu.memory_space<vmem>>) dst(%dma_wait3A_290 : memref<10240x128xf32, #tpu.memory_space<vmem_shared>>)
        tpu.yield
      }) : () -> ()
      %add3A_272 = arith.constant 3 : i32
      %add3A_273 = arith.addi %mul3A_219, %add3A_272 : i32
      %lt3A_274 = arith.cmpi slt, %add3A_273, %sub3A_117 : i32
      %convert_element_type3A_275 = arith.extui %lt3A_274 : i1 to i32
      %cond3A_276 = arith.constant 0 : i32
      %cond3A_277 = arith.cmpi ne, %convert_element_type3A_275, %cond3A_276 : i32
      scf.if %cond3A_277 {
        %add3A_278 = arith.constant 3 : i32
        %add3A_279 = arith.addi %mul3A_219, %add3A_278 : i32
        %dma_start3A_280 = arith.constant 0 : i32
        %dma_start3A_281 = arith.constant 0 : i32
        %dma_start3A_282 = arith.constant 0 : i32
        %dma_start3A_283 = tpu.memref_slice %arg7[%dma_start3A_281, %dma_start3A_282] : memref<128x128xf32, #tpu.memory_space<vmem>> -> memref<64x128xf32, #tpu.memory_space<vmem>>
        %dma_start3A_284 = arith.constant 0 : i32
        %dma_start3A_285 = tpu.memref_slice %arg5[%dma_start3A_280, %add3A_279, %dma_start3A_284] : memref<2x40x128xi32, #tpu.memory_space<vmem>> -> memref<1x1x64xi32, #tpu.memory_space<vmem>>
        %dma_start3A_286 = tpu.memref_squeeze %dma_start3A_285 : memref<1x1x64xi32, #tpu.memory_space<vmem>> -> memref<64xi32, #tpu.memory_space<vmem>>
        %dma_start3A_287 = arith.constant 0 : i32
        %dma_start3A_288 = arith.constant 0 : i32
        %dma_start3A_289 = tpu.memref_slice %arg2[%dma_start3A_287, %dma_start3A_288] : memref<10000x128xf32, #tpu.memory_space<hbm>> -> memref<10000x128xf32, #tpu.memory_space<hbm>>
        tpu.enqueue_indirect_dma source(%dma_start3A_289 : memref<10000x128xf32, #tpu.memory_space<hbm>>) target(%dma_start3A_283 : memref<64x128xf32, #tpu.memory_space<vmem>>) offsets(%dma_start3A_286 : memref<64xi32, #tpu.memory_space<vmem>>) semaphore(%arg11 : memref<!tpu.dma_semaphore, #tpu.memory_space<semaphore_mem>>)
        %dma_start3A_290 = arith.constant 0 : i32
        %dma_start3A_291 = arith.constant 64 : i32
        %dma_start3A_292 = arith.constant 0 : i32
        %dma_start3A_293 = tpu.memref_slice %arg7[%dma_start3A_291, %dma_start3A_292] : memref<128x128xf32, #tpu.memory_space<vmem>> -> memref<64x128xf32, #tpu.memory_space<vmem>>
        %dma_start3A_294 = arith.constant 64 : i32
        %dma_start3A_295 = tpu.memref_slice %arg5[%dma_start3A_290, %add3A_279, %dma_start3A_294] : memref<2x40x128xi32, #tpu.memory_space<vmem>> -> memref<1x1x64xi32, #tpu.memory_space<vmem>>
        %dma_start3A_296 = tpu.memref_squeeze %dma_start3A_295 : memref<1x1x64xi32, #tpu.memory_space<vmem>> -> memref<64xi32, #tpu.memory_space<vmem>>
        %dma_start3A_297 = arith.constant 0 : i32
        %dma_start3A_298 = arith.constant 0 : i32
        %dma_start3A_299 = tpu.memref_slice %arg2[%dma_start3A_297, %dma_start3A_298] : memref<10000x128xf32, #tpu.memory_space<hbm>> -> memref<10000x128xf32, #tpu.memory_space<hbm>>
        tpu.enqueue_indirect_dma source(%dma_start3A_299 : memref<10000x128xf32, #tpu.memory_space<hbm>>) target(%dma_start3A_293 : memref<64x128xf32, #tpu.memory_space<vmem>>) offsets(%dma_start3A_296 : memref<64xi32, #tpu.memory_space<vmem>>) semaphore(%arg12 : memref<!tpu.dma_semaphore, #tpu.memory_space<semaphore_mem>>)
      } else {
      }
    }
    %while3A_205 = arith.constant 1 : i32
    scf.for %while3A_217 = %while3A_203 to %while3A_199 step %while3A_205  : i32 {
      %mul3A_218 = arith.constant 2 : i32
      %mul3A_219 = arith.muli %mul3A_218, %while3A_217 : i32
      %dma_wait3A = arith.constant 0 : i32
      %dma_wait3A_220 = arith.constant 0 : i32
      %dma_wait3A_221 = arith.constant 0 : i32
      %dma_wait3A_222 = arith.constant 0 : i32
      %dma_wait3A_223 = tpu.memref_slice %arg6[%dma_wait3A_221, %dma_wait3A_222] : memref<128x128xf32, #tpu.memory_space<vmem>> -> memref<64x128xf32, #tpu.memory_space<vmem>>
      %dma_wait3A_224 = arith.constant 0 : i32
      %dma_wait3A_225 = tpu.memref_slice %arg5[%dma_wait3A, %dma_wait3A_220, %dma_wait3A_224] : memref<2x40x128xi32, #tpu.memory_space<vmem>> -> memref<1x1x64xi32, #tpu.memory_space<vmem>>
      %dma_wait3A_226 = tpu.memref_squeeze %dma_wait3A_225 : memref<1x1x64xi32, #tpu.memory_space<vmem>> -> memref<64xi32, #tpu.memory_space<vmem>>
      %dma_wait3A_227 = arith.constant 0 : i32
      %dma_wait3A_228 = arith.constant 0 : i32
      %dma_wait3A_229 = tpu.memref_slice %arg2[%dma_wait3A_227, %dma_wait3A_228] : memref<10000x128xf32, #tpu.memory_space<hbm>> -> memref<10000x128xf32, #tpu.memory_space<hbm>>
      tpu.wait_indirect_dma semaphore(%arg9 : memref<!tpu.dma_semaphore, #tpu.memory_space<semaphore_mem>>) src(%dma_wait3A_229 : memref<10000x128xf32, #tpu.memory_space<hbm>>) dst(%dma_wait3A_223 : memref<64x128xf32, #tpu.memory_space<vmem>>)
      %dma_wait3A_230 = arith.constant 0 : i32
      %dma_wait3A_231 = arith.constant 0 : i32
      %dma_wait3A_232 = arith.constant 64 : i32
      %dma_wait3A_233 = arith.constant 0 : i32
      %dma_wait3A_234 = tpu.memref_slice %arg6[%dma_wait3A_232, %dma_wait3A_233] : memref<128x128xf32, #tpu.memory_space<vmem>> -> memref<64x128xf32, #tpu.memory_space<vmem>>
      %dma_wait3A_235 = arith.constant 0 : i32
      %dma_wait3A_236 = tpu.memref_slice %arg5[%dma_wait3A_230, %dma_wait3A_231, %dma_wait3A_235] : memref<2x40x128xi32, #tpu.memory_space<vmem>> -> memref<1x1x64xi32, #tpu.memory_space<vmem>>
      %dma_wait3A_237 = tpu.memref_squeeze %dma_wait3A_236 : memref<1x1x64xi32, #tpu.memory_space<vmem>> -> memref<64xi32, #tpu.memory_space<vmem>>
      %dma_wait3A_238 = arith.constant 0 : i32
      %dma_wait3A_239 = arith.constant 0 : i32
      %dma_wait3A_240 = tpu.memref_slice %arg2[%dma_wait3A_238, %dma_wait3A_239] : memref<10000x128xf32, #tpu.memory_space<hbm>> -> memref<10000x128xf32, #tpu.memory_space<hbm>>
      tpu.wait_indirect_dma semaphore(%arg10 : memref<!tpu.dma_semaphore, #tpu.memory_space<semaphore_mem>>) src(%dma_wait3A_240 : memref<10000x128xf32, #tpu.memory_space<hbm>>) dst(%dma_wait3A_234 : memref<64x128xf32, #tpu.memory_space<vmem>>)
      %run_scoped3A = arith.constant 1 : i32
      "tpu.region"() ({
        %run_scoped3A_278 = tpu.sem_alloc : memref<!tpu.dma_semaphore, #tpu.memory_space<semaphore_mem>>
        %dma_start3A_279 = arith.constant 0 : i32
        %dma_start3A_280 = tpu.memref_slice %arg5[%run_scoped3A, %mul3A_219, %dma_start3A_279] : memref<2x40x128xi32, #tpu.memory_space<vmem>> -> memref<1x1x128xi32, #tpu.memory_space<vmem>>
        %dma_start3A_281 = tpu.memref_squeeze %dma_start3A_280 : memref<1x1x128xi32, #tpu.memory_space<vmem>> -> memref<128xi32, #tpu.memory_space<vmem>>
        %dma_start3A_282 = arith.constant 0 : i32
        %dma_start3A_283 = arith.constant 0 : i32
        %dma_start3A_284 = tpu.memref_slice %arg8[%dma_start3A_282, %dma_start3A_283] : memref<10240x128xf32, #tpu.memory_space<vmem_shared>> -> memref<10240x128xf32, #tpu.memory_space<vmem_shared>>
        tpu.enqueue_indirect_dma source(%arg6 : memref<128x128xf32, #tpu.memory_space<vmem>>) target(%dma_start3A_284 : memref<10240x128xf32, #tpu.memory_space<vmem_shared>>) offsets(%dma_start3A_281 : memref<128xi32, #tpu.memory_space<vmem>>) semaphore(%run_scoped3A_278 : memref<!tpu.dma_semaphore, #tpu.memory_space<semaphore_mem>>) {add = true}
        %dma_wait3A_285 = arith.constant 0 : i32
        %dma_wait3A_286 = tpu.memref_slice %arg5[%run_scoped3A, %mul3A_219, %dma_wait3A_285] : memref<2x40x128xi32, #tpu.memory_space<vmem>> -> memref<1x1x128xi32, #tpu.memory_space<vmem>>
        %dma_wait3A_287 = tpu.memref_squeeze %dma_wait3A_286 : memref<1x1x128xi32, #tpu.memory_space<vmem>> -> memref<128xi32, #tpu.memory_space<vmem>>
        %dma_wait3A_288 = arith.constant 0 : i32
        %dma_wait3A_289 = arith.constant 0 : i32
        %dma_wait3A_290 = tpu.memref_slice %arg8[%dma_wait3A_288, %dma_wait3A_289] : memref<10240x128xf32, #tpu.memory_space<vmem_shared>> -> memref<10240x128xf32, #tpu.memory_space<vmem_shared>>
        tpu.wait_indirect_dma semaphore(%run_scoped3A_278 : memref<!tpu.dma_semaphore, #tpu.memory_space<semaphore_mem>>) src(%arg6 : memref<128x128xf32, #tpu.memory_space<vmem>>) dst(%dma_wait3A_290 : memref<10240x128xf32, #tpu.memory_space<vmem_shared>>)
        tpu.yield
      }) : () -> ()
      %add3A_241 = arith.constant 2 : i32
      %add3A_242 = arith.addi %mul3A_219, %add3A_241 : i32
      %lt3A_243 = arith.cmpi slt, %add3A_242, %sub3A_117 : i32
      %convert_element_type3A_244 = arith.extui %lt3A_243 : i1 to i32
      %cond3A_245 = arith.constant 0 : i32
      %cond3A_246 = arith.cmpi ne, %convert_element_type3A_244, %cond3A_245 : i32
      scf.if %cond3A_246 {
        %add3A_278 = arith.constant 2 : i32
        %add3A_279 = arith.addi %mul3A_219, %add3A_278 : i32
        %dma_start3A_280 = arith.constant 0 : i32
        %dma_start3A_281 = arith.constant 0 : i32
        %dma_start3A_282 = arith.constant 0 : i32
        %dma_start3A_283 = tpu.memref_slice %arg6[%dma_start3A_281, %dma_start3A_282] : memref<128x128xf32, #tpu.memory_space<vmem>> -> memref<64x128xf32, #tpu.memory_space<vmem>>
        %dma_start3A_284 = arith.constant 0 : i32
        %dma_start3A_285 = tpu.memref_slice %arg5[%dma_start3A_280, %add3A_279, %dma_start3A_284] : memref<2x40x128xi32, #tpu.memory_space<vmem>> -> memref<1x1x64xi32, #tpu.memory_space<vmem>>
        %dma_start3A_286 = tpu.memref_squeeze %dma_start3A_285 : memref<1x1x64xi32, #tpu.memory_space<vmem>> -> memref<64xi32, #tpu.memory_space<vmem>>
        %dma_start3A_287 = arith.constant 0 : i32
        %dma_start3A_288 = arith.constant 0 : i32
        %dma_start3A_289 = tpu.memref_slice %arg2[%dma_start3A_287, %dma_start3A_288] : memref<10000x128xf32, #tpu.memory_space<hbm>> -> memref<10000x128xf32, #tpu.memory_space<hbm>>
        tpu.enqueue_indirect_dma source(%dma_start3A_289 : memref<10000x128xf32, #tpu.memory_space<hbm>>) target(%dma_start3A_283 : memref<64x128xf32, #tpu.memory_space<vmem>>) offsets(%dma_start3A_286 : memref<64xi32, #tpu.memory_space<vmem>>) semaphore(%arg9 : memref<!tpu.dma_semaphore, #tpu.memory_space<semaphore_mem>>)
        %dma_start3A_290 = arith.constant 0 : i32
        %dma_start3A_291 = arith.constant 64 : i32
        %dma_start3A_292 = arith.constant 0 : i32
        %dma_start3A_293 = tpu.memref_slice %arg6[%dma_start3A_291, %dma_start3A_292] : memref<128x128xf32, #tpu.memory_space<vmem>> -> memref<64x128xf32, #tpu.memory_space<vmem>>
        %dma_start3A_294 = arith.constant 64 : i32
        %dma_start3A_295 = tpu.memref_slice %arg5[%dma_start3A_290, %add3A_279, %dma_start3A_294] : memref<2x40x128xi32, #tpu.memory_space<vmem>> -> memref<1x1x64xi32, #tpu.memory_space<vmem>>
        %dma_start3A_296 = tpu.memref_squeeze %dma_start3A_295 : memref<1x1x64xi32, #tpu.memory_space<vmem>> -> memref<64xi32, #tpu.memory_space<vmem>>
        %dma_start3A_297 = arith.constant 0 : i32
        %dma_start3A_298 = arith.constant 0 : i32
        %dma_start3A_299 = tpu.memref_slice %arg2[%dma_start3A_297, %dma_start3A_298] : memref<10000x128xf32, #tpu.memory_space<hbm>> -> memref<10000x128xf32, #tpu.memory_space<hbm>>
        tpu.enqueue_indirect_dma source(%dma_start3A_299 : memref<10000x128xf32, #tpu.memory_space<hbm>>) target(%dma_start3A_293 : memref<64x128xf32, #tpu.memory_space<vmem>>) offsets(%dma_start3A_296 : memref<64xi32, #tpu.memory_space<vmem>>) semaphore(%arg10 : memref<!tpu.dma_semaphore, #tpu.memory_space<semaphore_mem>>)
      } else {
      }
      %dma_wait3A_247 = arith.constant 0 : i32
      %dma_wait3A_248 = arith.constant 0 : i32
      %dma_wait3A_249 = arith.constant 0 : i32
      %dma_wait3A_250 = arith.constant 0 : i32
      %dma_wait3A_251 = tpu.memref_slice %arg7[%dma_wait3A_249, %dma_wait3A_250] : memref<128x128xf32, #tpu.memory_space<vmem>> -> memref<64x128xf32, #tpu.memory_space<vmem>>
      %dma_wait3A_252 = arith.constant 0 : i32
      %dma_wait3A_253 = tpu.memref_slice %arg5[%dma_wait3A_247, %dma_wait3A_248, %dma_wait3A_252] : memref<2x40x128xi32, #tpu.memory_space<vmem>> -> memref<1x1x64xi32, #tpu.memory_space<vmem>>
      %dma_wait3A_254 = tpu.memref_squeeze %dma_wait3A_253 : memref<1x1x64xi32, #tpu.memory_space<vmem>> -> memref<64xi32, #tpu.memory_space<vmem>>
      %dma_wait3A_255 = arith.constant 0 : i32
      %dma_wait3A_256 = arith.constant 0 : i32
      %dma_wait3A_257 = tpu.memref_slice %arg2[%dma_wait3A_255, %dma_wait3A_256] : memref<10000x128xf32, #tpu.memory_space<hbm>> -> memref<10000x128xf32, #tpu.memory_space<hbm>>
      tpu.wait_indirect_dma semaphore(%arg11 : memref<!tpu.dma_semaphore, #tpu.memory_space<semaphore_mem>>) src(%dma_wait3A_257 : memref<10000x128xf32, #tpu.memory_space<hbm>>) dst(%dma_wait3A_251 : memref<64x128xf32, #tpu.memory_space<vmem>>)
      %dma_wait3A_258 = arith.constant 0 : i32
      %dma_wait3A_259 = arith.constant 0 : i32
      %dma_wait3A_260 = arith.constant 64 : i32
      %dma_wait3A_261 = arith.constant 0 : i32
      %dma_wait3A_262 = tpu.memref_slice %arg7[%dma_wait3A_260, %dma_wait3A_261] : memref<128x128xf32, #tpu.memory_space<vmem>> -> memref<64x128xf32, #tpu.memory_space<vmem>>
      %dma_wait3A_263 = arith.constant 0 : i32
      %dma_wait3A_264 = tpu.memref_slice %arg5[%dma_wait3A_258, %dma_wait3A_259, %dma_wait3A_263] : memref<2x40x128xi32, #tpu.memory_space<vmem>> -> memref<1x1x64xi32, #tpu.memory_space<vmem>>
      %dma_wait3A_265 = tpu.memref_squeeze %dma_wait3A_264 : memref<1x1x64xi32, #tpu.memory_space<vmem>> -> memref<64xi32, #tpu.memory_space<vmem>>
      %dma_wait3A_266 = arith.constant 0 : i32
      %dma_wait3A_267 = arith.constant 0 : i32
      %dma_wait3A_268 = tpu.memref_slice %arg2[%dma_wait3A_266, %dma_wait3A_267] : memref<10000x128xf32, #tpu.memory_space<hbm>> -> memref<10000x128xf32, #tpu.memory_space<hbm>>
      tpu.wait_indirect_dma semaphore(%arg12 : memref<!tpu.dma_semaphore, #tpu.memory_space<semaphore_mem>>) src(%dma_wait3A_268 : memref<10000x128xf32, #tpu.memory_space<hbm>>) dst(%dma_wait3A_262 : memref<64x128xf32, #tpu.memory_space<vmem>>)
      %add3A_269 = arith.constant 1 : i32
      %add3A_270 = arith.addi %mul3A_219, %add3A_269 : i32
      %run_scoped3A_271 = arith.constant 1 : i32
      "tpu.region"() ({
        %run_scoped3A_278 = tpu.sem_alloc : memref<!tpu.dma_semaphore, #tpu.memory_space<semaphore_mem>>
        %dma_start3A_279 = arith.constant 0 : i32
        %dma_start3A_280 = tpu.memref_slice %arg5[%run_scoped3A_271, %add3A_270, %dma_start3A_279] : memref<2x40x128xi32, #tpu.memory_space<vmem>> -> memref<1x1x128xi32, #tpu.memory_space<vmem>>
        %dma_start3A_281 = tpu.memref_squeeze %dma_start3A_280 : memref<1x1x128xi32, #tpu.memory_space<vmem>> -> memref<128xi32, #tpu.memory_space<vmem>>
        %dma_start3A_282 = arith.constant 0 : i32
        %dma_start3A_283 = arith.constant 0 : i32
        %dma_start3A_284 = tpu.memref_slice %arg8[%dma_start3A_282, %dma_start3A_283] : memref<10240x128xf32, #tpu.memory_space<vmem_shared>> -> memref<10240x128xf32, #tpu.memory_space<vmem_shared>>
        tpu.enqueue_indirect_dma source(%arg7 : memref<128x128xf32, #tpu.memory_space<vmem>>) target(%dma_start3A_284 : memref<10240x128xf32, #tpu.memory_space<vmem_shared>>) offsets(%dma_start3A_281 : memref<128xi32, #tpu.memory_space<vmem>>) semaphore(%run_scoped3A_278 : memref<!tpu.dma_semaphore, #tpu.memory_space<semaphore_mem>>) {add = true}
        %dma_wait3A_285 = arith.constant 0 : i32
        %dma_wait3A_286 = tpu.memref_slice %arg5[%run_scoped3A_271, %add3A_270, %dma_wait3A_285] : memref<2x40x128xi32, #tpu.memory_space<vmem>> -> memref<1x1x128xi32, #tpu.memory_space<vmem>>
        %dma_wait3A_287 = tpu.memref_squeeze %dma_wait3A_286 : memref<1x1x128xi32, #tpu.memory_space<vmem>> -> memref<128xi32, #tpu.memory_space<vmem>>
        %dma_wait3A_288 = arith.constant 0 : i32
        %dma_wait3A_289 = arith.constant 0 : i32
        %dma_wait3A_290 = tpu.memref_slice %arg8[%dma_wait3A_288, %dma_wait3A_289] : memref<10240x128xf32, #tpu.memory_space<vmem_shared>> -> memref<10240x128xf32, #tpu.memory_space<vmem_shared>>
        tpu.wait_indirect_dma semaphore(%run_scoped3A_278 : memref<!tpu.dma_semaphore, #tpu.memory_space<semaphore_mem>>) src(%arg7 : memref<128x128xf32, #tpu.memory_space<vmem>>) dst(%dma_wait3A_290 : memref<10240x128xf32, #tpu.memory_space<vmem_shared>>)
        tpu.yield
      }) : () -> ()
      %add3A_272 = arith.constant 3 : i32
      %add3A_273 = arith.addi %mul3A_219, %add3A_272 : i32
      %lt3A_274 = arith.cmpi slt, %add3A_273, %sub3A_117 : i32
      %convert_element_type3A_275 = arith.extui %lt3A_274 : i1 to i32
      %cond3A_276 = arith.constant 0 : i32
      %cond3A_277 = arith.cmpi ne, %convert_element_type3A_275, %cond3A_276 : i32
      scf.if %cond3A_277 {
        %add3A_278 = arith.constant 3 : i32
        %add3A_279 = arith.addi %mul3A_219, %add3A_278 : i32
        %dma_start3A_280 = arith.constant 0 : i32
        %dma_start3A_281 = arith.constant 0 : i32
        %dma_start3A_282 = arith.constant 0 : i32
        %dma_start3A_283 = tpu.memref_slice %arg7[%dma_start3A_281, %dma_start3A_282] : memref<128x128xf32, #tpu.memory_space<vmem>> -> memref<64x128xf32, #tpu.memory_space<vmem>>
        %dma_start3A_284 = arith.constant 0 : i32
        %dma_start3A_285 = tpu.memref_slice %arg5[%dma_start3A_280, %add3A_279, %dma_start3A_284] : memref<2x40x128xi32, #tpu.memory_space<vmem>> -> memref<1x1x64xi32, #tpu.memory_space<vmem>>
        %dma_start3A_286 = tpu.memref_squeeze %dma_start3A_285 : memref<1x1x64xi32, #tpu.memory_space<vmem>> -> memref<64xi32, #tpu.memory_space<vmem>>
        %dma_start3A_287 = arith.constant 0 : i32
        %dma_start3A_288 = arith.constant 0 : i32
        %dma_start3A_289 = tpu.memref_slice %arg2[%dma_start3A_287, %dma_start3A_288] : memref<10000x128xf32, #tpu.memory_space<hbm>> -> memref<10000x128xf32, #tpu.memory_space<hbm>>
        tpu.enqueue_indirect_dma source(%dma_start3A_289 : memref<10000x128xf32, #tpu.memory_space<hbm>>) target(%dma_start3A_283 : memref<64x128xf32, #tpu.memory_space<vmem>>) offsets(%dma_start3A_286 : memref<64xi32, #tpu.memory_space<vmem>>) semaphore(%arg11 : memref<!tpu.dma_semaphore, #tpu.memory_space<semaphore_mem>>)
        %dma_start3A_290 = arith.constant 0 : i32
        %dma_start3A_291 = arith.constant 64 : i32
        %dma_start3A_292 = arith.constant 0 : i32
        %dma_start3A_293 = tpu.memref_slice %arg7[%dma_start3A_291, %dma_start3A_292] : memref<128x128xf32, #tpu.memory_space<vmem>> -> memref<64x128xf32, #tpu.memory_space<vmem>>
        %dma_start3A_294 = arith.constant 64 : i32
        %dma_start3A_295 = tpu.memref_slice %arg5[%dma_start3A_290, %add3A_279, %dma_start3A_294] : memref<2x40x128xi32, #tpu.memory_space<vmem>> -> memref<1x1x64xi32, #tpu.memory_space<vmem>>
        %dma_start3A_296 = tpu.memref_squeeze %dma_start3A_295 : memref<1x1x64xi32, #tpu.memory_space<vmem>> -> memref<64xi32, #tpu.memory_space<vmem>>
        %dma_start3A_297 = arith.constant 0 : i32
        %dma_start3A_298 = arith.constant 0 : i32
        %dma_start3A_299 = tpu.memref_slice %arg2[%dma_start3A_297, %dma_start3A_298] : memref<10000x128xf32, #tpu.memory_space<hbm>> -> memref<10000x128xf32, #tpu.memory_space<hbm>>
        tpu.enqueue_indirect_dma source(%dma_start3A_299 : memref<10000x128xf32, #tpu.memory_space<hbm>>) target(%dma_start3A_293 : memref<64x128xf32, #tpu.memory_space<vmem>>) offsets(%dma_start3A_296 : memref<64xi32, #tpu.memory_space<vmem>>) semaphore(%arg12 : memref<!tpu.dma_semaphore, #tpu.memory_space<semaphore_mem>>)
      } else {
      }
    }
    %barrier3A_206 = arith.constant 0 : index
    tpu.barrier barrier_id(%barrier3A_206)
    %lt3A_207 = arith.constant 15 : i32
    %lt3A_208 = arith.cmpi slt, %arg1, %lt3A_207 : i32
    %convert_element_type3A_209 = arith.extui %lt3A_208 : i1 to i32
    %cond3A_210 = arith.constant 0 : i32
    %cond3A_211 = arith.cmpi ne, %convert_element_type3A_209, %cond3A_210 : i32
    scf.if %cond3A_211 {
      "tpu.region"() ({
        %run_scoped3A = tpu.sem_alloc : memref<!tpu.dma_semaphore, #tpu.memory_space<semaphore_mem>>
        %dma_start3A_217 = arith.constant 0 : i32
        %dma_start3A_218 = tpu.memref_slice %arg4[%arg0, %mul3A_21, %dma_start3A_217] : memref<2x10000x128xf32, #tpu.memory_space<hbm>> -> memref<1x640x128xf32, #tpu.memory_space<hbm>>
        %dma_start3A_219 = tpu.memref_squeeze %dma_start3A_218 : memref<1x640x128xf32, #tpu.memory_space<hbm>> -> memref<640x128xf32, #tpu.memory_space<hbm>>
        %dma_start3A_220 = arith.constant 0 : i32
        %dma_start3A_221 = tpu.memref_slice %arg8[%mul3A_21, %dma_start3A_220] : memref<10240x128xf32, #tpu.memory_space<vmem_shared>> -> memref<640x128xf32, #tpu.memory_space<vmem_shared>>
        tpu.enqueue_dma source(%dma_start3A_221 : memref<640x128xf32, #tpu.memory_space<vmem_shared>>) target(%dma_start3A_219 : memref<640x128xf32, #tpu.memory_space<hbm>>) target_semaphore(%run_scoped3A : memref<!tpu.dma_semaphore, #tpu.memory_space<semaphore_mem>>)
        %dma_wait3A = arith.constant 0 : i32
        %dma_wait3A_222 = tpu.memref_slice %arg4[%arg0, %mul3A_21, %dma_wait3A] : memref<2x10000x128xf32, #tpu.memory_space<hbm>> -> memref<1x640x128xf32, #tpu.memory_space<hbm>>
        %dma_wait3A_223 = tpu.memref_squeeze %dma_wait3A_222 : memref<1x640x128xf32, #tpu.memory_space<hbm>> -> memref<640x128xf32, #tpu.memory_space<hbm>>
        %dma_wait3A_224 = arith.constant 0 : i32
        %dma_wait3A_225 = tpu.memref_slice %arg8[%mul3A_21, %dma_wait3A_224] : memref<10240x128xf32, #tpu.memory_space<vmem_shared>> -> memref<640x128xf32, #tpu.memory_space<vmem_shared>>
        tpu.wait_dma2 semaphore(%run_scoped3A : memref<!tpu.dma_semaphore, #tpu.memory_space<semaphore_mem>>) src(%dma_wait3A_225 : memref<640x128xf32, #tpu.memory_space<vmem_shared>>) dst(%dma_wait3A_223 : memref<640x128xf32, #tpu.memory_space<hbm>>)
        tpu.yield
      }) : () -> ()
    } else {
    }
    %eq3A_212 = arith.constant 15 : i32
    %eq3A_213 = arith.cmpi eq, %arg1, %eq3A_212 : i32
    %convert_element_type3A_214 = arith.extui %eq3A_213 : i1 to i32
    %cond3A_215 = arith.constant 0 : i32
    %cond3A_216 = arith.cmpi ne, %convert_element_type3A_214, %cond3A_215 : i32
    scf.if %cond3A_216 {
      "tpu.region"() ({
        %run_scoped3A = tpu.sem_alloc : memref<!tpu.dma_semaphore, #tpu.memory_space<semaphore_mem>>
        %dma_start3A_217 = arith.constant 9600 : i32
        %dma_start3A_218 = arith.constant 0 : i32
        %dma_start3A_219 = tpu.memref_slice %arg4[%arg0, %dma_start3A_217, %dma_start3A_218] : memref<2x10000x128xf32, #tpu.memory_space<hbm>> -> memref<1x400x128xf32, #tpu.memory_space<hbm>>
        %dma_start3A_220 = tpu.memref_squeeze %dma_start3A_219 : memref<1x400x128xf32, #tpu.memory_space<hbm>> -> memref<400x128xf32, #tpu.memory_space<hbm>>
        %dma_start3A_221 = arith.constant 9600 : i32
        %dma_start3A_222 = arith.constant 0 : i32
        %dma_start3A_223 = tpu.memref_slice %arg8[%dma_start3A_221, %dma_start3A_222] : memref<10240x128xf32, #tpu.memory_space<vmem_shared>> -> memref<400x128xf32, #tpu.memory_space<vmem_shared>>
        tpu.enqueue_dma source(%dma_start3A_223 : memref<400x128xf32, #tpu.memory_space<vmem_shared>>) target(%dma_start3A_220 : memref<400x128xf32, #tpu.memory_space<hbm>>) target_semaphore(%run_scoped3A : memref<!tpu.dma_semaphore, #tpu.memory_space<semaphore_mem>>)
        %dma_wait3A = arith.constant 9600 : i32
        %dma_wait3A_224 = arith.constant 0 : i32
        %dma_wait3A_225 = tpu.memref_slice %arg4[%arg0, %dma_wait3A, %dma_wait3A_224] : memref<2x10000x128xf32, #tpu.memory_space<hbm>> -> memref<1x400x128xf32, #tpu.memory_space<hbm>>
        %dma_wait3A_226 = tpu.memref_squeeze %dma_wait3A_225 : memref<1x400x128xf32, #tpu.memory_space<hbm>> -> memref<400x128xf32, #tpu.memory_space<hbm>>
        %dma_wait3A_227 = arith.constant 9600 : i32
        %dma_wait3A_228 = arith.constant 0 : i32
        %dma_wait3A_229 = tpu.memref_slice %arg8[%dma_wait3A_227, %dma_wait3A_228] : memref<10240x128xf32, #tpu.memory_space<vmem_shared>> -> memref<400x128xf32, #tpu.memory_space<vmem_shared>>
        tpu.wait_dma2 semaphore(%run_scoped3A : memref<!tpu.dma_semaphore, #tpu.memory_space<semaphore_mem>>) src(%dma_wait3A_229 : memref<400x128xf32, #tpu.memory_space<vmem_shared>>) dst(%dma_wait3A_226 : memref<400x128xf32, #tpu.memory_space<hbm>>)
        tpu.yield
      }) : () -> ()
    } else {
    }
    return
  }
}

#map = affine_map<(d0, d1) -> (0, 0)>
#map1 = affine_map<(d0, d1) -> (0, 0, 0)>
module attributes {stable_mosaic.version = 14 : i64} {
  func.func @_prop(%arg0: i32, %arg1: i32, %arg2: memref<10000x128xf32, #tpu.memory_space<hbm>>, %arg3: memref<2x2500x128xi32, #tpu.memory_space<hbm>>, %arg4: memref<2x10000x128xf32, #tpu.memory_space<hbm>>, %arg5: memref<2x40x128xi32, #tpu.memory_space<vmem>>, %arg6: memref<128x128xf32, #tpu.memory_space<vmem>>, %arg7: memref<128x128xf32, #tpu.memory_space<vmem>>, %arg8: memref<10240x128xf32, #tpu.memory_space<vmem_shared>>, %arg9: memref<!tpu.dma_semaphore, #tpu.memory_space<semaphore_mem>>, %arg10: memref<!tpu.dma_semaphore, #tpu.memory_space<semaphore_mem>>, %arg11: memref<!tpu.dma_semaphore, #tpu.memory_space<semaphore_mem>>, %arg12: memref<!tpu.dma_semaphore, #tpu.memory_space<semaphore_mem>>) attributes {dimension_semantics = [#tpu.dimension_semantics<core_parallel>, #tpu.dimension_semantics<subcore_parallel>], iteration_bounds = array<i64: 2, 16>, scalar_prefetch = 0 : i64, scratch_operands = 8 : i64, tpu.core_type = #tpu.core_type<sc_vector_subcore>, window_params = [{transform_indices = #map}, {transform_indices = #map1}, {transform_indices = #map1}]} {
    %mul3A = arith.constant 2 : i32
    %mul3A_0 = arith.muli %arg1, %mul3A : i32
    %add3A = arith.addi %mul3A_0, %arg0 : i32
    %mul3A_1 = arith.constant 80 : i32
    %mul3A_2 = arith.muli %mul3A_1, %add3A : i32
    %sub3A = arith.constant 25 : i32
    %sub3A_3 = arith.subi %add3A, %sub3A : i32
    %max3A = arith.constant 0 : i32
    %max3A_4 = arith.maxsi %max3A, %sub3A_3 : i32
    %mul3A_5 = arith.constant 8 : i32
    %mul3A_6 = arith.muli %mul3A_5, %max3A_4 : i32
    %sub3A_7 = arith.subi %mul3A_2, %mul3A_6 : i32
    %lt3A = arith.constant 25 : i32
    %lt3A_8 = arith.cmpi slt, %add3A, %lt3A : i32
    %lt3A_9 = arith.constant 31 : i32
    %lt3A_10 = arith.cmpi slt, %add3A, %lt3A_9 : i32
    %jit3A = arith.constant 72 : i32
    %jit3A_11 = arith.constant 68 : i32
    %select_n3A = arith.select %lt3A_10, %jit3A, %jit3A_11 : i32
    %jit3A_12 = arith.constant 80 : i32
    %select_n3A_13 = arith.select %lt3A_8, %jit3A_12, %select_n3A : i32
    %broadcast_in_dim3A = arith.constant 0.000000e+00 : f32
    %broadcast_in_dim3A_14 = vector.broadcast %broadcast_in_dim3A : f32 to vector<16xf32>
    %scan3A = arith.constant 0 : i32
    %scan3A_15 = arith.constant 0 : i32
    %scan3A_16 = arith.constant 1024 : i32
    %scan3A_17 = arith.addi %scan3A_15, %scan3A_16 : i32
    %scan3A_18 = arith.constant 1 : i32
    scf.for %scan3A_217 = %scan3A_15 to %scan3A_17 step %scan3A_18  : i32 {
      %jit3A_218 = arith.constant 8 : i32
      %div3A_219 = arith.divsi %scan3A_217, %jit3A_218 : i32
      %sign3A_220 = arith.constant 0 : i32
      %sign3A_221 = arith.cmpi sgt, %scan3A_217, %sign3A_220 : i32
      %sign3A_222 = arith.extui %sign3A_221 : i1 to i32
      %sign3A_223 = arith.constant 0 : i32
      %sign3A_224 = arith.cmpi slt, %scan3A_217, %sign3A_223 : i32
      %sign3A_225 = arith.extui %sign3A_224 : i1 to i32
      %sign3A_226 = arith.subi %sign3A_222, %sign3A_225 : i32
      %sign3A_227 = arith.constant 0 : i32
      %sign3A_228 = arith.cmpi sgt, %jit3A_218, %sign3A_227 : i32
      %sign3A_229 = arith.extui %sign3A_228 : i1 to i32
      %sign3A_230 = arith.constant 0 : i32
      %sign3A_231 = arith.cmpi slt, %jit3A_218, %sign3A_230 : i32
      %sign3A_232 = arith.extui %sign3A_231 : i1 to i32
      %sign3A_233 = arith.subi %sign3A_229, %sign3A_232 : i32
      %ne3A_234 = arith.cmpi ne, %sign3A_226, %sign3A_233 : i32
      %rem3A_235 = arith.remsi %scan3A_217, %jit3A_218 : i32
      %ne3A_236 = arith.constant 0 : i32
      %ne3A_237 = arith.cmpi ne, %rem3A_235, %ne3A_236 : i32
      %and3A_238 = arith.andi %ne3A_234, %ne3A_237 : i1
      %sub3A_239 = arith.constant 1 : i32
      %sub3A_240 = arith.subi %div3A_219, %sub3A_239 : i32
      %select_n3A_241 = arith.select %and3A_238, %sub3A_240, %div3A_219 : i32
      %jit3A_242 = arith.constant 8 : i32
      %eq3A_243 = arith.constant 0 : i32
      %eq3A_244 = arith.cmpi eq, %jit3A_242, %eq3A_243 : i32
      %jit3A_245 = arith.constant 1 : i32
      %select_n3A_246 = arith.select %eq3A_244, %jit3A_245, %jit3A_242 : i32
      %rem3A_247 = arith.remsi %scan3A_217, %select_n3A_246 : i32
      %ne3A_248 = arith.constant 0 : i32
      %ne3A_249 = arith.cmpi ne, %rem3A_247, %ne3A_248 : i32
      %lt3A_250 = arith.constant 0 : i32
      %lt3A_251 = arith.cmpi slt, %rem3A_247, %lt3A_250 : i32
      %lt3A_252 = arith.constant 0 : i32
      %lt3A_253 = arith.cmpi slt, %select_n3A_246, %lt3A_252 : i32
      %ne3A_254 = arith.xori %lt3A_251, %lt3A_253 : i1
      %and3A_255 = arith.andi %ne3A_254, %ne3A_249 : i1
      %add3A_256 = arith.addi %rem3A_247, %select_n3A_246 : i32
      %select_n3A_257 = arith.select %and3A_255, %add3A_256, %rem3A_247 : i32
      %mul3A_258 = arith.constant 16 : i32
      %mul3A_259 = arith.muli %select_n3A_257, %mul3A_258 : i32
      %swap3A = arith.index_cast %select_n3A_241 : i32 to index
      %swap3A_260 = arith.index_cast %mul3A_259 : i32 to index
      %swap3A_261 = tpu.vector_load %arg7[%swap3A, %swap3A_260] {strides = array<i32>} : memref<128x128xf32, #tpu.memory_space<vmem>>, vector<1x16xf32>,
      %swap3A_262 = vector.shape_cast %swap3A_261 : vector<1x16xf32> to vector<16xf32>
      %swap3A_263 = vector.shape_cast %broadcast_in_dim3A_14 : vector<16xf32> to vector<1x16xf32>
      tpu.vector_store %arg7[%swap3A, %swap3A_260], %swap3A_263 {strides = array<i32>} : memref<128x128xf32, #tpu.memory_space<vmem>>, vector<1x16xf32>,
    }
    %scan3A_19 = arith.constant 1024 : i32
    %mul3A_20 = arith.constant 640 : i32
    %mul3A_21 = arith.muli %arg1, %mul3A_20 : i32
    %eq3A = arith.constant 40 : i32
    %eq3A_22 = arith.constant 40 : i32
    %eq3A_23 = arith.cmpi eq, %eq3A, %eq3A_22 : i32
    %convert_element_type3A = arith.extui %eq3A_23 : i1 to i32
    %cond3A = arith.constant 0 : i32
    %cond3A_24 = arith.cmpi ne, %convert_element_type3A, %cond3A : i32
    scf.if %cond3A_24 {
      "tpu.region"() ({
        %run_scoped3A = tpu.sem_alloc : memref<!tpu.dma_semaphore, #tpu.memory_space<semaphore_mem>>
        %dma_start3A_217 = arith.constant 0 : i32
        %dma_start3A_218 = arith.constant 0 : i32
        %dma_start3A_219 = tpu.memref_slice %arg3[%dma_start3A_217, %sub3A_7, %dma_start3A_218] : memref<2x2500x128xi32, #tpu.memory_space<hbm>> -> memref<2x40x128xi32, #tpu.memory_space<hbm>>
        %dma_start3A_220 = arith.constant 0 : i32
        %dma_start3A_221 = arith.constant 0 : i32
        %dma_start3A_222 = tpu.memref_slice %arg3[%dma_start3A_220, %sub3A_7, %dma_start3A_221] : memref<2x2500x128xi32, #tpu.memory_space<hbm>> -> memref<2x40x128xi32, #tpu.memory_space<hbm>>
        tpu.enqueue_dma source(%dma_start3A_222 : memref<2x40x128xi32, #tpu.memory_space<hbm>>) target(%arg5 : memref<2x40x128xi32, #tpu.memory_space<vmem>>) target_semaphore(%run_scoped3A : memref<!tpu.dma_semaphore, #tpu.memory_space<semaphore_mem>>)
        %dma_wait3A = arith.constant 0 : i32
        %dma_wait3A_223 = arith.constant 0 : i32
        %dma_wait3A_224 = tpu.memref_slice %arg3[%dma_wait3A, %sub3A_7, %dma_wait3A_223] : memref<2x2500x128xi32, #tpu.memory_space<hbm>> -> memref<2x40x128xi32, #tpu.memory_space<hbm>>
        %dma_wait3A_225 = arith.constant 0 : i32
        %dma_wait3A_226 = arith.constant 0 : i32
        %dma_wait3A_227 = tpu.memref_slice %arg3[%dma_wait3A_225, %sub3A_7, %dma_wait3A_226] : memref<2x2500x128xi32, #tpu.memory_space<hbm>> -> memref<2x40x128xi32, #tpu.memory_space<hbm>>
        tpu.wait_dma2 semaphore(%run_scoped3A : memref<!tpu.dma_semaphore, #tpu.memory_space<semaphore_mem>>) src(%dma_wait3A_227 : memref<2x40x128xi32, #tpu.memory_space<hbm>>) dst(%arg5 : memref<2x40x128xi32, #tpu.memory_space<vmem>>)
        tpu.yield
      }) : () -> ()
    } else {
    }
    %lt3A_25 = arith.constant 40 : i32
    %lt3A_26 = arith.constant 40 : i32
    %lt3A_27 = arith.cmpi slt, %lt3A_25, %lt3A_26 : i32
    %convert_element_type3A_28 = arith.extui %lt3A_27 : i1 to i32
    %cond3A_29 = arith.constant 0 : i32
    %cond3A_30 = arith.cmpi ne, %convert_element_type3A_28, %cond3A_29 : i32
    scf.if %cond3A_30 {
      "tpu.region"() ({
        %run_scoped3A = tpu.sem_alloc : memref<!tpu.dma_semaphore, #tpu.memory_space<semaphore_mem>>
        %dma_start3A_217 = arith.constant 0 : i32
        %dma_start3A_218 = arith.constant 0 : i32
        %dma_start3A_219 = arith.constant 0 : i32
        %dma_start3A_220 = tpu.memref_slice %arg5[%dma_start3A_217, %dma_start3A_218, %dma_start3A_219] : memref<2x40x128xi32, #tpu.memory_space<vmem>> -> memref<2x32x128xi32, #tpu.memory_space<vmem>>
        %dma_start3A_221 = arith.constant 0 : i32
        %dma_start3A_222 = arith.constant 0 : i32
        %dma_start3A_223 = tpu.memref_slice %arg3[%dma_start3A_221, %sub3A_7, %dma_start3A_222] : memref<2x2500x128xi32, #tpu.memory_space<hbm>> -> memref<2x32x128xi32, #tpu.memory_space<hbm>>
        %dma_start3A_224 = arith.constant 0 : i32
        %dma_start3A_225 = arith.constant 0 : i32
        %dma_start3A_226 = arith.constant 0 : i32
        %dma_start3A_227 = tpu.memref_slice %arg5[%dma_start3A_224, %dma_start3A_225, %dma_start3A_226] : memref<2x40x128xi32, #tpu.memory_space<vmem>> -> memref<2x32x128xi32, #tpu.memory_space<vmem>>
        %dma_start3A_228 = arith.constant 0 : i32
        %dma_start3A_229 = arith.constant 0 : i32
        %dma_start3A_230 = tpu.memref_slice %arg3[%dma_start3A_228, %sub3A_7, %dma_start3A_229] : memref<2x2500x128xi32, #tpu.memory_space<hbm>> -> memref<2x32x128xi32, #tpu.memory_space<hbm>>
        tpu.enqueue_dma source(%dma_start3A_230 : memref<2x32x128xi32, #tpu.memory_space<hbm>>) target(%dma_start3A_227 : memref<2x32x128xi32, #tpu.memory_space<vmem>>) target_semaphore(%run_scoped3A : memref<!tpu.dma_semaphore, #tpu.memory_space<semaphore_mem>>)
        %dma_wait3A = arith.constant 0 : i32
        %dma_wait3A_231 = arith.constant 0 : i32
        %dma_wait3A_232 = arith.constant 0 : i32
        %dma_wait3A_233 = tpu.memref_slice %arg5[%dma_wait3A, %dma_wait3A_231, %dma_wait3A_232] : memref<2x40x128xi32, #tpu.memory_space<vmem>> -> memref<2x32x128xi32, #tpu.memory_space<vmem>>
        %dma_wait3A_234 = arith.constant 0 : i32
        %dma_wait3A_235 = arith.constant 0 : i32
        %dma_wait3A_236 = tpu.memref_slice %arg3[%dma_wait3A_234, %sub3A_7, %dma_wait3A_235] : memref<2x2500x128xi32, #tpu.memory_space<hbm>> -> memref<2x32x128xi32, #tpu.memory_space<hbm>>
        %dma_wait3A_237 = arith.constant 0 : i32
        %dma_wait3A_238 = arith.constant 0 : i32
        %dma_wait3A_239 = arith.constant 0 : i32
        %dma_wait3A_240 = tpu.memref_slice %arg5[%dma_wait3A_237, %dma_wait3A_238, %dma_wait3A_239] : memref<2x40x128xi32, #tpu.memory_space<vmem>> -> memref<2x32x128xi32, #tpu.memory_space<vmem>>
        %dma_wait3A_241 = arith.constant 0 : i32
        %dma_wait3A_242 = arith.constant 0 : i32
        %dma_wait3A_243 = tpu.memref_slice %arg3[%dma_wait3A_241, %sub3A_7, %dma_wait3A_242] : memref<2x2500x128xi32, #tpu.memory_space<hbm>> -> memref<2x32x128xi32, #tpu.memory_space<hbm>>
        tpu.wait_dma2 semaphore(%run_scoped3A : memref<!tpu.dma_semaphore, #tpu.memory_space<semaphore_mem>>) src(%dma_wait3A_243 : memref<2x32x128xi32, #tpu.memory_space<hbm>>) dst(%dma_wait3A_240 : memref<2x32x128xi32, #tpu.memory_space<vmem>>)
        tpu.yield
      }) : () -> ()
    } else {
    }
    %dma_start3A = arith.constant 0 : i32
    %dma_start3A_31 = arith.constant 0 : i32
    %dma_start3A_32 = arith.constant 0 : i32
    %dma_start3A_33 = arith.constant 0 : i32
    %dma_start3A_34 = tpu.memref_slice %arg6[%dma_start3A_32, %dma_start3A_33] : memref<128x128xf32, #tpu.memory_space<vmem>> -> memref<64x128xf32, #tpu.memory_space<vmem>>
    %dma_start3A_35 = arith.constant 0 : i32
    %dma_start3A_36 = tpu.memref_slice %arg5[%dma_start3A, %dma_start3A_31, %dma_start3A_35] : memref<2x40x128xi32, #tpu.memory_space<vmem>> -> memref<1x1x64xi32, #tpu.memory_space<vmem>>
    %dma_start3A_37 = tpu.memref_squeeze %dma_start3A_36 : memref<1x1x64xi32, #tpu.memory_space<vmem>> -> memref<64xi32, #tpu.memory_space<vmem>>
    %dma_start3A_38 = arith.constant 0 : i32
    %dma_start3A_39 = arith.constant 0 : i32
    %dma_start3A_40 = tpu.memref_slice %arg2[%dma_start3A_38, %dma_start3A_39] : memref<10000x128xf32, #tpu.memory_space<hbm>> -> memref<10000x128xf32, #tpu.memory_space<hbm>>
    tpu.enqueue_indirect_dma source(%dma_start3A_40 : memref<10000x128xf32, #tpu.memory_space<hbm>>) target(%dma_start3A_34 : memref<64x128xf32, #tpu.memory_space<vmem>>) offsets(%dma_start3A_37 : memref<64xi32, #tpu.memory_space<vmem>>) semaphore(%arg9 : memref<!tpu.dma_semaphore, #tpu.memory_space<semaphore_mem>>)
    %dma_start3A_41 = arith.constant 0 : i32
    %dma_start3A_42 = arith.constant 0 : i32
    %dma_start3A_43 = arith.constant 64 : i32
    %dma_start3A_44 = arith.constant 0 : i32
    %dma_start3A_45 = tpu.memref_slice %arg6[%dma_start3A_43, %dma_start3A_44] : memref<128x128xf32, #tpu.memory_space<vmem>> -> memref<64x128xf32, #tpu.memory_space<vmem>>
    %dma_start3A_46 = arith.constant 64 : i32
    %dma_start3A_47 = tpu.memref_slice %arg5[%dma_start3A_41, %dma_start3A_42, %dma_start3A_46] : memref<2x40x128xi32, #tpu.memory_space<vmem>> -> memref<1x1x64xi32, #tpu.memory_space<vmem>>
    %dma_start3A_48 = tpu.memref_squeeze %dma_start3A_47 : memref<1x1x64xi32, #tpu.memory_space<vmem>> -> memref<64xi32, #tpu.memory_space<vmem>>
    %dma_start3A_49 = arith.constant 0 : i32
    %dma_start3A_50 = arith.constant 0 : i32
    %dma_start3A_51 = tpu.memref_slice %arg2[%dma_start3A_49, %dma_start3A_50] : memref<10000x128xf32, #tpu.memory_space<hbm>> -> memref<10000x128xf32, #tpu.memory_space<hbm>>
    tpu.enqueue_indirect_dma source(%dma_start3A_51 : memref<10000x128xf32, #tpu.memory_space<hbm>>) target(%dma_start3A_45 : memref<64x128xf32, #tpu.memory_space<vmem>>) offsets(%dma_start3A_48 : memref<64xi32, #tpu.memory_space<vmem>>) semaphore(%arg10 : memref<!tpu.dma_semaphore, #tpu.memory_space<semaphore_mem>>)
    %add3A_52 = arith.constant 0 : i32
    %add3A_53 = arith.addi %mul3A_21, %add3A_52 : i32
    "tpu.region"() ({
      %run_scoped3A = tpu.sem_alloc : memref<!tpu.dma_semaphore, #tpu.memory_space<semaphore_mem>>
      %dma_start3A_217 = arith.constant 0 : i32
      %dma_start3A_218 = tpu.memref_slice %arg8[%add3A_53, %dma_start3A_217] : memref<10240x128xf32, #tpu.memory_space<vmem_shared>> -> memref<128x128xf32, #tpu.memory_space<vmem_shared>>
      %dma_start3A_219 = arith.constant 0 : i32
      %dma_start3A_220 = tpu.memref_slice %arg8[%add3A_53, %dma_start3A_219] : memref<10240x128xf32, #tpu.memory_space<vmem_shared>> -> memref<128x128xf32, #tpu.memory_space<vmem_shared>>
      tpu.enqueue_dma source(%arg7 : memref<128x128xf32, #tpu.memory_space<vmem>>) target(%dma_start3A_220 : memref<128x128xf32, #tpu.memory_space<vmem_shared>>) target_semaphore(%run_scoped3A : memref<!tpu.dma_semaphore, #tpu.memory_space<semaphore_mem>>)
      %dma_wait3A = arith.constant 0 : i32
      %dma_wait3A_221 = tpu.memref_slice %arg8[%add3A_53, %dma_wait3A] : memref<10240x128xf32, #tpu.memory_space<vmem_shared>> -> memref<128x128xf32, #tpu.memory_space<vmem_shared>>
      %dma_wait3A_222 = arith.constant 0 : i32
      %dma_wait3A_223 = tpu.memref_slice %arg8[%add3A_53, %dma_wait3A_222] : memref<10240x128xf32, #tpu.memory_space<vmem_shared>> -> memref<128x128xf32, #tpu.memory_space<vmem_shared>>
      tpu.wait_dma2 semaphore(%run_scoped3A : memref<!tpu.dma_semaphore, #tpu.memory_space<semaphore_mem>>) src(%arg7 : memref<128x128xf32, #tpu.memory_space<vmem>>) dst(%dma_wait3A_223 : memref<128x128xf32, #tpu.memory_space<vmem_shared>>)
      tpu.yield
    }) : () -> ()
    %add3A_54 = arith.constant 128 : i32
    %add3A_55 = arith.addi %mul3A_21, %add3A_54 : i32
    "tpu.region"() ({
      %run_scoped3A = tpu.sem_alloc : memref<!tpu.dma_semaphore, #tpu.memory_space<semaphore_mem>>
      %dma_start3A_217 = arith.constant 0 : i32
      %dma_start3A_218 = tpu.memref_slice %arg8[%add3A_55, %dma_start3A_217] : memref<10240x128xf32, #tpu.memory_space<vmem_shared>> -> memref<128x128xf32, #tpu.memory_space<vmem_shared>>
      %dma_start3A_219 = arith.constant 0 : i32
      %dma_start3A_220 = tpu.memref_slice %arg8[%add3A_55, %dma_start3A_219] : memref<10240x128xf32, #tpu.memory_space<vmem_shared>> -> memref<128x128xf32, #tpu.memory_space<vmem_shared>>
      tpu.enqueue_dma source(%arg7 : memref<128x128xf32, #tpu.memory_space<vmem>>) target(%dma_start3A_220 : memref<128x128xf32, #tpu.memory_space<vmem_shared>>) target_semaphore(%run_scoped3A : memref<!tpu.dma_semaphore, #tpu.memory_space<semaphore_mem>>)
      %dma_wait3A = arith.constant 0 : i32
      %dma_wait3A_221 = tpu.memref_slice %arg8[%add3A_55, %dma_wait3A] : memref<10240x128xf32, #tpu.memory_space<vmem_shared>> -> memref<128x128xf32, #tpu.memory_space<vmem_shared>>
      %dma_wait3A_222 = arith.constant 0 : i32
      %dma_wait3A_223 = tpu.memref_slice %arg8[%add3A_55, %dma_wait3A_222] : memref<10240x128xf32, #tpu.memory_space<vmem_shared>> -> memref<128x128xf32, #tpu.memory_space<vmem_shared>>
      tpu.wait_dma2 semaphore(%run_scoped3A : memref<!tpu.dma_semaphore, #tpu.memory_space<semaphore_mem>>) src(%arg7 : memref<128x128xf32, #tpu.memory_space<vmem>>) dst(%dma_wait3A_223 : memref<128x128xf32, #tpu.memory_space<vmem_shared>>)
      tpu.yield
    }) : () -> ()
    %add3A_56 = arith.constant 256 : i32
    %add3A_57 = arith.addi %mul3A_21, %add3A_56 : i32
    "tpu.region"() ({
      %run_scoped3A = tpu.sem_alloc : memref<!tpu.dma_semaphore, #tpu.memory_space<semaphore_mem>>
      %dma_start3A_217 = arith.constant 0 : i32
      %dma_start3A_218 = tpu.memref_slice %arg8[%add3A_57, %dma_start3A_217] : memref<10240x128xf32, #tpu.memory_space<vmem_shared>> -> memref<128x128xf32, #tpu.memory_space<vmem_shared>>
      %dma_start3A_219 = arith.constant 0 : i32
      %dma_start3A_220 = tpu.memref_slice %arg8[%add3A_57, %dma_start3A_219] : memref<10240x128xf32, #tpu.memory_space<vmem_shared>> -> memref<128x128xf32, #tpu.memory_space<vmem_shared>>
      tpu.enqueue_dma source(%arg7 : memref<128x128xf32, #tpu.memory_space<vmem>>) target(%dma_start3A_220 : memref<128x128xf32, #tpu.memory_space<vmem_shared>>) target_semaphore(%run_scoped3A : memref<!tpu.dma_semaphore, #tpu.memory_space<semaphore_mem>>)
      %dma_wait3A = arith.constant 0 : i32
      %dma_wait3A_221 = tpu.memref_slice %arg8[%add3A_57, %dma_wait3A] : memref<10240x128xf32, #tpu.memory_space<vmem_shared>> -> memref<128x128xf32, #tpu.memory_space<vmem_shared>>
      %dma_wait3A_222 = arith.constant 0 : i32
      %dma_wait3A_223 = tpu.memref_slice %arg8[%add3A_57, %dma_wait3A_222] : memref<10240x128xf32, #tpu.memory_space<vmem_shared>> -> memref<128x128xf32, #tpu.memory_space<vmem_shared>>
      tpu.wait_dma2 semaphore(%run_scoped3A : memref<!tpu.dma_semaphore, #tpu.memory_space<semaphore_mem>>) src(%arg7 : memref<128x128xf32, #tpu.memory_space<vmem>>) dst(%dma_wait3A_223 : memref<128x128xf32, #tpu.memory_space<vmem_shared>>)
      tpu.yield
    }) : () -> ()
    %add3A_58 = arith.constant 384 : i32
    %add3A_59 = arith.addi %mul3A_21, %add3A_58 : i32
    "tpu.region"() ({
      %run_scoped3A = tpu.sem_alloc : memref<!tpu.dma_semaphore, #tpu.memory_space<semaphore_mem>>
      %dma_start3A_217 = arith.constant 0 : i32
      %dma_start3A_218 = tpu.memref_slice %arg8[%add3A_59, %dma_start3A_217] : memref<10240x128xf32, #tpu.memory_space<vmem_shared>> -> memref<128x128xf32, #tpu.memory_space<vmem_shared>>
      %dma_start3A_219 = arith.constant 0 : i32
      %dma_start3A_220 = tpu.memref_slice %arg8[%add3A_59, %dma_start3A_219] : memref<10240x128xf32, #tpu.memory_space<vmem_shared>> -> memref<128x128xf32, #tpu.memory_space<vmem_shared>>
      tpu.enqueue_dma source(%arg7 : memref<128x128xf32, #tpu.memory_space<vmem>>) target(%dma_start3A_220 : memref<128x128xf32, #tpu.memory_space<vmem_shared>>) target_semaphore(%run_scoped3A : memref<!tpu.dma_semaphore, #tpu.memory_space<semaphore_mem>>)
      %dma_wait3A = arith.constant 0 : i32
      %dma_wait3A_221 = tpu.memref_slice %arg8[%add3A_59, %dma_wait3A] : memref<10240x128xf32, #tpu.memory_space<vmem_shared>> -> memref<128x128xf32, #tpu.memory_space<vmem_shared>>
      %dma_wait3A_222 = arith.constant 0 : i32
      %dma_wait3A_223 = tpu.memref_slice %arg8[%add3A_59, %dma_wait3A_222] : memref<10240x128xf32, #tpu.memory_space<vmem_shared>> -> memref<128x128xf32, #tpu.memory_space<vmem_shared>>
      tpu.wait_dma2 semaphore(%run_scoped3A : memref<!tpu.dma_semaphore, #tpu.memory_space<semaphore_mem>>) src(%arg7 : memref<128x128xf32, #tpu.memory_space<vmem>>) dst(%dma_wait3A_223 : memref<128x128xf32, #tpu.memory_space<vmem_shared>>)
      tpu.yield
    }) : () -> ()
    %add3A_60 = arith.constant 512 : i32
    %add3A_61 = arith.addi %mul3A_21, %add3A_60 : i32
    "tpu.region"() ({
      %run_scoped3A = tpu.sem_alloc : memref<!tpu.dma_semaphore, #tpu.memory_space<semaphore_mem>>
      %dma_start3A_217 = arith.constant 0 : i32
      %dma_start3A_218 = tpu.memref_slice %arg8[%add3A_61, %dma_start3A_217] : memref<10240x128xf32, #tpu.memory_space<vmem_shared>> -> memref<128x128xf32, #tpu.memory_space<vmem_shared>>
      %dma_start3A_219 = arith.constant 0 : i32
      %dma_start3A_220 = tpu.memref_slice %arg8[%add3A_61, %dma_start3A_219] : memref<10240x128xf32, #tpu.memory_space<vmem_shared>> -> memref<128x128xf32, #tpu.memory_space<vmem_shared>>
      tpu.enqueue_dma source(%arg7 : memref<128x128xf32, #tpu.memory_space<vmem>>) target(%dma_start3A_220 : memref<128x128xf32, #tpu.memory_space<vmem_shared>>) target_semaphore(%run_scoped3A : memref<!tpu.dma_semaphore, #tpu.memory_space<semaphore_mem>>)
      %dma_wait3A = arith.constant 0 : i32
      %dma_wait3A_221 = tpu.memref_slice %arg8[%add3A_61, %dma_wait3A] : memref<10240x128xf32, #tpu.memory_space<vmem_shared>> -> memref<128x128xf32, #tpu.memory_space<vmem_shared>>
      %dma_wait3A_222 = arith.constant 0 : i32
      %dma_wait3A_223 = tpu.memref_slice %arg8[%add3A_61, %dma_wait3A_222] : memref<10240x128xf32, #tpu.memory_space<vmem_shared>> -> memref<128x128xf32, #tpu.memory_space<vmem_shared>>
      tpu.wait_dma2 semaphore(%run_scoped3A : memref<!tpu.dma_semaphore, #tpu.memory_space<semaphore_mem>>) src(%arg7 : memref<128x128xf32, #tpu.memory_space<vmem>>) dst(%dma_wait3A_223 : memref<128x128xf32, #tpu.memory_space<vmem_shared>>)
      tpu.yield
    }) : () -> ()
    %barrier3A = arith.constant 0 : index
    tpu.barrier barrier_id(%barrier3A)
    %dma_start3A_62 = arith.constant 0 : i32
    %dma_start3A_63 = arith.constant 1 : i32
    %dma_start3A_64 = arith.constant 0 : i32
    %dma_start3A_65 = arith.constant 0 : i32
    %dma_start3A_66 = tpu.memref_slice %arg7[%dma_start3A_64, %dma_start3A_65] : memref<128x128xf32, #tpu.memory_space<vmem>> -> memref<64x128xf32, #tpu.memory_space<vmem>>
    %dma_start3A_67 = arith.constant 0 : i32
    %dma_start3A_68 = tpu.memref_slice %arg5[%dma_start3A_62, %dma_start3A_63, %dma_start3A_67] : memref<2x40x128xi32, #tpu.memory_space<vmem>> -> memref<1x1x64xi32, #tpu.memory_space<vmem>>
    %dma_start3A_69 = tpu.memref_squeeze %dma_start3A_68 : memref<1x1x64xi32, #tpu.memory_space<vmem>> -> memref<64xi32, #tpu.memory_space<vmem>>
    %dma_start3A_70 = arith.constant 0 : i32
    %dma_start3A_71 = arith.constant 0 : i32
    %dma_start3A_72 = tpu.memref_slice %arg2[%dma_start3A_70, %dma_start3A_71] : memref<10000x128xf32, #tpu.memory_space<hbm>> -> memref<10000x128xf32, #tpu.memory_space<hbm>>
    tpu.enqueue_indirect_dma source(%dma_start3A_72 : memref<10000x128xf32, #tpu.memory_space<hbm>>) target(%dma_start3A_66 : memref<64x128xf32, #tpu.memory_space<vmem>>) offsets(%dma_start3A_69 : memref<64xi32, #tpu.memory_space<vmem>>) semaphore(%arg11 : memref<!tpu.dma_semaphore, #tpu.memory_space<semaphore_mem>>)
    %dma_start3A_73 = arith.constant 0 : i32
    %dma_start3A_74 = arith.constant 1 : i32
    %dma_start3A_75 = arith.constant 64 : i32
    %dma_start3A_76 = arith.constant 0 : i32
    %dma_start3A_77 = tpu.memref_slice %arg7[%dma_start3A_75, %dma_start3A_76] : memref<128x128xf32, #tpu.memory_space<vmem>> -> memref<64x128xf32, #tpu.memory_space<vmem>>
    %dma_start3A_78 = arith.constant 64 : i32
    %dma_start3A_79 = tpu.memref_slice %arg5[%dma_start3A_73, %dma_start3A_74, %dma_start3A_78] : memref<2x40x128xi32, #tpu.memory_space<vmem>> -> memref<1x1x64xi32, #tpu.memory_space<vmem>>
    %dma_start3A_80 = tpu.memref_squeeze %dma_start3A_79 : memref<1x1x64xi32, #tpu.memory_space<vmem>> -> memref<64xi32, #tpu.memory_space<vmem>>
    %dma_start3A_81 = arith.constant 0 : i32
    %dma_start3A_82 = arith.constant 0 : i32
    %dma_start3A_83 = tpu.memref_slice %arg2[%dma_start3A_81, %dma_start3A_82] : memref<10000x128xf32, #tpu.memory_space<hbm>> -> memref<10000x128xf32, #tpu.memory_space<hbm>>
    tpu.enqueue_indirect_dma source(%dma_start3A_83 : memref<10000x128xf32, #tpu.memory_space<hbm>>) target(%dma_start3A_77 : memref<64x128xf32, #tpu.memory_space<vmem>>) offsets(%dma_start3A_80 : memref<64xi32, #tpu.memory_space<vmem>>) semaphore(%arg12 : memref<!tpu.dma_semaphore, #tpu.memory_space<semaphore_mem>>)
    %jit3A_84 = arith.constant 40 : i32
    %jit3A_85 = arith.constant 2 : i32
    %div3A = arith.divsi %jit3A_84, %jit3A_85 : i32
    %sign3A = arith.constant 0 : i32
    %sign3A_86 = arith.cmpi sgt, %jit3A_84, %sign3A : i32
    %sign3A_87 = arith.extui %sign3A_86 : i1 to i32
    %sign3A_88 = arith.constant 0 : i32
    %sign3A_89 = arith.cmpi slt, %jit3A_84, %sign3A_88 : i32
    %sign3A_90 = arith.extui %sign3A_89 : i1 to i32
    %sign3A_91 = arith.subi %sign3A_87, %sign3A_90 : i32
    %sign3A_92 = arith.constant 0 : i32
    %sign3A_93 = arith.cmpi sgt, %jit3A_85, %sign3A_92 : i32
    %sign3A_94 = arith.extui %sign3A_93 : i1 to i32
    %sign3A_95 = arith.constant 0 : i32
    %sign3A_96 = arith.cmpi slt, %jit3A_85, %sign3A_95 : i32
    %sign3A_97 = arith.extui %sign3A_96 : i1 to i32
    %sign3A_98 = arith.subi %sign3A_94, %sign3A_97 : i32
    %ne3A = arith.cmpi ne, %sign3A_91, %sign3A_98 : i32
    %rem3A = arith.remsi %jit3A_84, %jit3A_85 : i32
    %ne3A_99 = arith.constant 0 : i32
    %ne3A_100 = arith.cmpi ne, %rem3A, %ne3A_99 : i32
    %and3A = arith.andi %ne3A, %ne3A_100 : i1
    %sub3A_101 = arith.constant 1 : i32
    %sub3A_102 = arith.subi %div3A, %sub3A_101 : i32
    %select_n3A_103 = arith.select %and3A, %sub3A_102, %div3A : i32
    %while3A = arith.constant 0 : i32
    %while3A_104 = arith.constant 40 : i32
    %while3A_105 = arith.constant 0 : i32
    %while3A_106 = arith.subi %select_n3A_103, %while3A_105 : i32
    %while3A_107 = arith.addi %while3A_105, %while3A_106 : i32
    %while3A_108 = arith.constant 1 : i32
    %while3A_109 = arith.divsi %while3A_106, %while3A_108 : i32
    %while3A_110 = arith.muli %while3A_109, %while3A_108 : i32
    %while3A_111 = arith.addi %while3A_105, %while3A_110 : i32
    %while3A_112 = arith.constant 1 : i32
    scf.for %while3A_217 = %while3A_105 to %while3A_111 step %while3A_112  : i32 {
      %mul3A_218 = arith.constant 2 : i32
      %mul3A_219 = arith.muli %mul3A_218, %while3A_217 : i32
      %dma_wait3A = arith.constant 0 : i32
      %dma_wait3A_220 = arith.constant 0 : i32
      %dma_wait3A_221 = arith.constant 0 : i32
      %dma_wait3A_222 = arith.constant 0 : i32
      %dma_wait3A_223 = tpu.memref_slice %arg6[%dma_wait3A_221, %dma_wait3A_222] : memref<128x128xf32, #tpu.memory_space<vmem>> -> memref<64x128xf32, #tpu.memory_space<vmem>>
      %dma_wait3A_224 = arith.constant 0 : i32
      %dma_wait3A_225 = tpu.memref_slice %arg5[%dma_wait3A, %dma_wait3A_220, %dma_wait3A_224] : memref<2x40x128xi32, #tpu.memory_space<vmem>> -> memref<1x1x64xi32, #tpu.memory_space<vmem>>
      %dma_wait3A_226 = tpu.memref_squeeze %dma_wait3A_225 : memref<1x1x64xi32, #tpu.memory_space<vmem>> -> memref<64xi32, #tpu.memory_space<vmem>>
      %dma_wait3A_227 = arith.constant 0 : i32
      %dma_wait3A_228 = arith.constant 0 : i32
      %dma_wait3A_229 = tpu.memref_slice %arg2[%dma_wait3A_227, %dma_wait3A_228] : memref<10000x128xf32, #tpu.memory_space<hbm>> -> memref<10000x128xf32, #tpu.memory_space<hbm>>
      tpu.wait_indirect_dma semaphore(%arg9 : memref<!tpu.dma_semaphore, #tpu.memory_space<semaphore_mem>>) src(%dma_wait3A_229 : memref<10000x128xf32, #tpu.memory_space<hbm>>) dst(%dma_wait3A_223 : memref<64x128xf32, #tpu.memory_space<vmem>>)
      %dma_wait3A_230 = arith.constant 0 : i32
      %dma_wait3A_231 = arith.constant 0 : i32
      %dma_wait3A_232 = arith.constant 64 : i32
      %dma_wait3A_233 = arith.constant 0 : i32
      %dma_wait3A_234 = tpu.memref_slice %arg6[%dma_wait3A_232, %dma_wait3A_233] : memref<128x128xf32, #tpu.memory_space<vmem>> -> memref<64x128xf32, #tpu.memory_space<vmem>>
      %dma_wait3A_235 = arith.constant 0 : i32
      %dma_wait3A_236 = tpu.memref_slice %arg5[%dma_wait3A_230, %dma_wait3A_231, %dma_wait3A_235] : memref<2x40x128xi32, #tpu.memory_space<vmem>> -> memref<1x1x64xi32, #tpu.memory_space<vmem>>
      %dma_wait3A_237 = tpu.memref_squeeze %dma_wait3A_236 : memref<1x1x64xi32, #tpu.memory_space<vmem>> -> memref<64xi32, #tpu.memory_space<vmem>>
      %dma_wait3A_238 = arith.constant 0 : i32
      %dma_wait3A_239 = arith.constant 0 : i32
      %dma_wait3A_240 = tpu.memref_slice %arg2[%dma_wait3A_238, %dma_wait3A_239] : memref<10000x128xf32, #tpu.memory_space<hbm>> -> memref<10000x128xf32, #tpu.memory_space<hbm>>
      tpu.wait_indirect_dma semaphore(%arg10 : memref<!tpu.dma_semaphore, #tpu.memory_space<semaphore_mem>>) src(%dma_wait3A_240 : memref<10000x128xf32, #tpu.memory_space<hbm>>) dst(%dma_wait3A_234 : memref<64x128xf32, #tpu.memory_space<vmem>>)
      %run_scoped3A = arith.constant 1 : i32
      "tpu.region"() ({
        %run_scoped3A_278 = tpu.sem_alloc : memref<!tpu.dma_semaphore, #tpu.memory_space<semaphore_mem>>
        %dma_start3A_279 = arith.constant 0 : i32
        %dma_start3A_280 = tpu.memref_slice %arg5[%run_scoped3A, %mul3A_219, %dma_start3A_279] : memref<2x40x128xi32, #tpu.memory_space<vmem>> -> memref<1x1x128xi32, #tpu.memory_space<vmem>>
        %dma_start3A_281 = tpu.memref_squeeze %dma_start3A_280 : memref<1x1x128xi32, #tpu.memory_space<vmem>> -> memref<128xi32, #tpu.memory_space<vmem>>
        %dma_start3A_282 = arith.constant 0 : i32
        %dma_start3A_283 = arith.constant 0 : i32
        %dma_start3A_284 = tpu.memref_slice %arg8[%dma_start3A_282, %dma_start3A_283] : memref<10240x128xf32, #tpu.memory_space<vmem_shared>> -> memref<10240x128xf32, #tpu.memory_space<vmem_shared>>
        tpu.enqueue_indirect_dma source(%arg6 : memref<128x128xf32, #tpu.memory_space<vmem>>) target(%dma_start3A_284 : memref<10240x128xf32, #tpu.memory_space<vmem_shared>>) offsets(%dma_start3A_281 : memref<128xi32, #tpu.memory_space<vmem>>) semaphore(%run_scoped3A_278 : memref<!tpu.dma_semaphore, #tpu.memory_space<semaphore_mem>>) {add = true}
        %dma_wait3A_285 = arith.constant 0 : i32
        %dma_wait3A_286 = tpu.memref_slice %arg5[%run_scoped3A, %mul3A_219, %dma_wait3A_285] : memref<2x40x128xi32, #tpu.memory_space<vmem>> -> memref<1x1x128xi32, #tpu.memory_space<vmem>>
        %dma_wait3A_287 = tpu.memref_squeeze %dma_wait3A_286 : memref<1x1x128xi32, #tpu.memory_space<vmem>> -> memref<128xi32, #tpu.memory_space<vmem>>
        %dma_wait3A_288 = arith.constant 0 : i32
        %dma_wait3A_289 = arith.constant 0 : i32
        %dma_wait3A_290 = tpu.memref_slice %arg8[%dma_wait3A_288, %dma_wait3A_289] : memref<10240x128xf32, #tpu.memory_space<vmem_shared>> -> memref<10240x128xf32, #tpu.memory_space<vmem_shared>>
        tpu.wait_indirect_dma semaphore(%run_scoped3A_278 : memref<!tpu.dma_semaphore, #tpu.memory_space<semaphore_mem>>) src(%arg6 : memref<128x128xf32, #tpu.memory_space<vmem>>) dst(%dma_wait3A_290 : memref<10240x128xf32, #tpu.memory_space<vmem_shared>>)
        tpu.yield
      }) : () -> ()
      %add3A_241 = arith.constant 2 : i32
      %add3A_242 = arith.addi %mul3A_219, %add3A_241 : i32
      %lt3A_243 = arith.cmpi slt, %add3A_242, %while3A_104 : i32
      %convert_element_type3A_244 = arith.extui %lt3A_243 : i1 to i32
      %cond3A_245 = arith.constant 0 : i32
      %cond3A_246 = arith.cmpi ne, %convert_element_type3A_244, %cond3A_245 : i32
      scf.if %cond3A_246 {
        %add3A_278 = arith.constant 2 : i32
        %add3A_279 = arith.addi %mul3A_219, %add3A_278 : i32
        %dma_start3A_280 = arith.constant 0 : i32
        %dma_start3A_281 = arith.constant 0 : i32
        %dma_start3A_282 = arith.constant 0 : i32
        %dma_start3A_283 = tpu.memref_slice %arg6[%dma_start3A_281, %dma_start3A_282] : memref<128x128xf32, #tpu.memory_space<vmem>> -> memref<64x128xf32, #tpu.memory_space<vmem>>
        %dma_start3A_284 = arith.constant 0 : i32
        %dma_start3A_285 = tpu.memref_slice %arg5[%dma_start3A_280, %add3A_279, %dma_start3A_284] : memref<2x40x128xi32, #tpu.memory_space<vmem>> -> memref<1x1x64xi32, #tpu.memory_space<vmem>>
        %dma_start3A_286 = tpu.memref_squeeze %dma_start3A_285 : memref<1x1x64xi32, #tpu.memory_space<vmem>> -> memref<64xi32, #tpu.memory_space<vmem>>
        %dma_start3A_287 = arith.constant 0 : i32
        %dma_start3A_288 = arith.constant 0 : i32
        %dma_start3A_289 = tpu.memref_slice %arg2[%dma_start3A_287, %dma_start3A_288] : memref<10000x128xf32, #tpu.memory_space<hbm>> -> memref<10000x128xf32, #tpu.memory_space<hbm>>
        tpu.enqueue_indirect_dma source(%dma_start3A_289 : memref<10000x128xf32, #tpu.memory_space<hbm>>) target(%dma_start3A_283 : memref<64x128xf32, #tpu.memory_space<vmem>>) offsets(%dma_start3A_286 : memref<64xi32, #tpu.memory_space<vmem>>) semaphore(%arg9 : memref<!tpu.dma_semaphore, #tpu.memory_space<semaphore_mem>>)
        %dma_start3A_290 = arith.constant 0 : i32
        %dma_start3A_291 = arith.constant 64 : i32
        %dma_start3A_292 = arith.constant 0 : i32
        %dma_start3A_293 = tpu.memref_slice %arg6[%dma_start3A_291, %dma_start3A_292] : memref<128x128xf32, #tpu.memory_space<vmem>> -> memref<64x128xf32, #tpu.memory_space<vmem>>
        %dma_start3A_294 = arith.constant 64 : i32
        %dma_start3A_295 = tpu.memref_slice %arg5[%dma_start3A_290, %add3A_279, %dma_start3A_294] : memref<2x40x128xi32, #tpu.memory_space<vmem>> -> memref<1x1x64xi32, #tpu.memory_space<vmem>>
        %dma_start3A_296 = tpu.memref_squeeze %dma_start3A_295 : memref<1x1x64xi32, #tpu.memory_space<vmem>> -> memref<64xi32, #tpu.memory_space<vmem>>
        %dma_start3A_297 = arith.constant 0 : i32
        %dma_start3A_298 = arith.constant 0 : i32
        %dma_start3A_299 = tpu.memref_slice %arg2[%dma_start3A_297, %dma_start3A_298] : memref<10000x128xf32, #tpu.memory_space<hbm>> -> memref<10000x128xf32, #tpu.memory_space<hbm>>
        tpu.enqueue_indirect_dma source(%dma_start3A_299 : memref<10000x128xf32, #tpu.memory_space<hbm>>) target(%dma_start3A_293 : memref<64x128xf32, #tpu.memory_space<vmem>>) offsets(%dma_start3A_296 : memref<64xi32, #tpu.memory_space<vmem>>) semaphore(%arg10 : memref<!tpu.dma_semaphore, #tpu.memory_space<semaphore_mem>>)
      } else {
      }
      %dma_wait3A_247 = arith.constant 0 : i32
      %dma_wait3A_248 = arith.constant 0 : i32
      %dma_wait3A_249 = arith.constant 0 : i32
      %dma_wait3A_250 = arith.constant 0 : i32
      %dma_wait3A_251 = tpu.memref_slice %arg7[%dma_wait3A_249, %dma_wait3A_250] : memref<128x128xf32, #tpu.memory_space<vmem>> -> memref<64x128xf32, #tpu.memory_space<vmem>>
      %dma_wait3A_252 = arith.constant 0 : i32
      %dma_wait3A_253 = tpu.memref_slice %arg5[%dma_wait3A_247, %dma_wait3A_248, %dma_wait3A_252] : memref<2x40x128xi32, #tpu.memory_space<vmem>> -> memref<1x1x64xi32, #tpu.memory_space<vmem>>
      %dma_wait3A_254 = tpu.memref_squeeze %dma_wait3A_253 : memref<1x1x64xi32, #tpu.memory_space<vmem>> -> memref<64xi32, #tpu.memory_space<vmem>>
      %dma_wait3A_255 = arith.constant 0 : i32
      %dma_wait3A_256 = arith.constant 0 : i32
      %dma_wait3A_257 = tpu.memref_slice %arg2[%dma_wait3A_255, %dma_wait3A_256] : memref<10000x128xf32, #tpu.memory_space<hbm>> -> memref<10000x128xf32, #tpu.memory_space<hbm>>
      tpu.wait_indirect_dma semaphore(%arg11 : memref<!tpu.dma_semaphore, #tpu.memory_space<semaphore_mem>>) src(%dma_wait3A_257 : memref<10000x128xf32, #tpu.memory_space<hbm>>) dst(%dma_wait3A_251 : memref<64x128xf32, #tpu.memory_space<vmem>>)
      %dma_wait3A_258 = arith.constant 0 : i32
      %dma_wait3A_259 = arith.constant 0 : i32
      %dma_wait3A_260 = arith.constant 64 : i32
      %dma_wait3A_261 = arith.constant 0 : i32
      %dma_wait3A_262 = tpu.memref_slice %arg7[%dma_wait3A_260, %dma_wait3A_261] : memref<128x128xf32, #tpu.memory_space<vmem>> -> memref<64x128xf32, #tpu.memory_space<vmem>>
      %dma_wait3A_263 = arith.constant 0 : i32
      %dma_wait3A_264 = tpu.memref_slice %arg5[%dma_wait3A_258, %dma_wait3A_259, %dma_wait3A_263] : memref<2x40x128xi32, #tpu.memory_space<vmem>> -> memref<1x1x64xi32, #tpu.memory_space<vmem>>
      %dma_wait3A_265 = tpu.memref_squeeze %dma_wait3A_264 : memref<1x1x64xi32, #tpu.memory_space<vmem>> -> memref<64xi32, #tpu.memory_space<vmem>>
      %dma_wait3A_266 = arith.constant 0 : i32
      %dma_wait3A_267 = arith.constant 0 : i32
      %dma_wait3A_268 = tpu.memref_slice %arg2[%dma_wait3A_266, %dma_wait3A_267] : memref<10000x128xf32, #tpu.memory_space<hbm>> -> memref<10000x128xf32, #tpu.memory_space<hbm>>
      tpu.wait_indirect_dma semaphore(%arg12 : memref<!tpu.dma_semaphore, #tpu.memory_space<semaphore_mem>>) src(%dma_wait3A_268 : memref<10000x128xf32, #tpu.memory_space<hbm>>) dst(%dma_wait3A_262 : memref<64x128xf32, #tpu.memory_space<vmem>>)
      %add3A_269 = arith.constant 1 : i32
      %add3A_270 = arith.addi %mul3A_219, %add3A_269 : i32
      %run_scoped3A_271 = arith.constant 1 : i32
      "tpu.region"() ({
        %run_scoped3A_278 = tpu.sem_alloc : memref<!tpu.dma_semaphore, #tpu.memory_space<semaphore_mem>>
        %dma_start3A_279 = arith.constant 0 : i32
        %dma_start3A_280 = tpu.memref_slice %arg5[%run_scoped3A_271, %add3A_270, %dma_start3A_279] : memref<2x40x128xi32, #tpu.memory_space<vmem>> -> memref<1x1x128xi32, #tpu.memory_space<vmem>>
        %dma_start3A_281 = tpu.memref_squeeze %dma_start3A_280 : memref<1x1x128xi32, #tpu.memory_space<vmem>> -> memref<128xi32, #tpu.memory_space<vmem>>
        %dma_start3A_282 = arith.constant 0 : i32
        %dma_start3A_283 = arith.constant 0 : i32
        %dma_start3A_284 = tpu.memref_slice %arg8[%dma_start3A_282, %dma_start3A_283] : memref<10240x128xf32, #tpu.memory_space<vmem_shared>> -> memref<10240x128xf32, #tpu.memory_space<vmem_shared>>
        tpu.enqueue_indirect_dma source(%arg7 : memref<128x128xf32, #tpu.memory_space<vmem>>) target(%dma_start3A_284 : memref<10240x128xf32, #tpu.memory_space<vmem_shared>>) offsets(%dma_start3A_281 : memref<128xi32, #tpu.memory_space<vmem>>) semaphore(%run_scoped3A_278 : memref<!tpu.dma_semaphore, #tpu.memory_space<semaphore_mem>>) {add = true}
        %dma_wait3A_285 = arith.constant 0 : i32
        %dma_wait3A_286 = tpu.memref_slice %arg5[%run_scoped3A_271, %add3A_270, %dma_wait3A_285] : memref<2x40x128xi32, #tpu.memory_space<vmem>> -> memref<1x1x128xi32, #tpu.memory_space<vmem>>
        %dma_wait3A_287 = tpu.memref_squeeze %dma_wait3A_286 : memref<1x1x128xi32, #tpu.memory_space<vmem>> -> memref<128xi32, #tpu.memory_space<vmem>>
        %dma_wait3A_288 = arith.constant 0 : i32
        %dma_wait3A_289 = arith.constant 0 : i32
        %dma_wait3A_290 = tpu.memref_slice %arg8[%dma_wait3A_288, %dma_wait3A_289] : memref<10240x128xf32, #tpu.memory_space<vmem_shared>> -> memref<10240x128xf32, #tpu.memory_space<vmem_shared>>
        tpu.wait_indirect_dma semaphore(%run_scoped3A_278 : memref<!tpu.dma_semaphore, #tpu.memory_space<semaphore_mem>>) src(%arg7 : memref<128x128xf32, #tpu.memory_space<vmem>>) dst(%dma_wait3A_290 : memref<10240x128xf32, #tpu.memory_space<vmem_shared>>)
        tpu.yield
      }) : () -> ()
      %add3A_272 = arith.constant 3 : i32
      %add3A_273 = arith.addi %mul3A_219, %add3A_272 : i32
      %lt3A_274 = arith.cmpi slt, %add3A_273, %while3A_104 : i32
      %convert_element_type3A_275 = arith.extui %lt3A_274 : i1 to i32
      %cond3A_276 = arith.constant 0 : i32
      %cond3A_277 = arith.cmpi ne, %convert_element_type3A_275, %cond3A_276 : i32
      scf.if %cond3A_277 {
        %add3A_278 = arith.constant 3 : i32
        %add3A_279 = arith.addi %mul3A_219, %add3A_278 : i32
        %dma_start3A_280 = arith.constant 0 : i32
        %dma_start3A_281 = arith.constant 0 : i32
        %dma_start3A_282 = arith.constant 0 : i32
        %dma_start3A_283 = tpu.memref_slice %arg7[%dma_start3A_281, %dma_start3A_282] : memref<128x128xf32, #tpu.memory_space<vmem>> -> memref<64x128xf32, #tpu.memory_space<vmem>>
        %dma_start3A_284 = arith.constant 0 : i32
        %dma_start3A_285 = tpu.memref_slice %arg5[%dma_start3A_280, %add3A_279, %dma_start3A_284] : memref<2x40x128xi32, #tpu.memory_space<vmem>> -> memref<1x1x64xi32, #tpu.memory_space<vmem>>
        %dma_start3A_286 = tpu.memref_squeeze %dma_start3A_285 : memref<1x1x64xi32, #tpu.memory_space<vmem>> -> memref<64xi32, #tpu.memory_space<vmem>>
        %dma_start3A_287 = arith.constant 0 : i32
        %dma_start3A_288 = arith.constant 0 : i32
        %dma_start3A_289 = tpu.memref_slice %arg2[%dma_start3A_287, %dma_start3A_288] : memref<10000x128xf32, #tpu.memory_space<hbm>> -> memref<10000x128xf32, #tpu.memory_space<hbm>>
        tpu.enqueue_indirect_dma source(%dma_start3A_289 : memref<10000x128xf32, #tpu.memory_space<hbm>>) target(%dma_start3A_283 : memref<64x128xf32, #tpu.memory_space<vmem>>) offsets(%dma_start3A_286 : memref<64xi32, #tpu.memory_space<vmem>>) semaphore(%arg11 : memref<!tpu.dma_semaphore, #tpu.memory_space<semaphore_mem>>)
        %dma_start3A_290 = arith.constant 0 : i32
        %dma_start3A_291 = arith.constant 64 : i32
        %dma_start3A_292 = arith.constant 0 : i32
        %dma_start3A_293 = tpu.memref_slice %arg7[%dma_start3A_291, %dma_start3A_292] : memref<128x128xf32, #tpu.memory_space<vmem>> -> memref<64x128xf32, #tpu.memory_space<vmem>>
        %dma_start3A_294 = arith.constant 64 : i32
        %dma_start3A_295 = tpu.memref_slice %arg5[%dma_start3A_290, %add3A_279, %dma_start3A_294] : memref<2x40x128xi32, #tpu.memory_space<vmem>> -> memref<1x1x64xi32, #tpu.memory_space<vmem>>
        %dma_start3A_296 = tpu.memref_squeeze %dma_start3A_295 : memref<1x1x64xi32, #tpu.memory_space<vmem>> -> memref<64xi32, #tpu.memory_space<vmem>>
        %dma_start3A_297 = arith.constant 0 : i32
        %dma_start3A_298 = arith.constant 0 : i32
        %dma_start3A_299 = tpu.memref_slice %arg2[%dma_start3A_297, %dma_start3A_298] : memref<10000x128xf32, #tpu.memory_space<hbm>> -> memref<10000x128xf32, #tpu.memory_space<hbm>>
        tpu.enqueue_indirect_dma source(%dma_start3A_299 : memref<10000x128xf32, #tpu.memory_space<hbm>>) target(%dma_start3A_293 : memref<64x128xf32, #tpu.memory_space<vmem>>) offsets(%dma_start3A_296 : memref<64xi32, #tpu.memory_space<vmem>>) semaphore(%arg12 : memref<!tpu.dma_semaphore, #tpu.memory_space<semaphore_mem>>)
      } else {
      }
    }
    %while3A_113 = arith.constant 1 : i32
    scf.for %while3A_217 = %while3A_111 to %while3A_107 step %while3A_113  : i32 {
      %mul3A_218 = arith.constant 2 : i32
      %mul3A_219 = arith.muli %mul3A_218, %while3A_217 : i32
      %dma_wait3A = arith.constant 0 : i32
      %dma_wait3A_220 = arith.constant 0 : i32
      %dma_wait3A_221 = arith.constant 0 : i32
      %dma_wait3A_222 = arith.constant 0 : i32
      %dma_wait3A_223 = tpu.memref_slice %arg6[%dma_wait3A_221, %dma_wait3A_222] : memref<128x128xf32, #tpu.memory_space<vmem>> -> memref<64x128xf32, #tpu.memory_space<vmem>>
      %dma_wait3A_224 = arith.constant 0 : i32
      %dma_wait3A_225 = tpu.memref_slice %arg5[%dma_wait3A, %dma_wait3A_220, %dma_wait3A_224] : memref<2x40x128xi32, #tpu.memory_space<vmem>> -> memref<1x1x64xi32, #tpu.memory_space<vmem>>
      %dma_wait3A_226 = tpu.memref_squeeze %dma_wait3A_225 : memref<1x1x64xi32, #tpu.memory_space<vmem>> -> memref<64xi32, #tpu.memory_space<vmem>>
      %dma_wait3A_227 = arith.constant 0 : i32
      %dma_wait3A_228 = arith.constant 0 : i32
      %dma_wait3A_229 = tpu.memref_slice %arg2[%dma_wait3A_227, %dma_wait3A_228] : memref<10000x128xf32, #tpu.memory_space<hbm>> -> memref<10000x128xf32, #tpu.memory_space<hbm>>
      tpu.wait_indirect_dma semaphore(%arg9 : memref<!tpu.dma_semaphore, #tpu.memory_space<semaphore_mem>>) src(%dma_wait3A_229 : memref<10000x128xf32, #tpu.memory_space<hbm>>) dst(%dma_wait3A_223 : memref<64x128xf32, #tpu.memory_space<vmem>>)
      %dma_wait3A_230 = arith.constant 0 : i32
      %dma_wait3A_231 = arith.constant 0 : i32
      %dma_wait3A_232 = arith.constant 64 : i32
      %dma_wait3A_233 = arith.constant 0 : i32
      %dma_wait3A_234 = tpu.memref_slice %arg6[%dma_wait3A_232, %dma_wait3A_233] : memref<128x128xf32, #tpu.memory_space<vmem>> -> memref<64x128xf32, #tpu.memory_space<vmem>>
      %dma_wait3A_235 = arith.constant 0 : i32
      %dma_wait3A_236 = tpu.memref_slice %arg5[%dma_wait3A_230, %dma_wait3A_231, %dma_wait3A_235] : memref<2x40x128xi32, #tpu.memory_space<vmem>> -> memref<1x1x64xi32, #tpu.memory_space<vmem>>
      %dma_wait3A_237 = tpu.memref_squeeze %dma_wait3A_236 : memref<1x1x64xi32, #tpu.memory_space<vmem>> -> memref<64xi32, #tpu.memory_space<vmem>>
      %dma_wait3A_238 = arith.constant 0 : i32
      %dma_wait3A_239 = arith.constant 0 : i32
      %dma_wait3A_240 = tpu.memref_slice %arg2[%dma_wait3A_238, %dma_wait3A_239] : memref<10000x128xf32, #tpu.memory_space<hbm>> -> memref<10000x128xf32, #tpu.memory_space<hbm>>
      tpu.wait_indirect_dma semaphore(%arg10 : memref<!tpu.dma_semaphore, #tpu.memory_space<semaphore_mem>>) src(%dma_wait3A_240 : memref<10000x128xf32, #tpu.memory_space<hbm>>) dst(%dma_wait3A_234 : memref<64x128xf32, #tpu.memory_space<vmem>>)
      %run_scoped3A = arith.constant 1 : i32
      "tpu.region"() ({
        %run_scoped3A_278 = tpu.sem_alloc : memref<!tpu.dma_semaphore, #tpu.memory_space<semaphore_mem>>
        %dma_start3A_279 = arith.constant 0 : i32
        %dma_start3A_280 = tpu.memref_slice %arg5[%run_scoped3A, %mul3A_219, %dma_start3A_279] : memref<2x40x128xi32, #tpu.memory_space<vmem>> -> memref<1x1x128xi32, #tpu.memory_space<vmem>>
        %dma_start3A_281 = tpu.memref_squeeze %dma_start3A_280 : memref<1x1x128xi32, #tpu.memory_space<vmem>> -> memref<128xi32, #tpu.memory_space<vmem>>
        %dma_start3A_282 = arith.constant 0 : i32
        %dma_start3A_283 = arith.constant 0 : i32
        %dma_start3A_284 = tpu.memref_slice %arg8[%dma_start3A_282, %dma_start3A_283] : memref<10240x128xf32, #tpu.memory_space<vmem_shared>> -> memref<10240x128xf32, #tpu.memory_space<vmem_shared>>
        tpu.enqueue_indirect_dma source(%arg6 : memref<128x128xf32, #tpu.memory_space<vmem>>) target(%dma_start3A_284 : memref<10240x128xf32, #tpu.memory_space<vmem_shared>>) offsets(%dma_start3A_281 : memref<128xi32, #tpu.memory_space<vmem>>) semaphore(%run_scoped3A_278 : memref<!tpu.dma_semaphore, #tpu.memory_space<semaphore_mem>>) {add = true}
        %dma_wait3A_285 = arith.constant 0 : i32
        %dma_wait3A_286 = tpu.memref_slice %arg5[%run_scoped3A, %mul3A_219, %dma_wait3A_285] : memref<2x40x128xi32, #tpu.memory_space<vmem>> -> memref<1x1x128xi32, #tpu.memory_space<vmem>>
        %dma_wait3A_287 = tpu.memref_squeeze %dma_wait3A_286 : memref<1x1x128xi32, #tpu.memory_space<vmem>> -> memref<128xi32, #tpu.memory_space<vmem>>
        %dma_wait3A_288 = arith.constant 0 : i32
        %dma_wait3A_289 = arith.constant 0 : i32
        %dma_wait3A_290 = tpu.memref_slice %arg8[%dma_wait3A_288, %dma_wait3A_289] : memref<10240x128xf32, #tpu.memory_space<vmem_shared>> -> memref<10240x128xf32, #tpu.memory_space<vmem_shared>>
        tpu.wait_indirect_dma semaphore(%run_scoped3A_278 : memref<!tpu.dma_semaphore, #tpu.memory_space<semaphore_mem>>) src(%arg6 : memref<128x128xf32, #tpu.memory_space<vmem>>) dst(%dma_wait3A_290 : memref<10240x128xf32, #tpu.memory_space<vmem_shared>>)
        tpu.yield
      }) : () -> ()
      %add3A_241 = arith.constant 2 : i32
      %add3A_242 = arith.addi %mul3A_219, %add3A_241 : i32
      %lt3A_243 = arith.cmpi slt, %add3A_242, %while3A_104 : i32
      %convert_element_type3A_244 = arith.extui %lt3A_243 : i1 to i32
      %cond3A_245 = arith.constant 0 : i32
      %cond3A_246 = arith.cmpi ne, %convert_element_type3A_244, %cond3A_245 : i32
      scf.if %cond3A_246 {
        %add3A_278 = arith.constant 2 : i32
        %add3A_279 = arith.addi %mul3A_219, %add3A_278 : i32
        %dma_start3A_280 = arith.constant 0 : i32
        %dma_start3A_281 = arith.constant 0 : i32
        %dma_start3A_282 = arith.constant 0 : i32
        %dma_start3A_283 = tpu.memref_slice %arg6[%dma_start3A_281, %dma_start3A_282] : memref<128x128xf32, #tpu.memory_space<vmem>> -> memref<64x128xf32, #tpu.memory_space<vmem>>
        %dma_start3A_284 = arith.constant 0 : i32
        %dma_start3A_285 = tpu.memref_slice %arg5[%dma_start3A_280, %add3A_279, %dma_start3A_284] : memref<2x40x128xi32, #tpu.memory_space<vmem>> -> memref<1x1x64xi32, #tpu.memory_space<vmem>>
        %dma_start3A_286 = tpu.memref_squeeze %dma_start3A_285 : memref<1x1x64xi32, #tpu.memory_space<vmem>> -> memref<64xi32, #tpu.memory_space<vmem>>
        %dma_start3A_287 = arith.constant 0 : i32
        %dma_start3A_288 = arith.constant 0 : i32
        %dma_start3A_289 = tpu.memref_slice %arg2[%dma_start3A_287, %dma_start3A_288] : memref<10000x128xf32, #tpu.memory_space<hbm>> -> memref<10000x128xf32, #tpu.memory_space<hbm>>
        tpu.enqueue_indirect_dma source(%dma_start3A_289 : memref<10000x128xf32, #tpu.memory_space<hbm>>) target(%dma_start3A_283 : memref<64x128xf32, #tpu.memory_space<vmem>>) offsets(%dma_start3A_286 : memref<64xi32, #tpu.memory_space<vmem>>) semaphore(%arg9 : memref<!tpu.dma_semaphore, #tpu.memory_space<semaphore_mem>>)
        %dma_start3A_290 = arith.constant 0 : i32
        %dma_start3A_291 = arith.constant 64 : i32
        %dma_start3A_292 = arith.constant 0 : i32
        %dma_start3A_293 = tpu.memref_slice %arg6[%dma_start3A_291, %dma_start3A_292] : memref<128x128xf32, #tpu.memory_space<vmem>> -> memref<64x128xf32, #tpu.memory_space<vmem>>
        %dma_start3A_294 = arith.constant 64 : i32
        %dma_start3A_295 = tpu.memref_slice %arg5[%dma_start3A_290, %add3A_279, %dma_start3A_294] : memref<2x40x128xi32, #tpu.memory_space<vmem>> -> memref<1x1x64xi32, #tpu.memory_space<vmem>>
        %dma_start3A_296 = tpu.memref_squeeze %dma_start3A_295 : memref<1x1x64xi32, #tpu.memory_space<vmem>> -> memref<64xi32, #tpu.memory_space<vmem>>
        %dma_start3A_297 = arith.constant 0 : i32
        %dma_start3A_298 = arith.constant 0 : i32
        %dma_start3A_299 = tpu.memref_slice %arg2[%dma_start3A_297, %dma_start3A_298] : memref<10000x128xf32, #tpu.memory_space<hbm>> -> memref<10000x128xf32, #tpu.memory_space<hbm>>
        tpu.enqueue_indirect_dma source(%dma_start3A_299 : memref<10000x128xf32, #tpu.memory_space<hbm>>) target(%dma_start3A_293 : memref<64x128xf32, #tpu.memory_space<vmem>>) offsets(%dma_start3A_296 : memref<64xi32, #tpu.memory_space<vmem>>) semaphore(%arg10 : memref<!tpu.dma_semaphore, #tpu.memory_space<semaphore_mem>>)
      } else {
      }
      %dma_wait3A_247 = arith.constant 0 : i32
      %dma_wait3A_248 = arith.constant 0 : i32
      %dma_wait3A_249 = arith.constant 0 : i32
      %dma_wait3A_250 = arith.constant 0 : i32
      %dma_wait3A_251 = tpu.memref_slice %arg7[%dma_wait3A_249, %dma_wait3A_250] : memref<128x128xf32, #tpu.memory_space<vmem>> -> memref<64x128xf32, #tpu.memory_space<vmem>>
      %dma_wait3A_252 = arith.constant 0 : i32
      %dma_wait3A_253 = tpu.memref_slice %arg5[%dma_wait3A_247, %dma_wait3A_248, %dma_wait3A_252] : memref<2x40x128xi32, #tpu.memory_space<vmem>> -> memref<1x1x64xi32, #tpu.memory_space<vmem>>
      %dma_wait3A_254 = tpu.memref_squeeze %dma_wait3A_253 : memref<1x1x64xi32, #tpu.memory_space<vmem>> -> memref<64xi32, #tpu.memory_space<vmem>>
      %dma_wait3A_255 = arith.constant 0 : i32
      %dma_wait3A_256 = arith.constant 0 : i32
      %dma_wait3A_257 = tpu.memref_slice %arg2[%dma_wait3A_255, %dma_wait3A_256] : memref<10000x128xf32, #tpu.memory_space<hbm>> -> memref<10000x128xf32, #tpu.memory_space<hbm>>
      tpu.wait_indirect_dma semaphore(%arg11 : memref<!tpu.dma_semaphore, #tpu.memory_space<semaphore_mem>>) src(%dma_wait3A_257 : memref<10000x128xf32, #tpu.memory_space<hbm>>) dst(%dma_wait3A_251 : memref<64x128xf32, #tpu.memory_space<vmem>>)
      %dma_wait3A_258 = arith.constant 0 : i32
      %dma_wait3A_259 = arith.constant 0 : i32
      %dma_wait3A_260 = arith.constant 64 : i32
      %dma_wait3A_261 = arith.constant 0 : i32
      %dma_wait3A_262 = tpu.memref_slice %arg7[%dma_wait3A_260, %dma_wait3A_261] : memref<128x128xf32, #tpu.memory_space<vmem>> -> memref<64x128xf32, #tpu.memory_space<vmem>>
      %dma_wait3A_263 = arith.constant 0 : i32
      %dma_wait3A_264 = tpu.memref_slice %arg5[%dma_wait3A_258, %dma_wait3A_259, %dma_wait3A_263] : memref<2x40x128xi32, #tpu.memory_space<vmem>> -> memref<1x1x64xi32, #tpu.memory_space<vmem>>
      %dma_wait3A_265 = tpu.memref_squeeze %dma_wait3A_264 : memref<1x1x64xi32, #tpu.memory_space<vmem>> -> memref<64xi32, #tpu.memory_space<vmem>>
      %dma_wait3A_266 = arith.constant 0 : i32
      %dma_wait3A_267 = arith.constant 0 : i32
      %dma_wait3A_268 = tpu.memref_slice %arg2[%dma_wait3A_266, %dma_wait3A_267] : memref<10000x128xf32, #tpu.memory_space<hbm>> -> memref<10000x128xf32, #tpu.memory_space<hbm>>
      tpu.wait_indirect_dma semaphore(%arg12 : memref<!tpu.dma_semaphore, #tpu.memory_space<semaphore_mem>>) src(%dma_wait3A_268 : memref<10000x128xf32, #tpu.memory_space<hbm>>) dst(%dma_wait3A_262 : memref<64x128xf32, #tpu.memory_space<vmem>>)
      %add3A_269 = arith.constant 1 : i32
      %add3A_270 = arith.addi %mul3A_219, %add3A_269 : i32
      %run_scoped3A_271 = arith.constant 1 : i32
      "tpu.region"() ({
        %run_scoped3A_278 = tpu.sem_alloc : memref<!tpu.dma_semaphore, #tpu.memory_space<semaphore_mem>>
        %dma_start3A_279 = arith.constant 0 : i32
        %dma_start3A_280 = tpu.memref_slice %arg5[%run_scoped3A_271, %add3A_270, %dma_start3A_279] : memref<2x40x128xi32, #tpu.memory_space<vmem>> -> memref<1x1x128xi32, #tpu.memory_space<vmem>>
        %dma_start3A_281 = tpu.memref_squeeze %dma_start3A_280 : memref<1x1x128xi32, #tpu.memory_space<vmem>> -> memref<128xi32, #tpu.memory_space<vmem>>
        %dma_start3A_282 = arith.constant 0 : i32
        %dma_start3A_283 = arith.constant 0 : i32
        %dma_start3A_284 = tpu.memref_slice %arg8[%dma_start3A_282, %dma_start3A_283] : memref<10240x128xf32, #tpu.memory_space<vmem_shared>> -> memref<10240x128xf32, #tpu.memory_space<vmem_shared>>
        tpu.enqueue_indirect_dma source(%arg7 : memref<128x128xf32, #tpu.memory_space<vmem>>) target(%dma_start3A_284 : memref<10240x128xf32, #tpu.memory_space<vmem_shared>>) offsets(%dma_start3A_281 : memref<128xi32, #tpu.memory_space<vmem>>) semaphore(%run_scoped3A_278 : memref<!tpu.dma_semaphore, #tpu.memory_space<semaphore_mem>>) {add = true}
        %dma_wait3A_285 = arith.constant 0 : i32
        %dma_wait3A_286 = tpu.memref_slice %arg5[%run_scoped3A_271, %add3A_270, %dma_wait3A_285] : memref<2x40x128xi32, #tpu.memory_space<vmem>> -> memref<1x1x128xi32, #tpu.memory_space<vmem>>
        %dma_wait3A_287 = tpu.memref_squeeze %dma_wait3A_286 : memref<1x1x128xi32, #tpu.memory_space<vmem>> -> memref<128xi32, #tpu.memory_space<vmem>>
        %dma_wait3A_288 = arith.constant 0 : i32
        %dma_wait3A_289 = arith.constant 0 : i32
        %dma_wait3A_290 = tpu.memref_slice %arg8[%dma_wait3A_288, %dma_wait3A_289] : memref<10240x128xf32, #tpu.memory_space<vmem_shared>> -> memref<10240x128xf32, #tpu.memory_space<vmem_shared>>
        tpu.wait_indirect_dma semaphore(%run_scoped3A_278 : memref<!tpu.dma_semaphore, #tpu.memory_space<semaphore_mem>>) src(%arg7 : memref<128x128xf32, #tpu.memory_space<vmem>>) dst(%dma_wait3A_290 : memref<10240x128xf32, #tpu.memory_space<vmem_shared>>)
        tpu.yield
      }) : () -> ()
      %add3A_272 = arith.constant 3 : i32
      %add3A_273 = arith.addi %mul3A_219, %add3A_272 : i32
      %lt3A_274 = arith.cmpi slt, %add3A_273, %while3A_104 : i32
      %convert_element_type3A_275 = arith.extui %lt3A_274 : i1 to i32
      %cond3A_276 = arith.constant 0 : i32
      %cond3A_277 = arith.cmpi ne, %convert_element_type3A_275, %cond3A_276 : i32
      scf.if %cond3A_277 {
        %add3A_278 = arith.constant 3 : i32
        %add3A_279 = arith.addi %mul3A_219, %add3A_278 : i32
        %dma_start3A_280 = arith.constant 0 : i32
        %dma_start3A_281 = arith.constant 0 : i32
        %dma_start3A_282 = arith.constant 0 : i32
        %dma_start3A_283 = tpu.memref_slice %arg7[%dma_start3A_281, %dma_start3A_282] : memref<128x128xf32, #tpu.memory_space<vmem>> -> memref<64x128xf32, #tpu.memory_space<vmem>>
        %dma_start3A_284 = arith.constant 0 : i32
        %dma_start3A_285 = tpu.memref_slice %arg5[%dma_start3A_280, %add3A_279, %dma_start3A_284] : memref<2x40x128xi32, #tpu.memory_space<vmem>> -> memref<1x1x64xi32, #tpu.memory_space<vmem>>
        %dma_start3A_286 = tpu.memref_squeeze %dma_start3A_285 : memref<1x1x64xi32, #tpu.memory_space<vmem>> -> memref<64xi32, #tpu.memory_space<vmem>>
        %dma_start3A_287 = arith.constant 0 : i32
        %dma_start3A_288 = arith.constant 0 : i32
        %dma_start3A_289 = tpu.memref_slice %arg2[%dma_start3A_287, %dma_start3A_288] : memref<10000x128xf32, #tpu.memory_space<hbm>> -> memref<10000x128xf32, #tpu.memory_space<hbm>>
        tpu.enqueue_indirect_dma source(%dma_start3A_289 : memref<10000x128xf32, #tpu.memory_space<hbm>>) target(%dma_start3A_283 : memref<64x128xf32, #tpu.memory_space<vmem>>) offsets(%dma_start3A_286 : memref<64xi32, #tpu.memory_space<vmem>>) semaphore(%arg11 : memref<!tpu.dma_semaphore, #tpu.memory_space<semaphore_mem>>)
        %dma_start3A_290 = arith.constant 0 : i32
        %dma_start3A_291 = arith.constant 64 : i32
        %dma_start3A_292 = arith.constant 0 : i32
        %dma_start3A_293 = tpu.memref_slice %arg7[%dma_start3A_291, %dma_start3A_292] : memref<128x128xf32, #tpu.memory_space<vmem>> -> memref<64x128xf32, #tpu.memory_space<vmem>>
        %dma_start3A_294 = arith.constant 64 : i32
        %dma_start3A_295 = tpu.memref_slice %arg5[%dma_start3A_290, %add3A_279, %dma_start3A_294] : memref<2x40x128xi32, #tpu.memory_space<vmem>> -> memref<1x1x64xi32, #tpu.memory_space<vmem>>
        %dma_start3A_296 = tpu.memref_squeeze %dma_start3A_295 : memref<1x1x64xi32, #tpu.memory_space<vmem>> -> memref<64xi32, #tpu.memory_space<vmem>>
        %dma_start3A_297 = arith.constant 0 : i32
        %dma_start3A_298 = arith.constant 0 : i32
        %dma_start3A_299 = tpu.memref_slice %arg2[%dma_start3A_297, %dma_start3A_298] : memref<10000x128xf32, #tpu.memory_space<hbm>> -> memref<10000x128xf32, #tpu.memory_space<hbm>>
        tpu.enqueue_indirect_dma source(%dma_start3A_299 : memref<10000x128xf32, #tpu.memory_space<hbm>>) target(%dma_start3A_293 : memref<64x128xf32, #tpu.memory_space<vmem>>) offsets(%dma_start3A_296 : memref<64xi32, #tpu.memory_space<vmem>>) semaphore(%arg12 : memref<!tpu.dma_semaphore, #tpu.memory_space<semaphore_mem>>)
      } else {
      }
    }
    %add3A_114 = arith.constant 40 : i32
    %add3A_115 = arith.addi %sub3A_7, %add3A_114 : i32
    %sub3A_116 = arith.constant 40 : i32
    %sub3A_117 = arith.subi %select_n3A_13, %sub3A_116 : i32
    %eq3A_118 = arith.constant 40 : i32
    %eq3A_119 = arith.cmpi eq, %sub3A_117, %eq3A_118 : i32
    %convert_element_type3A_120 = arith.extui %eq3A_119 : i1 to i32
    %cond3A_121 = arith.constant 0 : i32
    %cond3A_122 = arith.cmpi ne, %convert_element_type3A_120, %cond3A_121 : i32
    scf.if %cond3A_122 {
      "tpu.region"() ({
        %run_scoped3A = tpu.sem_alloc : memref<!tpu.dma_semaphore, #tpu.memory_space<semaphore_mem>>
        %dma_start3A_217 = arith.constant 0 : i32
        %dma_start3A_218 = arith.constant 0 : i32
        %dma_start3A_219 = tpu.memref_slice %arg3[%dma_start3A_217, %add3A_115, %dma_start3A_218] : memref<2x2500x128xi32, #tpu.memory_space<hbm>> -> memref<2x40x128xi32, #tpu.memory_space<hbm>>
        %dma_start3A_220 = arith.constant 0 : i32
        %dma_start3A_221 = arith.constant 0 : i32
        %dma_start3A_222 = tpu.memref_slice %arg3[%dma_start3A_220, %add3A_115, %dma_start3A_221] : memref<2x2500x128xi32, #tpu.memory_space<hbm>> -> memref<2x40x128xi32, #tpu.memory_space<hbm>>
        tpu.enqueue_dma source(%dma_start3A_222 : memref<2x40x128xi32, #tpu.memory_space<hbm>>) target(%arg5 : memref<2x40x128xi32, #tpu.memory_space<vmem>>) target_semaphore(%run_scoped3A : memref<!tpu.dma_semaphore, #tpu.memory_space<semaphore_mem>>)
        %dma_wait3A = arith.constant 0 : i32
        %dma_wait3A_223 = arith.constant 0 : i32
        %dma_wait3A_224 = tpu.memref_slice %arg3[%dma_wait3A, %add3A_115, %dma_wait3A_223] : memref<2x2500x128xi32, #tpu.memory_space<hbm>> -> memref<2x40x128xi32, #tpu.memory_space<hbm>>
        %dma_wait3A_225 = arith.constant 0 : i32
        %dma_wait3A_226 = arith.constant 0 : i32
        %dma_wait3A_227 = tpu.memref_slice %arg3[%dma_wait3A_225, %add3A_115, %dma_wait3A_226] : memref<2x2500x128xi32, #tpu.memory_space<hbm>> -> memref<2x40x128xi32, #tpu.memory_space<hbm>>
        tpu.wait_dma2 semaphore(%run_scoped3A : memref<!tpu.dma_semaphore, #tpu.memory_space<semaphore_mem>>) src(%dma_wait3A_227 : memref<2x40x128xi32, #tpu.memory_space<hbm>>) dst(%arg5 : memref<2x40x128xi32, #tpu.memory_space<vmem>>)
        tpu.yield
      }) : () -> ()
    } else {
    }
    %lt3A_123 = arith.constant 40 : i32
    %lt3A_124 = arith.cmpi slt, %sub3A_117, %lt3A_123 : i32
    %convert_element_type3A_125 = arith.extui %lt3A_124 : i1 to i32
    %cond3A_126 = arith.constant 0 : i32
    %cond3A_127 = arith.cmpi ne, %convert_element_type3A_125, %cond3A_126 : i32
    scf.if %cond3A_127 {
      "tpu.region"() ({
        %run_scoped3A = tpu.sem_alloc : memref<!tpu.dma_semaphore, #tpu.memory_space<semaphore_mem>>
        %dma_start3A_217 = arith.constant 0 : i32
        %dma_start3A_218 = arith.constant 0 : i32
        %dma_start3A_219 = arith.constant 0 : i32
        %dma_start3A_220 = tpu.memref_slice %arg5[%dma_start3A_217, %dma_start3A_218, %dma_start3A_219] : memref<2x40x128xi32, #tpu.memory_space<vmem>> -> memref<2x32x128xi32, #tpu.memory_space<vmem>>
        %dma_start3A_221 = arith.constant 0 : i32
        %dma_start3A_222 = arith.constant 0 : i32
        %dma_start3A_223 = tpu.memref_slice %arg3[%dma_start3A_221, %add3A_115, %dma_start3A_222] : memref<2x2500x128xi32, #tpu.memory_space<hbm>> -> memref<2x32x128xi32, #tpu.memory_space<hbm>>
        %dma_start3A_224 = arith.constant 0 : i32
        %dma_start3A_225 = arith.constant 0 : i32
        %dma_start3A_226 = arith.constant 0 : i32
        %dma_start3A_227 = tpu.memref_slice %arg5[%dma_start3A_224, %dma_start3A_225, %dma_start3A_226] : memref<2x40x128xi32, #tpu.memory_space<vmem>> -> memref<2x32x128xi32, #tpu.memory_space<vmem>>
        %dma_start3A_228 = arith.constant 0 : i32
        %dma_start3A_229 = arith.constant 0 : i32
        %dma_start3A_230 = tpu.memref_slice %arg3[%dma_start3A_228, %add3A_115, %dma_start3A_229] : memref<2x2500x128xi32, #tpu.memory_space<hbm>> -> memref<2x32x128xi32, #tpu.memory_space<hbm>>
        tpu.enqueue_dma source(%dma_start3A_230 : memref<2x32x128xi32, #tpu.memory_space<hbm>>) target(%dma_start3A_227 : memref<2x32x128xi32, #tpu.memory_space<vmem>>) target_semaphore(%run_scoped3A : memref<!tpu.dma_semaphore, #tpu.memory_space<semaphore_mem>>)
        %dma_wait3A = arith.constant 0 : i32
        %dma_wait3A_231 = arith.constant 0 : i32
        %dma_wait3A_232 = arith.constant 0 : i32
        %dma_wait3A_233 = tpu.memref_slice %arg5[%dma_wait3A, %dma_wait3A_231, %dma_wait3A_232] : memref<2x40x128xi32, #tpu.memory_space<vmem>> -> memref<2x32x128xi32, #tpu.memory_space<vmem>>
        %dma_wait3A_234 = arith.constant 0 : i32
        %dma_wait3A_235 = arith.constant 0 : i32
        %dma_wait3A_236 = tpu.memref_slice %arg3[%dma_wait3A_234, %add3A_115, %dma_wait3A_235] : memref<2x2500x128xi32, #tpu.memory_space<hbm>> -> memref<2x32x128xi32, #tpu.memory_space<hbm>>
        %dma_wait3A_237 = arith.constant 0 : i32
        %dma_wait3A_238 = arith.constant 0 : i32
        %dma_wait3A_239 = arith.constant 0 : i32
        %dma_wait3A_240 = tpu.memref_slice %arg5[%dma_wait3A_237, %dma_wait3A_238, %dma_wait3A_239] : memref<2x40x128xi32, #tpu.memory_space<vmem>> -> memref<2x32x128xi32, #tpu.memory_space<vmem>>
        %dma_wait3A_241 = arith.constant 0 : i32
        %dma_wait3A_242 = arith.constant 0 : i32
        %dma_wait3A_243 = tpu.memref_slice %arg3[%dma_wait3A_241, %add3A_115, %dma_wait3A_242] : memref<2x2500x128xi32, #tpu.memory_space<hbm>> -> memref<2x32x128xi32, #tpu.memory_space<hbm>>
        tpu.wait_dma2 semaphore(%run_scoped3A : memref<!tpu.dma_semaphore, #tpu.memory_space<semaphore_mem>>) src(%dma_wait3A_243 : memref<2x32x128xi32, #tpu.memory_space<hbm>>) dst(%dma_wait3A_240 : memref<2x32x128xi32, #tpu.memory_space<vmem>>)
        tpu.yield
      }) : () -> ()
    } else {
    }
    %dma_start3A_128 = arith.constant 0 : i32
    %dma_start3A_129 = arith.constant 0 : i32
    %dma_start3A_130 = arith.constant 0 : i32
    %dma_start3A_131 = arith.constant 0 : i32
    %dma_start3A_132 = tpu.memref_slice %arg6[%dma_start3A_130, %dma_start3A_131] : memref<128x128xf32, #tpu.memory_space<vmem>> -> memref<64x128xf32, #tpu.memory_space<vmem>>
    %dma_start3A_133 = arith.constant 0 : i32
    %dma_start3A_134 = tpu.memref_slice %arg5[%dma_start3A_128, %dma_start3A_129, %dma_start3A_133] : memref<2x40x128xi32, #tpu.memory_space<vmem>> -> memref<1x1x64xi32, #tpu.memory_space<vmem>>
    %dma_start3A_135 = tpu.memref_squeeze %dma_start3A_134 : memref<1x1x64xi32, #tpu.memory_space<vmem>> -> memref<64xi32, #tpu.memory_space<vmem>>
    %dma_start3A_136 = arith.constant 0 : i32
    %dma_start3A_137 = arith.constant 0 : i32
    %dma_start3A_138 = tpu.memref_slice %arg2[%dma_start3A_136, %dma_start3A_137] : memref<10000x128xf32, #tpu.memory_space<hbm>> -> memref<10000x128xf32, #tpu.memory_space<hbm>>
    tpu.enqueue_indirect_dma source(%dma_start3A_138 : memref<10000x128xf32, #tpu.memory_space<hbm>>) target(%dma_start3A_132 : memref<64x128xf32, #tpu.memory_space<vmem>>) offsets(%dma_start3A_135 : memref<64xi32, #tpu.memory_space<vmem>>) semaphore(%arg9 : memref<!tpu.dma_semaphore, #tpu.memory_space<semaphore_mem>>)
    %dma_start3A_139 = arith.constant 0 : i32
    %dma_start3A_140 = arith.constant 0 : i32
    %dma_start3A_141 = arith.constant 64 : i32
    %dma_start3A_142 = arith.constant 0 : i32
    %dma_start3A_143 = tpu.memref_slice %arg6[%dma_start3A_141, %dma_start3A_142] : memref<128x128xf32, #tpu.memory_space<vmem>> -> memref<64x128xf32, #tpu.memory_space<vmem>>
    %dma_start3A_144 = arith.constant 64 : i32
    %dma_start3A_145 = tpu.memref_slice %arg5[%dma_start3A_139, %dma_start3A_140, %dma_start3A_144] : memref<2x40x128xi32, #tpu.memory_space<vmem>> -> memref<1x1x64xi32, #tpu.memory_space<vmem>>
    %dma_start3A_146 = tpu.memref_squeeze %dma_start3A_145 : memref<1x1x64xi32, #tpu.memory_space<vmem>> -> memref<64xi32, #tpu.memory_space<vmem>>
    %dma_start3A_147 = arith.constant 0 : i32
    %dma_start3A_148 = arith.constant 0 : i32
    %dma_start3A_149 = tpu.memref_slice %arg2[%dma_start3A_147, %dma_start3A_148] : memref<10000x128xf32, #tpu.memory_space<hbm>> -> memref<10000x128xf32, #tpu.memory_space<hbm>>
    tpu.enqueue_indirect_dma source(%dma_start3A_149 : memref<10000x128xf32, #tpu.memory_space<hbm>>) target(%dma_start3A_143 : memref<64x128xf32, #tpu.memory_space<vmem>>) offsets(%dma_start3A_146 : memref<64xi32, #tpu.memory_space<vmem>>) semaphore(%arg10 : memref<!tpu.dma_semaphore, #tpu.memory_space<semaphore_mem>>)
    %dma_start3A_150 = arith.constant 0 : i32
    %dma_start3A_151 = arith.constant 1 : i32
    %dma_start3A_152 = arith.constant 0 : i32
    %dma_start3A_153 = arith.constant 0 : i32
    %dma_start3A_154 = tpu.memref_slice %arg7[%dma_start3A_152, %dma_start3A_153] : memref<128x128xf32, #tpu.memory_space<vmem>> -> memref<64x128xf32, #tpu.memory_space<vmem>>
    %dma_start3A_155 = arith.constant 0 : i32
    %dma_start3A_156 = tpu.memref_slice %arg5[%dma_start3A_150, %dma_start3A_151, %dma_start3A_155] : memref<2x40x128xi32, #tpu.memory_space<vmem>> -> memref<1x1x64xi32, #tpu.memory_space<vmem>>
    %dma_start3A_157 = tpu.memref_squeeze %dma_start3A_156 : memref<1x1x64xi32, #tpu.memory_space<vmem>> -> memref<64xi32, #tpu.memory_space<vmem>>
    %dma_start3A_158 = arith.constant 0 : i32
    %dma_start3A_159 = arith.constant 0 : i32
    %dma_start3A_160 = tpu.memref_slice %arg2[%dma_start3A_158, %dma_start3A_159] : memref<10000x128xf32, #tpu.memory_space<hbm>> -> memref<10000x128xf32, #tpu.memory_space<hbm>>
    tpu.enqueue_indirect_dma source(%dma_start3A_160 : memref<10000x128xf32, #tpu.memory_space<hbm>>) target(%dma_start3A_154 : memref<64x128xf32, #tpu.memory_space<vmem>>) offsets(%dma_start3A_157 : memref<64xi32, #tpu.memory_space<vmem>>) semaphore(%arg11 : memref<!tpu.dma_semaphore, #tpu.memory_space<semaphore_mem>>)
    %dma_start3A_161 = arith.constant 0 : i32
    %dma_start3A_162 = arith.constant 1 : i32
    %dma_start3A_163 = arith.constant 64 : i32
    %dma_start3A_164 = arith.constant 0 : i32
    %dma_start3A_165 = tpu.memref_slice %arg7[%dma_start3A_163, %dma_start3A_164] : memref<128x128xf32, #tpu.memory_space<vmem>> -> memref<64x128xf32, #tpu.memory_space<vmem>>
    %dma_start3A_166 = arith.constant 64 : i32
    %dma_start3A_167 = tpu.memref_slice %arg5[%dma_start3A_161, %dma_start3A_162, %dma_start3A_166] : memref<2x40x128xi32, #tpu.memory_space<vmem>> -> memref<1x1x64xi32, #tpu.memory_space<vmem>>
    %dma_start3A_168 = tpu.memref_squeeze %dma_start3A_167 : memref<1x1x64xi32, #tpu.memory_space<vmem>> -> memref<64xi32, #tpu.memory_space<vmem>>
    %dma_start3A_169 = arith.constant 0 : i32
    %dma_start3A_170 = arith.constant 0 : i32
    %dma_start3A_171 = tpu.memref_slice %arg2[%dma_start3A_169, %dma_start3A_170] : memref<10000x128xf32, #tpu.memory_space<hbm>> -> memref<10000x128xf32, #tpu.memory_space<hbm>>
    tpu.enqueue_indirect_dma source(%dma_start3A_171 : memref<10000x128xf32, #tpu.memory_space<hbm>>) target(%dma_start3A_165 : memref<64x128xf32, #tpu.memory_space<vmem>>) offsets(%dma_start3A_168 : memref<64xi32, #tpu.memory_space<vmem>>) semaphore(%arg12 : memref<!tpu.dma_semaphore, #tpu.memory_space<semaphore_mem>>)
    %jit3A_172 = arith.constant 2 : i32
    %div3A_173 = arith.divsi %sub3A_117, %jit3A_172 : i32
    %sign3A_174 = arith.constant 0 : i32
    %sign3A_175 = arith.cmpi sgt, %sub3A_117, %sign3A_174 : i32
    %sign3A_176 = arith.extui %sign3A_175 : i1 to i32
    %sign3A_177 = arith.constant 0 : i32
    %sign3A_178 = arith.cmpi slt, %sub3A_117, %sign3A_177 : i32
    %sign3A_179 = arith.extui %sign3A_178 : i1 to i32
    %sign3A_180 = arith.subi %sign3A_176, %sign3A_179 : i32
    %sign3A_181 = arith.constant 0 : i32
    %sign3A_182 = arith.cmpi sgt, %jit3A_172, %sign3A_181 : i32
    %sign3A_183 = arith.extui %sign3A_182 : i1 to i32
    %sign3A_184 = arith.constant 0 : i32
    %sign3A_185 = arith.cmpi slt, %jit3A_172, %sign3A_184 : i32
    %sign3A_186 = arith.extui %sign3A_185 : i1 to i32
    %sign3A_187 = arith.subi %sign3A_183, %sign3A_186 : i32
    %ne3A_188 = arith.cmpi ne, %sign3A_180, %sign3A_187 : i32
    %rem3A_189 = arith.remsi %sub3A_117, %jit3A_172 : i32
    %ne3A_190 = arith.constant 0 : i32
    %ne3A_191 = arith.cmpi ne, %rem3A_189, %ne3A_190 : i32
    %and3A_192 = arith.andi %ne3A_188, %ne3A_191 : i1
    %sub3A_193 = arith.constant 1 : i32
    %sub3A_194 = arith.subi %div3A_173, %sub3A_193 : i32
    %select_n3A_195 = arith.select %and3A_192, %sub3A_194, %div3A_173 : i32
    %while3A_196 = arith.constant 0 : i32
    %while3A_197 = arith.constant 0 : i32
    %while3A_198 = arith.subi %select_n3A_195, %while3A_197 : i32
    %while3A_199 = arith.addi %while3A_197, %while3A_198 : i32
    %while3A_200 = arith.constant 1 : i32
    %while3A_201 = arith.divsi %while3A_198, %while3A_200 : i32
    %while3A_202 = arith.muli %while3A_201, %while3A_200 : i32
    %while3A_203 = arith.addi %while3A_197, %while3A_202 : i32
    %while3A_204 = arith.constant 1 : i32
    scf.for %while3A_217 = %while3A_197 to %while3A_203 step %while3A_204  : i32 {
      %mul3A_218 = arith.constant 2 : i32
      %mul3A_219 = arith.muli %mul3A_218, %while3A_217 : i32
      %dma_wait3A = arith.constant 0 : i32
      %dma_wait3A_220 = arith.constant 0 : i32
      %dma_wait3A_221 = arith.constant 0 : i32
      %dma_wait3A_222 = arith.constant 0 : i32
      %dma_wait3A_223 = tpu.memref_slice %arg6[%dma_wait3A_221, %dma_wait3A_222] : memref<128x128xf32, #tpu.memory_space<vmem>> -> memref<64x128xf32, #tpu.memory_space<vmem>>
      %dma_wait3A_224 = arith.constant 0 : i32
      %dma_wait3A_225 = tpu.memref_slice %arg5[%dma_wait3A, %dma_wait3A_220, %dma_wait3A_224] : memref<2x40x128xi32, #tpu.memory_space<vmem>> -> memref<1x1x64xi32, #tpu.memory_space<vmem>>
      %dma_wait3A_226 = tpu.memref_squeeze %dma_wait3A_225 : memref<1x1x64xi32, #tpu.memory_space<vmem>> -> memref<64xi32, #tpu.memory_space<vmem>>
      %dma_wait3A_227 = arith.constant 0 : i32
      %dma_wait3A_228 = arith.constant 0 : i32
      %dma_wait3A_229 = tpu.memref_slice %arg2[%dma_wait3A_227, %dma_wait3A_228] : memref<10000x128xf32, #tpu.memory_space<hbm>> -> memref<10000x128xf32, #tpu.memory_space<hbm>>
      tpu.wait_indirect_dma semaphore(%arg9 : memref<!tpu.dma_semaphore, #tpu.memory_space<semaphore_mem>>) src(%dma_wait3A_229 : memref<10000x128xf32, #tpu.memory_space<hbm>>) dst(%dma_wait3A_223 : memref<64x128xf32, #tpu.memory_space<vmem>>)
      %dma_wait3A_230 = arith.constant 0 : i32
      %dma_wait3A_231 = arith.constant 0 : i32
      %dma_wait3A_232 = arith.constant 64 : i32
      %dma_wait3A_233 = arith.constant 0 : i32
      %dma_wait3A_234 = tpu.memref_slice %arg6[%dma_wait3A_232, %dma_wait3A_233] : memref<128x128xf32, #tpu.memory_space<vmem>> -> memref<64x128xf32, #tpu.memory_space<vmem>>
      %dma_wait3A_235 = arith.constant 0 : i32
      %dma_wait3A_236 = tpu.memref_slice %arg5[%dma_wait3A_230, %dma_wait3A_231, %dma_wait3A_235] : memref<2x40x128xi32, #tpu.memory_space<vmem>> -> memref<1x1x64xi32, #tpu.memory_space<vmem>>
      %dma_wait3A_237 = tpu.memref_squeeze %dma_wait3A_236 : memref<1x1x64xi32, #tpu.memory_space<vmem>> -> memref<64xi32, #tpu.memory_space<vmem>>
      %dma_wait3A_238 = arith.constant 0 : i32
      %dma_wait3A_239 = arith.constant 0 : i32
      %dma_wait3A_240 = tpu.memref_slice %arg2[%dma_wait3A_238, %dma_wait3A_239] : memref<10000x128xf32, #tpu.memory_space<hbm>> -> memref<10000x128xf32, #tpu.memory_space<hbm>>
      tpu.wait_indirect_dma semaphore(%arg10 : memref<!tpu.dma_semaphore, #tpu.memory_space<semaphore_mem>>) src(%dma_wait3A_240 : memref<10000x128xf32, #tpu.memory_space<hbm>>) dst(%dma_wait3A_234 : memref<64x128xf32, #tpu.memory_space<vmem>>)
      %run_scoped3A = arith.constant 1 : i32
      "tpu.region"() ({
        %run_scoped3A_278 = tpu.sem_alloc : memref<!tpu.dma_semaphore, #tpu.memory_space<semaphore_mem>>
        %dma_start3A_279 = arith.constant 0 : i32
        %dma_start3A_280 = tpu.memref_slice %arg5[%run_scoped3A, %mul3A_219, %dma_start3A_279] : memref<2x40x128xi32, #tpu.memory_space<vmem>> -> memref<1x1x128xi32, #tpu.memory_space<vmem>>
        %dma_start3A_281 = tpu.memref_squeeze %dma_start3A_280 : memref<1x1x128xi32, #tpu.memory_space<vmem>> -> memref<128xi32, #tpu.memory_space<vmem>>
        %dma_start3A_282 = arith.constant 0 : i32
        %dma_start3A_283 = arith.constant 0 : i32
        %dma_start3A_284 = tpu.memref_slice %arg8[%dma_start3A_282, %dma_start3A_283] : memref<10240x128xf32, #tpu.memory_space<vmem_shared>> -> memref<10240x128xf32, #tpu.memory_space<vmem_shared>>
        tpu.enqueue_indirect_dma source(%arg6 : memref<128x128xf32, #tpu.memory_space<vmem>>) target(%dma_start3A_284 : memref<10240x128xf32, #tpu.memory_space<vmem_shared>>) offsets(%dma_start3A_281 : memref<128xi32, #tpu.memory_space<vmem>>) semaphore(%run_scoped3A_278 : memref<!tpu.dma_semaphore, #tpu.memory_space<semaphore_mem>>) {add = true}
        %dma_wait3A_285 = arith.constant 0 : i32
        %dma_wait3A_286 = tpu.memref_slice %arg5[%run_scoped3A, %mul3A_219, %dma_wait3A_285] : memref<2x40x128xi32, #tpu.memory_space<vmem>> -> memref<1x1x128xi32, #tpu.memory_space<vmem>>
        %dma_wait3A_287 = tpu.memref_squeeze %dma_wait3A_286 : memref<1x1x128xi32, #tpu.memory_space<vmem>> -> memref<128xi32, #tpu.memory_space<vmem>>
        %dma_wait3A_288 = arith.constant 0 : i32
        %dma_wait3A_289 = arith.constant 0 : i32
        %dma_wait3A_290 = tpu.memref_slice %arg8[%dma_wait3A_288, %dma_wait3A_289] : memref<10240x128xf32, #tpu.memory_space<vmem_shared>> -> memref<10240x128xf32, #tpu.memory_space<vmem_shared>>
        tpu.wait_indirect_dma semaphore(%run_scoped3A_278 : memref<!tpu.dma_semaphore, #tpu.memory_space<semaphore_mem>>) src(%arg6 : memref<128x128xf32, #tpu.memory_space<vmem>>) dst(%dma_wait3A_290 : memref<10240x128xf32, #tpu.memory_space<vmem_shared>>)
        tpu.yield
      }) : () -> ()
      %add3A_241 = arith.constant 2 : i32
      %add3A_242 = arith.addi %mul3A_219, %add3A_241 : i32
      %lt3A_243 = arith.cmpi slt, %add3A_242, %sub3A_117 : i32
      %convert_element_type3A_244 = arith.extui %lt3A_243 : i1 to i32
      %cond3A_245 = arith.constant 0 : i32
      %cond3A_246 = arith.cmpi ne, %convert_element_type3A_244, %cond3A_245 : i32
      scf.if %cond3A_246 {
        %add3A_278 = arith.constant 2 : i32
        %add3A_279 = arith.addi %mul3A_219, %add3A_278 : i32
        %dma_start3A_280 = arith.constant 0 : i32
        %dma_start3A_281 = arith.constant 0 : i32
        %dma_start3A_282 = arith.constant 0 : i32
        %dma_start3A_283 = tpu.memref_slice %arg6[%dma_start3A_281, %dma_start3A_282] : memref<128x128xf32, #tpu.memory_space<vmem>> -> memref<64x128xf32, #tpu.memory_space<vmem>>
        %dma_start3A_284 = arith.constant 0 : i32
        %dma_start3A_285 = tpu.memref_slice %arg5[%dma_start3A_280, %add3A_279, %dma_start3A_284] : memref<2x40x128xi32, #tpu.memory_space<vmem>> -> memref<1x1x64xi32, #tpu.memory_space<vmem>>
        %dma_start3A_286 = tpu.memref_squeeze %dma_start3A_285 : memref<1x1x64xi32, #tpu.memory_space<vmem>> -> memref<64xi32, #tpu.memory_space<vmem>>
        %dma_start3A_287 = arith.constant 0 : i32
        %dma_start3A_288 = arith.constant 0 : i32
        %dma_start3A_289 = tpu.memref_slice %arg2[%dma_start3A_287, %dma_start3A_288] : memref<10000x128xf32, #tpu.memory_space<hbm>> -> memref<10000x128xf32, #tpu.memory_space<hbm>>
        tpu.enqueue_indirect_dma source(%dma_start3A_289 : memref<10000x128xf32, #tpu.memory_space<hbm>>) target(%dma_start3A_283 : memref<64x128xf32, #tpu.memory_space<vmem>>) offsets(%dma_start3A_286 : memref<64xi32, #tpu.memory_space<vmem>>) semaphore(%arg9 : memref<!tpu.dma_semaphore, #tpu.memory_space<semaphore_mem>>)
        %dma_start3A_290 = arith.constant 0 : i32
        %dma_start3A_291 = arith.constant 64 : i32
        %dma_start3A_292 = arith.constant 0 : i32
        %dma_start3A_293 = tpu.memref_slice %arg6[%dma_start3A_291, %dma_start3A_292] : memref<128x128xf32, #tpu.memory_space<vmem>> -> memref<64x128xf32, #tpu.memory_space<vmem>>
        %dma_start3A_294 = arith.constant 64 : i32
        %dma_start3A_295 = tpu.memref_slice %arg5[%dma_start3A_290, %add3A_279, %dma_start3A_294] : memref<2x40x128xi32, #tpu.memory_space<vmem>> -> memref<1x1x64xi32, #tpu.memory_space<vmem>>
        %dma_start3A_296 = tpu.memref_squeeze %dma_start3A_295 : memref<1x1x64xi32, #tpu.memory_space<vmem>> -> memref<64xi32, #tpu.memory_space<vmem>>
        %dma_start3A_297 = arith.constant 0 : i32
        %dma_start3A_298 = arith.constant 0 : i32
        %dma_start3A_299 = tpu.memref_slice %arg2[%dma_start3A_297, %dma_start3A_298] : memref<10000x128xf32, #tpu.memory_space<hbm>> -> memref<10000x128xf32, #tpu.memory_space<hbm>>
        tpu.enqueue_indirect_dma source(%dma_start3A_299 : memref<10000x128xf32, #tpu.memory_space<hbm>>) target(%dma_start3A_293 : memref<64x128xf32, #tpu.memory_space<vmem>>) offsets(%dma_start3A_296 : memref<64xi32, #tpu.memory_space<vmem>>) semaphore(%arg10 : memref<!tpu.dma_semaphore, #tpu.memory_space<semaphore_mem>>)
      } else {
      }
      %dma_wait3A_247 = arith.constant 0 : i32
      %dma_wait3A_248 = arith.constant 0 : i32
      %dma_wait3A_249 = arith.constant 0 : i32
      %dma_wait3A_250 = arith.constant 0 : i32
      %dma_wait3A_251 = tpu.memref_slice %arg7[%dma_wait3A_249, %dma_wait3A_250] : memref<128x128xf32, #tpu.memory_space<vmem>> -> memref<64x128xf32, #tpu.memory_space<vmem>>
      %dma_wait3A_252 = arith.constant 0 : i32
      %dma_wait3A_253 = tpu.memref_slice %arg5[%dma_wait3A_247, %dma_wait3A_248, %dma_wait3A_252] : memref<2x40x128xi32, #tpu.memory_space<vmem>> -> memref<1x1x64xi32, #tpu.memory_space<vmem>>
      %dma_wait3A_254 = tpu.memref_squeeze %dma_wait3A_253 : memref<1x1x64xi32, #tpu.memory_space<vmem>> -> memref<64xi32, #tpu.memory_space<vmem>>
      %dma_wait3A_255 = arith.constant 0 : i32
      %dma_wait3A_256 = arith.constant 0 : i32
      %dma_wait3A_257 = tpu.memref_slice %arg2[%dma_wait3A_255, %dma_wait3A_256] : memref<10000x128xf32, #tpu.memory_space<hbm>> -> memref<10000x128xf32, #tpu.memory_space<hbm>>
      tpu.wait_indirect_dma semaphore(%arg11 : memref<!tpu.dma_semaphore, #tpu.memory_space<semaphore_mem>>) src(%dma_wait3A_257 : memref<10000x128xf32, #tpu.memory_space<hbm>>) dst(%dma_wait3A_251 : memref<64x128xf32, #tpu.memory_space<vmem>>)
      %dma_wait3A_258 = arith.constant 0 : i32
      %dma_wait3A_259 = arith.constant 0 : i32
      %dma_wait3A_260 = arith.constant 64 : i32
      %dma_wait3A_261 = arith.constant 0 : i32
      %dma_wait3A_262 = tpu.memref_slice %arg7[%dma_wait3A_260, %dma_wait3A_261] : memref<128x128xf32, #tpu.memory_space<vmem>> -> memref<64x128xf32, #tpu.memory_space<vmem>>
      %dma_wait3A_263 = arith.constant 0 : i32
      %dma_wait3A_264 = tpu.memref_slice %arg5[%dma_wait3A_258, %dma_wait3A_259, %dma_wait3A_263] : memref<2x40x128xi32, #tpu.memory_space<vmem>> -> memref<1x1x64xi32, #tpu.memory_space<vmem>>
      %dma_wait3A_265 = tpu.memref_squeeze %dma_wait3A_264 : memref<1x1x64xi32, #tpu.memory_space<vmem>> -> memref<64xi32, #tpu.memory_space<vmem>>
      %dma_wait3A_266 = arith.constant 0 : i32
      %dma_wait3A_267 = arith.constant 0 : i32
      %dma_wait3A_268 = tpu.memref_slice %arg2[%dma_wait3A_266, %dma_wait3A_267] : memref<10000x128xf32, #tpu.memory_space<hbm>> -> memref<10000x128xf32, #tpu.memory_space<hbm>>
      tpu.wait_indirect_dma semaphore(%arg12 : memref<!tpu.dma_semaphore, #tpu.memory_space<semaphore_mem>>) src(%dma_wait3A_268 : memref<10000x128xf32, #tpu.memory_space<hbm>>) dst(%dma_wait3A_262 : memref<64x128xf32, #tpu.memory_space<vmem>>)
      %add3A_269 = arith.constant 1 : i32
      %add3A_270 = arith.addi %mul3A_219, %add3A_269 : i32
      %run_scoped3A_271 = arith.constant 1 : i32
      "tpu.region"() ({
        %run_scoped3A_278 = tpu.sem_alloc : memref<!tpu.dma_semaphore, #tpu.memory_space<semaphore_mem>>
        %dma_start3A_279 = arith.constant 0 : i32
        %dma_start3A_280 = tpu.memref_slice %arg5[%run_scoped3A_271, %add3A_270, %dma_start3A_279] : memref<2x40x128xi32, #tpu.memory_space<vmem>> -> memref<1x1x128xi32, #tpu.memory_space<vmem>>
        %dma_start3A_281 = tpu.memref_squeeze %dma_start3A_280 : memref<1x1x128xi32, #tpu.memory_space<vmem>> -> memref<128xi32, #tpu.memory_space<vmem>>
        %dma_start3A_282 = arith.constant 0 : i32
        %dma_start3A_283 = arith.constant 0 : i32
        %dma_start3A_284 = tpu.memref_slice %arg8[%dma_start3A_282, %dma_start3A_283] : memref<10240x128xf32, #tpu.memory_space<vmem_shared>> -> memref<10240x128xf32, #tpu.memory_space<vmem_shared>>
        tpu.enqueue_indirect_dma source(%arg7 : memref<128x128xf32, #tpu.memory_space<vmem>>) target(%dma_start3A_284 : memref<10240x128xf32, #tpu.memory_space<vmem_shared>>) offsets(%dma_start3A_281 : memref<128xi32, #tpu.memory_space<vmem>>) semaphore(%run_scoped3A_278 : memref<!tpu.dma_semaphore, #tpu.memory_space<semaphore_mem>>) {add = true}
        %dma_wait3A_285 = arith.constant 0 : i32
        %dma_wait3A_286 = tpu.memref_slice %arg5[%run_scoped3A_271, %add3A_270, %dma_wait3A_285] : memref<2x40x128xi32, #tpu.memory_space<vmem>> -> memref<1x1x128xi32, #tpu.memory_space<vmem>>
        %dma_wait3A_287 = tpu.memref_squeeze %dma_wait3A_286 : memref<1x1x128xi32, #tpu.memory_space<vmem>> -> memref<128xi32, #tpu.memory_space<vmem>>
        %dma_wait3A_288 = arith.constant 0 : i32
        %dma_wait3A_289 = arith.constant 0 : i32
        %dma_wait3A_290 = tpu.memref_slice %arg8[%dma_wait3A_288, %dma_wait3A_289] : memref<10240x128xf32, #tpu.memory_space<vmem_shared>> -> memref<10240x128xf32, #tpu.memory_space<vmem_shared>>
        tpu.wait_indirect_dma semaphore(%run_scoped3A_278 : memref<!tpu.dma_semaphore, #tpu.memory_space<semaphore_mem>>) src(%arg7 : memref<128x128xf32, #tpu.memory_space<vmem>>) dst(%dma_wait3A_290 : memref<10240x128xf32, #tpu.memory_space<vmem_shared>>)
        tpu.yield
      }) : () -> ()
      %add3A_272 = arith.constant 3 : i32
      %add3A_273 = arith.addi %mul3A_219, %add3A_272 : i32
      %lt3A_274 = arith.cmpi slt, %add3A_273, %sub3A_117 : i32
      %convert_element_type3A_275 = arith.extui %lt3A_274 : i1 to i32
      %cond3A_276 = arith.constant 0 : i32
      %cond3A_277 = arith.cmpi ne, %convert_element_type3A_275, %cond3A_276 : i32
      scf.if %cond3A_277 {
        %add3A_278 = arith.constant 3 : i32
        %add3A_279 = arith.addi %mul3A_219, %add3A_278 : i32
        %dma_start3A_280 = arith.constant 0 : i32
        %dma_start3A_281 = arith.constant 0 : i32
        %dma_start3A_282 = arith.constant 0 : i32
        %dma_start3A_283 = tpu.memref_slice %arg7[%dma_start3A_281, %dma_start3A_282] : memref<128x128xf32, #tpu.memory_space<vmem>> -> memref<64x128xf32, #tpu.memory_space<vmem>>
        %dma_start3A_284 = arith.constant 0 : i32
        %dma_start3A_285 = tpu.memref_slice %arg5[%dma_start3A_280, %add3A_279, %dma_start3A_284] : memref<2x40x128xi32, #tpu.memory_space<vmem>> -> memref<1x1x64xi32, #tpu.memory_space<vmem>>
        %dma_start3A_286 = tpu.memref_squeeze %dma_start3A_285 : memref<1x1x64xi32, #tpu.memory_space<vmem>> -> memref<64xi32, #tpu.memory_space<vmem>>
        %dma_start3A_287 = arith.constant 0 : i32
        %dma_start3A_288 = arith.constant 0 : i32
        %dma_start3A_289 = tpu.memref_slice %arg2[%dma_start3A_287, %dma_start3A_288] : memref<10000x128xf32, #tpu.memory_space<hbm>> -> memref<10000x128xf32, #tpu.memory_space<hbm>>
        tpu.enqueue_indirect_dma source(%dma_start3A_289 : memref<10000x128xf32, #tpu.memory_space<hbm>>) target(%dma_start3A_283 : memref<64x128xf32, #tpu.memory_space<vmem>>) offsets(%dma_start3A_286 : memref<64xi32, #tpu.memory_space<vmem>>) semaphore(%arg11 : memref<!tpu.dma_semaphore, #tpu.memory_space<semaphore_mem>>)
        %dma_start3A_290 = arith.constant 0 : i32
        %dma_start3A_291 = arith.constant 64 : i32
        %dma_start3A_292 = arith.constant 0 : i32
        %dma_start3A_293 = tpu.memref_slice %arg7[%dma_start3A_291, %dma_start3A_292] : memref<128x128xf32, #tpu.memory_space<vmem>> -> memref<64x128xf32, #tpu.memory_space<vmem>>
        %dma_start3A_294 = arith.constant 64 : i32
        %dma_start3A_295 = tpu.memref_slice %arg5[%dma_start3A_290, %add3A_279, %dma_start3A_294] : memref<2x40x128xi32, #tpu.memory_space<vmem>> -> memref<1x1x64xi32, #tpu.memory_space<vmem>>
        %dma_start3A_296 = tpu.memref_squeeze %dma_start3A_295 : memref<1x1x64xi32, #tpu.memory_space<vmem>> -> memref<64xi32, #tpu.memory_space<vmem>>
        %dma_start3A_297 = arith.constant 0 : i32
        %dma_start3A_298 = arith.constant 0 : i32
        %dma_start3A_299 = tpu.memref_slice %arg2[%dma_start3A_297, %dma_start3A_298] : memref<10000x128xf32, #tpu.memory_space<hbm>> -> memref<10000x128xf32, #tpu.memory_space<hbm>>
        tpu.enqueue_indirect_dma source(%dma_start3A_299 : memref<10000x128xf32, #tpu.memory_space<hbm>>) target(%dma_start3A_293 : memref<64x128xf32, #tpu.memory_space<vmem>>) offsets(%dma_start3A_296 : memref<64xi32, #tpu.memory_space<vmem>>) semaphore(%arg12 : memref<!tpu.dma_semaphore, #tpu.memory_space<semaphore_mem>>)
      } else {
      }
    }
    %while3A_205 = arith.constant 1 : i32
    scf.for %while3A_217 = %while3A_203 to %while3A_199 step %while3A_205  : i32 {
      %mul3A_218 = arith.constant 2 : i32
      %mul3A_219 = arith.muli %mul3A_218, %while3A_217 : i32
      %dma_wait3A = arith.constant 0 : i32
      %dma_wait3A_220 = arith.constant 0 : i32
      %dma_wait3A_221 = arith.constant 0 : i32
      %dma_wait3A_222 = arith.constant 0 : i32
      %dma_wait3A_223 = tpu.memref_slice %arg6[%dma_wait3A_221, %dma_wait3A_222] : memref<128x128xf32, #tpu.memory_space<vmem>> -> memref<64x128xf32, #tpu.memory_space<vmem>>
      %dma_wait3A_224 = arith.constant 0 : i32
      %dma_wait3A_225 = tpu.memref_slice %arg5[%dma_wait3A, %dma_wait3A_220, %dma_wait3A_224] : memref<2x40x128xi32, #tpu.memory_space<vmem>> -> memref<1x1x64xi32, #tpu.memory_space<vmem>>
      %dma_wait3A_226 = tpu.memref_squeeze %dma_wait3A_225 : memref<1x1x64xi32, #tpu.memory_space<vmem>> -> memref<64xi32, #tpu.memory_space<vmem>>
      %dma_wait3A_227 = arith.constant 0 : i32
      %dma_wait3A_228 = arith.constant 0 : i32
      %dma_wait3A_229 = tpu.memref_slice %arg2[%dma_wait3A_227, %dma_wait3A_228] : memref<10000x128xf32, #tpu.memory_space<hbm>> -> memref<10000x128xf32, #tpu.memory_space<hbm>>
      tpu.wait_indirect_dma semaphore(%arg9 : memref<!tpu.dma_semaphore, #tpu.memory_space<semaphore_mem>>) src(%dma_wait3A_229 : memref<10000x128xf32, #tpu.memory_space<hbm>>) dst(%dma_wait3A_223 : memref<64x128xf32, #tpu.memory_space<vmem>>)
      %dma_wait3A_230 = arith.constant 0 : i32
      %dma_wait3A_231 = arith.constant 0 : i32
      %dma_wait3A_232 = arith.constant 64 : i32
      %dma_wait3A_233 = arith.constant 0 : i32
      %dma_wait3A_234 = tpu.memref_slice %arg6[%dma_wait3A_232, %dma_wait3A_233] : memref<128x128xf32, #tpu.memory_space<vmem>> -> memref<64x128xf32, #tpu.memory_space<vmem>>
      %dma_wait3A_235 = arith.constant 0 : i32
      %dma_wait3A_236 = tpu.memref_slice %arg5[%dma_wait3A_230, %dma_wait3A_231, %dma_wait3A_235] : memref<2x40x128xi32, #tpu.memory_space<vmem>> -> memref<1x1x64xi32, #tpu.memory_space<vmem>>
      %dma_wait3A_237 = tpu.memref_squeeze %dma_wait3A_236 : memref<1x1x64xi32, #tpu.memory_space<vmem>> -> memref<64xi32, #tpu.memory_space<vmem>>
      %dma_wait3A_238 = arith.constant 0 : i32
      %dma_wait3A_239 = arith.constant 0 : i32
      %dma_wait3A_240 = tpu.memref_slice %arg2[%dma_wait3A_238, %dma_wait3A_239] : memref<10000x128xf32, #tpu.memory_space<hbm>> -> memref<10000x128xf32, #tpu.memory_space<hbm>>
      tpu.wait_indirect_dma semaphore(%arg10 : memref<!tpu.dma_semaphore, #tpu.memory_space<semaphore_mem>>) src(%dma_wait3A_240 : memref<10000x128xf32, #tpu.memory_space<hbm>>) dst(%dma_wait3A_234 : memref<64x128xf32, #tpu.memory_space<vmem>>)
      %run_scoped3A = arith.constant 1 : i32
      "tpu.region"() ({
        %run_scoped3A_278 = tpu.sem_alloc : memref<!tpu.dma_semaphore, #tpu.memory_space<semaphore_mem>>
        %dma_start3A_279 = arith.constant 0 : i32
        %dma_start3A_280 = tpu.memref_slice %arg5[%run_scoped3A, %mul3A_219, %dma_start3A_279] : memref<2x40x128xi32, #tpu.memory_space<vmem>> -> memref<1x1x128xi32, #tpu.memory_space<vmem>>
        %dma_start3A_281 = tpu.memref_squeeze %dma_start3A_280 : memref<1x1x128xi32, #tpu.memory_space<vmem>> -> memref<128xi32, #tpu.memory_space<vmem>>
        %dma_start3A_282 = arith.constant 0 : i32
        %dma_start3A_283 = arith.constant 0 : i32
        %dma_start3A_284 = tpu.memref_slice %arg8[%dma_start3A_282, %dma_start3A_283] : memref<10240x128xf32, #tpu.memory_space<vmem_shared>> -> memref<10240x128xf32, #tpu.memory_space<vmem_shared>>
        tpu.enqueue_indirect_dma source(%arg6 : memref<128x128xf32, #tpu.memory_space<vmem>>) target(%dma_start3A_284 : memref<10240x128xf32, #tpu.memory_space<vmem_shared>>) offsets(%dma_start3A_281 : memref<128xi32, #tpu.memory_space<vmem>>) semaphore(%run_scoped3A_278 : memref<!tpu.dma_semaphore, #tpu.memory_space<semaphore_mem>>) {add = true}
        %dma_wait3A_285 = arith.constant 0 : i32
        %dma_wait3A_286 = tpu.memref_slice %arg5[%run_scoped3A, %mul3A_219, %dma_wait3A_285] : memref<2x40x128xi32, #tpu.memory_space<vmem>> -> memref<1x1x128xi32, #tpu.memory_space<vmem>>
        %dma_wait3A_287 = tpu.memref_squeeze %dma_wait3A_286 : memref<1x1x128xi32, #tpu.memory_space<vmem>> -> memref<128xi32, #tpu.memory_space<vmem>>
        %dma_wait3A_288 = arith.constant 0 : i32
        %dma_wait3A_289 = arith.constant 0 : i32
        %dma_wait3A_290 = tpu.memref_slice %arg8[%dma_wait3A_288, %dma_wait3A_289] : memref<10240x128xf32, #tpu.memory_space<vmem_shared>> -> memref<10240x128xf32, #tpu.memory_space<vmem_shared>>
        tpu.wait_indirect_dma semaphore(%run_scoped3A_278 : memref<!tpu.dma_semaphore, #tpu.memory_space<semaphore_mem>>) src(%arg6 : memref<128x128xf32, #tpu.memory_space<vmem>>) dst(%dma_wait3A_290 : memref<10240x128xf32, #tpu.memory_space<vmem_shared>>)
        tpu.yield
      }) : () -> ()
      %add3A_241 = arith.constant 2 : i32
      %add3A_242 = arith.addi %mul3A_219, %add3A_241 : i32
      %lt3A_243 = arith.cmpi slt, %add3A_242, %sub3A_117 : i32
      %convert_element_type3A_244 = arith.extui %lt3A_243 : i1 to i32
      %cond3A_245 = arith.constant 0 : i32
      %cond3A_246 = arith.cmpi ne, %convert_element_type3A_244, %cond3A_245 : i32
      scf.if %cond3A_246 {
        %add3A_278 = arith.constant 2 : i32
        %add3A_279 = arith.addi %mul3A_219, %add3A_278 : i32
        %dma_start3A_280 = arith.constant 0 : i32
        %dma_start3A_281 = arith.constant 0 : i32
        %dma_start3A_282 = arith.constant 0 : i32
        %dma_start3A_283 = tpu.memref_slice %arg6[%dma_start3A_281, %dma_start3A_282] : memref<128x128xf32, #tpu.memory_space<vmem>> -> memref<64x128xf32, #tpu.memory_space<vmem>>
        %dma_start3A_284 = arith.constant 0 : i32
        %dma_start3A_285 = tpu.memref_slice %arg5[%dma_start3A_280, %add3A_279, %dma_start3A_284] : memref<2x40x128xi32, #tpu.memory_space<vmem>> -> memref<1x1x64xi32, #tpu.memory_space<vmem>>
        %dma_start3A_286 = tpu.memref_squeeze %dma_start3A_285 : memref<1x1x64xi32, #tpu.memory_space<vmem>> -> memref<64xi32, #tpu.memory_space<vmem>>
        %dma_start3A_287 = arith.constant 0 : i32
        %dma_start3A_288 = arith.constant 0 : i32
        %dma_start3A_289 = tpu.memref_slice %arg2[%dma_start3A_287, %dma_start3A_288] : memref<10000x128xf32, #tpu.memory_space<hbm>> -> memref<10000x128xf32, #tpu.memory_space<hbm>>
        tpu.enqueue_indirect_dma source(%dma_start3A_289 : memref<10000x128xf32, #tpu.memory_space<hbm>>) target(%dma_start3A_283 : memref<64x128xf32, #tpu.memory_space<vmem>>) offsets(%dma_start3A_286 : memref<64xi32, #tpu.memory_space<vmem>>) semaphore(%arg9 : memref<!tpu.dma_semaphore, #tpu.memory_space<semaphore_mem>>)
        %dma_start3A_290 = arith.constant 0 : i32
        %dma_start3A_291 = arith.constant 64 : i32
        %dma_start3A_292 = arith.constant 0 : i32
        %dma_start3A_293 = tpu.memref_slice %arg6[%dma_start3A_291, %dma_start3A_292] : memref<128x128xf32, #tpu.memory_space<vmem>> -> memref<64x128xf32, #tpu.memory_space<vmem>>
        %dma_start3A_294 = arith.constant 64 : i32
        %dma_start3A_295 = tpu.memref_slice %arg5[%dma_start3A_290, %add3A_279, %dma_start3A_294] : memref<2x40x128xi32, #tpu.memory_space<vmem>> -> memref<1x1x64xi32, #tpu.memory_space<vmem>>
        %dma_start3A_296 = tpu.memref_squeeze %dma_start3A_295 : memref<1x1x64xi32, #tpu.memory_space<vmem>> -> memref<64xi32, #tpu.memory_space<vmem>>
        %dma_start3A_297 = arith.constant 0 : i32
        %dma_start3A_298 = arith.constant 0 : i32
        %dma_start3A_299 = tpu.memref_slice %arg2[%dma_start3A_297, %dma_start3A_298] : memref<10000x128xf32, #tpu.memory_space<hbm>> -> memref<10000x128xf32, #tpu.memory_space<hbm>>
        tpu.enqueue_indirect_dma source(%dma_start3A_299 : memref<10000x128xf32, #tpu.memory_space<hbm>>) target(%dma_start3A_293 : memref<64x128xf32, #tpu.memory_space<vmem>>) offsets(%dma_start3A_296 : memref<64xi32, #tpu.memory_space<vmem>>) semaphore(%arg10 : memref<!tpu.dma_semaphore, #tpu.memory_space<semaphore_mem>>)
      } else {
      }
      %dma_wait3A_247 = arith.constant 0 : i32
      %dma_wait3A_248 = arith.constant 0 : i32
      %dma_wait3A_249 = arith.constant 0 : i32
      %dma_wait3A_250 = arith.constant 0 : i32
      %dma_wait3A_251 = tpu.memref_slice %arg7[%dma_wait3A_249, %dma_wait3A_250] : memref<128x128xf32, #tpu.memory_space<vmem>> -> memref<64x128xf32, #tpu.memory_space<vmem>>
      %dma_wait3A_252 = arith.constant 0 : i32
      %dma_wait3A_253 = tpu.memref_slice %arg5[%dma_wait3A_247, %dma_wait3A_248, %dma_wait3A_252] : memref<2x40x128xi32, #tpu.memory_space<vmem>> -> memref<1x1x64xi32, #tpu.memory_space<vmem>>
      %dma_wait3A_254 = tpu.memref_squeeze %dma_wait3A_253 : memref<1x1x64xi32, #tpu.memory_space<vmem>> -> memref<64xi32, #tpu.memory_space<vmem>>
      %dma_wait3A_255 = arith.constant 0 : i32
      %dma_wait3A_256 = arith.constant 0 : i32
      %dma_wait3A_257 = tpu.memref_slice %arg2[%dma_wait3A_255, %dma_wait3A_256] : memref<10000x128xf32, #tpu.memory_space<hbm>> -> memref<10000x128xf32, #tpu.memory_space<hbm>>
      tpu.wait_indirect_dma semaphore(%arg11 : memref<!tpu.dma_semaphore, #tpu.memory_space<semaphore_mem>>) src(%dma_wait3A_257 : memref<10000x128xf32, #tpu.memory_space<hbm>>) dst(%dma_wait3A_251 : memref<64x128xf32, #tpu.memory_space<vmem>>)
      %dma_wait3A_258 = arith.constant 0 : i32
      %dma_wait3A_259 = arith.constant 0 : i32
      %dma_wait3A_260 = arith.constant 64 : i32
      %dma_wait3A_261 = arith.constant 0 : i32
      %dma_wait3A_262 = tpu.memref_slice %arg7[%dma_wait3A_260, %dma_wait3A_261] : memref<128x128xf32, #tpu.memory_space<vmem>> -> memref<64x128xf32, #tpu.memory_space<vmem>>
      %dma_wait3A_263 = arith.constant 0 : i32
      %dma_wait3A_264 = tpu.memref_slice %arg5[%dma_wait3A_258, %dma_wait3A_259, %dma_wait3A_263] : memref<2x40x128xi32, #tpu.memory_space<vmem>> -> memref<1x1x64xi32, #tpu.memory_space<vmem>>
      %dma_wait3A_265 = tpu.memref_squeeze %dma_wait3A_264 : memref<1x1x64xi32, #tpu.memory_space<vmem>> -> memref<64xi32, #tpu.memory_space<vmem>>
      %dma_wait3A_266 = arith.constant 0 : i32
      %dma_wait3A_267 = arith.constant 0 : i32
      %dma_wait3A_268 = tpu.memref_slice %arg2[%dma_wait3A_266, %dma_wait3A_267] : memref<10000x128xf32, #tpu.memory_space<hbm>> -> memref<10000x128xf32, #tpu.memory_space<hbm>>
      tpu.wait_indirect_dma semaphore(%arg12 : memref<!tpu.dma_semaphore, #tpu.memory_space<semaphore_mem>>) src(%dma_wait3A_268 : memref<10000x128xf32, #tpu.memory_space<hbm>>) dst(%dma_wait3A_262 : memref<64x128xf32, #tpu.memory_space<vmem>>)
      %add3A_269 = arith.constant 1 : i32
      %add3A_270 = arith.addi %mul3A_219, %add3A_269 : i32
      %run_scoped3A_271 = arith.constant 1 : i32
      "tpu.region"() ({
        %run_scoped3A_278 = tpu.sem_alloc : memref<!tpu.dma_semaphore, #tpu.memory_space<semaphore_mem>>
        %dma_start3A_279 = arith.constant 0 : i32
        %dma_start3A_280 = tpu.memref_slice %arg5[%run_scoped3A_271, %add3A_270, %dma_start3A_279] : memref<2x40x128xi32, #tpu.memory_space<vmem>> -> memref<1x1x128xi32, #tpu.memory_space<vmem>>
        %dma_start3A_281 = tpu.memref_squeeze %dma_start3A_280 : memref<1x1x128xi32, #tpu.memory_space<vmem>> -> memref<128xi32, #tpu.memory_space<vmem>>
        %dma_start3A_282 = arith.constant 0 : i32
        %dma_start3A_283 = arith.constant 0 : i32
        %dma_start3A_284 = tpu.memref_slice %arg8[%dma_start3A_282, %dma_start3A_283] : memref<10240x128xf32, #tpu.memory_space<vmem_shared>> -> memref<10240x128xf32, #tpu.memory_space<vmem_shared>>
        tpu.enqueue_indirect_dma source(%arg7 : memref<128x128xf32, #tpu.memory_space<vmem>>) target(%dma_start3A_284 : memref<10240x128xf32, #tpu.memory_space<vmem_shared>>) offsets(%dma_start3A_281 : memref<128xi32, #tpu.memory_space<vmem>>) semaphore(%run_scoped3A_278 : memref<!tpu.dma_semaphore, #tpu.memory_space<semaphore_mem>>) {add = true}
        %dma_wait3A_285 = arith.constant 0 : i32
        %dma_wait3A_286 = tpu.memref_slice %arg5[%run_scoped3A_271, %add3A_270, %dma_wait3A_285] : memref<2x40x128xi32, #tpu.memory_space<vmem>> -> memref<1x1x128xi32, #tpu.memory_space<vmem>>
        %dma_wait3A_287 = tpu.memref_squeeze %dma_wait3A_286 : memref<1x1x128xi32, #tpu.memory_space<vmem>> -> memref<128xi32, #tpu.memory_space<vmem>>
        %dma_wait3A_288 = arith.constant 0 : i32
        %dma_wait3A_289 = arith.constant 0 : i32
        %dma_wait3A_290 = tpu.memref_slice %arg8[%dma_wait3A_288, %dma_wait3A_289] : memref<10240x128xf32, #tpu.memory_space<vmem_shared>> -> memref<10240x128xf32, #tpu.memory_space<vmem_shared>>
        tpu.wait_indirect_dma semaphore(%run_scoped3A_278 : memref<!tpu.dma_semaphore, #tpu.memory_space<semaphore_mem>>) src(%arg7 : memref<128x128xf32, #tpu.memory_space<vmem>>) dst(%dma_wait3A_290 : memref<10240x128xf32, #tpu.memory_space<vmem_shared>>)
        tpu.yield
      }) : () -> ()
      %add3A_272 = arith.constant 3 : i32
      %add3A_273 = arith.addi %mul3A_219, %add3A_272 : i32
      %lt3A_274 = arith.cmpi slt, %add3A_273, %sub3A_117 : i32
      %convert_element_type3A_275 = arith.extui %lt3A_274 : i1 to i32
      %cond3A_276 = arith.constant 0 : i32
      %cond3A_277 = arith.cmpi ne, %convert_element_type3A_275, %cond3A_276 : i32
      scf.if %cond3A_277 {
        %add3A_278 = arith.constant 3 : i32
        %add3A_279 = arith.addi %mul3A_219, %add3A_278 : i32
        %dma_start3A_280 = arith.constant 0 : i32
        %dma_start3A_281 = arith.constant 0 : i32
        %dma_start3A_282 = arith.constant 0 : i32
        %dma_start3A_283 = tpu.memref_slice %arg7[%dma_start3A_281, %dma_start3A_282] : memref<128x128xf32, #tpu.memory_space<vmem>> -> memref<64x128xf32, #tpu.memory_space<vmem>>
        %dma_start3A_284 = arith.constant 0 : i32
        %dma_start3A_285 = tpu.memref_slice %arg5[%dma_start3A_280, %add3A_279, %dma_start3A_284] : memref<2x40x128xi32, #tpu.memory_space<vmem>> -> memref<1x1x64xi32, #tpu.memory_space<vmem>>
        %dma_start3A_286 = tpu.memref_squeeze %dma_start3A_285 : memref<1x1x64xi32, #tpu.memory_space<vmem>> -> memref<64xi32, #tpu.memory_space<vmem>>
        %dma_start3A_287 = arith.constant 0 : i32
        %dma_start3A_288 = arith.constant 0 : i32
        %dma_start3A_289 = tpu.memref_slice %arg2[%dma_start3A_287, %dma_start3A_288] : memref<10000x128xf32, #tpu.memory_space<hbm>> -> memref<10000x128xf32, #tpu.memory_space<hbm>>
        tpu.enqueue_indirect_dma source(%dma_start3A_289 : memref<10000x128xf32, #tpu.memory_space<hbm>>) target(%dma_start3A_283 : memref<64x128xf32, #tpu.memory_space<vmem>>) offsets(%dma_start3A_286 : memref<64xi32, #tpu.memory_space<vmem>>) semaphore(%arg11 : memref<!tpu.dma_semaphore, #tpu.memory_space<semaphore_mem>>)
        %dma_start3A_290 = arith.constant 0 : i32
        %dma_start3A_291 = arith.constant 64 : i32
        %dma_start3A_292 = arith.constant 0 : i32
        %dma_start3A_293 = tpu.memref_slice %arg7[%dma_start3A_291, %dma_start3A_292] : memref<128x128xf32, #tpu.memory_space<vmem>> -> memref<64x128xf32, #tpu.memory_space<vmem>>
        %dma_start3A_294 = arith.constant 64 : i32
        %dma_start3A_295 = tpu.memref_slice %arg5[%dma_start3A_290, %add3A_279, %dma_start3A_294] : memref<2x40x128xi32, #tpu.memory_space<vmem>> -> memref<1x1x64xi32, #tpu.memory_space<vmem>>
        %dma_start3A_296 = tpu.memref_squeeze %dma_start3A_295 : memref<1x1x64xi32, #tpu.memory_space<vmem>> -> memref<64xi32, #tpu.memory_space<vmem>>
        %dma_start3A_297 = arith.constant 0 : i32
        %dma_start3A_298 = arith.constant 0 : i32
        %dma_start3A_299 = tpu.memref_slice %arg2[%dma_start3A_297, %dma_start3A_298] : memref<10000x128xf32, #tpu.memory_space<hbm>> -> memref<10000x128xf32, #tpu.memory_space<hbm>>
        tpu.enqueue_indirect_dma source(%dma_start3A_299 : memref<10000x128xf32, #tpu.memory_space<hbm>>) target(%dma_start3A_293 : memref<64x128xf32, #tpu.memory_space<vmem>>) offsets(%dma_start3A_296 : memref<64xi32, #tpu.memory_space<vmem>>) semaphore(%arg12 : memref<!tpu.dma_semaphore, #tpu.memory_space<semaphore_mem>>)
      } else {
      }
    }
    %barrier3A_206 = arith.constant 0 : index
    tpu.barrier barrier_id(%barrier3A_206)
    %lt3A_207 = arith.constant 15 : i32
    %lt3A_208 = arith.cmpi slt, %arg1, %lt3A_207 : i32
    %convert_element_type3A_209 = arith.extui %lt3A_208 : i1 to i32
    %cond3A_210 = arith.constant 0 : i32
    %cond3A_211 = arith.cmpi ne, %convert_element_type3A_209, %cond3A_210 : i32
    scf.if %cond3A_211 {
      "tpu.region"() ({
        %run_scoped3A = tpu.sem_alloc : memref<!tpu.dma_semaphore, #tpu.memory_space<semaphore_mem>>
        %dma_start3A_217 = arith.constant 0 : i32
        %dma_start3A_218 = tpu.memref_slice %arg4[%arg0, %mul3A_21, %dma_start3A_217] : memref<2x10000x128xf32, #tpu.memory_space<hbm>> -> memref<1x640x128xf32, #tpu.memory_space<hbm>>
        %dma_start3A_219 = tpu.memref_squeeze %dma_start3A_218 : memref<1x640x128xf32, #tpu.memory_space<hbm>> -> memref<640x128xf32, #tpu.memory_space<hbm>>
        %dma_start3A_220 = arith.constant 0 : i32
        %dma_start3A_221 = tpu.memref_slice %arg8[%mul3A_21, %dma_start3A_220] : memref<10240x128xf32, #tpu.memory_space<vmem_shared>> -> memref<640x128xf32, #tpu.memory_space<vmem_shared>>
        tpu.enqueue_dma source(%dma_start3A_221 : memref<640x128xf32, #tpu.memory_space<vmem_shared>>) target(%dma_start3A_219 : memref<640x128xf32, #tpu.memory_space<hbm>>) target_semaphore(%run_scoped3A : memref<!tpu.dma_semaphore, #tpu.memory_space<semaphore_mem>>)
        %dma_wait3A = arith.constant 0 : i32
        %dma_wait3A_222 = tpu.memref_slice %arg4[%arg0, %mul3A_21, %dma_wait3A] : memref<2x10000x128xf32, #tpu.memory_space<hbm>> -> memref<1x640x128xf32, #tpu.memory_space<hbm>>
        %dma_wait3A_223 = tpu.memref_squeeze %dma_wait3A_222 : memref<1x640x128xf32, #tpu.memory_space<hbm>> -> memref<640x128xf32, #tpu.memory_space<hbm>>
        %dma_wait3A_224 = arith.constant 0 : i32
        %dma_wait3A_225 = tpu.memref_slice %arg8[%mul3A_21, %dma_wait3A_224] : memref<10240x128xf32, #tpu.memory_space<vmem_shared>> -> memref<640x128xf32, #tpu.memory_space<vmem_shared>>
        tpu.wait_dma2 semaphore(%run_scoped3A : memref<!tpu.dma_semaphore, #tpu.memory_space<semaphore_mem>>) src(%dma_wait3A_225 : memref<640x128xf32, #tpu.memory_space<vmem_shared>>) dst(%dma_wait3A_223 : memref<640x128xf32, #tpu.memory_space<hbm>>)
        tpu.yield
      }) : () -> ()
    } else {
    }
    %eq3A_212 = arith.constant 15 : i32
    %eq3A_213 = arith.cmpi eq, %arg1, %eq3A_212 : i32
    %convert_element_type3A_214 = arith.extui %eq3A_213 : i1 to i32
    %cond3A_215 = arith.constant 0 : i32
    %cond3A_216 = arith.cmpi ne, %convert_element_type3A_214, %cond3A_215 : i32
    scf.if %cond3A_216 {
      "tpu.region"() ({
        %run_scoped3A = tpu.sem_alloc : memref<!tpu.dma_semaphore, #tpu.memory_space<semaphore_mem>>
        %dma_start3A_217 = arith.constant 9600 : i32
        %dma_start3A_218 = arith.constant 0 : i32
        %dma_start3A_219 = tpu.memref_slice %arg4[%arg0, %dma_start3A_217, %dma_start3A_218] : memref<2x10000x128xf32, #tpu.memory_space<hbm>> -> memref<1x400x128xf32, #tpu.memory_space<hbm>>
        %dma_start3A_220 = tpu.memref_squeeze %dma_start3A_219 : memref<1x400x128xf32, #tpu.memory_space<hbm>> -> memref<400x128xf32, #tpu.memory_space<hbm>>
        %dma_start3A_221 = arith.constant 9600 : i32
        %dma_start3A_222 = arith.constant 0 : i32
        %dma_start3A_223 = tpu.memref_slice %arg8[%dma_start3A_221, %dma_start3A_222] : memref<10240x128xf32, #tpu.memory_space<vmem_shared>> -> memref<400x128xf32, #tpu.memory_space<vmem_shared>>
        tpu.enqueue_dma source(%dma_start3A_223 : memref<400x128xf32, #tpu.memory_space<vmem_shared>>) target(%dma_start3A_220 : memref<400x128xf32, #tpu.memory_space<hbm>>) target_semaphore(%run_scoped3A : memref<!tpu.dma_semaphore, #tpu.memory_space<semaphore_mem>>)
        %dma_wait3A = arith.constant 9600 : i32
        %dma_wait3A_224 = arith.constant 0 : i32
        %dma_wait3A_225 = tpu.memref_slice %arg4[%arg0, %dma_wait3A, %dma_wait3A_224] : memref<2x10000x128xf32, #tpu.memory_space<hbm>> -> memref<1x400x128xf32, #tpu.memory_space<hbm>>
        %dma_wait3A_226 = tpu.memref_squeeze %dma_wait3A_225 : memref<1x400x128xf32, #tpu.memory_space<hbm>> -> memref<400x128xf32, #tpu.memory_space<hbm>>
        %dma_wait3A_227 = arith.constant 9600 : i32
        %dma_wait3A_228 = arith.constant 0 : i32
        %dma_wait3A_229 = tpu.memref_slice %arg8[%dma_wait3A_227, %dma_wait3A_228] : memref<10240x128xf32, #tpu.memory_space<vmem_shared>> -> memref<400x128xf32, #tpu.memory_space<vmem_shared>>
        tpu.wait_dma2 semaphore(%run_scoped3A : memref<!tpu.dma_semaphore, #tpu.memory_space<semaphore_mem>>) src(%dma_wait3A_229 : memref<400x128xf32, #tpu.memory_space<vmem_shared>>) dst(%dma_wait3A_226 : memref<400x128xf32, #tpu.memory_space<hbm>>)
        tpu.yield
      }) : () -> ()
    } else {
    }
    return
  }
}

#map = affine_map<(d0, d1) -> (0, 0)>
#map1 = affine_map<(d0, d1) -> (0, 0, 0)>
module attributes {stable_mosaic.version = 14 : i64} {
  func.func @_prop(%arg0: i32, %arg1: i32, %arg2: memref<10000x128xf32, #tpu.memory_space<hbm>>, %arg3: memref<2x2500x128xi32, #tpu.memory_space<hbm>>, %arg4: memref<2x10000x128xf32, #tpu.memory_space<hbm>>, %arg5: memref<2x40x128xi32, #tpu.memory_space<vmem>>, %arg6: memref<128x128xf32, #tpu.memory_space<vmem>>, %arg7: memref<128x128xf32, #tpu.memory_space<vmem>>, %arg8: memref<10240x128xf32, #tpu.memory_space<vmem_shared>>, %arg9: memref<!tpu.dma_semaphore, #tpu.memory_space<semaphore_mem>>, %arg10: memref<!tpu.dma_semaphore, #tpu.memory_space<semaphore_mem>>, %arg11: memref<!tpu.dma_semaphore, #tpu.memory_space<semaphore_mem>>, %arg12: memref<!tpu.dma_semaphore, #tpu.memory_space<semaphore_mem>>) attributes {dimension_semantics = [#tpu.dimension_semantics<core_parallel>, #tpu.dimension_semantics<subcore_parallel>], iteration_bounds = array<i64: 2, 16>, scalar_prefetch = 0 : i64, scratch_operands = 8 : i64, tpu.core_type = #tpu.core_type<sc_vector_subcore>, window_params = [{transform_indices = #map}, {transform_indices = #map1}, {transform_indices = #map1}]} {
    %mul3A = arith.constant 2 : i32
    %mul3A_0 = arith.muli %arg1, %mul3A : i32
    %add3A = arith.addi %mul3A_0, %arg0 : i32
    %mul3A_1 = arith.constant 80 : i32
    %mul3A_2 = arith.muli %mul3A_1, %add3A : i32
    %sub3A = arith.constant 25 : i32
    %sub3A_3 = arith.subi %add3A, %sub3A : i32
    %max3A = arith.constant 0 : i32
    %max3A_4 = arith.maxsi %max3A, %sub3A_3 : i32
    %mul3A_5 = arith.constant 8 : i32
    %mul3A_6 = arith.muli %mul3A_5, %max3A_4 : i32
    %sub3A_7 = arith.subi %mul3A_2, %mul3A_6 : i32
    %lt3A = arith.constant 25 : i32
    %lt3A_8 = arith.cmpi slt, %add3A, %lt3A : i32
    %lt3A_9 = arith.constant 31 : i32
    %lt3A_10 = arith.cmpi slt, %add3A, %lt3A_9 : i32
    %jit3A = arith.constant 72 : i32
    %jit3A_11 = arith.constant 68 : i32
    %select_n3A = arith.select %lt3A_10, %jit3A, %jit3A_11 : i32
    %jit3A_12 = arith.constant 80 : i32
    %select_n3A_13 = arith.select %lt3A_8, %jit3A_12, %select_n3A : i32
    %broadcast_in_dim3A = arith.constant 0.000000e+00 : f32
    %broadcast_in_dim3A_14 = vector.broadcast %broadcast_in_dim3A : f32 to vector<16xf32>
    %scan3A = arith.constant 0 : i32
    %scan3A_15 = arith.constant 0 : i32
    %scan3A_16 = arith.constant 1024 : i32
    %scan3A_17 = arith.addi %scan3A_15, %scan3A_16 : i32
    %scan3A_18 = arith.constant 1 : i32
    scf.for %scan3A_217 = %scan3A_15 to %scan3A_17 step %scan3A_18  : i32 {
      %jit3A_218 = arith.constant 8 : i32
      %div3A_219 = arith.divsi %scan3A_217, %jit3A_218 : i32
      %sign3A_220 = arith.constant 0 : i32
      %sign3A_221 = arith.cmpi sgt, %scan3A_217, %sign3A_220 : i32
      %sign3A_222 = arith.extui %sign3A_221 : i1 to i32
      %sign3A_223 = arith.constant 0 : i32
      %sign3A_224 = arith.cmpi slt, %scan3A_217, %sign3A_223 : i32
      %sign3A_225 = arith.extui %sign3A_224 : i1 to i32
      %sign3A_226 = arith.subi %sign3A_222, %sign3A_225 : i32
      %sign3A_227 = arith.constant 0 : i32
      %sign3A_228 = arith.cmpi sgt, %jit3A_218, %sign3A_227 : i32
      %sign3A_229 = arith.extui %sign3A_228 : i1 to i32
      %sign3A_230 = arith.constant 0 : i32
      %sign3A_231 = arith.cmpi slt, %jit3A_218, %sign3A_230 : i32
      %sign3A_232 = arith.extui %sign3A_231 : i1 to i32
      %sign3A_233 = arith.subi %sign3A_229, %sign3A_232 : i32
      %ne3A_234 = arith.cmpi ne, %sign3A_226, %sign3A_233 : i32
      %rem3A_235 = arith.remsi %scan3A_217, %jit3A_218 : i32
      %ne3A_236 = arith.constant 0 : i32
      %ne3A_237 = arith.cmpi ne, %rem3A_235, %ne3A_236 : i32
      %and3A_238 = arith.andi %ne3A_234, %ne3A_237 : i1
      %sub3A_239 = arith.constant 1 : i32
      %sub3A_240 = arith.subi %div3A_219, %sub3A_239 : i32
      %select_n3A_241 = arith.select %and3A_238, %sub3A_240, %div3A_219 : i32
      %jit3A_242 = arith.constant 8 : i32
      %eq3A_243 = arith.constant 0 : i32
      %eq3A_244 = arith.cmpi eq, %jit3A_242, %eq3A_243 : i32
      %jit3A_245 = arith.constant 1 : i32
      %select_n3A_246 = arith.select %eq3A_244, %jit3A_245, %jit3A_242 : i32
      %rem3A_247 = arith.remsi %scan3A_217, %select_n3A_246 : i32
      %ne3A_248 = arith.constant 0 : i32
      %ne3A_249 = arith.cmpi ne, %rem3A_247, %ne3A_248 : i32
      %lt3A_250 = arith.constant 0 : i32
      %lt3A_251 = arith.cmpi slt, %rem3A_247, %lt3A_250 : i32
      %lt3A_252 = arith.constant 0 : i32
      %lt3A_253 = arith.cmpi slt, %select_n3A_246, %lt3A_252 : i32
      %ne3A_254 = arith.xori %lt3A_251, %lt3A_253 : i1
      %and3A_255 = arith.andi %ne3A_254, %ne3A_249 : i1
      %add3A_256 = arith.addi %rem3A_247, %select_n3A_246 : i32
      %select_n3A_257 = arith.select %and3A_255, %add3A_256, %rem3A_247 : i32
      %mul3A_258 = arith.constant 16 : i32
      %mul3A_259 = arith.muli %select_n3A_257, %mul3A_258 : i32
      %swap3A = arith.index_cast %select_n3A_241 : i32 to index
      %swap3A_260 = arith.index_cast %mul3A_259 : i32 to index
      %swap3A_261 = tpu.vector_load %arg7[%swap3A, %swap3A_260] {strides = array<i32>} : memref<128x128xf32, #tpu.memory_space<vmem>>, vector<1x16xf32>,
      %swap3A_262 = vector.shape_cast %swap3A_261 : vector<1x16xf32> to vector<16xf32>
      %swap3A_263 = vector.shape_cast %broadcast_in_dim3A_14 : vector<16xf32> to vector<1x16xf32>
      tpu.vector_store %arg7[%swap3A, %swap3A_260], %swap3A_263 {strides = array<i32>} : memref<128x128xf32, #tpu.memory_space<vmem>>, vector<1x16xf32>,
    }
    %scan3A_19 = arith.constant 1024 : i32
    %mul3A_20 = arith.constant 640 : i32
    %mul3A_21 = arith.muli %arg1, %mul3A_20 : i32
    %eq3A = arith.constant 40 : i32
    %eq3A_22 = arith.constant 40 : i32
    %eq3A_23 = arith.cmpi eq, %eq3A, %eq3A_22 : i32
    %convert_element_type3A = arith.extui %eq3A_23 : i1 to i32
    %cond3A = arith.constant 0 : i32
    %cond3A_24 = arith.cmpi ne, %convert_element_type3A, %cond3A : i32
    scf.if %cond3A_24 {
      "tpu.region"() ({
        %run_scoped3A = tpu.sem_alloc : memref<!tpu.dma_semaphore, #tpu.memory_space<semaphore_mem>>
        %dma_start3A_217 = arith.constant 0 : i32
        %dma_start3A_218 = arith.constant 0 : i32
        %dma_start3A_219 = tpu.memref_slice %arg3[%dma_start3A_217, %sub3A_7, %dma_start3A_218] : memref<2x2500x128xi32, #tpu.memory_space<hbm>> -> memref<2x40x128xi32, #tpu.memory_space<hbm>>
        %dma_start3A_220 = arith.constant 0 : i32
        %dma_start3A_221 = arith.constant 0 : i32
        %dma_start3A_222 = tpu.memref_slice %arg3[%dma_start3A_220, %sub3A_7, %dma_start3A_221] : memref<2x2500x128xi32, #tpu.memory_space<hbm>> -> memref<2x40x128xi32, #tpu.memory_space<hbm>>
        tpu.enqueue_dma source(%dma_start3A_222 : memref<2x40x128xi32, #tpu.memory_space<hbm>>) target(%arg5 : memref<2x40x128xi32, #tpu.memory_space<vmem>>) target_semaphore(%run_scoped3A : memref<!tpu.dma_semaphore, #tpu.memory_space<semaphore_mem>>)
        %dma_wait3A = arith.constant 0 : i32
        %dma_wait3A_223 = arith.constant 0 : i32
        %dma_wait3A_224 = tpu.memref_slice %arg3[%dma_wait3A, %sub3A_7, %dma_wait3A_223] : memref<2x2500x128xi32, #tpu.memory_space<hbm>> -> memref<2x40x128xi32, #tpu.memory_space<hbm>>
        %dma_wait3A_225 = arith.constant 0 : i32
        %dma_wait3A_226 = arith.constant 0 : i32
        %dma_wait3A_227 = tpu.memref_slice %arg3[%dma_wait3A_225, %sub3A_7, %dma_wait3A_226] : memref<2x2500x128xi32, #tpu.memory_space<hbm>> -> memref<2x40x128xi32, #tpu.memory_space<hbm>>
        tpu.wait_dma2 semaphore(%run_scoped3A : memref<!tpu.dma_semaphore, #tpu.memory_space<semaphore_mem>>) src(%dma_wait3A_227 : memref<2x40x128xi32, #tpu.memory_space<hbm>>) dst(%arg5 : memref<2x40x128xi32, #tpu.memory_space<vmem>>)
        tpu.yield
      }) : () -> ()
    } else {
    }
    %lt3A_25 = arith.constant 40 : i32
    %lt3A_26 = arith.constant 40 : i32
    %lt3A_27 = arith.cmpi slt, %lt3A_25, %lt3A_26 : i32
    %convert_element_type3A_28 = arith.extui %lt3A_27 : i1 to i32
    %cond3A_29 = arith.constant 0 : i32
    %cond3A_30 = arith.cmpi ne, %convert_element_type3A_28, %cond3A_29 : i32
    scf.if %cond3A_30 {
      "tpu.region"() ({
        %run_scoped3A = tpu.sem_alloc : memref<!tpu.dma_semaphore, #tpu.memory_space<semaphore_mem>>
        %dma_start3A_217 = arith.constant 0 : i32
        %dma_start3A_218 = arith.constant 0 : i32
        %dma_start3A_219 = arith.constant 0 : i32
        %dma_start3A_220 = tpu.memref_slice %arg5[%dma_start3A_217, %dma_start3A_218, %dma_start3A_219] : memref<2x40x128xi32, #tpu.memory_space<vmem>> -> memref<2x32x128xi32, #tpu.memory_space<vmem>>
        %dma_start3A_221 = arith.constant 0 : i32
        %dma_start3A_222 = arith.constant 0 : i32
        %dma_start3A_223 = tpu.memref_slice %arg3[%dma_start3A_221, %sub3A_7, %dma_start3A_222] : memref<2x2500x128xi32, #tpu.memory_space<hbm>> -> memref<2x32x128xi32, #tpu.memory_space<hbm>>
        %dma_start3A_224 = arith.constant 0 : i32
        %dma_start3A_225 = arith.constant 0 : i32
        %dma_start3A_226 = arith.constant 0 : i32
        %dma_start3A_227 = tpu.memref_slice %arg5[%dma_start3A_224, %dma_start3A_225, %dma_start3A_226] : memref<2x40x128xi32, #tpu.memory_space<vmem>> -> memref<2x32x128xi32, #tpu.memory_space<vmem>>
        %dma_start3A_228 = arith.constant 0 : i32
        %dma_start3A_229 = arith.constant 0 : i32
        %dma_start3A_230 = tpu.memref_slice %arg3[%dma_start3A_228, %sub3A_7, %dma_start3A_229] : memref<2x2500x128xi32, #tpu.memory_space<hbm>> -> memref<2x32x128xi32, #tpu.memory_space<hbm>>
        tpu.enqueue_dma source(%dma_start3A_230 : memref<2x32x128xi32, #tpu.memory_space<hbm>>) target(%dma_start3A_227 : memref<2x32x128xi32, #tpu.memory_space<vmem>>) target_semaphore(%run_scoped3A : memref<!tpu.dma_semaphore, #tpu.memory_space<semaphore_mem>>)
        %dma_wait3A = arith.constant 0 : i32
        %dma_wait3A_231 = arith.constant 0 : i32
        %dma_wait3A_232 = arith.constant 0 : i32
        %dma_wait3A_233 = tpu.memref_slice %arg5[%dma_wait3A, %dma_wait3A_231, %dma_wait3A_232] : memref<2x40x128xi32, #tpu.memory_space<vmem>> -> memref<2x32x128xi32, #tpu.memory_space<vmem>>
        %dma_wait3A_234 = arith.constant 0 : i32
        %dma_wait3A_235 = arith.constant 0 : i32
        %dma_wait3A_236 = tpu.memref_slice %arg3[%dma_wait3A_234, %sub3A_7, %dma_wait3A_235] : memref<2x2500x128xi32, #tpu.memory_space<hbm>> -> memref<2x32x128xi32, #tpu.memory_space<hbm>>
        %dma_wait3A_237 = arith.constant 0 : i32
        %dma_wait3A_238 = arith.constant 0 : i32
        %dma_wait3A_239 = arith.constant 0 : i32
        %dma_wait3A_240 = tpu.memref_slice %arg5[%dma_wait3A_237, %dma_wait3A_238, %dma_wait3A_239] : memref<2x40x128xi32, #tpu.memory_space<vmem>> -> memref<2x32x128xi32, #tpu.memory_space<vmem>>
        %dma_wait3A_241 = arith.constant 0 : i32
        %dma_wait3A_242 = arith.constant 0 : i32
        %dma_wait3A_243 = tpu.memref_slice %arg3[%dma_wait3A_241, %sub3A_7, %dma_wait3A_242] : memref<2x2500x128xi32, #tpu.memory_space<hbm>> -> memref<2x32x128xi32, #tpu.memory_space<hbm>>
        tpu.wait_dma2 semaphore(%run_scoped3A : memref<!tpu.dma_semaphore, #tpu.memory_space<semaphore_mem>>) src(%dma_wait3A_243 : memref<2x32x128xi32, #tpu.memory_space<hbm>>) dst(%dma_wait3A_240 : memref<2x32x128xi32, #tpu.memory_space<vmem>>)
        tpu.yield
      }) : () -> ()
    } else {
    }
    %dma_start3A = arith.constant 0 : i32
    %dma_start3A_31 = arith.constant 0 : i32
    %dma_start3A_32 = arith.constant 0 : i32
    %dma_start3A_33 = arith.constant 0 : i32
    %dma_start3A_34 = tpu.memref_slice %arg6[%dma_start3A_32, %dma_start3A_33] : memref<128x128xf32, #tpu.memory_space<vmem>> -> memref<64x128xf32, #tpu.memory_space<vmem>>
    %dma_start3A_35 = arith.constant 0 : i32
    %dma_start3A_36 = tpu.memref_slice %arg5[%dma_start3A, %dma_start3A_31, %dma_start3A_35] : memref<2x40x128xi32, #tpu.memory_space<vmem>> -> memref<1x1x64xi32, #tpu.memory_space<vmem>>
    %dma_start3A_37 = tpu.memref_squeeze %dma_start3A_36 : memref<1x1x64xi32, #tpu.memory_space<vmem>> -> memref<64xi32, #tpu.memory_space<vmem>>
    %dma_start3A_38 = arith.constant 0 : i32
    %dma_start3A_39 = arith.constant 0 : i32
    %dma_start3A_40 = tpu.memref_slice %arg2[%dma_start3A_38, %dma_start3A_39] : memref<10000x128xf32, #tpu.memory_space<hbm>> -> memref<10000x128xf32, #tpu.memory_space<hbm>>
    tpu.enqueue_indirect_dma source(%dma_start3A_40 : memref<10000x128xf32, #tpu.memory_space<hbm>>) target(%dma_start3A_34 : memref<64x128xf32, #tpu.memory_space<vmem>>) offsets(%dma_start3A_37 : memref<64xi32, #tpu.memory_space<vmem>>) semaphore(%arg9 : memref<!tpu.dma_semaphore, #tpu.memory_space<semaphore_mem>>)
    %dma_start3A_41 = arith.constant 0 : i32
    %dma_start3A_42 = arith.constant 0 : i32
    %dma_start3A_43 = arith.constant 64 : i32
    %dma_start3A_44 = arith.constant 0 : i32
    %dma_start3A_45 = tpu.memref_slice %arg6[%dma_start3A_43, %dma_start3A_44] : memref<128x128xf32, #tpu.memory_space<vmem>> -> memref<64x128xf32, #tpu.memory_space<vmem>>
    %dma_start3A_46 = arith.constant 64 : i32
    %dma_start3A_47 = tpu.memref_slice %arg5[%dma_start3A_41, %dma_start3A_42, %dma_start3A_46] : memref<2x40x128xi32, #tpu.memory_space<vmem>> -> memref<1x1x64xi32, #tpu.memory_space<vmem>>
    %dma_start3A_48 = tpu.memref_squeeze %dma_start3A_47 : memref<1x1x64xi32, #tpu.memory_space<vmem>> -> memref<64xi32, #tpu.memory_space<vmem>>
    %dma_start3A_49 = arith.constant 0 : i32
    %dma_start3A_50 = arith.constant 0 : i32
    %dma_start3A_51 = tpu.memref_slice %arg2[%dma_start3A_49, %dma_start3A_50] : memref<10000x128xf32, #tpu.memory_space<hbm>> -> memref<10000x128xf32, #tpu.memory_space<hbm>>
    tpu.enqueue_indirect_dma source(%dma_start3A_51 : memref<10000x128xf32, #tpu.memory_space<hbm>>) target(%dma_start3A_45 : memref<64x128xf32, #tpu.memory_space<vmem>>) offsets(%dma_start3A_48 : memref<64xi32, #tpu.memory_space<vmem>>) semaphore(%arg10 : memref<!tpu.dma_semaphore, #tpu.memory_space<semaphore_mem>>)
    %add3A_52 = arith.constant 0 : i32
    %add3A_53 = arith.addi %mul3A_21, %add3A_52 : i32
    "tpu.region"() ({
      %run_scoped3A = tpu.sem_alloc : memref<!tpu.dma_semaphore, #tpu.memory_space<semaphore_mem>>
      %dma_start3A_217 = arith.constant 0 : i32
      %dma_start3A_218 = tpu.memref_slice %arg8[%add3A_53, %dma_start3A_217] : memref<10240x128xf32, #tpu.memory_space<vmem_shared>> -> memref<128x128xf32, #tpu.memory_space<vmem_shared>>
      %dma_start3A_219 = arith.constant 0 : i32
      %dma_start3A_220 = tpu.memref_slice %arg8[%add3A_53, %dma_start3A_219] : memref<10240x128xf32, #tpu.memory_space<vmem_shared>> -> memref<128x128xf32, #tpu.memory_space<vmem_shared>>
      tpu.enqueue_dma source(%arg7 : memref<128x128xf32, #tpu.memory_space<vmem>>) target(%dma_start3A_220 : memref<128x128xf32, #tpu.memory_space<vmem_shared>>) target_semaphore(%run_scoped3A : memref<!tpu.dma_semaphore, #tpu.memory_space<semaphore_mem>>)
      %dma_wait3A = arith.constant 0 : i32
      %dma_wait3A_221 = tpu.memref_slice %arg8[%add3A_53, %dma_wait3A] : memref<10240x128xf32, #tpu.memory_space<vmem_shared>> -> memref<128x128xf32, #tpu.memory_space<vmem_shared>>
      %dma_wait3A_222 = arith.constant 0 : i32
      %dma_wait3A_223 = tpu.memref_slice %arg8[%add3A_53, %dma_wait3A_222] : memref<10240x128xf32, #tpu.memory_space<vmem_shared>> -> memref<128x128xf32, #tpu.memory_space<vmem_shared>>
      tpu.wait_dma2 semaphore(%run_scoped3A : memref<!tpu.dma_semaphore, #tpu.memory_space<semaphore_mem>>) src(%arg7 : memref<128x128xf32, #tpu.memory_space<vmem>>) dst(%dma_wait3A_223 : memref<128x128xf32, #tpu.memory_space<vmem_shared>>)
      tpu.yield
    }) : () -> ()
    %add3A_54 = arith.constant 128 : i32
    %add3A_55 = arith.addi %mul3A_21, %add3A_54 : i32
    "tpu.region"() ({
      %run_scoped3A = tpu.sem_alloc : memref<!tpu.dma_semaphore, #tpu.memory_space<semaphore_mem>>
      %dma_start3A_217 = arith.constant 0 : i32
      %dma_start3A_218 = tpu.memref_slice %arg8[%add3A_55, %dma_start3A_217] : memref<10240x128xf32, #tpu.memory_space<vmem_shared>> -> memref<128x128xf32, #tpu.memory_space<vmem_shared>>
      %dma_start3A_219 = arith.constant 0 : i32
      %dma_start3A_220 = tpu.memref_slice %arg8[%add3A_55, %dma_start3A_219] : memref<10240x128xf32, #tpu.memory_space<vmem_shared>> -> memref<128x128xf32, #tpu.memory_space<vmem_shared>>
      tpu.enqueue_dma source(%arg7 : memref<128x128xf32, #tpu.memory_space<vmem>>) target(%dma_start3A_220 : memref<128x128xf32, #tpu.memory_space<vmem_shared>>) target_semaphore(%run_scoped3A : memref<!tpu.dma_semaphore, #tpu.memory_space<semaphore_mem>>)
      %dma_wait3A = arith.constant 0 : i32
      %dma_wait3A_221 = tpu.memref_slice %arg8[%add3A_55, %dma_wait3A] : memref<10240x128xf32, #tpu.memory_space<vmem_shared>> -> memref<128x128xf32, #tpu.memory_space<vmem_shared>>
      %dma_wait3A_222 = arith.constant 0 : i32
      %dma_wait3A_223 = tpu.memref_slice %arg8[%add3A_55, %dma_wait3A_222] : memref<10240x128xf32, #tpu.memory_space<vmem_shared>> -> memref<128x128xf32, #tpu.memory_space<vmem_shared>>
      tpu.wait_dma2 semaphore(%run_scoped3A : memref<!tpu.dma_semaphore, #tpu.memory_space<semaphore_mem>>) src(%arg7 : memref<128x128xf32, #tpu.memory_space<vmem>>) dst(%dma_wait3A_223 : memref<128x128xf32, #tpu.memory_space<vmem_shared>>)
      tpu.yield
    }) : () -> ()
    %add3A_56 = arith.constant 256 : i32
    %add3A_57 = arith.addi %mul3A_21, %add3A_56 : i32
    "tpu.region"() ({
      %run_scoped3A = tpu.sem_alloc : memref<!tpu.dma_semaphore, #tpu.memory_space<semaphore_mem>>
      %dma_start3A_217 = arith.constant 0 : i32
      %dma_start3A_218 = tpu.memref_slice %arg8[%add3A_57, %dma_start3A_217] : memref<10240x128xf32, #tpu.memory_space<vmem_shared>> -> memref<128x128xf32, #tpu.memory_space<vmem_shared>>
      %dma_start3A_219 = arith.constant 0 : i32
      %dma_start3A_220 = tpu.memref_slice %arg8[%add3A_57, %dma_start3A_219] : memref<10240x128xf32, #tpu.memory_space<vmem_shared>> -> memref<128x128xf32, #tpu.memory_space<vmem_shared>>
      tpu.enqueue_dma source(%arg7 : memref<128x128xf32, #tpu.memory_space<vmem>>) target(%dma_start3A_220 : memref<128x128xf32, #tpu.memory_space<vmem_shared>>) target_semaphore(%run_scoped3A : memref<!tpu.dma_semaphore, #tpu.memory_space<semaphore_mem>>)
      %dma_wait3A = arith.constant 0 : i32
      %dma_wait3A_221 = tpu.memref_slice %arg8[%add3A_57, %dma_wait3A] : memref<10240x128xf32, #tpu.memory_space<vmem_shared>> -> memref<128x128xf32, #tpu.memory_space<vmem_shared>>
      %dma_wait3A_222 = arith.constant 0 : i32
      %dma_wait3A_223 = tpu.memref_slice %arg8[%add3A_57, %dma_wait3A_222] : memref<10240x128xf32, #tpu.memory_space<vmem_shared>> -> memref<128x128xf32, #tpu.memory_space<vmem_shared>>
      tpu.wait_dma2 semaphore(%run_scoped3A : memref<!tpu.dma_semaphore, #tpu.memory_space<semaphore_mem>>) src(%arg7 : memref<128x128xf32, #tpu.memory_space<vmem>>) dst(%dma_wait3A_223 : memref<128x128xf32, #tpu.memory_space<vmem_shared>>)
      tpu.yield
    }) : () -> ()
    %add3A_58 = arith.constant 384 : i32
    %add3A_59 = arith.addi %mul3A_21, %add3A_58 : i32
    "tpu.region"() ({
      %run_scoped3A = tpu.sem_alloc : memref<!tpu.dma_semaphore, #tpu.memory_space<semaphore_mem>>
      %dma_start3A_217 = arith.constant 0 : i32
      %dma_start3A_218 = tpu.memref_slice %arg8[%add3A_59, %dma_start3A_217] : memref<10240x128xf32, #tpu.memory_space<vmem_shared>> -> memref<128x128xf32, #tpu.memory_space<vmem_shared>>
      %dma_start3A_219 = arith.constant 0 : i32
      %dma_start3A_220 = tpu.memref_slice %arg8[%add3A_59, %dma_start3A_219] : memref<10240x128xf32, #tpu.memory_space<vmem_shared>> -> memref<128x128xf32, #tpu.memory_space<vmem_shared>>
      tpu.enqueue_dma source(%arg7 : memref<128x128xf32, #tpu.memory_space<vmem>>) target(%dma_start3A_220 : memref<128x128xf32, #tpu.memory_space<vmem_shared>>) target_semaphore(%run_scoped3A : memref<!tpu.dma_semaphore, #tpu.memory_space<semaphore_mem>>)
      %dma_wait3A = arith.constant 0 : i32
      %dma_wait3A_221 = tpu.memref_slice %arg8[%add3A_59, %dma_wait3A] : memref<10240x128xf32, #tpu.memory_space<vmem_shared>> -> memref<128x128xf32, #tpu.memory_space<vmem_shared>>
      %dma_wait3A_222 = arith.constant 0 : i32
      %dma_wait3A_223 = tpu.memref_slice %arg8[%add3A_59, %dma_wait3A_222] : memref<10240x128xf32, #tpu.memory_space<vmem_shared>> -> memref<128x128xf32, #tpu.memory_space<vmem_shared>>
      tpu.wait_dma2 semaphore(%run_scoped3A : memref<!tpu.dma_semaphore, #tpu.memory_space<semaphore_mem>>) src(%arg7 : memref<128x128xf32, #tpu.memory_space<vmem>>) dst(%dma_wait3A_223 : memref<128x128xf32, #tpu.memory_space<vmem_shared>>)
      tpu.yield
    }) : () -> ()
    %add3A_60 = arith.constant 512 : i32
    %add3A_61 = arith.addi %mul3A_21, %add3A_60 : i32
    "tpu.region"() ({
      %run_scoped3A = tpu.sem_alloc : memref<!tpu.dma_semaphore, #tpu.memory_space<semaphore_mem>>
      %dma_start3A_217 = arith.constant 0 : i32
      %dma_start3A_218 = tpu.memref_slice %arg8[%add3A_61, %dma_start3A_217] : memref<10240x128xf32, #tpu.memory_space<vmem_shared>> -> memref<128x128xf32, #tpu.memory_space<vmem_shared>>
      %dma_start3A_219 = arith.constant 0 : i32
      %dma_start3A_220 = tpu.memref_slice %arg8[%add3A_61, %dma_start3A_219] : memref<10240x128xf32, #tpu.memory_space<vmem_shared>> -> memref<128x128xf32, #tpu.memory_space<vmem_shared>>
      tpu.enqueue_dma source(%arg7 : memref<128x128xf32, #tpu.memory_space<vmem>>) target(%dma_start3A_220 : memref<128x128xf32, #tpu.memory_space<vmem_shared>>) target_semaphore(%run_scoped3A : memref<!tpu.dma_semaphore, #tpu.memory_space<semaphore_mem>>)
      %dma_wait3A = arith.constant 0 : i32
      %dma_wait3A_221 = tpu.memref_slice %arg8[%add3A_61, %dma_wait3A] : memref<10240x128xf32, #tpu.memory_space<vmem_shared>> -> memref<128x128xf32, #tpu.memory_space<vmem_shared>>
      %dma_wait3A_222 = arith.constant 0 : i32
      %dma_wait3A_223 = tpu.memref_slice %arg8[%add3A_61, %dma_wait3A_222] : memref<10240x128xf32, #tpu.memory_space<vmem_shared>> -> memref<128x128xf32, #tpu.memory_space<vmem_shared>>
      tpu.wait_dma2 semaphore(%run_scoped3A : memref<!tpu.dma_semaphore, #tpu.memory_space<semaphore_mem>>) src(%arg7 : memref<128x128xf32, #tpu.memory_space<vmem>>) dst(%dma_wait3A_223 : memref<128x128xf32, #tpu.memory_space<vmem_shared>>)
      tpu.yield
    }) : () -> ()
    %barrier3A = arith.constant 0 : index
    tpu.barrier barrier_id(%barrier3A)
    %dma_start3A_62 = arith.constant 0 : i32
    %dma_start3A_63 = arith.constant 1 : i32
    %dma_start3A_64 = arith.constant 0 : i32
    %dma_start3A_65 = arith.constant 0 : i32
    %dma_start3A_66 = tpu.memref_slice %arg7[%dma_start3A_64, %dma_start3A_65] : memref<128x128xf32, #tpu.memory_space<vmem>> -> memref<64x128xf32, #tpu.memory_space<vmem>>
    %dma_start3A_67 = arith.constant 0 : i32
    %dma_start3A_68 = tpu.memref_slice %arg5[%dma_start3A_62, %dma_start3A_63, %dma_start3A_67] : memref<2x40x128xi32, #tpu.memory_space<vmem>> -> memref<1x1x64xi32, #tpu.memory_space<vmem>>
    %dma_start3A_69 = tpu.memref_squeeze %dma_start3A_68 : memref<1x1x64xi32, #tpu.memory_space<vmem>> -> memref<64xi32, #tpu.memory_space<vmem>>
    %dma_start3A_70 = arith.constant 0 : i32
    %dma_start3A_71 = arith.constant 0 : i32
    %dma_start3A_72 = tpu.memref_slice %arg2[%dma_start3A_70, %dma_start3A_71] : memref<10000x128xf32, #tpu.memory_space<hbm>> -> memref<10000x128xf32, #tpu.memory_space<hbm>>
    tpu.enqueue_indirect_dma source(%dma_start3A_72 : memref<10000x128xf32, #tpu.memory_space<hbm>>) target(%dma_start3A_66 : memref<64x128xf32, #tpu.memory_space<vmem>>) offsets(%dma_start3A_69 : memref<64xi32, #tpu.memory_space<vmem>>) semaphore(%arg11 : memref<!tpu.dma_semaphore, #tpu.memory_space<semaphore_mem>>)
    %dma_start3A_73 = arith.constant 0 : i32
    %dma_start3A_74 = arith.constant 1 : i32
    %dma_start3A_75 = arith.constant 64 : i32
    %dma_start3A_76 = arith.constant 0 : i32
    %dma_start3A_77 = tpu.memref_slice %arg7[%dma_start3A_75, %dma_start3A_76] : memref<128x128xf32, #tpu.memory_space<vmem>> -> memref<64x128xf32, #tpu.memory_space<vmem>>
    %dma_start3A_78 = arith.constant 64 : i32
    %dma_start3A_79 = tpu.memref_slice %arg5[%dma_start3A_73, %dma_start3A_74, %dma_start3A_78] : memref<2x40x128xi32, #tpu.memory_space<vmem>> -> memref<1x1x64xi32, #tpu.memory_space<vmem>>
    %dma_start3A_80 = tpu.memref_squeeze %dma_start3A_79 : memref<1x1x64xi32, #tpu.memory_space<vmem>> -> memref<64xi32, #tpu.memory_space<vmem>>
    %dma_start3A_81 = arith.constant 0 : i32
    %dma_start3A_82 = arith.constant 0 : i32
    %dma_start3A_83 = tpu.memref_slice %arg2[%dma_start3A_81, %dma_start3A_82] : memref<10000x128xf32, #tpu.memory_space<hbm>> -> memref<10000x128xf32, #tpu.memory_space<hbm>>
    tpu.enqueue_indirect_dma source(%dma_start3A_83 : memref<10000x128xf32, #tpu.memory_space<hbm>>) target(%dma_start3A_77 : memref<64x128xf32, #tpu.memory_space<vmem>>) offsets(%dma_start3A_80 : memref<64xi32, #tpu.memory_space<vmem>>) semaphore(%arg12 : memref<!tpu.dma_semaphore, #tpu.memory_space<semaphore_mem>>)
    %jit3A_84 = arith.constant 40 : i32
    %jit3A_85 = arith.constant 2 : i32
    %div3A = arith.divsi %jit3A_84, %jit3A_85 : i32
    %sign3A = arith.constant 0 : i32
    %sign3A_86 = arith.cmpi sgt, %jit3A_84, %sign3A : i32
    %sign3A_87 = arith.extui %sign3A_86 : i1 to i32
    %sign3A_88 = arith.constant 0 : i32
    %sign3A_89 = arith.cmpi slt, %jit3A_84, %sign3A_88 : i32
    %sign3A_90 = arith.extui %sign3A_89 : i1 to i32
    %sign3A_91 = arith.subi %sign3A_87, %sign3A_90 : i32
    %sign3A_92 = arith.constant 0 : i32
    %sign3A_93 = arith.cmpi sgt, %jit3A_85, %sign3A_92 : i32
    %sign3A_94 = arith.extui %sign3A_93 : i1 to i32
    %sign3A_95 = arith.constant 0 : i32
    %sign3A_96 = arith.cmpi slt, %jit3A_85, %sign3A_95 : i32
    %sign3A_97 = arith.extui %sign3A_96 : i1 to i32
    %sign3A_98 = arith.subi %sign3A_94, %sign3A_97 : i32
    %ne3A = arith.cmpi ne, %sign3A_91, %sign3A_98 : i32
    %rem3A = arith.remsi %jit3A_84, %jit3A_85 : i32
    %ne3A_99 = arith.constant 0 : i32
    %ne3A_100 = arith.cmpi ne, %rem3A, %ne3A_99 : i32
    %and3A = arith.andi %ne3A, %ne3A_100 : i1
    %sub3A_101 = arith.constant 1 : i32
    %sub3A_102 = arith.subi %div3A, %sub3A_101 : i32
    %select_n3A_103 = arith.select %and3A, %sub3A_102, %div3A : i32
    %while3A = arith.constant 0 : i32
    %while3A_104 = arith.constant 40 : i32
    %while3A_105 = arith.constant 0 : i32
    %while3A_106 = arith.subi %select_n3A_103, %while3A_105 : i32
    %while3A_107 = arith.addi %while3A_105, %while3A_106 : i32
    %while3A_108 = arith.constant 1 : i32
    %while3A_109 = arith.divsi %while3A_106, %while3A_108 : i32
    %while3A_110 = arith.muli %while3A_109, %while3A_108 : i32
    %while3A_111 = arith.addi %while3A_105, %while3A_110 : i32
    %while3A_112 = arith.constant 1 : i32
    scf.for %while3A_217 = %while3A_105 to %while3A_111 step %while3A_112  : i32 {
      %mul3A_218 = arith.constant 2 : i32
      %mul3A_219 = arith.muli %mul3A_218, %while3A_217 : i32
      %dma_wait3A = arith.constant 0 : i32
      %dma_wait3A_220 = arith.constant 0 : i32
      %dma_wait3A_221 = arith.constant 0 : i32
      %dma_wait3A_222 = arith.constant 0 : i32
      %dma_wait3A_223 = tpu.memref_slice %arg6[%dma_wait3A_221, %dma_wait3A_222] : memref<128x128xf32, #tpu.memory_space<vmem>> -> memref<64x128xf32, #tpu.memory_space<vmem>>
      %dma_wait3A_224 = arith.constant 0 : i32
      %dma_wait3A_225 = tpu.memref_slice %arg5[%dma_wait3A, %dma_wait3A_220, %dma_wait3A_224] : memref<2x40x128xi32, #tpu.memory_space<vmem>> -> memref<1x1x64xi32, #tpu.memory_space<vmem>>
      %dma_wait3A_226 = tpu.memref_squeeze %dma_wait3A_225 : memref<1x1x64xi32, #tpu.memory_space<vmem>> -> memref<64xi32, #tpu.memory_space<vmem>>
      %dma_wait3A_227 = arith.constant 0 : i32
      %dma_wait3A_228 = arith.constant 0 : i32
      %dma_wait3A_229 = tpu.memref_slice %arg2[%dma_wait3A_227, %dma_wait3A_228] : memref<10000x128xf32, #tpu.memory_space<hbm>> -> memref<10000x128xf32, #tpu.memory_space<hbm>>
      tpu.wait_indirect_dma semaphore(%arg9 : memref<!tpu.dma_semaphore, #tpu.memory_space<semaphore_mem>>) src(%dma_wait3A_229 : memref<10000x128xf32, #tpu.memory_space<hbm>>) dst(%dma_wait3A_223 : memref<64x128xf32, #tpu.memory_space<vmem>>)
      %dma_wait3A_230 = arith.constant 0 : i32
      %dma_wait3A_231 = arith.constant 0 : i32
      %dma_wait3A_232 = arith.constant 64 : i32
      %dma_wait3A_233 = arith.constant 0 : i32
      %dma_wait3A_234 = tpu.memref_slice %arg6[%dma_wait3A_232, %dma_wait3A_233] : memref<128x128xf32, #tpu.memory_space<vmem>> -> memref<64x128xf32, #tpu.memory_space<vmem>>
      %dma_wait3A_235 = arith.constant 0 : i32
      %dma_wait3A_236 = tpu.memref_slice %arg5[%dma_wait3A_230, %dma_wait3A_231, %dma_wait3A_235] : memref<2x40x128xi32, #tpu.memory_space<vmem>> -> memref<1x1x64xi32, #tpu.memory_space<vmem>>
      %dma_wait3A_237 = tpu.memref_squeeze %dma_wait3A_236 : memref<1x1x64xi32, #tpu.memory_space<vmem>> -> memref<64xi32, #tpu.memory_space<vmem>>
      %dma_wait3A_238 = arith.constant 0 : i32
      %dma_wait3A_239 = arith.constant 0 : i32
      %dma_wait3A_240 = tpu.memref_slice %arg2[%dma_wait3A_238, %dma_wait3A_239] : memref<10000x128xf32, #tpu.memory_space<hbm>> -> memref<10000x128xf32, #tpu.memory_space<hbm>>
      tpu.wait_indirect_dma semaphore(%arg10 : memref<!tpu.dma_semaphore, #tpu.memory_space<semaphore_mem>>) src(%dma_wait3A_240 : memref<10000x128xf32, #tpu.memory_space<hbm>>) dst(%dma_wait3A_234 : memref<64x128xf32, #tpu.memory_space<vmem>>)
      %run_scoped3A = arith.constant 1 : i32
      "tpu.region"() ({
        %run_scoped3A_278 = tpu.sem_alloc : memref<!tpu.dma_semaphore, #tpu.memory_space<semaphore_mem>>
        %dma_start3A_279 = arith.constant 0 : i32
        %dma_start3A_280 = tpu.memref_slice %arg5[%run_scoped3A, %mul3A_219, %dma_start3A_279] : memref<2x40x128xi32, #tpu.memory_space<vmem>> -> memref<1x1x128xi32, #tpu.memory_space<vmem>>
        %dma_start3A_281 = tpu.memref_squeeze %dma_start3A_280 : memref<1x1x128xi32, #tpu.memory_space<vmem>> -> memref<128xi32, #tpu.memory_space<vmem>>
        %dma_start3A_282 = arith.constant 0 : i32
        %dma_start3A_283 = arith.constant 0 : i32
        %dma_start3A_284 = tpu.memref_slice %arg8[%dma_start3A_282, %dma_start3A_283] : memref<10240x128xf32, #tpu.memory_space<vmem_shared>> -> memref<10240x128xf32, #tpu.memory_space<vmem_shared>>
        tpu.enqueue_indirect_dma source(%arg6 : memref<128x128xf32, #tpu.memory_space<vmem>>) target(%dma_start3A_284 : memref<10240x128xf32, #tpu.memory_space<vmem_shared>>) offsets(%dma_start3A_281 : memref<128xi32, #tpu.memory_space<vmem>>) semaphore(%run_scoped3A_278 : memref<!tpu.dma_semaphore, #tpu.memory_space<semaphore_mem>>) {add = true}
        %dma_wait3A_285 = arith.constant 0 : i32
        %dma_wait3A_286 = tpu.memref_slice %arg5[%run_scoped3A, %mul3A_219, %dma_wait3A_285] : memref<2x40x128xi32, #tpu.memory_space<vmem>> -> memref<1x1x128xi32, #tpu.memory_space<vmem>>
        %dma_wait3A_287 = tpu.memref_squeeze %dma_wait3A_286 : memref<1x1x128xi32, #tpu.memory_space<vmem>> -> memref<128xi32, #tpu.memory_space<vmem>>
        %dma_wait3A_288 = arith.constant 0 : i32
        %dma_wait3A_289 = arith.constant 0 : i32
        %dma_wait3A_290 = tpu.memref_slice %arg8[%dma_wait3A_288, %dma_wait3A_289] : memref<10240x128xf32, #tpu.memory_space<vmem_shared>> -> memref<10240x128xf32, #tpu.memory_space<vmem_shared>>
        tpu.wait_indirect_dma semaphore(%run_scoped3A_278 : memref<!tpu.dma_semaphore, #tpu.memory_space<semaphore_mem>>) src(%arg6 : memref<128x128xf32, #tpu.memory_space<vmem>>) dst(%dma_wait3A_290 : memref<10240x128xf32, #tpu.memory_space<vmem_shared>>)
        tpu.yield
      }) : () -> ()
      %add3A_241 = arith.constant 2 : i32
      %add3A_242 = arith.addi %mul3A_219, %add3A_241 : i32
      %lt3A_243 = arith.cmpi slt, %add3A_242, %while3A_104 : i32
      %convert_element_type3A_244 = arith.extui %lt3A_243 : i1 to i32
      %cond3A_245 = arith.constant 0 : i32
      %cond3A_246 = arith.cmpi ne, %convert_element_type3A_244, %cond3A_245 : i32
      scf.if %cond3A_246 {
        %add3A_278 = arith.constant 2 : i32
        %add3A_279 = arith.addi %mul3A_219, %add3A_278 : i32
        %dma_start3A_280 = arith.constant 0 : i32
        %dma_start3A_281 = arith.constant 0 : i32
        %dma_start3A_282 = arith.constant 0 : i32
        %dma_start3A_283 = tpu.memref_slice %arg6[%dma_start3A_281, %dma_start3A_282] : memref<128x128xf32, #tpu.memory_space<vmem>> -> memref<64x128xf32, #tpu.memory_space<vmem>>
        %dma_start3A_284 = arith.constant 0 : i32
        %dma_start3A_285 = tpu.memref_slice %arg5[%dma_start3A_280, %add3A_279, %dma_start3A_284] : memref<2x40x128xi32, #tpu.memory_space<vmem>> -> memref<1x1x64xi32, #tpu.memory_space<vmem>>
        %dma_start3A_286 = tpu.memref_squeeze %dma_start3A_285 : memref<1x1x64xi32, #tpu.memory_space<vmem>> -> memref<64xi32, #tpu.memory_space<vmem>>
        %dma_start3A_287 = arith.constant 0 : i32
        %dma_start3A_288 = arith.constant 0 : i32
        %dma_start3A_289 = tpu.memref_slice %arg2[%dma_start3A_287, %dma_start3A_288] : memref<10000x128xf32, #tpu.memory_space<hbm>> -> memref<10000x128xf32, #tpu.memory_space<hbm>>
        tpu.enqueue_indirect_dma source(%dma_start3A_289 : memref<10000x128xf32, #tpu.memory_space<hbm>>) target(%dma_start3A_283 : memref<64x128xf32, #tpu.memory_space<vmem>>) offsets(%dma_start3A_286 : memref<64xi32, #tpu.memory_space<vmem>>) semaphore(%arg9 : memref<!tpu.dma_semaphore, #tpu.memory_space<semaphore_mem>>)
        %dma_start3A_290 = arith.constant 0 : i32
        %dma_start3A_291 = arith.constant 64 : i32
        %dma_start3A_292 = arith.constant 0 : i32
        %dma_start3A_293 = tpu.memref_slice %arg6[%dma_start3A_291, %dma_start3A_292] : memref<128x128xf32, #tpu.memory_space<vmem>> -> memref<64x128xf32, #tpu.memory_space<vmem>>
        %dma_start3A_294 = arith.constant 64 : i32
        %dma_start3A_295 = tpu.memref_slice %arg5[%dma_start3A_290, %add3A_279, %dma_start3A_294] : memref<2x40x128xi32, #tpu.memory_space<vmem>> -> memref<1x1x64xi32, #tpu.memory_space<vmem>>
        %dma_start3A_296 = tpu.memref_squeeze %dma_start3A_295 : memref<1x1x64xi32, #tpu.memory_space<vmem>> -> memref<64xi32, #tpu.memory_space<vmem>>
        %dma_start3A_297 = arith.constant 0 : i32
        %dma_start3A_298 = arith.constant 0 : i32
        %dma_start3A_299 = tpu.memref_slice %arg2[%dma_start3A_297, %dma_start3A_298] : memref<10000x128xf32, #tpu.memory_space<hbm>> -> memref<10000x128xf32, #tpu.memory_space<hbm>>
        tpu.enqueue_indirect_dma source(%dma_start3A_299 : memref<10000x128xf32, #tpu.memory_space<hbm>>) target(%dma_start3A_293 : memref<64x128xf32, #tpu.memory_space<vmem>>) offsets(%dma_start3A_296 : memref<64xi32, #tpu.memory_space<vmem>>) semaphore(%arg10 : memref<!tpu.dma_semaphore, #tpu.memory_space<semaphore_mem>>)
      } else {
      }
      %dma_wait3A_247 = arith.constant 0 : i32
      %dma_wait3A_248 = arith.constant 0 : i32
      %dma_wait3A_249 = arith.constant 0 : i32
      %dma_wait3A_250 = arith.constant 0 : i32
      %dma_wait3A_251 = tpu.memref_slice %arg7[%dma_wait3A_249, %dma_wait3A_250] : memref<128x128xf32, #tpu.memory_space<vmem>> -> memref<64x128xf32, #tpu.memory_space<vmem>>
      %dma_wait3A_252 = arith.constant 0 : i32
      %dma_wait3A_253 = tpu.memref_slice %arg5[%dma_wait3A_247, %dma_wait3A_248, %dma_wait3A_252] : memref<2x40x128xi32, #tpu.memory_space<vmem>> -> memref<1x1x64xi32, #tpu.memory_space<vmem>>
      %dma_wait3A_254 = tpu.memref_squeeze %dma_wait3A_253 : memref<1x1x64xi32, #tpu.memory_space<vmem>> -> memref<64xi32, #tpu.memory_space<vmem>>
      %dma_wait3A_255 = arith.constant 0 : i32
      %dma_wait3A_256 = arith.constant 0 : i32
      %dma_wait3A_257 = tpu.memref_slice %arg2[%dma_wait3A_255, %dma_wait3A_256] : memref<10000x128xf32, #tpu.memory_space<hbm>> -> memref<10000x128xf32, #tpu.memory_space<hbm>>
      tpu.wait_indirect_dma semaphore(%arg11 : memref<!tpu.dma_semaphore, #tpu.memory_space<semaphore_mem>>) src(%dma_wait3A_257 : memref<10000x128xf32, #tpu.memory_space<hbm>>) dst(%dma_wait3A_251 : memref<64x128xf32, #tpu.memory_space<vmem>>)
      %dma_wait3A_258 = arith.constant 0 : i32
      %dma_wait3A_259 = arith.constant 0 : i32
      %dma_wait3A_260 = arith.constant 64 : i32
      %dma_wait3A_261 = arith.constant 0 : i32
      %dma_wait3A_262 = tpu.memref_slice %arg7[%dma_wait3A_260, %dma_wait3A_261] : memref<128x128xf32, #tpu.memory_space<vmem>> -> memref<64x128xf32, #tpu.memory_space<vmem>>
      %dma_wait3A_263 = arith.constant 0 : i32
      %dma_wait3A_264 = tpu.memref_slice %arg5[%dma_wait3A_258, %dma_wait3A_259, %dma_wait3A_263] : memref<2x40x128xi32, #tpu.memory_space<vmem>> -> memref<1x1x64xi32, #tpu.memory_space<vmem>>
      %dma_wait3A_265 = tpu.memref_squeeze %dma_wait3A_264 : memref<1x1x64xi32, #tpu.memory_space<vmem>> -> memref<64xi32, #tpu.memory_space<vmem>>
      %dma_wait3A_266 = arith.constant 0 : i32
      %dma_wait3A_267 = arith.constant 0 : i32
      %dma_wait3A_268 = tpu.memref_slice %arg2[%dma_wait3A_266, %dma_wait3A_267] : memref<10000x128xf32, #tpu.memory_space<hbm>> -> memref<10000x128xf32, #tpu.memory_space<hbm>>
      tpu.wait_indirect_dma semaphore(%arg12 : memref<!tpu.dma_semaphore, #tpu.memory_space<semaphore_mem>>) src(%dma_wait3A_268 : memref<10000x128xf32, #tpu.memory_space<hbm>>) dst(%dma_wait3A_262 : memref<64x128xf32, #tpu.memory_space<vmem>>)
      %add3A_269 = arith.constant 1 : i32
      %add3A_270 = arith.addi %mul3A_219, %add3A_269 : i32
      %run_scoped3A_271 = arith.constant 1 : i32
      "tpu.region"() ({
        %run_scoped3A_278 = tpu.sem_alloc : memref<!tpu.dma_semaphore, #tpu.memory_space<semaphore_mem>>
        %dma_start3A_279 = arith.constant 0 : i32
        %dma_start3A_280 = tpu.memref_slice %arg5[%run_scoped3A_271, %add3A_270, %dma_start3A_279] : memref<2x40x128xi32, #tpu.memory_space<vmem>> -> memref<1x1x128xi32, #tpu.memory_space<vmem>>
        %dma_start3A_281 = tpu.memref_squeeze %dma_start3A_280 : memref<1x1x128xi32, #tpu.memory_space<vmem>> -> memref<128xi32, #tpu.memory_space<vmem>>
        %dma_start3A_282 = arith.constant 0 : i32
        %dma_start3A_283 = arith.constant 0 : i32
        %dma_start3A_284 = tpu.memref_slice %arg8[%dma_start3A_282, %dma_start3A_283] : memref<10240x128xf32, #tpu.memory_space<vmem_shared>> -> memref<10240x128xf32, #tpu.memory_space<vmem_shared>>
        tpu.enqueue_indirect_dma source(%arg7 : memref<128x128xf32, #tpu.memory_space<vmem>>) target(%dma_start3A_284 : memref<10240x128xf32, #tpu.memory_space<vmem_shared>>) offsets(%dma_start3A_281 : memref<128xi32, #tpu.memory_space<vmem>>) semaphore(%run_scoped3A_278 : memref<!tpu.dma_semaphore, #tpu.memory_space<semaphore_mem>>) {add = true}
        %dma_wait3A_285 = arith.constant 0 : i32
        %dma_wait3A_286 = tpu.memref_slice %arg5[%run_scoped3A_271, %add3A_270, %dma_wait3A_285] : memref<2x40x128xi32, #tpu.memory_space<vmem>> -> memref<1x1x128xi32, #tpu.memory_space<vmem>>
        %dma_wait3A_287 = tpu.memref_squeeze %dma_wait3A_286 : memref<1x1x128xi32, #tpu.memory_space<vmem>> -> memref<128xi32, #tpu.memory_space<vmem>>
        %dma_wait3A_288 = arith.constant 0 : i32
        %dma_wait3A_289 = arith.constant 0 : i32
        %dma_wait3A_290 = tpu.memref_slice %arg8[%dma_wait3A_288, %dma_wait3A_289] : memref<10240x128xf32, #tpu.memory_space<vmem_shared>> -> memref<10240x128xf32, #tpu.memory_space<vmem_shared>>
        tpu.wait_indirect_dma semaphore(%run_scoped3A_278 : memref<!tpu.dma_semaphore, #tpu.memory_space<semaphore_mem>>) src(%arg7 : memref<128x128xf32, #tpu.memory_space<vmem>>) dst(%dma_wait3A_290 : memref<10240x128xf32, #tpu.memory_space<vmem_shared>>)
        tpu.yield
      }) : () -> ()
      %add3A_272 = arith.constant 3 : i32
      %add3A_273 = arith.addi %mul3A_219, %add3A_272 : i32
      %lt3A_274 = arith.cmpi slt, %add3A_273, %while3A_104 : i32
      %convert_element_type3A_275 = arith.extui %lt3A_274 : i1 to i32
      %cond3A_276 = arith.constant 0 : i32
      %cond3A_277 = arith.cmpi ne, %convert_element_type3A_275, %cond3A_276 : i32
      scf.if %cond3A_277 {
        %add3A_278 = arith.constant 3 : i32
        %add3A_279 = arith.addi %mul3A_219, %add3A_278 : i32
        %dma_start3A_280 = arith.constant 0 : i32
        %dma_start3A_281 = arith.constant 0 : i32
        %dma_start3A_282 = arith.constant 0 : i32
        %dma_start3A_283 = tpu.memref_slice %arg7[%dma_start3A_281, %dma_start3A_282] : memref<128x128xf32, #tpu.memory_space<vmem>> -> memref<64x128xf32, #tpu.memory_space<vmem>>
        %dma_start3A_284 = arith.constant 0 : i32
        %dma_start3A_285 = tpu.memref_slice %arg5[%dma_start3A_280, %add3A_279, %dma_start3A_284] : memref<2x40x128xi32, #tpu.memory_space<vmem>> -> memref<1x1x64xi32, #tpu.memory_space<vmem>>
        %dma_start3A_286 = tpu.memref_squeeze %dma_start3A_285 : memref<1x1x64xi32, #tpu.memory_space<vmem>> -> memref<64xi32, #tpu.memory_space<vmem>>
        %dma_start3A_287 = arith.constant 0 : i32
        %dma_start3A_288 = arith.constant 0 : i32
        %dma_start3A_289 = tpu.memref_slice %arg2[%dma_start3A_287, %dma_start3A_288] : memref<10000x128xf32, #tpu.memory_space<hbm>> -> memref<10000x128xf32, #tpu.memory_space<hbm>>
        tpu.enqueue_indirect_dma source(%dma_start3A_289 : memref<10000x128xf32, #tpu.memory_space<hbm>>) target(%dma_start3A_283 : memref<64x128xf32, #tpu.memory_space<vmem>>) offsets(%dma_start3A_286 : memref<64xi32, #tpu.memory_space<vmem>>) semaphore(%arg11 : memref<!tpu.dma_semaphore, #tpu.memory_space<semaphore_mem>>)
        %dma_start3A_290 = arith.constant 0 : i32
        %dma_start3A_291 = arith.constant 64 : i32
        %dma_start3A_292 = arith.constant 0 : i32
        %dma_start3A_293 = tpu.memref_slice %arg7[%dma_start3A_291, %dma_start3A_292] : memref<128x128xf32, #tpu.memory_space<vmem>> -> memref<64x128xf32, #tpu.memory_space<vmem>>
        %dma_start3A_294 = arith.constant 64 : i32
        %dma_start3A_295 = tpu.memref_slice %arg5[%dma_start3A_290, %add3A_279, %dma_start3A_294] : memref<2x40x128xi32, #tpu.memory_space<vmem>> -> memref<1x1x64xi32, #tpu.memory_space<vmem>>
        %dma_start3A_296 = tpu.memref_squeeze %dma_start3A_295 : memref<1x1x64xi32, #tpu.memory_space<vmem>> -> memref<64xi32, #tpu.memory_space<vmem>>
        %dma_start3A_297 = arith.constant 0 : i32
        %dma_start3A_298 = arith.constant 0 : i32
        %dma_start3A_299 = tpu.memref_slice %arg2[%dma_start3A_297, %dma_start3A_298] : memref<10000x128xf32, #tpu.memory_space<hbm>> -> memref<10000x128xf32, #tpu.memory_space<hbm>>
        tpu.enqueue_indirect_dma source(%dma_start3A_299 : memref<10000x128xf32, #tpu.memory_space<hbm>>) target(%dma_start3A_293 : memref<64x128xf32, #tpu.memory_space<vmem>>) offsets(%dma_start3A_296 : memref<64xi32, #tpu.memory_space<vmem>>) semaphore(%arg12 : memref<!tpu.dma_semaphore, #tpu.memory_space<semaphore_mem>>)
      } else {
      }
    }
    %while3A_113 = arith.constant 1 : i32
    scf.for %while3A_217 = %while3A_111 to %while3A_107 step %while3A_113  : i32 {
      %mul3A_218 = arith.constant 2 : i32
      %mul3A_219 = arith.muli %mul3A_218, %while3A_217 : i32
      %dma_wait3A = arith.constant 0 : i32
      %dma_wait3A_220 = arith.constant 0 : i32
      %dma_wait3A_221 = arith.constant 0 : i32
      %dma_wait3A_222 = arith.constant 0 : i32
      %dma_wait3A_223 = tpu.memref_slice %arg6[%dma_wait3A_221, %dma_wait3A_222] : memref<128x128xf32, #tpu.memory_space<vmem>> -> memref<64x128xf32, #tpu.memory_space<vmem>>
      %dma_wait3A_224 = arith.constant 0 : i32
      %dma_wait3A_225 = tpu.memref_slice %arg5[%dma_wait3A, %dma_wait3A_220, %dma_wait3A_224] : memref<2x40x128xi32, #tpu.memory_space<vmem>> -> memref<1x1x64xi32, #tpu.memory_space<vmem>>
      %dma_wait3A_226 = tpu.memref_squeeze %dma_wait3A_225 : memref<1x1x64xi32, #tpu.memory_space<vmem>> -> memref<64xi32, #tpu.memory_space<vmem>>
      %dma_wait3A_227 = arith.constant 0 : i32
      %dma_wait3A_228 = arith.constant 0 : i32
      %dma_wait3A_229 = tpu.memref_slice %arg2[%dma_wait3A_227, %dma_wait3A_228] : memref<10000x128xf32, #tpu.memory_space<hbm>> -> memref<10000x128xf32, #tpu.memory_space<hbm>>
      tpu.wait_indirect_dma semaphore(%arg9 : memref<!tpu.dma_semaphore, #tpu.memory_space<semaphore_mem>>) src(%dma_wait3A_229 : memref<10000x128xf32, #tpu.memory_space<hbm>>) dst(%dma_wait3A_223 : memref<64x128xf32, #tpu.memory_space<vmem>>)
      %dma_wait3A_230 = arith.constant 0 : i32
      %dma_wait3A_231 = arith.constant 0 : i32
      %dma_wait3A_232 = arith.constant 64 : i32
      %dma_wait3A_233 = arith.constant 0 : i32
      %dma_wait3A_234 = tpu.memref_slice %arg6[%dma_wait3A_232, %dma_wait3A_233] : memref<128x128xf32, #tpu.memory_space<vmem>> -> memref<64x128xf32, #tpu.memory_space<vmem>>
      %dma_wait3A_235 = arith.constant 0 : i32
      %dma_wait3A_236 = tpu.memref_slice %arg5[%dma_wait3A_230, %dma_wait3A_231, %dma_wait3A_235] : memref<2x40x128xi32, #tpu.memory_space<vmem>> -> memref<1x1x64xi32, #tpu.memory_space<vmem>>
      %dma_wait3A_237 = tpu.memref_squeeze %dma_wait3A_236 : memref<1x1x64xi32, #tpu.memory_space<vmem>> -> memref<64xi32, #tpu.memory_space<vmem>>
      %dma_wait3A_238 = arith.constant 0 : i32
      %dma_wait3A_239 = arith.constant 0 : i32
      %dma_wait3A_240 = tpu.memref_slice %arg2[%dma_wait3A_238, %dma_wait3A_239] : memref<10000x128xf32, #tpu.memory_space<hbm>> -> memref<10000x128xf32, #tpu.memory_space<hbm>>
      tpu.wait_indirect_dma semaphore(%arg10 : memref<!tpu.dma_semaphore, #tpu.memory_space<semaphore_mem>>) src(%dma_wait3A_240 : memref<10000x128xf32, #tpu.memory_space<hbm>>) dst(%dma_wait3A_234 : memref<64x128xf32, #tpu.memory_space<vmem>>)
      %run_scoped3A = arith.constant 1 : i32
      "tpu.region"() ({
        %run_scoped3A_278 = tpu.sem_alloc : memref<!tpu.dma_semaphore, #tpu.memory_space<semaphore_mem>>
        %dma_start3A_279 = arith.constant 0 : i32
        %dma_start3A_280 = tpu.memref_slice %arg5[%run_scoped3A, %mul3A_219, %dma_start3A_279] : memref<2x40x128xi32, #tpu.memory_space<vmem>> -> memref<1x1x128xi32, #tpu.memory_space<vmem>>
        %dma_start3A_281 = tpu.memref_squeeze %dma_start3A_280 : memref<1x1x128xi32, #tpu.memory_space<vmem>> -> memref<128xi32, #tpu.memory_space<vmem>>
        %dma_start3A_282 = arith.constant 0 : i32
        %dma_start3A_283 = arith.constant 0 : i32
        %dma_start3A_284 = tpu.memref_slice %arg8[%dma_start3A_282, %dma_start3A_283] : memref<10240x128xf32, #tpu.memory_space<vmem_shared>> -> memref<10240x128xf32, #tpu.memory_space<vmem_shared>>
        tpu.enqueue_indirect_dma source(%arg6 : memref<128x128xf32, #tpu.memory_space<vmem>>) target(%dma_start3A_284 : memref<10240x128xf32, #tpu.memory_space<vmem_shared>>) offsets(%dma_start3A_281 : memref<128xi32, #tpu.memory_space<vmem>>) semaphore(%run_scoped3A_278 : memref<!tpu.dma_semaphore, #tpu.memory_space<semaphore_mem>>) {add = true}
        %dma_wait3A_285 = arith.constant 0 : i32
        %dma_wait3A_286 = tpu.memref_slice %arg5[%run_scoped3A, %mul3A_219, %dma_wait3A_285] : memref<2x40x128xi32, #tpu.memory_space<vmem>> -> memref<1x1x128xi32, #tpu.memory_space<vmem>>
        %dma_wait3A_287 = tpu.memref_squeeze %dma_wait3A_286 : memref<1x1x128xi32, #tpu.memory_space<vmem>> -> memref<128xi32, #tpu.memory_space<vmem>>
        %dma_wait3A_288 = arith.constant 0 : i32
        %dma_wait3A_289 = arith.constant 0 : i32
        %dma_wait3A_290 = tpu.memref_slice %arg8[%dma_wait3A_288, %dma_wait3A_289] : memref<10240x128xf32, #tpu.memory_space<vmem_shared>> -> memref<10240x128xf32, #tpu.memory_space<vmem_shared>>
        tpu.wait_indirect_dma semaphore(%run_scoped3A_278 : memref<!tpu.dma_semaphore, #tpu.memory_space<semaphore_mem>>) src(%arg6 : memref<128x128xf32, #tpu.memory_space<vmem>>) dst(%dma_wait3A_290 : memref<10240x128xf32, #tpu.memory_space<vmem_shared>>)
        tpu.yield
      }) : () -> ()
      %add3A_241 = arith.constant 2 : i32
      %add3A_242 = arith.addi %mul3A_219, %add3A_241 : i32
      %lt3A_243 = arith.cmpi slt, %add3A_242, %while3A_104 : i32
      %convert_element_type3A_244 = arith.extui %lt3A_243 : i1 to i32
      %cond3A_245 = arith.constant 0 : i32
      %cond3A_246 = arith.cmpi ne, %convert_element_type3A_244, %cond3A_245 : i32
      scf.if %cond3A_246 {
        %add3A_278 = arith.constant 2 : i32
        %add3A_279 = arith.addi %mul3A_219, %add3A_278 : i32
        %dma_start3A_280 = arith.constant 0 : i32
        %dma_start3A_281 = arith.constant 0 : i32
        %dma_start3A_282 = arith.constant 0 : i32
        %dma_start3A_283 = tpu.memref_slice %arg6[%dma_start3A_281, %dma_start3A_282] : memref<128x128xf32, #tpu.memory_space<vmem>> -> memref<64x128xf32, #tpu.memory_space<vmem>>
        %dma_start3A_284 = arith.constant 0 : i32
        %dma_start3A_285 = tpu.memref_slice %arg5[%dma_start3A_280, %add3A_279, %dma_start3A_284] : memref<2x40x128xi32, #tpu.memory_space<vmem>> -> memref<1x1x64xi32, #tpu.memory_space<vmem>>
        %dma_start3A_286 = tpu.memref_squeeze %dma_start3A_285 : memref<1x1x64xi32, #tpu.memory_space<vmem>> -> memref<64xi32, #tpu.memory_space<vmem>>
        %dma_start3A_287 = arith.constant 0 : i32
        %dma_start3A_288 = arith.constant 0 : i32
        %dma_start3A_289 = tpu.memref_slice %arg2[%dma_start3A_287, %dma_start3A_288] : memref<10000x128xf32, #tpu.memory_space<hbm>> -> memref<10000x128xf32, #tpu.memory_space<hbm>>
        tpu.enqueue_indirect_dma source(%dma_start3A_289 : memref<10000x128xf32, #tpu.memory_space<hbm>>) target(%dma_start3A_283 : memref<64x128xf32, #tpu.memory_space<vmem>>) offsets(%dma_start3A_286 : memref<64xi32, #tpu.memory_space<vmem>>) semaphore(%arg9 : memref<!tpu.dma_semaphore, #tpu.memory_space<semaphore_mem>>)
        %dma_start3A_290 = arith.constant 0 : i32
        %dma_start3A_291 = arith.constant 64 : i32
        %dma_start3A_292 = arith.constant 0 : i32
        %dma_start3A_293 = tpu.memref_slice %arg6[%dma_start3A_291, %dma_start3A_292] : memref<128x128xf32, #tpu.memory_space<vmem>> -> memref<64x128xf32, #tpu.memory_space<vmem>>
        %dma_start3A_294 = arith.constant 64 : i32
        %dma_start3A_295 = tpu.memref_slice %arg5[%dma_start3A_290, %add3A_279, %dma_start3A_294] : memref<2x40x128xi32, #tpu.memory_space<vmem>> -> memref<1x1x64xi32, #tpu.memory_space<vmem>>
        %dma_start3A_296 = tpu.memref_squeeze %dma_start3A_295 : memref<1x1x64xi32, #tpu.memory_space<vmem>> -> memref<64xi32, #tpu.memory_space<vmem>>
        %dma_start3A_297 = arith.constant 0 : i32
        %dma_start3A_298 = arith.constant 0 : i32
        %dma_start3A_299 = tpu.memref_slice %arg2[%dma_start3A_297, %dma_start3A_298] : memref<10000x128xf32, #tpu.memory_space<hbm>> -> memref<10000x128xf32, #tpu.memory_space<hbm>>
        tpu.enqueue_indirect_dma source(%dma_start3A_299 : memref<10000x128xf32, #tpu.memory_space<hbm>>) target(%dma_start3A_293 : memref<64x128xf32, #tpu.memory_space<vmem>>) offsets(%dma_start3A_296 : memref<64xi32, #tpu.memory_space<vmem>>) semaphore(%arg10 : memref<!tpu.dma_semaphore, #tpu.memory_space<semaphore_mem>>)
      } else {
      }
      %dma_wait3A_247 = arith.constant 0 : i32
      %dma_wait3A_248 = arith.constant 0 : i32
      %dma_wait3A_249 = arith.constant 0 : i32
      %dma_wait3A_250 = arith.constant 0 : i32
      %dma_wait3A_251 = tpu.memref_slice %arg7[%dma_wait3A_249, %dma_wait3A_250] : memref<128x128xf32, #tpu.memory_space<vmem>> -> memref<64x128xf32, #tpu.memory_space<vmem>>
      %dma_wait3A_252 = arith.constant 0 : i32
      %dma_wait3A_253 = tpu.memref_slice %arg5[%dma_wait3A_247, %dma_wait3A_248, %dma_wait3A_252] : memref<2x40x128xi32, #tpu.memory_space<vmem>> -> memref<1x1x64xi32, #tpu.memory_space<vmem>>
      %dma_wait3A_254 = tpu.memref_squeeze %dma_wait3A_253 : memref<1x1x64xi32, #tpu.memory_space<vmem>> -> memref<64xi32, #tpu.memory_space<vmem>>
      %dma_wait3A_255 = arith.constant 0 : i32
      %dma_wait3A_256 = arith.constant 0 : i32
      %dma_wait3A_257 = tpu.memref_slice %arg2[%dma_wait3A_255, %dma_wait3A_256] : memref<10000x128xf32, #tpu.memory_space<hbm>> -> memref<10000x128xf32, #tpu.memory_space<hbm>>
      tpu.wait_indirect_dma semaphore(%arg11 : memref<!tpu.dma_semaphore, #tpu.memory_space<semaphore_mem>>) src(%dma_wait3A_257 : memref<10000x128xf32, #tpu.memory_space<hbm>>) dst(%dma_wait3A_251 : memref<64x128xf32, #tpu.memory_space<vmem>>)
      %dma_wait3A_258 = arith.constant 0 : i32
      %dma_wait3A_259 = arith.constant 0 : i32
      %dma_wait3A_260 = arith.constant 64 : i32
      %dma_wait3A_261 = arith.constant 0 : i32
      %dma_wait3A_262 = tpu.memref_slice %arg7[%dma_wait3A_260, %dma_wait3A_261] : memref<128x128xf32, #tpu.memory_space<vmem>> -> memref<64x128xf32, #tpu.memory_space<vmem>>
      %dma_wait3A_263 = arith.constant 0 : i32
      %dma_wait3A_264 = tpu.memref_slice %arg5[%dma_wait3A_258, %dma_wait3A_259, %dma_wait3A_263] : memref<2x40x128xi32, #tpu.memory_space<vmem>> -> memref<1x1x64xi32, #tpu.memory_space<vmem>>
      %dma_wait3A_265 = tpu.memref_squeeze %dma_wait3A_264 : memref<1x1x64xi32, #tpu.memory_space<vmem>> -> memref<64xi32, #tpu.memory_space<vmem>>
      %dma_wait3A_266 = arith.constant 0 : i32
      %dma_wait3A_267 = arith.constant 0 : i32
      %dma_wait3A_268 = tpu.memref_slice %arg2[%dma_wait3A_266, %dma_wait3A_267] : memref<10000x128xf32, #tpu.memory_space<hbm>> -> memref<10000x128xf32, #tpu.memory_space<hbm>>
      tpu.wait_indirect_dma semaphore(%arg12 : memref<!tpu.dma_semaphore, #tpu.memory_space<semaphore_mem>>) src(%dma_wait3A_268 : memref<10000x128xf32, #tpu.memory_space<hbm>>) dst(%dma_wait3A_262 : memref<64x128xf32, #tpu.memory_space<vmem>>)
      %add3A_269 = arith.constant 1 : i32
      %add3A_270 = arith.addi %mul3A_219, %add3A_269 : i32
      %run_scoped3A_271 = arith.constant 1 : i32
      "tpu.region"() ({
        %run_scoped3A_278 = tpu.sem_alloc : memref<!tpu.dma_semaphore, #tpu.memory_space<semaphore_mem>>
        %dma_start3A_279 = arith.constant 0 : i32
        %dma_start3A_280 = tpu.memref_slice %arg5[%run_scoped3A_271, %add3A_270, %dma_start3A_279] : memref<2x40x128xi32, #tpu.memory_space<vmem>> -> memref<1x1x128xi32, #tpu.memory_space<vmem>>
        %dma_start3A_281 = tpu.memref_squeeze %dma_start3A_280 : memref<1x1x128xi32, #tpu.memory_space<vmem>> -> memref<128xi32, #tpu.memory_space<vmem>>
        %dma_start3A_282 = arith.constant 0 : i32
        %dma_start3A_283 = arith.constant 0 : i32
        %dma_start3A_284 = tpu.memref_slice %arg8[%dma_start3A_282, %dma_start3A_283] : memref<10240x128xf32, #tpu.memory_space<vmem_shared>> -> memref<10240x128xf32, #tpu.memory_space<vmem_shared>>
        tpu.enqueue_indirect_dma source(%arg7 : memref<128x128xf32, #tpu.memory_space<vmem>>) target(%dma_start3A_284 : memref<10240x128xf32, #tpu.memory_space<vmem_shared>>) offsets(%dma_start3A_281 : memref<128xi32, #tpu.memory_space<vmem>>) semaphore(%run_scoped3A_278 : memref<!tpu.dma_semaphore, #tpu.memory_space<semaphore_mem>>) {add = true}
        %dma_wait3A_285 = arith.constant 0 : i32
        %dma_wait3A_286 = tpu.memref_slice %arg5[%run_scoped3A_271, %add3A_270, %dma_wait3A_285] : memref<2x40x128xi32, #tpu.memory_space<vmem>> -> memref<1x1x128xi32, #tpu.memory_space<vmem>>
        %dma_wait3A_287 = tpu.memref_squeeze %dma_wait3A_286 : memref<1x1x128xi32, #tpu.memory_space<vmem>> -> memref<128xi32, #tpu.memory_space<vmem>>
        %dma_wait3A_288 = arith.constant 0 : i32
        %dma_wait3A_289 = arith.constant 0 : i32
        %dma_wait3A_290 = tpu.memref_slice %arg8[%dma_wait3A_288, %dma_wait3A_289] : memref<10240x128xf32, #tpu.memory_space<vmem_shared>> -> memref<10240x128xf32, #tpu.memory_space<vmem_shared>>
        tpu.wait_indirect_dma semaphore(%run_scoped3A_278 : memref<!tpu.dma_semaphore, #tpu.memory_space<semaphore_mem>>) src(%arg7 : memref<128x128xf32, #tpu.memory_space<vmem>>) dst(%dma_wait3A_290 : memref<10240x128xf32, #tpu.memory_space<vmem_shared>>)
        tpu.yield
      }) : () -> ()
      %add3A_272 = arith.constant 3 : i32
      %add3A_273 = arith.addi %mul3A_219, %add3A_272 : i32
      %lt3A_274 = arith.cmpi slt, %add3A_273, %while3A_104 : i32
      %convert_element_type3A_275 = arith.extui %lt3A_274 : i1 to i32
      %cond3A_276 = arith.constant 0 : i32
      %cond3A_277 = arith.cmpi ne, %convert_element_type3A_275, %cond3A_276 : i32
      scf.if %cond3A_277 {
        %add3A_278 = arith.constant 3 : i32
        %add3A_279 = arith.addi %mul3A_219, %add3A_278 : i32
        %dma_start3A_280 = arith.constant 0 : i32
        %dma_start3A_281 = arith.constant 0 : i32
        %dma_start3A_282 = arith.constant 0 : i32
        %dma_start3A_283 = tpu.memref_slice %arg7[%dma_start3A_281, %dma_start3A_282] : memref<128x128xf32, #tpu.memory_space<vmem>> -> memref<64x128xf32, #tpu.memory_space<vmem>>
        %dma_start3A_284 = arith.constant 0 : i32
        %dma_start3A_285 = tpu.memref_slice %arg5[%dma_start3A_280, %add3A_279, %dma_start3A_284] : memref<2x40x128xi32, #tpu.memory_space<vmem>> -> memref<1x1x64xi32, #tpu.memory_space<vmem>>
        %dma_start3A_286 = tpu.memref_squeeze %dma_start3A_285 : memref<1x1x64xi32, #tpu.memory_space<vmem>> -> memref<64xi32, #tpu.memory_space<vmem>>
        %dma_start3A_287 = arith.constant 0 : i32
        %dma_start3A_288 = arith.constant 0 : i32
        %dma_start3A_289 = tpu.memref_slice %arg2[%dma_start3A_287, %dma_start3A_288] : memref<10000x128xf32, #tpu.memory_space<hbm>> -> memref<10000x128xf32, #tpu.memory_space<hbm>>
        tpu.enqueue_indirect_dma source(%dma_start3A_289 : memref<10000x128xf32, #tpu.memory_space<hbm>>) target(%dma_start3A_283 : memref<64x128xf32, #tpu.memory_space<vmem>>) offsets(%dma_start3A_286 : memref<64xi32, #tpu.memory_space<vmem>>) semaphore(%arg11 : memref<!tpu.dma_semaphore, #tpu.memory_space<semaphore_mem>>)
        %dma_start3A_290 = arith.constant 0 : i32
        %dma_start3A_291 = arith.constant 64 : i32
        %dma_start3A_292 = arith.constant 0 : i32
        %dma_start3A_293 = tpu.memref_slice %arg7[%dma_start3A_291, %dma_start3A_292] : memref<128x128xf32, #tpu.memory_space<vmem>> -> memref<64x128xf32, #tpu.memory_space<vmem>>
        %dma_start3A_294 = arith.constant 64 : i32
        %dma_start3A_295 = tpu.memref_slice %arg5[%dma_start3A_290, %add3A_279, %dma_start3A_294] : memref<2x40x128xi32, #tpu.memory_space<vmem>> -> memref<1x1x64xi32, #tpu.memory_space<vmem>>
        %dma_start3A_296 = tpu.memref_squeeze %dma_start3A_295 : memref<1x1x64xi32, #tpu.memory_space<vmem>> -> memref<64xi32, #tpu.memory_space<vmem>>
        %dma_start3A_297 = arith.constant 0 : i32
        %dma_start3A_298 = arith.constant 0 : i32
        %dma_start3A_299 = tpu.memref_slice %arg2[%dma_start3A_297, %dma_start3A_298] : memref<10000x128xf32, #tpu.memory_space<hbm>> -> memref<10000x128xf32, #tpu.memory_space<hbm>>
        tpu.enqueue_indirect_dma source(%dma_start3A_299 : memref<10000x128xf32, #tpu.memory_space<hbm>>) target(%dma_start3A_293 : memref<64x128xf32, #tpu.memory_space<vmem>>) offsets(%dma_start3A_296 : memref<64xi32, #tpu.memory_space<vmem>>) semaphore(%arg12 : memref<!tpu.dma_semaphore, #tpu.memory_space<semaphore_mem>>)
      } else {
      }
    }
    %add3A_114 = arith.constant 40 : i32
    %add3A_115 = arith.addi %sub3A_7, %add3A_114 : i32
    %sub3A_116 = arith.constant 40 : i32
    %sub3A_117 = arith.subi %select_n3A_13, %sub3A_116 : i32
    %eq3A_118 = arith.constant 40 : i32
    %eq3A_119 = arith.cmpi eq, %sub3A_117, %eq3A_118 : i32
    %convert_element_type3A_120 = arith.extui %eq3A_119 : i1 to i32
    %cond3A_121 = arith.constant 0 : i32
    %cond3A_122 = arith.cmpi ne, %convert_element_type3A_120, %cond3A_121 : i32
    scf.if %cond3A_122 {
      "tpu.region"() ({
        %run_scoped3A = tpu.sem_alloc : memref<!tpu.dma_semaphore, #tpu.memory_space<semaphore_mem>>
        %dma_start3A_217 = arith.constant 0 : i32
        %dma_start3A_218 = arith.constant 0 : i32
        %dma_start3A_219 = tpu.memref_slice %arg3[%dma_start3A_217, %add3A_115, %dma_start3A_218] : memref<2x2500x128xi32, #tpu.memory_space<hbm>> -> memref<2x40x128xi32, #tpu.memory_space<hbm>>
        %dma_start3A_220 = arith.constant 0 : i32
        %dma_start3A_221 = arith.constant 0 : i32
        %dma_start3A_222 = tpu.memref_slice %arg3[%dma_start3A_220, %add3A_115, %dma_start3A_221] : memref<2x2500x128xi32, #tpu.memory_space<hbm>> -> memref<2x40x128xi32, #tpu.memory_space<hbm>>
        tpu.enqueue_dma source(%dma_start3A_222 : memref<2x40x128xi32, #tpu.memory_space<hbm>>) target(%arg5 : memref<2x40x128xi32, #tpu.memory_space<vmem>>) target_semaphore(%run_scoped3A : memref<!tpu.dma_semaphore, #tpu.memory_space<semaphore_mem>>)
        %dma_wait3A = arith.constant 0 : i32
        %dma_wait3A_223 = arith.constant 0 : i32
        %dma_wait3A_224 = tpu.memref_slice %arg3[%dma_wait3A, %add3A_115, %dma_wait3A_223] : memref<2x2500x128xi32, #tpu.memory_space<hbm>> -> memref<2x40x128xi32, #tpu.memory_space<hbm>>
        %dma_wait3A_225 = arith.constant 0 : i32
        %dma_wait3A_226 = arith.constant 0 : i32
        %dma_wait3A_227 = tpu.memref_slice %arg3[%dma_wait3A_225, %add3A_115, %dma_wait3A_226] : memref<2x2500x128xi32, #tpu.memory_space<hbm>> -> memref<2x40x128xi32, #tpu.memory_space<hbm>>
        tpu.wait_dma2 semaphore(%run_scoped3A : memref<!tpu.dma_semaphore, #tpu.memory_space<semaphore_mem>>) src(%dma_wait3A_227 : memref<2x40x128xi32, #tpu.memory_space<hbm>>) dst(%arg5 : memref<2x40x128xi32, #tpu.memory_space<vmem>>)
        tpu.yield
      }) : () -> ()
    } else {
    }
    %lt3A_123 = arith.constant 40 : i32
    %lt3A_124 = arith.cmpi slt, %sub3A_117, %lt3A_123 : i32
    %convert_element_type3A_125 = arith.extui %lt3A_124 : i1 to i32
    %cond3A_126 = arith.constant 0 : i32
    %cond3A_127 = arith.cmpi ne, %convert_element_type3A_125, %cond3A_126 : i32
    scf.if %cond3A_127 {
      "tpu.region"() ({
        %run_scoped3A = tpu.sem_alloc : memref<!tpu.dma_semaphore, #tpu.memory_space<semaphore_mem>>
        %dma_start3A_217 = arith.constant 0 : i32
        %dma_start3A_218 = arith.constant 0 : i32
        %dma_start3A_219 = arith.constant 0 : i32
        %dma_start3A_220 = tpu.memref_slice %arg5[%dma_start3A_217, %dma_start3A_218, %dma_start3A_219] : memref<2x40x128xi32, #tpu.memory_space<vmem>> -> memref<2x32x128xi32, #tpu.memory_space<vmem>>
        %dma_start3A_221 = arith.constant 0 : i32
        %dma_start3A_222 = arith.constant 0 : i32
        %dma_start3A_223 = tpu.memref_slice %arg3[%dma_start3A_221, %add3A_115, %dma_start3A_222] : memref<2x2500x128xi32, #tpu.memory_space<hbm>> -> memref<2x32x128xi32, #tpu.memory_space<hbm>>
        %dma_start3A_224 = arith.constant 0 : i32
        %dma_start3A_225 = arith.constant 0 : i32
        %dma_start3A_226 = arith.constant 0 : i32
        %dma_start3A_227 = tpu.memref_slice %arg5[%dma_start3A_224, %dma_start3A_225, %dma_start3A_226] : memref<2x40x128xi32, #tpu.memory_space<vmem>> -> memref<2x32x128xi32, #tpu.memory_space<vmem>>
        %dma_start3A_228 = arith.constant 0 : i32
        %dma_start3A_229 = arith.constant 0 : i32
        %dma_start3A_230 = tpu.memref_slice %arg3[%dma_start3A_228, %add3A_115, %dma_start3A_229] : memref<2x2500x128xi32, #tpu.memory_space<hbm>> -> memref<2x32x128xi32, #tpu.memory_space<hbm>>
        tpu.enqueue_dma source(%dma_start3A_230 : memref<2x32x128xi32, #tpu.memory_space<hbm>>) target(%dma_start3A_227 : memref<2x32x128xi32, #tpu.memory_space<vmem>>) target_semaphore(%run_scoped3A : memref<!tpu.dma_semaphore, #tpu.memory_space<semaphore_mem>>)
        %dma_wait3A = arith.constant 0 : i32
        %dma_wait3A_231 = arith.constant 0 : i32
        %dma_wait3A_232 = arith.constant 0 : i32
        %dma_wait3A_233 = tpu.memref_slice %arg5[%dma_wait3A, %dma_wait3A_231, %dma_wait3A_232] : memref<2x40x128xi32, #tpu.memory_space<vmem>> -> memref<2x32x128xi32, #tpu.memory_space<vmem>>
        %dma_wait3A_234 = arith.constant 0 : i32
        %dma_wait3A_235 = arith.constant 0 : i32
        %dma_wait3A_236 = tpu.memref_slice %arg3[%dma_wait3A_234, %add3A_115, %dma_wait3A_235] : memref<2x2500x128xi32, #tpu.memory_space<hbm>> -> memref<2x32x128xi32, #tpu.memory_space<hbm>>
        %dma_wait3A_237 = arith.constant 0 : i32
        %dma_wait3A_238 = arith.constant 0 : i32
        %dma_wait3A_239 = arith.constant 0 : i32
        %dma_wait3A_240 = tpu.memref_slice %arg5[%dma_wait3A_237, %dma_wait3A_238, %dma_wait3A_239] : memref<2x40x128xi32, #tpu.memory_space<vmem>> -> memref<2x32x128xi32, #tpu.memory_space<vmem>>
        %dma_wait3A_241 = arith.constant 0 : i32
        %dma_wait3A_242 = arith.constant 0 : i32
        %dma_wait3A_243 = tpu.memref_slice %arg3[%dma_wait3A_241, %add3A_115, %dma_wait3A_242] : memref<2x2500x128xi32, #tpu.memory_space<hbm>> -> memref<2x32x128xi32, #tpu.memory_space<hbm>>
        tpu.wait_dma2 semaphore(%run_scoped3A : memref<!tpu.dma_semaphore, #tpu.memory_space<semaphore_mem>>) src(%dma_wait3A_243 : memref<2x32x128xi32, #tpu.memory_space<hbm>>) dst(%dma_wait3A_240 : memref<2x32x128xi32, #tpu.memory_space<vmem>>)
        tpu.yield
      }) : () -> ()
    } else {
    }
    %dma_start3A_128 = arith.constant 0 : i32
    %dma_start3A_129 = arith.constant 0 : i32
    %dma_start3A_130 = arith.constant 0 : i32
    %dma_start3A_131 = arith.constant 0 : i32
    %dma_start3A_132 = tpu.memref_slice %arg6[%dma_start3A_130, %dma_start3A_131] : memref<128x128xf32, #tpu.memory_space<vmem>> -> memref<64x128xf32, #tpu.memory_space<vmem>>
    %dma_start3A_133 = arith.constant 0 : i32
    %dma_start3A_134 = tpu.memref_slice %arg5[%dma_start3A_128, %dma_start3A_129, %dma_start3A_133] : memref<2x40x128xi32, #tpu.memory_space<vmem>> -> memref<1x1x64xi32, #tpu.memory_space<vmem>>
    %dma_start3A_135 = tpu.memref_squeeze %dma_start3A_134 : memref<1x1x64xi32, #tpu.memory_space<vmem>> -> memref<64xi32, #tpu.memory_space<vmem>>
    %dma_start3A_136 = arith.constant 0 : i32
    %dma_start3A_137 = arith.constant 0 : i32
    %dma_start3A_138 = tpu.memref_slice %arg2[%dma_start3A_136, %dma_start3A_137] : memref<10000x128xf32, #tpu.memory_space<hbm>> -> memref<10000x128xf32, #tpu.memory_space<hbm>>
    tpu.enqueue_indirect_dma source(%dma_start3A_138 : memref<10000x128xf32, #tpu.memory_space<hbm>>) target(%dma_start3A_132 : memref<64x128xf32, #tpu.memory_space<vmem>>) offsets(%dma_start3A_135 : memref<64xi32, #tpu.memory_space<vmem>>) semaphore(%arg9 : memref<!tpu.dma_semaphore, #tpu.memory_space<semaphore_mem>>)
    %dma_start3A_139 = arith.constant 0 : i32
    %dma_start3A_140 = arith.constant 0 : i32
    %dma_start3A_141 = arith.constant 64 : i32
    %dma_start3A_142 = arith.constant 0 : i32
    %dma_start3A_143 = tpu.memref_slice %arg6[%dma_start3A_141, %dma_start3A_142] : memref<128x128xf32, #tpu.memory_space<vmem>> -> memref<64x128xf32, #tpu.memory_space<vmem>>
    %dma_start3A_144 = arith.constant 64 : i32
    %dma_start3A_145 = tpu.memref_slice %arg5[%dma_start3A_139, %dma_start3A_140, %dma_start3A_144] : memref<2x40x128xi32, #tpu.memory_space<vmem>> -> memref<1x1x64xi32, #tpu.memory_space<vmem>>
    %dma_start3A_146 = tpu.memref_squeeze %dma_start3A_145 : memref<1x1x64xi32, #tpu.memory_space<vmem>> -> memref<64xi32, #tpu.memory_space<vmem>>
    %dma_start3A_147 = arith.constant 0 : i32
    %dma_start3A_148 = arith.constant 0 : i32
    %dma_start3A_149 = tpu.memref_slice %arg2[%dma_start3A_147, %dma_start3A_148] : memref<10000x128xf32, #tpu.memory_space<hbm>> -> memref<10000x128xf32, #tpu.memory_space<hbm>>
    tpu.enqueue_indirect_dma source(%dma_start3A_149 : memref<10000x128xf32, #tpu.memory_space<hbm>>) target(%dma_start3A_143 : memref<64x128xf32, #tpu.memory_space<vmem>>) offsets(%dma_start3A_146 : memref<64xi32, #tpu.memory_space<vmem>>) semaphore(%arg10 : memref<!tpu.dma_semaphore, #tpu.memory_space<semaphore_mem>>)
    %dma_start3A_150 = arith.constant 0 : i32
    %dma_start3A_151 = arith.constant 1 : i32
    %dma_start3A_152 = arith.constant 0 : i32
    %dma_start3A_153 = arith.constant 0 : i32
    %dma_start3A_154 = tpu.memref_slice %arg7[%dma_start3A_152, %dma_start3A_153] : memref<128x128xf32, #tpu.memory_space<vmem>> -> memref<64x128xf32, #tpu.memory_space<vmem>>
    %dma_start3A_155 = arith.constant 0 : i32
    %dma_start3A_156 = tpu.memref_slice %arg5[%dma_start3A_150, %dma_start3A_151, %dma_start3A_155] : memref<2x40x128xi32, #tpu.memory_space<vmem>> -> memref<1x1x64xi32, #tpu.memory_space<vmem>>
    %dma_start3A_157 = tpu.memref_squeeze %dma_start3A_156 : memref<1x1x64xi32, #tpu.memory_space<vmem>> -> memref<64xi32, #tpu.memory_space<vmem>>
    %dma_start3A_158 = arith.constant 0 : i32
    %dma_start3A_159 = arith.constant 0 : i32
    %dma_start3A_160 = tpu.memref_slice %arg2[%dma_start3A_158, %dma_start3A_159] : memref<10000x128xf32, #tpu.memory_space<hbm>> -> memref<10000x128xf32, #tpu.memory_space<hbm>>
    tpu.enqueue_indirect_dma source(%dma_start3A_160 : memref<10000x128xf32, #tpu.memory_space<hbm>>) target(%dma_start3A_154 : memref<64x128xf32, #tpu.memory_space<vmem>>) offsets(%dma_start3A_157 : memref<64xi32, #tpu.memory_space<vmem>>) semaphore(%arg11 : memref<!tpu.dma_semaphore, #tpu.memory_space<semaphore_mem>>)
    %dma_start3A_161 = arith.constant 0 : i32
    %dma_start3A_162 = arith.constant 1 : i32
    %dma_start3A_163 = arith.constant 64 : i32
    %dma_start3A_164 = arith.constant 0 : i32
    %dma_start3A_165 = tpu.memref_slice %arg7[%dma_start3A_163, %dma_start3A_164] : memref<128x128xf32, #tpu.memory_space<vmem>> -> memref<64x128xf32, #tpu.memory_space<vmem>>
    %dma_start3A_166 = arith.constant 64 : i32
    %dma_start3A_167 = tpu.memref_slice %arg5[%dma_start3A_161, %dma_start3A_162, %dma_start3A_166] : memref<2x40x128xi32, #tpu.memory_space<vmem>> -> memref<1x1x64xi32, #tpu.memory_space<vmem>>
    %dma_start3A_168 = tpu.memref_squeeze %dma_start3A_167 : memref<1x1x64xi32, #tpu.memory_space<vmem>> -> memref<64xi32, #tpu.memory_space<vmem>>
    %dma_start3A_169 = arith.constant 0 : i32
    %dma_start3A_170 = arith.constant 0 : i32
    %dma_start3A_171 = tpu.memref_slice %arg2[%dma_start3A_169, %dma_start3A_170] : memref<10000x128xf32, #tpu.memory_space<hbm>> -> memref<10000x128xf32, #tpu.memory_space<hbm>>
    tpu.enqueue_indirect_dma source(%dma_start3A_171 : memref<10000x128xf32, #tpu.memory_space<hbm>>) target(%dma_start3A_165 : memref<64x128xf32, #tpu.memory_space<vmem>>) offsets(%dma_start3A_168 : memref<64xi32, #tpu.memory_space<vmem>>) semaphore(%arg12 : memref<!tpu.dma_semaphore, #tpu.memory_space<semaphore_mem>>)
    %jit3A_172 = arith.constant 2 : i32
    %div3A_173 = arith.divsi %sub3A_117, %jit3A_172 : i32
    %sign3A_174 = arith.constant 0 : i32
    %sign3A_175 = arith.cmpi sgt, %sub3A_117, %sign3A_174 : i32
    %sign3A_176 = arith.extui %sign3A_175 : i1 to i32
    %sign3A_177 = arith.constant 0 : i32
    %sign3A_178 = arith.cmpi slt, %sub3A_117, %sign3A_177 : i32
    %sign3A_179 = arith.extui %sign3A_178 : i1 to i32
    %sign3A_180 = arith.subi %sign3A_176, %sign3A_179 : i32
    %sign3A_181 = arith.constant 0 : i32
    %sign3A_182 = arith.cmpi sgt, %jit3A_172, %sign3A_181 : i32
    %sign3A_183 = arith.extui %sign3A_182 : i1 to i32
    %sign3A_184 = arith.constant 0 : i32
    %sign3A_185 = arith.cmpi slt, %jit3A_172, %sign3A_184 : i32
    %sign3A_186 = arith.extui %sign3A_185 : i1 to i32
    %sign3A_187 = arith.subi %sign3A_183, %sign3A_186 : i32
    %ne3A_188 = arith.cmpi ne, %sign3A_180, %sign3A_187 : i32
    %rem3A_189 = arith.remsi %sub3A_117, %jit3A_172 : i32
    %ne3A_190 = arith.constant 0 : i32
    %ne3A_191 = arith.cmpi ne, %rem3A_189, %ne3A_190 : i32
    %and3A_192 = arith.andi %ne3A_188, %ne3A_191 : i1
    %sub3A_193 = arith.constant 1 : i32
    %sub3A_194 = arith.subi %div3A_173, %sub3A_193 : i32
    %select_n3A_195 = arith.select %and3A_192, %sub3A_194, %div3A_173 : i32
    %while3A_196 = arith.constant 0 : i32
    %while3A_197 = arith.constant 0 : i32
    %while3A_198 = arith.subi %select_n3A_195, %while3A_197 : i32
    %while3A_199 = arith.addi %while3A_197, %while3A_198 : i32
    %while3A_200 = arith.constant 1 : i32
    %while3A_201 = arith.divsi %while3A_198, %while3A_200 : i32
    %while3A_202 = arith.muli %while3A_201, %while3A_200 : i32
    %while3A_203 = arith.addi %while3A_197, %while3A_202 : i32
    %while3A_204 = arith.constant 1 : i32
    scf.for %while3A_217 = %while3A_197 to %while3A_203 step %while3A_204  : i32 {
      %mul3A_218 = arith.constant 2 : i32
      %mul3A_219 = arith.muli %mul3A_218, %while3A_217 : i32
      %dma_wait3A = arith.constant 0 : i32
      %dma_wait3A_220 = arith.constant 0 : i32
      %dma_wait3A_221 = arith.constant 0 : i32
      %dma_wait3A_222 = arith.constant 0 : i32
      %dma_wait3A_223 = tpu.memref_slice %arg6[%dma_wait3A_221, %dma_wait3A_222] : memref<128x128xf32, #tpu.memory_space<vmem>> -> memref<64x128xf32, #tpu.memory_space<vmem>>
      %dma_wait3A_224 = arith.constant 0 : i32
      %dma_wait3A_225 = tpu.memref_slice %arg5[%dma_wait3A, %dma_wait3A_220, %dma_wait3A_224] : memref<2x40x128xi32, #tpu.memory_space<vmem>> -> memref<1x1x64xi32, #tpu.memory_space<vmem>>
      %dma_wait3A_226 = tpu.memref_squeeze %dma_wait3A_225 : memref<1x1x64xi32, #tpu.memory_space<vmem>> -> memref<64xi32, #tpu.memory_space<vmem>>
      %dma_wait3A_227 = arith.constant 0 : i32
      %dma_wait3A_228 = arith.constant 0 : i32
      %dma_wait3A_229 = tpu.memref_slice %arg2[%dma_wait3A_227, %dma_wait3A_228] : memref<10000x128xf32, #tpu.memory_space<hbm>> -> memref<10000x128xf32, #tpu.memory_space<hbm>>
      tpu.wait_indirect_dma semaphore(%arg9 : memref<!tpu.dma_semaphore, #tpu.memory_space<semaphore_mem>>) src(%dma_wait3A_229 : memref<10000x128xf32, #tpu.memory_space<hbm>>) dst(%dma_wait3A_223 : memref<64x128xf32, #tpu.memory_space<vmem>>)
      %dma_wait3A_230 = arith.constant 0 : i32
      %dma_wait3A_231 = arith.constant 0 : i32
      %dma_wait3A_232 = arith.constant 64 : i32
      %dma_wait3A_233 = arith.constant 0 : i32
      %dma_wait3A_234 = tpu.memref_slice %arg6[%dma_wait3A_232, %dma_wait3A_233] : memref<128x128xf32, #tpu.memory_space<vmem>> -> memref<64x128xf32, #tpu.memory_space<vmem>>
      %dma_wait3A_235 = arith.constant 0 : i32
      %dma_wait3A_236 = tpu.memref_slice %arg5[%dma_wait3A_230, %dma_wait3A_231, %dma_wait3A_235] : memref<2x40x128xi32, #tpu.memory_space<vmem>> -> memref<1x1x64xi32, #tpu.memory_space<vmem>>
      %dma_wait3A_237 = tpu.memref_squeeze %dma_wait3A_236 : memref<1x1x64xi32, #tpu.memory_space<vmem>> -> memref<64xi32, #tpu.memory_space<vmem>>
      %dma_wait3A_238 = arith.constant 0 : i32
      %dma_wait3A_239 = arith.constant 0 : i32
      %dma_wait3A_240 = tpu.memref_slice %arg2[%dma_wait3A_238, %dma_wait3A_239] : memref<10000x128xf32, #tpu.memory_space<hbm>> -> memref<10000x128xf32, #tpu.memory_space<hbm>>
      tpu.wait_indirect_dma semaphore(%arg10 : memref<!tpu.dma_semaphore, #tpu.memory_space<semaphore_mem>>) src(%dma_wait3A_240 : memref<10000x128xf32, #tpu.memory_space<hbm>>) dst(%dma_wait3A_234 : memref<64x128xf32, #tpu.memory_space<vmem>>)
      %run_scoped3A = arith.constant 1 : i32
      "tpu.region"() ({
        %run_scoped3A_278 = tpu.sem_alloc : memref<!tpu.dma_semaphore, #tpu.memory_space<semaphore_mem>>
        %dma_start3A_279 = arith.constant 0 : i32
        %dma_start3A_280 = tpu.memref_slice %arg5[%run_scoped3A, %mul3A_219, %dma_start3A_279] : memref<2x40x128xi32, #tpu.memory_space<vmem>> -> memref<1x1x128xi32, #tpu.memory_space<vmem>>
        %dma_start3A_281 = tpu.memref_squeeze %dma_start3A_280 : memref<1x1x128xi32, #tpu.memory_space<vmem>> -> memref<128xi32, #tpu.memory_space<vmem>>
        %dma_start3A_282 = arith.constant 0 : i32
        %dma_start3A_283 = arith.constant 0 : i32
        %dma_start3A_284 = tpu.memref_slice %arg8[%dma_start3A_282, %dma_start3A_283] : memref<10240x128xf32, #tpu.memory_space<vmem_shared>> -> memref<10240x128xf32, #tpu.memory_space<vmem_shared>>
        tpu.enqueue_indirect_dma source(%arg6 : memref<128x128xf32, #tpu.memory_space<vmem>>) target(%dma_start3A_284 : memref<10240x128xf32, #tpu.memory_space<vmem_shared>>) offsets(%dma_start3A_281 : memref<128xi32, #tpu.memory_space<vmem>>) semaphore(%run_scoped3A_278 : memref<!tpu.dma_semaphore, #tpu.memory_space<semaphore_mem>>) {add = true}
        %dma_wait3A_285 = arith.constant 0 : i32
        %dma_wait3A_286 = tpu.memref_slice %arg5[%run_scoped3A, %mul3A_219, %dma_wait3A_285] : memref<2x40x128xi32, #tpu.memory_space<vmem>> -> memref<1x1x128xi32, #tpu.memory_space<vmem>>
        %dma_wait3A_287 = tpu.memref_squeeze %dma_wait3A_286 : memref<1x1x128xi32, #tpu.memory_space<vmem>> -> memref<128xi32, #tpu.memory_space<vmem>>
        %dma_wait3A_288 = arith.constant 0 : i32
        %dma_wait3A_289 = arith.constant 0 : i32
        %dma_wait3A_290 = tpu.memref_slice %arg8[%dma_wait3A_288, %dma_wait3A_289] : memref<10240x128xf32, #tpu.memory_space<vmem_shared>> -> memref<10240x128xf32, #tpu.memory_space<vmem_shared>>
        tpu.wait_indirect_dma semaphore(%run_scoped3A_278 : memref<!tpu.dma_semaphore, #tpu.memory_space<semaphore_mem>>) src(%arg6 : memref<128x128xf32, #tpu.memory_space<vmem>>) dst(%dma_wait3A_290 : memref<10240x128xf32, #tpu.memory_space<vmem_shared>>)
        tpu.yield
      }) : () -> ()
      %add3A_241 = arith.constant 2 : i32
      %add3A_242 = arith.addi %mul3A_219, %add3A_241 : i32
      %lt3A_243 = arith.cmpi slt, %add3A_242, %sub3A_117 : i32
      %convert_element_type3A_244 = arith.extui %lt3A_243 : i1 to i32
      %cond3A_245 = arith.constant 0 : i32
      %cond3A_246 = arith.cmpi ne, %convert_element_type3A_244, %cond3A_245 : i32
      scf.if %cond3A_246 {
        %add3A_278 = arith.constant 2 : i32
        %add3A_279 = arith.addi %mul3A_219, %add3A_278 : i32
        %dma_start3A_280 = arith.constant 0 : i32
        %dma_start3A_281 = arith.constant 0 : i32
        %dma_start3A_282 = arith.constant 0 : i32
        %dma_start3A_283 = tpu.memref_slice %arg6[%dma_start3A_281, %dma_start3A_282] : memref<128x128xf32, #tpu.memory_space<vmem>> -> memref<64x128xf32, #tpu.memory_space<vmem>>
        %dma_start3A_284 = arith.constant 0 : i32
        %dma_start3A_285 = tpu.memref_slice %arg5[%dma_start3A_280, %add3A_279, %dma_start3A_284] : memref<2x40x128xi32, #tpu.memory_space<vmem>> -> memref<1x1x64xi32, #tpu.memory_space<vmem>>
        %dma_start3A_286 = tpu.memref_squeeze %dma_start3A_285 : memref<1x1x64xi32, #tpu.memory_space<vmem>> -> memref<64xi32, #tpu.memory_space<vmem>>
        %dma_start3A_287 = arith.constant 0 : i32
        %dma_start3A_288 = arith.constant 0 : i32
        %dma_start3A_289 = tpu.memref_slice %arg2[%dma_start3A_287, %dma_start3A_288] : memref<10000x128xf32, #tpu.memory_space<hbm>> -> memref<10000x128xf32, #tpu.memory_space<hbm>>
        tpu.enqueue_indirect_dma source(%dma_start3A_289 : memref<10000x128xf32, #tpu.memory_space<hbm>>) target(%dma_start3A_283 : memref<64x128xf32, #tpu.memory_space<vmem>>) offsets(%dma_start3A_286 : memref<64xi32, #tpu.memory_space<vmem>>) semaphore(%arg9 : memref<!tpu.dma_semaphore, #tpu.memory_space<semaphore_mem>>)
        %dma_start3A_290 = arith.constant 0 : i32
        %dma_start3A_291 = arith.constant 64 : i32
        %dma_start3A_292 = arith.constant 0 : i32
        %dma_start3A_293 = tpu.memref_slice %arg6[%dma_start3A_291, %dma_start3A_292] : memref<128x128xf32, #tpu.memory_space<vmem>> -> memref<64x128xf32, #tpu.memory_space<vmem>>
        %dma_start3A_294 = arith.constant 64 : i32
        %dma_start3A_295 = tpu.memref_slice %arg5[%dma_start3A_290, %add3A_279, %dma_start3A_294] : memref<2x40x128xi32, #tpu.memory_space<vmem>> -> memref<1x1x64xi32, #tpu.memory_space<vmem>>
        %dma_start3A_296 = tpu.memref_squeeze %dma_start3A_295 : memref<1x1x64xi32, #tpu.memory_space<vmem>> -> memref<64xi32, #tpu.memory_space<vmem>>
        %dma_start3A_297 = arith.constant 0 : i32
        %dma_start3A_298 = arith.constant 0 : i32
        %dma_start3A_299 = tpu.memref_slice %arg2[%dma_start3A_297, %dma_start3A_298] : memref<10000x128xf32, #tpu.memory_space<hbm>> -> memref<10000x128xf32, #tpu.memory_space<hbm>>
        tpu.enqueue_indirect_dma source(%dma_start3A_299 : memref<10000x128xf32, #tpu.memory_space<hbm>>) target(%dma_start3A_293 : memref<64x128xf32, #tpu.memory_space<vmem>>) offsets(%dma_start3A_296 : memref<64xi32, #tpu.memory_space<vmem>>) semaphore(%arg10 : memref<!tpu.dma_semaphore, #tpu.memory_space<semaphore_mem>>)
      } else {
      }
      %dma_wait3A_247 = arith.constant 0 : i32
      %dma_wait3A_248 = arith.constant 0 : i32
      %dma_wait3A_249 = arith.constant 0 : i32
      %dma_wait3A_250 = arith.constant 0 : i32
      %dma_wait3A_251 = tpu.memref_slice %arg7[%dma_wait3A_249, %dma_wait3A_250] : memref<128x128xf32, #tpu.memory_space<vmem>> -> memref<64x128xf32, #tpu.memory_space<vmem>>
      %dma_wait3A_252 = arith.constant 0 : i32
      %dma_wait3A_253 = tpu.memref_slice %arg5[%dma_wait3A_247, %dma_wait3A_248, %dma_wait3A_252] : memref<2x40x128xi32, #tpu.memory_space<vmem>> -> memref<1x1x64xi32, #tpu.memory_space<vmem>>
      %dma_wait3A_254 = tpu.memref_squeeze %dma_wait3A_253 : memref<1x1x64xi32, #tpu.memory_space<vmem>> -> memref<64xi32, #tpu.memory_space<vmem>>
      %dma_wait3A_255 = arith.constant 0 : i32
      %dma_wait3A_256 = arith.constant 0 : i32
      %dma_wait3A_257 = tpu.memref_slice %arg2[%dma_wait3A_255, %dma_wait3A_256] : memref<10000x128xf32, #tpu.memory_space<hbm>> -> memref<10000x128xf32, #tpu.memory_space<hbm>>
      tpu.wait_indirect_dma semaphore(%arg11 : memref<!tpu.dma_semaphore, #tpu.memory_space<semaphore_mem>>) src(%dma_wait3A_257 : memref<10000x128xf32, #tpu.memory_space<hbm>>) dst(%dma_wait3A_251 : memref<64x128xf32, #tpu.memory_space<vmem>>)
      %dma_wait3A_258 = arith.constant 0 : i32
      %dma_wait3A_259 = arith.constant 0 : i32
      %dma_wait3A_260 = arith.constant 64 : i32
      %dma_wait3A_261 = arith.constant 0 : i32
      %dma_wait3A_262 = tpu.memref_slice %arg7[%dma_wait3A_260, %dma_wait3A_261] : memref<128x128xf32, #tpu.memory_space<vmem>> -> memref<64x128xf32, #tpu.memory_space<vmem>>
      %dma_wait3A_263 = arith.constant 0 : i32
      %dma_wait3A_264 = tpu.memref_slice %arg5[%dma_wait3A_258, %dma_wait3A_259, %dma_wait3A_263] : memref<2x40x128xi32, #tpu.memory_space<vmem>> -> memref<1x1x64xi32, #tpu.memory_space<vmem>>
      %dma_wait3A_265 = tpu.memref_squeeze %dma_wait3A_264 : memref<1x1x64xi32, #tpu.memory_space<vmem>> -> memref<64xi32, #tpu.memory_space<vmem>>
      %dma_wait3A_266 = arith.constant 0 : i32
      %dma_wait3A_267 = arith.constant 0 : i32
      %dma_wait3A_268 = tpu.memref_slice %arg2[%dma_wait3A_266, %dma_wait3A_267] : memref<10000x128xf32, #tpu.memory_space<hbm>> -> memref<10000x128xf32, #tpu.memory_space<hbm>>
      tpu.wait_indirect_dma semaphore(%arg12 : memref<!tpu.dma_semaphore, #tpu.memory_space<semaphore_mem>>) src(%dma_wait3A_268 : memref<10000x128xf32, #tpu.memory_space<hbm>>) dst(%dma_wait3A_262 : memref<64x128xf32, #tpu.memory_space<vmem>>)
      %add3A_269 = arith.constant 1 : i32
      %add3A_270 = arith.addi %mul3A_219, %add3A_269 : i32
      %run_scoped3A_271 = arith.constant 1 : i32
      "tpu.region"() ({
        %run_scoped3A_278 = tpu.sem_alloc : memref<!tpu.dma_semaphore, #tpu.memory_space<semaphore_mem>>
        %dma_start3A_279 = arith.constant 0 : i32
        %dma_start3A_280 = tpu.memref_slice %arg5[%run_scoped3A_271, %add3A_270, %dma_start3A_279] : memref<2x40x128xi32, #tpu.memory_space<vmem>> -> memref<1x1x128xi32, #tpu.memory_space<vmem>>
        %dma_start3A_281 = tpu.memref_squeeze %dma_start3A_280 : memref<1x1x128xi32, #tpu.memory_space<vmem>> -> memref<128xi32, #tpu.memory_space<vmem>>
        %dma_start3A_282 = arith.constant 0 : i32
        %dma_start3A_283 = arith.constant 0 : i32
        %dma_start3A_284 = tpu.memref_slice %arg8[%dma_start3A_282, %dma_start3A_283] : memref<10240x128xf32, #tpu.memory_space<vmem_shared>> -> memref<10240x128xf32, #tpu.memory_space<vmem_shared>>
        tpu.enqueue_indirect_dma source(%arg7 : memref<128x128xf32, #tpu.memory_space<vmem>>) target(%dma_start3A_284 : memref<10240x128xf32, #tpu.memory_space<vmem_shared>>) offsets(%dma_start3A_281 : memref<128xi32, #tpu.memory_space<vmem>>) semaphore(%run_scoped3A_278 : memref<!tpu.dma_semaphore, #tpu.memory_space<semaphore_mem>>) {add = true}
        %dma_wait3A_285 = arith.constant 0 : i32
        %dma_wait3A_286 = tpu.memref_slice %arg5[%run_scoped3A_271, %add3A_270, %dma_wait3A_285] : memref<2x40x128xi32, #tpu.memory_space<vmem>> -> memref<1x1x128xi32, #tpu.memory_space<vmem>>
        %dma_wait3A_287 = tpu.memref_squeeze %dma_wait3A_286 : memref<1x1x128xi32, #tpu.memory_space<vmem>> -> memref<128xi32, #tpu.memory_space<vmem>>
        %dma_wait3A_288 = arith.constant 0 : i32
        %dma_wait3A_289 = arith.constant 0 : i32
        %dma_wait3A_290 = tpu.memref_slice %arg8[%dma_wait3A_288, %dma_wait3A_289] : memref<10240x128xf32, #tpu.memory_space<vmem_shared>> -> memref<10240x128xf32, #tpu.memory_space<vmem_shared>>
        tpu.wait_indirect_dma semaphore(%run_scoped3A_278 : memref<!tpu.dma_semaphore, #tpu.memory_space<semaphore_mem>>) src(%arg7 : memref<128x128xf32, #tpu.memory_space<vmem>>) dst(%dma_wait3A_290 : memref<10240x128xf32, #tpu.memory_space<vmem_shared>>)
        tpu.yield
      }) : () -> ()
      %add3A_272 = arith.constant 3 : i32
      %add3A_273 = arith.addi %mul3A_219, %add3A_272 : i32
      %lt3A_274 = arith.cmpi slt, %add3A_273, %sub3A_117 : i32
      %convert_element_type3A_275 = arith.extui %lt3A_274 : i1 to i32
      %cond3A_276 = arith.constant 0 : i32
      %cond3A_277 = arith.cmpi ne, %convert_element_type3A_275, %cond3A_276 : i32
      scf.if %cond3A_277 {
        %add3A_278 = arith.constant 3 : i32
        %add3A_279 = arith.addi %mul3A_219, %add3A_278 : i32
        %dma_start3A_280 = arith.constant 0 : i32
        %dma_start3A_281 = arith.constant 0 : i32
        %dma_start3A_282 = arith.constant 0 : i32
        %dma_start3A_283 = tpu.memref_slice %arg7[%dma_start3A_281, %dma_start3A_282] : memref<128x128xf32, #tpu.memory_space<vmem>> -> memref<64x128xf32, #tpu.memory_space<vmem>>
        %dma_start3A_284 = arith.constant 0 : i32
        %dma_start3A_285 = tpu.memref_slice %arg5[%dma_start3A_280, %add3A_279, %dma_start3A_284] : memref<2x40x128xi32, #tpu.memory_space<vmem>> -> memref<1x1x64xi32, #tpu.memory_space<vmem>>
        %dma_start3A_286 = tpu.memref_squeeze %dma_start3A_285 : memref<1x1x64xi32, #tpu.memory_space<vmem>> -> memref<64xi32, #tpu.memory_space<vmem>>
        %dma_start3A_287 = arith.constant 0 : i32
        %dma_start3A_288 = arith.constant 0 : i32
        %dma_start3A_289 = tpu.memref_slice %arg2[%dma_start3A_287, %dma_start3A_288] : memref<10000x128xf32, #tpu.memory_space<hbm>> -> memref<10000x128xf32, #tpu.memory_space<hbm>>
        tpu.enqueue_indirect_dma source(%dma_start3A_289 : memref<10000x128xf32, #tpu.memory_space<hbm>>) target(%dma_start3A_283 : memref<64x128xf32, #tpu.memory_space<vmem>>) offsets(%dma_start3A_286 : memref<64xi32, #tpu.memory_space<vmem>>) semaphore(%arg11 : memref<!tpu.dma_semaphore, #tpu.memory_space<semaphore_mem>>)
        %dma_start3A_290 = arith.constant 0 : i32
        %dma_start3A_291 = arith.constant 64 : i32
        %dma_start3A_292 = arith.constant 0 : i32
        %dma_start3A_293 = tpu.memref_slice %arg7[%dma_start3A_291, %dma_start3A_292] : memref<128x128xf32, #tpu.memory_space<vmem>> -> memref<64x128xf32, #tpu.memory_space<vmem>>
        %dma_start3A_294 = arith.constant 64 : i32
        %dma_start3A_295 = tpu.memref_slice %arg5[%dma_start3A_290, %add3A_279, %dma_start3A_294] : memref<2x40x128xi32, #tpu.memory_space<vmem>> -> memref<1x1x64xi32, #tpu.memory_space<vmem>>
        %dma_start3A_296 = tpu.memref_squeeze %dma_start3A_295 : memref<1x1x64xi32, #tpu.memory_space<vmem>> -> memref<64xi32, #tpu.memory_space<vmem>>
        %dma_start3A_297 = arith.constant 0 : i32
        %dma_start3A_298 = arith.constant 0 : i32
        %dma_start3A_299 = tpu.memref_slice %arg2[%dma_start3A_297, %dma_start3A_298] : memref<10000x128xf32, #tpu.memory_space<hbm>> -> memref<10000x128xf32, #tpu.memory_space<hbm>>
        tpu.enqueue_indirect_dma source(%dma_start3A_299 : memref<10000x128xf32, #tpu.memory_space<hbm>>) target(%dma_start3A_293 : memref<64x128xf32, #tpu.memory_space<vmem>>) offsets(%dma_start3A_296 : memref<64xi32, #tpu.memory_space<vmem>>) semaphore(%arg12 : memref<!tpu.dma_semaphore, #tpu.memory_space<semaphore_mem>>)
      } else {
      }
    }
    %while3A_205 = arith.constant 1 : i32
    scf.for %while3A_217 = %while3A_203 to %while3A_199 step %while3A_205  : i32 {
      %mul3A_218 = arith.constant 2 : i32
      %mul3A_219 = arith.muli %mul3A_218, %while3A_217 : i32
      %dma_wait3A = arith.constant 0 : i32
      %dma_wait3A_220 = arith.constant 0 : i32
      %dma_wait3A_221 = arith.constant 0 : i32
      %dma_wait3A_222 = arith.constant 0 : i32
      %dma_wait3A_223 = tpu.memref_slice %arg6[%dma_wait3A_221, %dma_wait3A_222] : memref<128x128xf32, #tpu.memory_space<vmem>> -> memref<64x128xf32, #tpu.memory_space<vmem>>
      %dma_wait3A_224 = arith.constant 0 : i32
      %dma_wait3A_225 = tpu.memref_slice %arg5[%dma_wait3A, %dma_wait3A_220, %dma_wait3A_224] : memref<2x40x128xi32, #tpu.memory_space<vmem>> -> memref<1x1x64xi32, #tpu.memory_space<vmem>>
      %dma_wait3A_226 = tpu.memref_squeeze %dma_wait3A_225 : memref<1x1x64xi32, #tpu.memory_space<vmem>> -> memref<64xi32, #tpu.memory_space<vmem>>
      %dma_wait3A_227 = arith.constant 0 : i32
      %dma_wait3A_228 = arith.constant 0 : i32
      %dma_wait3A_229 = tpu.memref_slice %arg2[%dma_wait3A_227, %dma_wait3A_228] : memref<10000x128xf32, #tpu.memory_space<hbm>> -> memref<10000x128xf32, #tpu.memory_space<hbm>>
      tpu.wait_indirect_dma semaphore(%arg9 : memref<!tpu.dma_semaphore, #tpu.memory_space<semaphore_mem>>) src(%dma_wait3A_229 : memref<10000x128xf32, #tpu.memory_space<hbm>>) dst(%dma_wait3A_223 : memref<64x128xf32, #tpu.memory_space<vmem>>)
      %dma_wait3A_230 = arith.constant 0 : i32
      %dma_wait3A_231 = arith.constant 0 : i32
      %dma_wait3A_232 = arith.constant 64 : i32
      %dma_wait3A_233 = arith.constant 0 : i32
      %dma_wait3A_234 = tpu.memref_slice %arg6[%dma_wait3A_232, %dma_wait3A_233] : memref<128x128xf32, #tpu.memory_space<vmem>> -> memref<64x128xf32, #tpu.memory_space<vmem>>
      %dma_wait3A_235 = arith.constant 0 : i32
      %dma_wait3A_236 = tpu.memref_slice %arg5[%dma_wait3A_230, %dma_wait3A_231, %dma_wait3A_235] : memref<2x40x128xi32, #tpu.memory_space<vmem>> -> memref<1x1x64xi32, #tpu.memory_space<vmem>>
      %dma_wait3A_237 = tpu.memref_squeeze %dma_wait3A_236 : memref<1x1x64xi32, #tpu.memory_space<vmem>> -> memref<64xi32, #tpu.memory_space<vmem>>
      %dma_wait3A_238 = arith.constant 0 : i32
      %dma_wait3A_239 = arith.constant 0 : i32
      %dma_wait3A_240 = tpu.memref_slice %arg2[%dma_wait3A_238, %dma_wait3A_239] : memref<10000x128xf32, #tpu.memory_space<hbm>> -> memref<10000x128xf32, #tpu.memory_space<hbm>>
      tpu.wait_indirect_dma semaphore(%arg10 : memref<!tpu.dma_semaphore, #tpu.memory_space<semaphore_mem>>) src(%dma_wait3A_240 : memref<10000x128xf32, #tpu.memory_space<hbm>>) dst(%dma_wait3A_234 : memref<64x128xf32, #tpu.memory_space<vmem>>)
      %run_scoped3A = arith.constant 1 : i32
      "tpu.region"() ({
        %run_scoped3A_278 = tpu.sem_alloc : memref<!tpu.dma_semaphore, #tpu.memory_space<semaphore_mem>>
        %dma_start3A_279 = arith.constant 0 : i32
        %dma_start3A_280 = tpu.memref_slice %arg5[%run_scoped3A, %mul3A_219, %dma_start3A_279] : memref<2x40x128xi32, #tpu.memory_space<vmem>> -> memref<1x1x128xi32, #tpu.memory_space<vmem>>
        %dma_start3A_281 = tpu.memref_squeeze %dma_start3A_280 : memref<1x1x128xi32, #tpu.memory_space<vmem>> -> memref<128xi32, #tpu.memory_space<vmem>>
        %dma_start3A_282 = arith.constant 0 : i32
        %dma_start3A_283 = arith.constant 0 : i32
        %dma_start3A_284 = tpu.memref_slice %arg8[%dma_start3A_282, %dma_start3A_283] : memref<10240x128xf32, #tpu.memory_space<vmem_shared>> -> memref<10240x128xf32, #tpu.memory_space<vmem_shared>>
        tpu.enqueue_indirect_dma source(%arg6 : memref<128x128xf32, #tpu.memory_space<vmem>>) target(%dma_start3A_284 : memref<10240x128xf32, #tpu.memory_space<vmem_shared>>) offsets(%dma_start3A_281 : memref<128xi32, #tpu.memory_space<vmem>>) semaphore(%run_scoped3A_278 : memref<!tpu.dma_semaphore, #tpu.memory_space<semaphore_mem>>) {add = true}
        %dma_wait3A_285 = arith.constant 0 : i32
        %dma_wait3A_286 = tpu.memref_slice %arg5[%run_scoped3A, %mul3A_219, %dma_wait3A_285] : memref<2x40x128xi32, #tpu.memory_space<vmem>> -> memref<1x1x128xi32, #tpu.memory_space<vmem>>
        %dma_wait3A_287 = tpu.memref_squeeze %dma_wait3A_286 : memref<1x1x128xi32, #tpu.memory_space<vmem>> -> memref<128xi32, #tpu.memory_space<vmem>>
        %dma_wait3A_288 = arith.constant 0 : i32
        %dma_wait3A_289 = arith.constant 0 : i32
        %dma_wait3A_290 = tpu.memref_slice %arg8[%dma_wait3A_288, %dma_wait3A_289] : memref<10240x128xf32, #tpu.memory_space<vmem_shared>> -> memref<10240x128xf32, #tpu.memory_space<vmem_shared>>
        tpu.wait_indirect_dma semaphore(%run_scoped3A_278 : memref<!tpu.dma_semaphore, #tpu.memory_space<semaphore_mem>>) src(%arg6 : memref<128x128xf32, #tpu.memory_space<vmem>>) dst(%dma_wait3A_290 : memref<10240x128xf32, #tpu.memory_space<vmem_shared>>)
        tpu.yield
      }) : () -> ()
      %add3A_241 = arith.constant 2 : i32
      %add3A_242 = arith.addi %mul3A_219, %add3A_241 : i32
      %lt3A_243 = arith.cmpi slt, %add3A_242, %sub3A_117 : i32
      %convert_element_type3A_244 = arith.extui %lt3A_243 : i1 to i32
      %cond3A_245 = arith.constant 0 : i32
      %cond3A_246 = arith.cmpi ne, %convert_element_type3A_244, %cond3A_245 : i32
      scf.if %cond3A_246 {
        %add3A_278 = arith.constant 2 : i32
        %add3A_279 = arith.addi %mul3A_219, %add3A_278 : i32
        %dma_start3A_280 = arith.constant 0 : i32
        %dma_start3A_281 = arith.constant 0 : i32
        %dma_start3A_282 = arith.constant 0 : i32
        %dma_start3A_283 = tpu.memref_slice %arg6[%dma_start3A_281, %dma_start3A_282] : memref<128x128xf32, #tpu.memory_space<vmem>> -> memref<64x128xf32, #tpu.memory_space<vmem>>
        %dma_start3A_284 = arith.constant 0 : i32
        %dma_start3A_285 = tpu.memref_slice %arg5[%dma_start3A_280, %add3A_279, %dma_start3A_284] : memref<2x40x128xi32, #tpu.memory_space<vmem>> -> memref<1x1x64xi32, #tpu.memory_space<vmem>>
        %dma_start3A_286 = tpu.memref_squeeze %dma_start3A_285 : memref<1x1x64xi32, #tpu.memory_space<vmem>> -> memref<64xi32, #tpu.memory_space<vmem>>
        %dma_start3A_287 = arith.constant 0 : i32
        %dma_start3A_288 = arith.constant 0 : i32
        %dma_start3A_289 = tpu.memref_slice %arg2[%dma_start3A_287, %dma_start3A_288] : memref<10000x128xf32, #tpu.memory_space<hbm>> -> memref<10000x128xf32, #tpu.memory_space<hbm>>
        tpu.enqueue_indirect_dma source(%dma_start3A_289 : memref<10000x128xf32, #tpu.memory_space<hbm>>) target(%dma_start3A_283 : memref<64x128xf32, #tpu.memory_space<vmem>>) offsets(%dma_start3A_286 : memref<64xi32, #tpu.memory_space<vmem>>) semaphore(%arg9 : memref<!tpu.dma_semaphore, #tpu.memory_space<semaphore_mem>>)
        %dma_start3A_290 = arith.constant 0 : i32
        %dma_start3A_291 = arith.constant 64 : i32
        %dma_start3A_292 = arith.constant 0 : i32
        %dma_start3A_293 = tpu.memref_slice %arg6[%dma_start3A_291, %dma_start3A_292] : memref<128x128xf32, #tpu.memory_space<vmem>> -> memref<64x128xf32, #tpu.memory_space<vmem>>
        %dma_start3A_294 = arith.constant 64 : i32
        %dma_start3A_295 = tpu.memref_slice %arg5[%dma_start3A_290, %add3A_279, %dma_start3A_294] : memref<2x40x128xi32, #tpu.memory_space<vmem>> -> memref<1x1x64xi32, #tpu.memory_space<vmem>>
        %dma_start3A_296 = tpu.memref_squeeze %dma_start3A_295 : memref<1x1x64xi32, #tpu.memory_space<vmem>> -> memref<64xi32, #tpu.memory_space<vmem>>
        %dma_start3A_297 = arith.constant 0 : i32
        %dma_start3A_298 = arith.constant 0 : i32
        %dma_start3A_299 = tpu.memref_slice %arg2[%dma_start3A_297, %dma_start3A_298] : memref<10000x128xf32, #tpu.memory_space<hbm>> -> memref<10000x128xf32, #tpu.memory_space<hbm>>
        tpu.enqueue_indirect_dma source(%dma_start3A_299 : memref<10000x128xf32, #tpu.memory_space<hbm>>) target(%dma_start3A_293 : memref<64x128xf32, #tpu.memory_space<vmem>>) offsets(%dma_start3A_296 : memref<64xi32, #tpu.memory_space<vmem>>) semaphore(%arg10 : memref<!tpu.dma_semaphore, #tpu.memory_space<semaphore_mem>>)
      } else {
      }
      %dma_wait3A_247 = arith.constant 0 : i32
      %dma_wait3A_248 = arith.constant 0 : i32
      %dma_wait3A_249 = arith.constant 0 : i32
      %dma_wait3A_250 = arith.constant 0 : i32
      %dma_wait3A_251 = tpu.memref_slice %arg7[%dma_wait3A_249, %dma_wait3A_250] : memref<128x128xf32, #tpu.memory_space<vmem>> -> memref<64x128xf32, #tpu.memory_space<vmem>>
      %dma_wait3A_252 = arith.constant 0 : i32
      %dma_wait3A_253 = tpu.memref_slice %arg5[%dma_wait3A_247, %dma_wait3A_248, %dma_wait3A_252] : memref<2x40x128xi32, #tpu.memory_space<vmem>> -> memref<1x1x64xi32, #tpu.memory_space<vmem>>
      %dma_wait3A_254 = tpu.memref_squeeze %dma_wait3A_253 : memref<1x1x64xi32, #tpu.memory_space<vmem>> -> memref<64xi32, #tpu.memory_space<vmem>>
      %dma_wait3A_255 = arith.constant 0 : i32
      %dma_wait3A_256 = arith.constant 0 : i32
      %dma_wait3A_257 = tpu.memref_slice %arg2[%dma_wait3A_255, %dma_wait3A_256] : memref<10000x128xf32, #tpu.memory_space<hbm>> -> memref<10000x128xf32, #tpu.memory_space<hbm>>
      tpu.wait_indirect_dma semaphore(%arg11 : memref<!tpu.dma_semaphore, #tpu.memory_space<semaphore_mem>>) src(%dma_wait3A_257 : memref<10000x128xf32, #tpu.memory_space<hbm>>) dst(%dma_wait3A_251 : memref<64x128xf32, #tpu.memory_space<vmem>>)
      %dma_wait3A_258 = arith.constant 0 : i32
      %dma_wait3A_259 = arith.constant 0 : i32
      %dma_wait3A_260 = arith.constant 64 : i32
      %dma_wait3A_261 = arith.constant 0 : i32
      %dma_wait3A_262 = tpu.memref_slice %arg7[%dma_wait3A_260, %dma_wait3A_261] : memref<128x128xf32, #tpu.memory_space<vmem>> -> memref<64x128xf32, #tpu.memory_space<vmem>>
      %dma_wait3A_263 = arith.constant 0 : i32
      %dma_wait3A_264 = tpu.memref_slice %arg5[%dma_wait3A_258, %dma_wait3A_259, %dma_wait3A_263] : memref<2x40x128xi32, #tpu.memory_space<vmem>> -> memref<1x1x64xi32, #tpu.memory_space<vmem>>
      %dma_wait3A_265 = tpu.memref_squeeze %dma_wait3A_264 : memref<1x1x64xi32, #tpu.memory_space<vmem>> -> memref<64xi32, #tpu.memory_space<vmem>>
      %dma_wait3A_266 = arith.constant 0 : i32
      %dma_wait3A_267 = arith.constant 0 : i32
      %dma_wait3A_268 = tpu.memref_slice %arg2[%dma_wait3A_266, %dma_wait3A_267] : memref<10000x128xf32, #tpu.memory_space<hbm>> -> memref<10000x128xf32, #tpu.memory_space<hbm>>
      tpu.wait_indirect_dma semaphore(%arg12 : memref<!tpu.dma_semaphore, #tpu.memory_space<semaphore_mem>>) src(%dma_wait3A_268 : memref<10000x128xf32, #tpu.memory_space<hbm>>) dst(%dma_wait3A_262 : memref<64x128xf32, #tpu.memory_space<vmem>>)
      %add3A_269 = arith.constant 1 : i32
      %add3A_270 = arith.addi %mul3A_219, %add3A_269 : i32
      %run_scoped3A_271 = arith.constant 1 : i32
      "tpu.region"() ({
        %run_scoped3A_278 = tpu.sem_alloc : memref<!tpu.dma_semaphore, #tpu.memory_space<semaphore_mem>>
        %dma_start3A_279 = arith.constant 0 : i32
        %dma_start3A_280 = tpu.memref_slice %arg5[%run_scoped3A_271, %add3A_270, %dma_start3A_279] : memref<2x40x128xi32, #tpu.memory_space<vmem>> -> memref<1x1x128xi32, #tpu.memory_space<vmem>>
        %dma_start3A_281 = tpu.memref_squeeze %dma_start3A_280 : memref<1x1x128xi32, #tpu.memory_space<vmem>> -> memref<128xi32, #tpu.memory_space<vmem>>
        %dma_start3A_282 = arith.constant 0 : i32
        %dma_start3A_283 = arith.constant 0 : i32
        %dma_start3A_284 = tpu.memref_slice %arg8[%dma_start3A_282, %dma_start3A_283] : memref<10240x128xf32, #tpu.memory_space<vmem_shared>> -> memref<10240x128xf32, #tpu.memory_space<vmem_shared>>
        tpu.enqueue_indirect_dma source(%arg7 : memref<128x128xf32, #tpu.memory_space<vmem>>) target(%dma_start3A_284 : memref<10240x128xf32, #tpu.memory_space<vmem_shared>>) offsets(%dma_start3A_281 : memref<128xi32, #tpu.memory_space<vmem>>) semaphore(%run_scoped3A_278 : memref<!tpu.dma_semaphore, #tpu.memory_space<semaphore_mem>>) {add = true}
        %dma_wait3A_285 = arith.constant 0 : i32
        %dma_wait3A_286 = tpu.memref_slice %arg5[%run_scoped3A_271, %add3A_270, %dma_wait3A_285] : memref<2x40x128xi32, #tpu.memory_space<vmem>> -> memref<1x1x128xi32, #tpu.memory_space<vmem>>
        %dma_wait3A_287 = tpu.memref_squeeze %dma_wait3A_286 : memref<1x1x128xi32, #tpu.memory_space<vmem>> -> memref<128xi32, #tpu.memory_space<vmem>>
        %dma_wait3A_288 = arith.constant 0 : i32
        %dma_wait3A_289 = arith.constant 0 : i32
        %dma_wait3A_290 = tpu.memref_slice %arg8[%dma_wait3A_288, %dma_wait3A_289] : memref<10240x128xf32, #tpu.memory_space<vmem_shared>> -> memref<10240x128xf32, #tpu.memory_space<vmem_shared>>
        tpu.wait_indirect_dma semaphore(%run_scoped3A_278 : memref<!tpu.dma_semaphore, #tpu.memory_space<semaphore_mem>>) src(%arg7 : memref<128x128xf32, #tpu.memory_space<vmem>>) dst(%dma_wait3A_290 : memref<10240x128xf32, #tpu.memory_space<vmem_shared>>)
        tpu.yield
      }) : () -> ()
      %add3A_272 = arith.constant 3 : i32
      %add3A_273 = arith.addi %mul3A_219, %add3A_272 : i32
      %lt3A_274 = arith.cmpi slt, %add3A_273, %sub3A_117 : i32
      %convert_element_type3A_275 = arith.extui %lt3A_274 : i1 to i32
      %cond3A_276 = arith.constant 0 : i32
      %cond3A_277 = arith.cmpi ne, %convert_element_type3A_275, %cond3A_276 : i32
      scf.if %cond3A_277 {
        %add3A_278 = arith.constant 3 : i32
        %add3A_279 = arith.addi %mul3A_219, %add3A_278 : i32
        %dma_start3A_280 = arith.constant 0 : i32
        %dma_start3A_281 = arith.constant 0 : i32
        %dma_start3A_282 = arith.constant 0 : i32
        %dma_start3A_283 = tpu.memref_slice %arg7[%dma_start3A_281, %dma_start3A_282] : memref<128x128xf32, #tpu.memory_space<vmem>> -> memref<64x128xf32, #tpu.memory_space<vmem>>
        %dma_start3A_284 = arith.constant 0 : i32
        %dma_start3A_285 = tpu.memref_slice %arg5[%dma_start3A_280, %add3A_279, %dma_start3A_284] : memref<2x40x128xi32, #tpu.memory_space<vmem>> -> memref<1x1x64xi32, #tpu.memory_space<vmem>>
        %dma_start3A_286 = tpu.memref_squeeze %dma_start3A_285 : memref<1x1x64xi32, #tpu.memory_space<vmem>> -> memref<64xi32, #tpu.memory_space<vmem>>
        %dma_start3A_287 = arith.constant 0 : i32
        %dma_start3A_288 = arith.constant 0 : i32
        %dma_start3A_289 = tpu.memref_slice %arg2[%dma_start3A_287, %dma_start3A_288] : memref<10000x128xf32, #tpu.memory_space<hbm>> -> memref<10000x128xf32, #tpu.memory_space<hbm>>
        tpu.enqueue_indirect_dma source(%dma_start3A_289 : memref<10000x128xf32, #tpu.memory_space<hbm>>) target(%dma_start3A_283 : memref<64x128xf32, #tpu.memory_space<vmem>>) offsets(%dma_start3A_286 : memref<64xi32, #tpu.memory_space<vmem>>) semaphore(%arg11 : memref<!tpu.dma_semaphore, #tpu.memory_space<semaphore_mem>>)
        %dma_start3A_290 = arith.constant 0 : i32
        %dma_start3A_291 = arith.constant 64 : i32
        %dma_start3A_292 = arith.constant 0 : i32
        %dma_start3A_293 = tpu.memref_slice %arg7[%dma_start3A_291, %dma_start3A_292] : memref<128x128xf32, #tpu.memory_space<vmem>> -> memref<64x128xf32, #tpu.memory_space<vmem>>
        %dma_start3A_294 = arith.constant 64 : i32
        %dma_start3A_295 = tpu.memref_slice %arg5[%dma_start3A_290, %add3A_279, %dma_start3A_294] : memref<2x40x128xi32, #tpu.memory_space<vmem>> -> memref<1x1x64xi32, #tpu.memory_space<vmem>>
        %dma_start3A_296 = tpu.memref_squeeze %dma_start3A_295 : memref<1x1x64xi32, #tpu.memory_space<vmem>> -> memref<64xi32, #tpu.memory_space<vmem>>
        %dma_start3A_297 = arith.constant 0 : i32
        %dma_start3A_298 = arith.constant 0 : i32
        %dma_start3A_299 = tpu.memref_slice %arg2[%dma_start3A_297, %dma_start3A_298] : memref<10000x128xf32, #tpu.memory_space<hbm>> -> memref<10000x128xf32, #tpu.memory_space<hbm>>
        tpu.enqueue_indirect_dma source(%dma_start3A_299 : memref<10000x128xf32, #tpu.memory_space<hbm>>) target(%dma_start3A_293 : memref<64x128xf32, #tpu.memory_space<vmem>>) offsets(%dma_start3A_296 : memref<64xi32, #tpu.memory_space<vmem>>) semaphore(%arg12 : memref<!tpu.dma_semaphore, #tpu.memory_space<semaphore_mem>>)
      } else {
      }
    }
    %barrier3A_206 = arith.constant 0 : index
    tpu.barrier barrier_id(%barrier3A_206)
    %lt3A_207 = arith.constant 15 : i32
    %lt3A_208 = arith.cmpi slt, %arg1, %lt3A_207 : i32
    %convert_element_type3A_209 = arith.extui %lt3A_208 : i1 to i32
    %cond3A_210 = arith.constant 0 : i32
    %cond3A_211 = arith.cmpi ne, %convert_element_type3A_209, %cond3A_210 : i32
    scf.if %cond3A_211 {
      "tpu.region"() ({
        %run_scoped3A = tpu.sem_alloc : memref<!tpu.dma_semaphore, #tpu.memory_space<semaphore_mem>>
        %dma_start3A_217 = arith.constant 0 : i32
        %dma_start3A_218 = tpu.memref_slice %arg4[%arg0, %mul3A_21, %dma_start3A_217] : memref<2x10000x128xf32, #tpu.memory_space<hbm>> -> memref<1x640x128xf32, #tpu.memory_space<hbm>>
        %dma_start3A_219 = tpu.memref_squeeze %dma_start3A_218 : memref<1x640x128xf32, #tpu.memory_space<hbm>> -> memref<640x128xf32, #tpu.memory_space<hbm>>
        %dma_start3A_220 = arith.constant 0 : i32
        %dma_start3A_221 = tpu.memref_slice %arg8[%mul3A_21, %dma_start3A_220] : memref<10240x128xf32, #tpu.memory_space<vmem_shared>> -> memref<640x128xf32, #tpu.memory_space<vmem_shared>>
        tpu.enqueue_dma source(%dma_start3A_221 : memref<640x128xf32, #tpu.memory_space<vmem_shared>>) target(%dma_start3A_219 : memref<640x128xf32, #tpu.memory_space<hbm>>) target_semaphore(%run_scoped3A : memref<!tpu.dma_semaphore, #tpu.memory_space<semaphore_mem>>)
        %dma_wait3A = arith.constant 0 : i32
        %dma_wait3A_222 = tpu.memref_slice %arg4[%arg0, %mul3A_21, %dma_wait3A] : memref<2x10000x128xf32, #tpu.memory_space<hbm>> -> memref<1x640x128xf32, #tpu.memory_space<hbm>>
        %dma_wait3A_223 = tpu.memref_squeeze %dma_wait3A_222 : memref<1x640x128xf32, #tpu.memory_space<hbm>> -> memref<640x128xf32, #tpu.memory_space<hbm>>
        %dma_wait3A_224 = arith.constant 0 : i32
        %dma_wait3A_225 = tpu.memref_slice %arg8[%mul3A_21, %dma_wait3A_224] : memref<10240x128xf32, #tpu.memory_space<vmem_shared>> -> memref<640x128xf32, #tpu.memory_space<vmem_shared>>
        tpu.wait_dma2 semaphore(%run_scoped3A : memref<!tpu.dma_semaphore, #tpu.memory_space<semaphore_mem>>) src(%dma_wait3A_225 : memref<640x128xf32, #tpu.memory_space<vmem_shared>>) dst(%dma_wait3A_223 : memref<640x128xf32, #tpu.memory_space<hbm>>)
        tpu.yield
      }) : () -> ()
    } else {
    }
    %eq3A_212 = arith.constant 15 : i32
    %eq3A_213 = arith.cmpi eq, %arg1, %eq3A_212 : i32
    %convert_element_type3A_214 = arith.extui %eq3A_213 : i1 to i32
    %cond3A_215 = arith.constant 0 : i32
    %cond3A_216 = arith.cmpi ne, %convert_element_type3A_214, %cond3A_215 : i32
    scf.if %cond3A_216 {
      "tpu.region"() ({
        %run_scoped3A = tpu.sem_alloc : memref<!tpu.dma_semaphore, #tpu.memory_space<semaphore_mem>>
        %dma_start3A_217 = arith.constant 9600 : i32
        %dma_start3A_218 = arith.constant 0 : i32
        %dma_start3A_219 = tpu.memref_slice %arg4[%arg0, %dma_start3A_217, %dma_start3A_218] : memref<2x10000x128xf32, #tpu.memory_space<hbm>> -> memref<1x400x128xf32, #tpu.memory_space<hbm>>
        %dma_start3A_220 = tpu.memref_squeeze %dma_start3A_219 : memref<1x400x128xf32, #tpu.memory_space<hbm>> -> memref<400x128xf32, #tpu.memory_space<hbm>>
        %dma_start3A_221 = arith.constant 9600 : i32
        %dma_start3A_222 = arith.constant 0 : i32
        %dma_start3A_223 = tpu.memref_slice %arg8[%dma_start3A_221, %dma_start3A_222] : memref<10240x128xf32, #tpu.memory_space<vmem_shared>> -> memref<400x128xf32, #tpu.memory_space<vmem_shared>>
        tpu.enqueue_dma source(%dma_start3A_223 : memref<400x128xf32, #tpu.memory_space<vmem_shared>>) target(%dma_start3A_220 : memref<400x128xf32, #tpu.memory_space<hbm>>) target_semaphore(%run_scoped3A : memref<!tpu.dma_semaphore, #tpu.memory_space<semaphore_mem>>)
        %dma_wait3A = arith.constant 9600 : i32
        %dma_wait3A_224 = arith.constant 0 : i32
        %dma_wait3A_225 = tpu.memref_slice %arg4[%arg0, %dma_wait3A, %dma_wait3A_224] : memref<2x10000x128xf32, #tpu.memory_space<hbm>> -> memref<1x400x128xf32, #tpu.memory_space<hbm>>
        %dma_wait3A_226 = tpu.memref_squeeze %dma_wait3A_225 : memref<1x400x128xf32, #tpu.memory_space<hbm>> -> memref<400x128xf32, #tpu.memory_space<hbm>>
        %dma_wait3A_227 = arith.constant 9600 : i32
        %dma_wait3A_228 = arith.constant 0 : i32
        %dma_wait3A_229 = tpu.memref_slice %arg8[%dma_wait3A_227, %dma_wait3A_228] : memref<10240x128xf32, #tpu.memory_space<vmem_shared>> -> memref<400x128xf32, #tpu.memory_space<vmem_shared>>
        tpu.wait_dma2 semaphore(%run_scoped3A : memref<!tpu.dma_semaphore, #tpu.memory_space<semaphore_mem>>) src(%dma_wait3A_229 : memref<400x128xf32, #tpu.memory_space<vmem_shared>>) dst(%dma_wait3A_226 : memref<400x128xf32, #tpu.memory_space<hbm>>)
        tpu.yield
      }) : () -> ()
    } else {
    }
    return
  }
}

#map = affine_map<(d0, d1) -> (0, 0, 0)>
#map1 = affine_map<(d0, d1) -> (0, 0)>
module attributes {stable_mosaic.version = 14 : i64} {
  func.func @_deg(%arg0: i32, %arg1: i32, %arg2: memref<2x2500x128xi32, #tpu.memory_space<hbm>>, %arg3: memref<2x10240xf32, #tpu.memory_space<hbm>>, %arg4: memref<80x128xi32, #tpu.memory_space<vmem>>, %arg5: memref<128xf32, #tpu.memory_space<vmem>>, %arg6: memref<10240xf32, #tpu.memory_space<vmem_shared>>, %arg7: memref<!tpu.dma_semaphore, #tpu.memory_space<semaphore_mem>>) attributes {dimension_semantics = [#tpu.dimension_semantics<core_parallel>, #tpu.dimension_semantics<subcore_parallel>], iteration_bounds = array<i64: 2, 16>, scalar_prefetch = 0 : i64, scratch_operands = 4 : i64, tpu.core_type = #tpu.core_type<sc_vector_subcore>, window_params = [{transform_indices = #map}, {transform_indices = #map1}]} {
    %mul3A = arith.constant 2 : i32
    %mul3A_0 = arith.muli %arg1, %mul3A : i32
    %add3A = arith.addi %mul3A_0, %arg0 : i32
    %mul3A_1 = arith.constant 80 : i32
    %mul3A_2 = arith.muli %mul3A_1, %add3A : i32
    %sub3A = arith.constant 25 : i32
    %sub3A_3 = arith.subi %add3A, %sub3A : i32
    %max3A = arith.constant 0 : i32
    %max3A_4 = arith.maxsi %max3A, %sub3A_3 : i32
    %mul3A_5 = arith.constant 8 : i32
    %mul3A_6 = arith.muli %mul3A_5, %max3A_4 : i32
    %sub3A_7 = arith.subi %mul3A_2, %mul3A_6 : i32
    %lt3A = arith.constant 25 : i32
    %lt3A_8 = arith.cmpi slt, %add3A, %lt3A : i32
    %lt3A_9 = arith.constant 31 : i32
    %lt3A_10 = arith.cmpi slt, %add3A, %lt3A_9 : i32
    %jit3A = arith.constant 72 : i32
    %jit3A_11 = arith.constant 68 : i32
    %select_n3A = arith.select %lt3A_10, %jit3A, %jit3A_11 : i32
    %jit3A_12 = arith.constant 80 : i32
    %select_n3A_13 = arith.select %lt3A_8, %jit3A_12, %select_n3A : i32
    %broadcast_in_dim3A = arith.constant 0.000000e+00 : f32
    %broadcast_in_dim3A_14 = vector.broadcast %broadcast_in_dim3A : f32 to vector<16xf32>
    %scan3A = arith.constant 0 : i32
    %scan3A_15 = arith.constant 0 : i32
    %scan3A_16 = arith.constant 8 : i32
    %scan3A_17 = arith.addi %scan3A_15, %scan3A_16 : i32
    %scan3A_18 = arith.constant 1 : i32
    scf.for %scan3A_67 = %scan3A_15 to %scan3A_17 step %scan3A_18  : i32 {
      %mul3A_68 = arith.constant 16 : i32
      %mul3A_69 = arith.muli %scan3A_67, %mul3A_68 : i32
      %swap3A = arith.index_cast %mul3A_69 : i32 to index
      %swap3A_70 = tpu.vector_load %arg5[%swap3A] {strides = array<i32>} : memref<128xf32, #tpu.memory_space<vmem>>, vector<16xf32>,
      %swap3A_71 = vector.shape_cast %swap3A_70 : vector<16xf32> to vector<16xf32>
      %swap3A_72 = vector.shape_cast %broadcast_in_dim3A_14 : vector<16xf32> to vector<16xf32>
      tpu.vector_store %arg5[%swap3A], %swap3A_72 {strides = array<i32>} : memref<128xf32, #tpu.memory_space<vmem>>, vector<16xf32>,
    }
    %scan3A_19 = arith.constant 8 : i32
    %mul3A_20 = arith.constant 640 : i32
    %mul3A_21 = arith.muli %arg1, %mul3A_20 : i32
    %add3A_22 = arith.constant 0 : i32
    %add3A_23 = arith.addi %mul3A_21, %add3A_22 : i32
    "tpu.region"() ({
      %run_scoped3A = tpu.sem_alloc : memref<!tpu.dma_semaphore, #tpu.memory_space<semaphore_mem>>
      %dma_start3A = tpu.memref_slice %arg6[%add3A_23] : memref<10240xf32, #tpu.memory_space<vmem_shared>> -> memref<128xf32, #tpu.memory_space<vmem_shared>>
      %dma_start3A_67 = tpu.memref_slice %arg6[%add3A_23] : memref<10240xf32, #tpu.memory_space<vmem_shared>> -> memref<128xf32, #tpu.memory_space<vmem_shared>>
      tpu.enqueue_dma source(%arg5 : memref<128xf32, #tpu.memory_space<vmem>>) target(%dma_start3A_67 : memref<128xf32, #tpu.memory_space<vmem_shared>>) target_semaphore(%run_scoped3A : memref<!tpu.dma_semaphore, #tpu.memory_space<semaphore_mem>>)
      %dma_wait3A = tpu.memref_slice %arg6[%add3A_23] : memref<10240xf32, #tpu.memory_space<vmem_shared>> -> memref<128xf32, #tpu.memory_space<vmem_shared>>
      %dma_wait3A_68 = tpu.memref_slice %arg6[%add3A_23] : memref<10240xf32, #tpu.memory_space<vmem_shared>> -> memref<128xf32, #tpu.memory_space<vmem_shared>>
      tpu.wait_dma2 semaphore(%run_scoped3A : memref<!tpu.dma_semaphore, #tpu.memory_space<semaphore_mem>>) src(%arg5 : memref<128xf32, #tpu.memory_space<vmem>>) dst(%dma_wait3A_68 : memref<128xf32, #tpu.memory_space<vmem_shared>>)
      tpu.yield
    }) : () -> ()
    %add3A_24 = arith.constant 128 : i32
    %add3A_25 = arith.addi %mul3A_21, %add3A_24 : i32
    "tpu.region"() ({
      %run_scoped3A = tpu.sem_alloc : memref<!tpu.dma_semaphore, #tpu.memory_space<semaphore_mem>>
      %dma_start3A = tpu.memref_slice %arg6[%add3A_25] : memref<10240xf32, #tpu.memory_space<vmem_shared>> -> memref<128xf32, #tpu.memory_space<vmem_shared>>
      %dma_start3A_67 = tpu.memref_slice %arg6[%add3A_25] : memref<10240xf32, #tpu.memory_space<vmem_shared>> -> memref<128xf32, #tpu.memory_space<vmem_shared>>
      tpu.enqueue_dma source(%arg5 : memref<128xf32, #tpu.memory_space<vmem>>) target(%dma_start3A_67 : memref<128xf32, #tpu.memory_space<vmem_shared>>) target_semaphore(%run_scoped3A : memref<!tpu.dma_semaphore, #tpu.memory_space<semaphore_mem>>)
      %dma_wait3A = tpu.memref_slice %arg6[%add3A_25] : memref<10240xf32, #tpu.memory_space<vmem_shared>> -> memref<128xf32, #tpu.memory_space<vmem_shared>>
      %dma_wait3A_68 = tpu.memref_slice %arg6[%add3A_25] : memref<10240xf32, #tpu.memory_space<vmem_shared>> -> memref<128xf32, #tpu.memory_space<vmem_shared>>
      tpu.wait_dma2 semaphore(%run_scoped3A : memref<!tpu.dma_semaphore, #tpu.memory_space<semaphore_mem>>) src(%arg5 : memref<128xf32, #tpu.memory_space<vmem>>) dst(%dma_wait3A_68 : memref<128xf32, #tpu.memory_space<vmem_shared>>)
      tpu.yield
    }) : () -> ()
    %add3A_26 = arith.constant 256 : i32
    %add3A_27 = arith.addi %mul3A_21, %add3A_26 : i32
    "tpu.region"() ({
      %run_scoped3A = tpu.sem_alloc : memref<!tpu.dma_semaphore, #tpu.memory_space<semaphore_mem>>
      %dma_start3A = tpu.memref_slice %arg6[%add3A_27] : memref<10240xf32, #tpu.memory_space<vmem_shared>> -> memref<128xf32, #tpu.memory_space<vmem_shared>>
      %dma_start3A_67 = tpu.memref_slice %arg6[%add3A_27] : memref<10240xf32, #tpu.memory_space<vmem_shared>> -> memref<128xf32, #tpu.memory_space<vmem_shared>>
      tpu.enqueue_dma source(%arg5 : memref<128xf32, #tpu.memory_space<vmem>>) target(%dma_start3A_67 : memref<128xf32, #tpu.memory_space<vmem_shared>>) target_semaphore(%run_scoped3A : memref<!tpu.dma_semaphore, #tpu.memory_space<semaphore_mem>>)
      %dma_wait3A = tpu.memref_slice %arg6[%add3A_27] : memref<10240xf32, #tpu.memory_space<vmem_shared>> -> memref<128xf32, #tpu.memory_space<vmem_shared>>
      %dma_wait3A_68 = tpu.memref_slice %arg6[%add3A_27] : memref<10240xf32, #tpu.memory_space<vmem_shared>> -> memref<128xf32, #tpu.memory_space<vmem_shared>>
      tpu.wait_dma2 semaphore(%run_scoped3A : memref<!tpu.dma_semaphore, #tpu.memory_space<semaphore_mem>>) src(%arg5 : memref<128xf32, #tpu.memory_space<vmem>>) dst(%dma_wait3A_68 : memref<128xf32, #tpu.memory_space<vmem_shared>>)
      tpu.yield
    }) : () -> ()
    %add3A_28 = arith.constant 384 : i32
    %add3A_29 = arith.addi %mul3A_21, %add3A_28 : i32
    "tpu.region"() ({
      %run_scoped3A = tpu.sem_alloc : memref<!tpu.dma_semaphore, #tpu.memory_space<semaphore_mem>>
      %dma_start3A = tpu.memref_slice %arg6[%add3A_29] : memref<10240xf32, #tpu.memory_space<vmem_shared>> -> memref<128xf32, #tpu.memory_space<vmem_shared>>
      %dma_start3A_67 = tpu.memref_slice %arg6[%add3A_29] : memref<10240xf32, #tpu.memory_space<vmem_shared>> -> memref<128xf32, #tpu.memory_space<vmem_shared>>
      tpu.enqueue_dma source(%arg5 : memref<128xf32, #tpu.memory_space<vmem>>) target(%dma_start3A_67 : memref<128xf32, #tpu.memory_space<vmem_shared>>) target_semaphore(%run_scoped3A : memref<!tpu.dma_semaphore, #tpu.memory_space<semaphore_mem>>)
      %dma_wait3A = tpu.memref_slice %arg6[%add3A_29] : memref<10240xf32, #tpu.memory_space<vmem_shared>> -> memref<128xf32, #tpu.memory_space<vmem_shared>>
      %dma_wait3A_68 = tpu.memref_slice %arg6[%add3A_29] : memref<10240xf32, #tpu.memory_space<vmem_shared>> -> memref<128xf32, #tpu.memory_space<vmem_shared>>
      tpu.wait_dma2 semaphore(%run_scoped3A : memref<!tpu.dma_semaphore, #tpu.memory_space<semaphore_mem>>) src(%arg5 : memref<128xf32, #tpu.memory_space<vmem>>) dst(%dma_wait3A_68 : memref<128xf32, #tpu.memory_space<vmem_shared>>)
      tpu.yield
    }) : () -> ()
    %add3A_30 = arith.constant 512 : i32
    %add3A_31 = arith.addi %mul3A_21, %add3A_30 : i32
    "tpu.region"() ({
      %run_scoped3A = tpu.sem_alloc : memref<!tpu.dma_semaphore, #tpu.memory_space<semaphore_mem>>
      %dma_start3A = tpu.memref_slice %arg6[%add3A_31] : memref<10240xf32, #tpu.memory_space<vmem_shared>> -> memref<128xf32, #tpu.memory_space<vmem_shared>>
      %dma_start3A_67 = tpu.memref_slice %arg6[%add3A_31] : memref<10240xf32, #tpu.memory_space<vmem_shared>> -> memref<128xf32, #tpu.memory_space<vmem_shared>>
      tpu.enqueue_dma source(%arg5 : memref<128xf32, #tpu.memory_space<vmem>>) target(%dma_start3A_67 : memref<128xf32, #tpu.memory_space<vmem_shared>>) target_semaphore(%run_scoped3A : memref<!tpu.dma_semaphore, #tpu.memory_space<semaphore_mem>>)
      %dma_wait3A = tpu.memref_slice %arg6[%add3A_31] : memref<10240xf32, #tpu.memory_space<vmem_shared>> -> memref<128xf32, #tpu.memory_space<vmem_shared>>
      %dma_wait3A_68 = tpu.memref_slice %arg6[%add3A_31] : memref<10240xf32, #tpu.memory_space<vmem_shared>> -> memref<128xf32, #tpu.memory_space<vmem_shared>>
      tpu.wait_dma2 semaphore(%run_scoped3A : memref<!tpu.dma_semaphore, #tpu.memory_space<semaphore_mem>>) src(%arg5 : memref<128xf32, #tpu.memory_space<vmem>>) dst(%dma_wait3A_68 : memref<128xf32, #tpu.memory_space<vmem_shared>>)
      tpu.yield
    }) : () -> ()
    %barrier3A = arith.constant 0 : index
    tpu.barrier barrier_id(%barrier3A)
    %broadcast_in_dim3A_32 = arith.constant 1.000000e+00 : f32
    %broadcast_in_dim3A_33 = vector.broadcast %broadcast_in_dim3A_32 : f32 to vector<16xf32>
    %scan3A_34 = arith.constant 0 : i32
    %scan3A_35 = arith.constant 0 : i32
    %scan3A_36 = arith.constant 8 : i32
    %scan3A_37 = arith.addi %scan3A_35, %scan3A_36 : i32
    %scan3A_38 = arith.constant 1 : i32
    scf.for %scan3A_67 = %scan3A_35 to %scan3A_37 step %scan3A_38  : i32 {
      %mul3A_68 = arith.constant 16 : i32
      %mul3A_69 = arith.muli %scan3A_67, %mul3A_68 : i32
      %swap3A = arith.index_cast %mul3A_69 : i32 to index
      %swap3A_70 = tpu.vector_load %arg5[%swap3A] {strides = array<i32>} : memref<128xf32, #tpu.memory_space<vmem>>, vector<16xf32>,
      %swap3A_71 = vector.shape_cast %swap3A_70 : vector<16xf32> to vector<16xf32>
      %swap3A_72 = vector.shape_cast %broadcast_in_dim3A_33 : vector<16xf32> to vector<16xf32>
      tpu.vector_store %arg5[%swap3A], %swap3A_72 {strides = array<i32>} : memref<128xf32, #tpu.memory_space<vmem>>, vector<16xf32>,
    }
    %scan3A_39 = arith.constant 8 : i32
    %eq3A = arith.constant 80 : i32
    %eq3A_40 = arith.cmpi eq, %select_n3A_13, %eq3A : i32
    %convert_element_type3A = arith.extui %eq3A_40 : i1 to i32
    %cond3A = arith.constant 0 : i32
    %cond3A_41 = arith.cmpi ne, %convert_element_type3A, %cond3A : i32
    scf.if %cond3A_41 {
      %run_scoped3A = arith.constant 1 : i32
      "tpu.region"() ({
        %run_scoped3A_67 = tpu.sem_alloc : memref<!tpu.dma_semaphore, #tpu.memory_space<semaphore_mem>>
        %dma_start3A = arith.constant 0 : i32
        %dma_start3A_68 = tpu.memref_slice %arg2[%run_scoped3A, %sub3A_7, %dma_start3A] : memref<2x2500x128xi32, #tpu.memory_space<hbm>> -> memref<1x80x128xi32, #tpu.memory_space<hbm>>
        %dma_start3A_69 = tpu.memref_squeeze %dma_start3A_68 : memref<1x80x128xi32, #tpu.memory_space<hbm>> -> memref<80x128xi32, #tpu.memory_space<hbm>>
        %dma_start3A_70 = arith.constant 0 : i32
        %dma_start3A_71 = tpu.memref_slice %arg2[%run_scoped3A, %sub3A_7, %dma_start3A_70] : memref<2x2500x128xi32, #tpu.memory_space<hbm>> -> memref<1x80x128xi32, #tpu.memory_space<hbm>>
        %dma_start3A_72 = tpu.memref_squeeze %dma_start3A_71 : memref<1x80x128xi32, #tpu.memory_space<hbm>> -> memref<80x128xi32, #tpu.memory_space<hbm>>
        tpu.enqueue_dma source(%dma_start3A_72 : memref<80x128xi32, #tpu.memory_space<hbm>>) target(%arg4 : memref<80x128xi32, #tpu.memory_space<vmem>>) target_semaphore(%run_scoped3A_67 : memref<!tpu.dma_semaphore, #tpu.memory_space<semaphore_mem>>)
        %dma_wait3A = arith.constant 0 : i32
        %dma_wait3A_73 = tpu.memref_slice %arg2[%run_scoped3A, %sub3A_7, %dma_wait3A] : memref<2x2500x128xi32, #tpu.memory_space<hbm>> -> memref<1x80x128xi32, #tpu.memory_space<hbm>>
        %dma_wait3A_74 = tpu.memref_squeeze %dma_wait3A_73 : memref<1x80x128xi32, #tpu.memory_space<hbm>> -> memref<80x128xi32, #tpu.memory_space<hbm>>
        %dma_wait3A_75 = arith.constant 0 : i32
        %dma_wait3A_76 = tpu.memref_slice %arg2[%run_scoped3A, %sub3A_7, %dma_wait3A_75] : memref<2x2500x128xi32, #tpu.memory_space<hbm>> -> memref<1x80x128xi32, #tpu.memory_space<hbm>>
        %dma_wait3A_77 = tpu.memref_squeeze %dma_wait3A_76 : memref<1x80x128xi32, #tpu.memory_space<hbm>> -> memref<80x128xi32, #tpu.memory_space<hbm>>
        tpu.wait_dma2 semaphore(%run_scoped3A_67 : memref<!tpu.dma_semaphore, #tpu.memory_space<semaphore_mem>>) src(%dma_wait3A_77 : memref<80x128xi32, #tpu.memory_space<hbm>>) dst(%arg4 : memref<80x128xi32, #tpu.memory_space<vmem>>)
        tpu.yield
      }) : () -> ()
    } else {
    }
    %lt3A_42 = arith.constant 80 : i32
    %lt3A_43 = arith.cmpi slt, %select_n3A_13, %lt3A_42 : i32
    %convert_element_type3A_44 = arith.extui %lt3A_43 : i1 to i32
    %cond3A_45 = arith.constant 0 : i32
    %cond3A_46 = arith.cmpi ne, %convert_element_type3A_44, %cond3A_45 : i32
    scf.if %cond3A_46 {
      %run_scoped3A = arith.constant 1 : i32
      "tpu.region"() ({
        %run_scoped3A_67 = tpu.sem_alloc : memref<!tpu.dma_semaphore, #tpu.memory_space<semaphore_mem>>
        %dma_start3A = arith.constant 0 : i32
        %dma_start3A_68 = arith.constant 0 : i32
        %dma_start3A_69 = tpu.memref_slice %arg4[%dma_start3A, %dma_start3A_68] : memref<80x128xi32, #tpu.memory_space<vmem>> -> memref<72x128xi32, #tpu.memory_space<vmem>>
        %dma_start3A_70 = arith.constant 0 : i32
        %dma_start3A_71 = tpu.memref_slice %arg2[%run_scoped3A, %sub3A_7, %dma_start3A_70] : memref<2x2500x128xi32, #tpu.memory_space<hbm>> -> memref<1x72x128xi32, #tpu.memory_space<hbm>>
        %dma_start3A_72 = tpu.memref_squeeze %dma_start3A_71 : memref<1x72x128xi32, #tpu.memory_space<hbm>> -> memref<72x128xi32, #tpu.memory_space<hbm>>
        %dma_start3A_73 = arith.constant 0 : i32
        %dma_start3A_74 = arith.constant 0 : i32
        %dma_start3A_75 = tpu.memref_slice %arg4[%dma_start3A_73, %dma_start3A_74] : memref<80x128xi32, #tpu.memory_space<vmem>> -> memref<72x128xi32, #tpu.memory_space<vmem>>
        %dma_start3A_76 = arith.constant 0 : i32
        %dma_start3A_77 = tpu.memref_slice %arg2[%run_scoped3A, %sub3A_7, %dma_start3A_76] : memref<2x2500x128xi32, #tpu.memory_space<hbm>> -> memref<1x72x128xi32, #tpu.memory_space<hbm>>
        %dma_start3A_78 = tpu.memref_squeeze %dma_start3A_77 : memref<1x72x128xi32, #tpu.memory_space<hbm>> -> memref<72x128xi32, #tpu.memory_space<hbm>>
        tpu.enqueue_dma source(%dma_start3A_78 : memref<72x128xi32, #tpu.memory_space<hbm>>) target(%dma_start3A_75 : memref<72x128xi32, #tpu.memory_space<vmem>>) target_semaphore(%run_scoped3A_67 : memref<!tpu.dma_semaphore, #tpu.memory_space<semaphore_mem>>)
        %dma_wait3A = arith.constant 0 : i32
        %dma_wait3A_79 = arith.constant 0 : i32
        %dma_wait3A_80 = tpu.memref_slice %arg4[%dma_wait3A, %dma_wait3A_79] : memref<80x128xi32, #tpu.memory_space<vmem>> -> memref<72x128xi32, #tpu.memory_space<vmem>>
        %dma_wait3A_81 = arith.constant 0 : i32
        %dma_wait3A_82 = tpu.memref_slice %arg2[%run_scoped3A, %sub3A_7, %dma_wait3A_81] : memref<2x2500x128xi32, #tpu.memory_space<hbm>> -> memref<1x72x128xi32, #tpu.memory_space<hbm>>
        %dma_wait3A_83 = tpu.memref_squeeze %dma_wait3A_82 : memref<1x72x128xi32, #tpu.memory_space<hbm>> -> memref<72x128xi32, #tpu.memory_space<hbm>>
        %dma_wait3A_84 = arith.constant 0 : i32
        %dma_wait3A_85 = arith.constant 0 : i32
        %dma_wait3A_86 = tpu.memref_slice %arg4[%dma_wait3A_84, %dma_wait3A_85] : memref<80x128xi32, #tpu.memory_space<vmem>> -> memref<72x128xi32, #tpu.memory_space<vmem>>
        %dma_wait3A_87 = arith.constant 0 : i32
        %dma_wait3A_88 = tpu.memref_slice %arg2[%run_scoped3A, %sub3A_7, %dma_wait3A_87] : memref<2x2500x128xi32, #tpu.memory_space<hbm>> -> memref<1x72x128xi32, #tpu.memory_space<hbm>>
        %dma_wait3A_89 = tpu.memref_squeeze %dma_wait3A_88 : memref<1x72x128xi32, #tpu.memory_space<hbm>> -> memref<72x128xi32, #tpu.memory_space<hbm>>
        tpu.wait_dma2 semaphore(%run_scoped3A_67 : memref<!tpu.dma_semaphore, #tpu.memory_space<semaphore_mem>>) src(%dma_wait3A_89 : memref<72x128xi32, #tpu.memory_space<hbm>>) dst(%dma_wait3A_86 : memref<72x128xi32, #tpu.memory_space<vmem>>)
        tpu.yield
      }) : () -> ()
    } else {
    }
    %while3A = arith.constant 0 : i32
    %while3A_47 = arith.constant 0 : i32
    %while3A_48 = arith.subi %select_n3A_13, %while3A_47 : i32
    %while3A_49 = arith.addi %while3A_47, %while3A_48 : i32
    %while3A_50 = arith.constant 1 : i32
    %while3A_51 = arith.divsi %while3A_48, %while3A_50 : i32
    %while3A_52 = arith.muli %while3A_51, %while3A_50 : i32
    %while3A_53 = arith.addi %while3A_47, %while3A_52 : i32
    %while3A_54 = arith.constant 1 : i32
    scf.for %while3A_67 = %while3A_47 to %while3A_53 step %while3A_54  : i32 {
      %dma_start3A = arith.constant 0 : i32
      %dma_start3A_68 = tpu.memref_slice %arg4[%while3A_67, %dma_start3A] : memref<80x128xi32, #tpu.memory_space<vmem>> -> memref<1x128xi32, #tpu.memory_space<vmem>>
      %dma_start3A_69 = tpu.memref_squeeze %dma_start3A_68 : memref<1x128xi32, #tpu.memory_space<vmem>> -> memref<128xi32, #tpu.memory_space<vmem>>
      %dma_start3A_70 = arith.constant 0 : i32
      %dma_start3A_71 = tpu.memref_slice %arg6[%dma_start3A_70] : memref<10240xf32, #tpu.memory_space<vmem_shared>> -> memref<10240xf32, #tpu.memory_space<vmem_shared>>
      tpu.enqueue_indirect_dma source(%arg5 : memref<128xf32, #tpu.memory_space<vmem>>) target(%dma_start3A_71 : memref<10240xf32, #tpu.memory_space<vmem_shared>>) offsets(%dma_start3A_69 : memref<128xi32, #tpu.memory_space<vmem>>) semaphore(%arg7 : memref<!tpu.dma_semaphore, #tpu.memory_space<semaphore_mem>>) {add = true}
    }
    %while3A_55 = arith.constant 1 : i32
    scf.for %while3A_67 = %while3A_53 to %while3A_49 step %while3A_55  : i32 {
      %dma_start3A = arith.constant 0 : i32
      %dma_start3A_68 = tpu.memref_slice %arg4[%while3A_67, %dma_start3A] : memref<80x128xi32, #tpu.memory_space<vmem>> -> memref<1x128xi32, #tpu.memory_space<vmem>>
      %dma_start3A_69 = tpu.memref_squeeze %dma_start3A_68 : memref<1x128xi32, #tpu.memory_space<vmem>> -> memref<128xi32, #tpu.memory_space<vmem>>
      %dma_start3A_70 = arith.constant 0 : i32
      %dma_start3A_71 = tpu.memref_slice %arg6[%dma_start3A_70] : memref<10240xf32, #tpu.memory_space<vmem_shared>> -> memref<10240xf32, #tpu.memory_space<vmem_shared>>
      tpu.enqueue_indirect_dma source(%arg5 : memref<128xf32, #tpu.memory_space<vmem>>) target(%dma_start3A_71 : memref<10240xf32, #tpu.memory_space<vmem_shared>>) offsets(%dma_start3A_69 : memref<128xi32, #tpu.memory_space<vmem>>) semaphore(%arg7 : memref<!tpu.dma_semaphore, #tpu.memory_space<semaphore_mem>>) {add = true}
    }
    %while3A_56 = arith.constant 0 : i32
    %while3A_57 = arith.constant 0 : i32
    %while3A_58 = arith.subi %select_n3A_13, %while3A_57 : i32
    %while3A_59 = arith.addi %while3A_57, %while3A_58 : i32
    %while3A_60 = arith.constant 1 : i32
    %while3A_61 = arith.divsi %while3A_58, %while3A_60 : i32
    %while3A_62 = arith.muli %while3A_61, %while3A_60 : i32
    %while3A_63 = arith.addi %while3A_57, %while3A_62 : i32
    %while3A_64 = arith.constant 1 : i32
    scf.for %while3A_67 = %while3A_57 to %while3A_63 step %while3A_64  : i32 {
      %dma_wait3A = arith.constant 0 : i32
      %dma_wait3A_68 = arith.constant 0 : i32
      %dma_wait3A_69 = tpu.memref_slice %arg4[%dma_wait3A, %dma_wait3A_68] : memref<80x128xi32, #tpu.memory_space<vmem>> -> memref<1x128xi32, #tpu.memory_space<vmem>>
      %dma_wait3A_70 = tpu.memref_squeeze %dma_wait3A_69 : memref<1x128xi32, #tpu.memory_space<vmem>> -> memref<128xi32, #tpu.memory_space<vmem>>
      %dma_wait3A_71 = arith.constant 0 : i32
      %dma_wait3A_72 = tpu.memref_slice %arg6[%dma_wait3A_71] : memref<10240xf32, #tpu.memory_space<vmem_shared>> -> memref<10240xf32, #tpu.memory_space<vmem_shared>>
      tpu.wait_indirect_dma semaphore(%arg7 : memref<!tpu.dma_semaphore, #tpu.memory_space<semaphore_mem>>) src(%arg5 : memref<128xf32, #tpu.memory_space<vmem>>) dst(%dma_wait3A_72 : memref<10240xf32, #tpu.memory_space<vmem_shared>>)
    }
    %while3A_65 = arith.constant 1 : i32
    scf.for %while3A_67 = %while3A_63 to %while3A_59 step %while3A_65  : i32 {
      %dma_wait3A = arith.constant 0 : i32
      %dma_wait3A_68 = arith.constant 0 : i32
      %dma_wait3A_69 = tpu.memref_slice %arg4[%dma_wait3A, %dma_wait3A_68] : memref<80x128xi32, #tpu.memory_space<vmem>> -> memref<1x128xi32, #tpu.memory_space<vmem>>
      %dma_wait3A_70 = tpu.memref_squeeze %dma_wait3A_69 : memref<1x128xi32, #tpu.memory_space<vmem>> -> memref<128xi32, #tpu.memory_space<vmem>>
      %dma_wait3A_71 = arith.constant 0 : i32
      %dma_wait3A_72 = tpu.memref_slice %arg6[%dma_wait3A_71] : memref<10240xf32, #tpu.memory_space<vmem_shared>> -> memref<10240xf32, #tpu.memory_space<vmem_shared>>
      tpu.wait_indirect_dma semaphore(%arg7 : memref<!tpu.dma_semaphore, #tpu.memory_space<semaphore_mem>>) src(%arg5 : memref<128xf32, #tpu.memory_space<vmem>>) dst(%dma_wait3A_72 : memref<10240xf32, #tpu.memory_space<vmem_shared>>)
    }
    %barrier3A_66 = arith.constant 0 : index
    tpu.barrier barrier_id(%barrier3A_66)
    "tpu.region"() ({
      %run_scoped3A = tpu.sem_alloc : memref<!tpu.dma_semaphore, #tpu.memory_space<semaphore_mem>>
      %dma_start3A = tpu.memref_slice %arg3[%arg0, %mul3A_21] : memref<2x10240xf32, #tpu.memory_space<hbm>> -> memref<1x640xf32, #tpu.memory_space<hbm>>
      %dma_start3A_67 = tpu.memref_squeeze %dma_start3A : memref<1x640xf32, #tpu.memory_space<hbm>> -> memref<640xf32, #tpu.memory_space<hbm>>
      %dma_start3A_68 = tpu.memref_slice %arg6[%mul3A_21] : memref<10240xf32, #tpu.memory_space<vmem_shared>> -> memref<640xf32, #tpu.memory_space<vmem_shared>>
      tpu.enqueue_dma source(%dma_start3A_68 : memref<640xf32, #tpu.memory_space<vmem_shared>>) target(%dma_start3A_67 : memref<640xf32, #tpu.memory_space<hbm>>) target_semaphore(%run_scoped3A : memref<!tpu.dma_semaphore, #tpu.memory_space<semaphore_mem>>)
      %dma_wait3A = tpu.memref_slice %arg3[%arg0, %mul3A_21] : memref<2x10240xf32, #tpu.memory_space<hbm>> -> memref<1x640xf32, #tpu.memory_space<hbm>>
      %dma_wait3A_69 = tpu.memref_squeeze %dma_wait3A : memref<1x640xf32, #tpu.memory_space<hbm>> -> memref<640xf32, #tpu.memory_space<hbm>>
      %dma_wait3A_70 = tpu.memref_slice %arg6[%mul3A_21] : memref<10240xf32, #tpu.memory_space<vmem_shared>> -> memref<640xf32, #tpu.memory_space<vmem_shared>>
      tpu.wait_dma2 semaphore(%run_scoped3A : memref<!tpu.dma_semaphore, #tpu.memory_space<semaphore_mem>>) src(%dma_wait3A_70 : memref<640xf32, #tpu.memory_space<vmem_shared>>) dst(%dma_wait3A_69 : memref<640xf32, #tpu.memory_space<hbm>>)
      tpu.yield
    }) : () -> ()
    return
  }
}

module attributes {stable_mosaic.version = 14 : i64} {
  func.func @_prep_body(%arg0: i32, %arg1: memref<2000x128xf32, #tpu.memory_space<vmem>>, %arg2: memref<128x128xf32, #tpu.memory_space<vmem>>, %arg3: memref<2000x2xf32, #tpu.memory_space<vmem>>, %arg4: memref<2000x128xf32, #tpu.memory_space<vmem>>, %arg5: memref<2000x1xf32, #tpu.memory_space<vmem>>) attributes {dimension_semantics = [#tpu.dimension_semantics<arbitrary>], iteration_bounds = array<i64: 5>, scalar_prefetch = 0 : i64, scratch_operands = 0 : i64, tpu.core_type = #tpu.core_type<tc>, window_params = [{transform_indices = @transform_0, window_bounds = array<i64: 2000, 128>}, {pipeline_mode = #tpu.pipeline_mode<synchronous>, transform_indices = @transform_1, window_bounds = array<i64: 128, 128>}, {transform_indices = @transform_2, window_bounds = array<i64: 2000, 2>}, {transform_indices = @transform_3, window_bounds = array<i64: 2000, 128>}, {transform_indices = @transform_4, window_bounds = array<i64: 2000, 1>}]} {
    %get3A = arith.constant 0 : index
    %get3A_0 = arith.constant 0 : index
    %get3A_1 = vector.load %arg3[%get3A, %get3A_0] : memref<2000x2xf32, #tpu.memory_space<vmem>>, vector<2000x2xf32>
    %reduce_sum3A = arith.constant dense<0.000000e+00> : vector<2000xf32>
    %reduce_sum3A_2 = vector.multi_reduction <add>, %get3A_1, %reduce_sum3A [1] : vector<2000x2xf32> to vector<2000xf32>
    %broadcast_in_dim3A = vector.shape_cast %reduce_sum3A_2 : vector<2000xf32> to vector<2000x1xf32>
    %add3A = arith.constant 1.000000e+00 : f32
    %add3A_3 = vector.broadcast %add3A : f32 to vector<2000x1xf32>
    %add3A_4 = arith.addf %add3A_3, %broadcast_in_dim3A : vector<2000x1xf32>
    %rsqrt3A = math.rsqrt %add3A_4 : vector<2000x1xf32>
    %swap3A = arith.constant 0 : index
    %swap3A_5 = arith.constant 0 : index
    %swap3A_6 = vector.load %arg5[%swap3A, %swap3A_5] : memref<2000x1xf32, #tpu.memory_space<vmem>>, vector<2000x1xf32>
    tpu.vector_store %arg5[%swap3A, %swap3A_5], %rsqrt3A {strides = array<i32>} : memref<2000x1xf32, #tpu.memory_space<vmem>>, vector<2000x1xf32>,
    %get3A_7 = arith.constant 0 : index
    %get3A_8 = arith.constant 0 : index
    %get3A_9 = vector.load %arg1[%get3A_7, %get3A_8] : memref<2000x128xf32, #tpu.memory_space<vmem>>, vector<2000x128xf32>
    %get3A_10 = arith.constant 0 : index
    %get3A_11 = arith.constant 0 : index
    %get3A_12 = vector.load %arg2[%get3A_10, %get3A_11] : memref<128x128xf32, #tpu.memory_space<vmem>>, vector<128x128xf32>
    %dot_general3A = arith.constant dense<0.000000e+00> : vector<2000x128xf32>
    %dot_general3A_13 = tpu.matmul %get3A_9, %get3A_12, %dot_general3A {dimension_numbers = #tpu.dot_dimension_numbers<[1], [0], [0], [1], [0, 0, 1, 1], [], []>, transpose_lhs_hint = false} : vector<2000x128xf32>, vector<128x128xf32>, vector<2000x128xf32> -> vector<2000x128xf32>
    %mul3A = vector.broadcast %rsqrt3A : vector<2000x1xf32> to vector<2000x128xf32>
    %mul3A_14 = arith.mulf %dot_general3A_13, %mul3A : vector<2000x128xf32>
    %swap3A_15 = arith.constant 0 : index
    %swap3A_16 = arith.constant 0 : index
    %swap3A_17 = vector.load %arg4[%swap3A_15, %swap3A_16] : memref<2000x128xf32, #tpu.memory_space<vmem>>, vector<2000x128xf32>
    tpu.vector_store %arg4[%swap3A_15, %swap3A_16], %mul3A_14 {strides = array<i32>} : memref<2000x128xf32, #tpu.memory_space<vmem>>, vector<2000x128xf32>,
    return
  }
  func.func @transform_0(%arg0: i32) -> (i32, i32) {
    %c0_i32 = arith.constant 0 : i32
    %c0_i32_0 = arith.constant 0 : i32
    return %arg0, %c0_i32 : i32, i32
  }
  func.func @transform_1(%arg0: i32) -> (i32, i32) {
    %c0_i32 = arith.constant 0 : i32
    %c0_i32_0 = arith.constant 0 : i32
    %c0_i32_1 = arith.constant 0 : i32
    return %c0_i32, %c0_i32_0 : i32, i32
  }
  func.func @transform_2(%arg0: i32) -> (i32, i32) {
    %c0_i32 = arith.constant 0 : i32
    %c0_i32_0 = arith.constant 0 : i32
    return %arg0, %c0_i32 : i32, i32
  }
  func.func @transform_3(%arg0: i32) -> (i32, i32) {
    %c0_i32 = arith.constant 0 : i32
    %c0_i32_0 = arith.constant 0 : i32
    return %arg0, %c0_i32 : i32, i32
  }
  func.func @transform_4(%arg0: i32) -> (i32, i32) {
    %c0_i32 = arith.constant 0 : i32
    %c0_i32_0 = arith.constant 0 : i32
    return %arg0, %c0_i32 : i32, i32
  }
}

module attributes {stable_mosaic.version = 14 : i64} {
  func.func @_mid_body(%arg0: i32, %arg1: memref<2000x128xf32, #tpu.memory_space<vmem>>, %arg2: memref<2000x128xf32, #tpu.memory_space<vmem>>, %arg3: memref<2000x128xf32, #tpu.memory_space<vmem>>, %arg4: memref<2000x1xf32, #tpu.memory_space<vmem>>, %arg5: memref<1x128xf32, #tpu.memory_space<vmem>>, %arg6: memref<128x128xf32, #tpu.memory_space<vmem>>, %arg7: memref<2000x128xf32, #tpu.memory_space<vmem>>) attributes {dimension_semantics = [#tpu.dimension_semantics<arbitrary>], iteration_bounds = array<i64: 5>, scalar_prefetch = 0 : i64, scratch_operands = 0 : i64, tpu.core_type = #tpu.core_type<tc>, window_params = [{transform_indices = @transform_0, window_bounds = array<i64: 2000, 128>}, {transform_indices = @transform_1, window_bounds = array<i64: 2000, 128>}, {transform_indices = @transform_2, window_bounds = array<i64: 2000, 128>}, {transform_indices = @transform_3, window_bounds = array<i64: 2000, 1>}, {pipeline_mode = #tpu.pipeline_mode<synchronous>, transform_indices = @transform_4, window_bounds = array<i64: 1, 128>}, {pipeline_mode = #tpu.pipeline_mode<synchronous>, transform_indices = @transform_5, window_bounds = array<i64: 128, 128>}, {transform_indices = @transform_6, window_bounds = array<i64: 2000, 128>}]} {
    %get3A = arith.constant 0 : index
    %get3A_0 = arith.constant 0 : index
    %get3A_1 = vector.load %arg4[%get3A, %get3A_0] : memref<2000x1xf32, #tpu.memory_space<vmem>>, vector<2000x1xf32>
    %get3A_2 = arith.constant 0 : index
    %get3A_3 = arith.constant 0 : index
    %get3A_4 = vector.load %arg1[%get3A_2, %get3A_3] : memref<2000x128xf32, #tpu.memory_space<vmem>>, vector<2000x128xf32>
    %get3A_5 = arith.constant 0 : index
    %get3A_6 = arith.constant 0 : index
    %get3A_7 = vector.load %arg2[%get3A_5, %get3A_6] : memref<2000x128xf32, #tpu.memory_space<vmem>>, vector<2000x128xf32>
    %add3A = arith.addf %get3A_4, %get3A_7 : vector<2000x128xf32>
    %get3A_8 = arith.constant 0 : index
    %get3A_9 = arith.constant 0 : index
    %get3A_10 = vector.load %arg3[%get3A_8, %get3A_9] : memref<2000x128xf32, #tpu.memory_space<vmem>>, vector<2000x128xf32>
    %add3A_11 = arith.addf %add3A, %get3A_10 : vector<2000x128xf32>
    %mul3A = vector.broadcast %get3A_1 : vector<2000x1xf32> to vector<2000x128xf32>
    %mul3A_12 = arith.mulf %mul3A, %add3A_11 : vector<2000x128xf32>
    %get3A_13 = arith.constant 0 : index
    %get3A_14 = arith.constant 0 : index
    %get3A_15 = vector.load %arg5[%get3A_13, %get3A_14] : memref<1x128xf32, #tpu.memory_space<vmem>>, vector<1x128xf32>
    %add3A_16 = vector.broadcast %get3A_15 : vector<1x128xf32> to vector<2000x128xf32>
    %add3A_17 = arith.addf %mul3A_12, %add3A_16 : vector<2000x128xf32>
    %max3A = arith.constant 0.000000e+00 : f32
    %max3A_18 = vector.broadcast %max3A : f32 to vector<2000x128xf32>
    %max3A_19 = arith.maximumf %add3A_17, %max3A_18 : vector<2000x128xf32>
    %get3A_20 = arith.constant 0 : index
    %get3A_21 = arith.constant 0 : index
    %get3A_22 = vector.load %arg6[%get3A_20, %get3A_21] : memref<128x128xf32, #tpu.memory_space<vmem>>, vector<128x128xf32>
    %dot_general3A = arith.constant dense<0.000000e+00> : vector<2000x128xf32>
    %dot_general3A_23 = tpu.matmul %max3A_19, %get3A_22, %dot_general3A {dimension_numbers = #tpu.dot_dimension_numbers<[1], [0], [0], [1], [0, 0, 1, 1], [], []>, transpose_lhs_hint = false} : vector<2000x128xf32>, vector<128x128xf32>, vector<2000x128xf32> -> vector<2000x128xf32>
    %mul3A_24 = vector.broadcast %get3A_1 : vector<2000x1xf32> to vector<2000x128xf32>
    %mul3A_25 = arith.mulf %dot_general3A_23, %mul3A_24 : vector<2000x128xf32>
    %swap3A = arith.constant 0 : index
    %swap3A_26 = arith.constant 0 : index
    %swap3A_27 = vector.load %arg7[%swap3A, %swap3A_26] : memref<2000x128xf32, #tpu.memory_space<vmem>>, vector<2000x128xf32>
    tpu.vector_store %arg7[%swap3A, %swap3A_26], %mul3A_25 {strides = array<i32>} : memref<2000x128xf32, #tpu.memory_space<vmem>>, vector<2000x128xf32>,
    return
  }
  func.func @transform_0(%arg0: i32) -> (i32, i32) {
    %c0_i32 = arith.constant 0 : i32
    %c0_i32_0 = arith.constant 0 : i32
    return %arg0, %c0_i32 : i32, i32
  }
  func.func @transform_1(%arg0: i32) -> (i32, i32) {
    %c0_i32 = arith.constant 0 : i32
    %c0_i32_0 = arith.constant 0 : i32
    return %arg0, %c0_i32 : i32, i32
  }
  func.func @transform_2(%arg0: i32) -> (i32, i32) {
    %c0_i32 = arith.constant 0 : i32
    %c0_i32_0 = arith.constant 0 : i32
    return %arg0, %c0_i32 : i32, i32
  }
  func.func @transform_3(%arg0: i32) -> (i32, i32) {
    %c0_i32 = arith.constant 0 : i32
    %c0_i32_0 = arith.constant 0 : i32
    return %arg0, %c0_i32 : i32, i32
  }
  func.func @transform_4(%arg0: i32) -> (i32, i32) {
    %c0_i32 = arith.constant 0 : i32
    %c0_i32_0 = arith.constant 0 : i32
    %c0_i32_1 = arith.constant 0 : i32
    return %c0_i32, %c0_i32_0 : i32, i32
  }
  func.func @transform_5(%arg0: i32) -> (i32, i32) {
    %c0_i32 = arith.constant 0 : i32
    %c0_i32_0 = arith.constant 0 : i32
    %c0_i32_1 = arith.constant 0 : i32
    return %c0_i32, %c0_i32_0 : i32, i32
  }
  func.func @transform_6(%arg0: i32) -> (i32, i32) {
    %c0_i32 = arith.constant 0 : i32
    %c0_i32_0 = arith.constant 0 : i32
    return %arg0, %c0_i32 : i32, i32
  }
}

module attributes {stable_mosaic.version = 14 : i64} {
  func.func @_final_body(%arg0: i32, %arg1: memref<2000x128xf32, #tpu.memory_space<vmem>>, %arg2: memref<2000x128xf32, #tpu.memory_space<vmem>>, %arg3: memref<2000x128xf32, #tpu.memory_space<vmem>>, %arg4: memref<2000x1xf32, #tpu.memory_space<vmem>>, %arg5: memref<1x128xf32, #tpu.memory_space<vmem>>, %arg6: memref<2000x1xi32, #tpu.memory_space<vmem>>, %arg7: memref<128x64xf32, #tpu.memory_space<vmem>>, %arg8: memref<1x64xf32, #tpu.memory_space<vmem>>, %arg9: memref<64x64xf32, #tpu.memory_space<vmem>>, %arg10: memref<64x128xf32, #tpu.memory_space<vmem>>, %arg11: memref<64x1xf32, #tpu.memory_space<vmem>>) attributes {dimension_semantics = [#tpu.dimension_semantics<arbitrary>], iteration_bounds = array<i64: 5>, scalar_prefetch = 0 : i64, scratch_operands = 2 : i64, tpu.core_type = #tpu.core_type<tc>, window_params = [{transform_indices = @transform_0, window_bounds = array<i64: 2000, 128>}, {transform_indices = @transform_1, window_bounds = array<i64: 2000, 128>}, {transform_indices = @transform_2, window_bounds = array<i64: 2000, 128>}, {transform_indices = @transform_3, window_bounds = array<i64: 2000, 1>}, {pipeline_mode = #tpu.pipeline_mode<synchronous>, transform_indices = @transform_4, window_bounds = array<i64: 1, 128>}, {transform_indices = @transform_5, window_bounds = array<i64: 2000, 1>}, {pipeline_mode = #tpu.pipeline_mode<synchronous>, transform_indices = @transform_6, window_bounds = array<i64: 128, 64>}, {pipeline_mode = #tpu.pipeline_mode<synchronous>, transform_indices = @transform_7, window_bounds = array<i64: 1, 64>}, {pipeline_mode = #tpu.pipeline_mode<synchronous>, transform_indices = @transform_8, window_bounds = array<i64: 64, 64>}]} {
    %eq3A = arith.constant 0 : i32
    %eq3A_0 = arith.cmpi eq, %arg0, %eq3A : i32
    %convert_element_type3A = arith.extui %eq3A_0 : i1 to i32
    %cond3A = arith.constant 0 : i32
    %cond3A_1 = arith.cmpi ne, %convert_element_type3A, %cond3A : i32
    scf.if %cond3A_1 {
      %broadcast_in_dim3A_48 = arith.constant 0.000000e+00 : f32
      %broadcast_in_dim3A_49 = vector.broadcast %broadcast_in_dim3A_48 : f32 to vector<64x128xf32>
      %swap3A_50 = arith.constant 0 : index
      %swap3A_51 = arith.constant 0 : index
      %swap3A_52 = vector.load %arg10[%swap3A_50, %swap3A_51] : memref<64x128xf32, #tpu.memory_space<vmem>>, vector<64x128xf32>
      tpu.vector_store %arg10[%swap3A_50, %swap3A_51], %broadcast_in_dim3A_49 {strides = array<i32>} : memref<64x128xf32, #tpu.memory_space<vmem>>, vector<64x128xf32>,
      %broadcast_in_dim3A_53 = arith.constant 0.000000e+00 : f32
      %broadcast_in_dim3A_54 = vector.broadcast %broadcast_in_dim3A_53 : f32 to vector<64x1xf32>
      %swap3A_55 = arith.constant 0 : index
      %swap3A_56 = arith.constant 0 : index
      %swap3A_57 = vector.load %arg11[%swap3A_55, %swap3A_56] : memref<64x1xf32, #tpu.memory_space<vmem>>, vector<64x1xf32>
      tpu.vector_store %arg11[%swap3A_55, %swap3A_56], %broadcast_in_dim3A_54 {strides = array<i32>} : memref<64x1xf32, #tpu.memory_space<vmem>>, vector<64x1xf32>,
    } else {
    }
    %get3A = arith.constant 0 : index
    %get3A_2 = arith.constant 0 : index
    %get3A_3 = vector.load %arg4[%get3A, %get3A_2] : memref<2000x1xf32, #tpu.memory_space<vmem>>, vector<2000x1xf32>
    %get3A_4 = arith.constant 0 : index
    %get3A_5 = arith.constant 0 : index
    %get3A_6 = vector.load %arg1[%get3A_4, %get3A_5] : memref<2000x128xf32, #tpu.memory_space<vmem>>, vector<2000x128xf32>
    %get3A_7 = arith.constant 0 : index
    %get3A_8 = arith.constant 0 : index
    %get3A_9 = vector.load %arg2[%get3A_7, %get3A_8] : memref<2000x128xf32, #tpu.memory_space<vmem>>, vector<2000x128xf32>
    %add3A = arith.addf %get3A_6, %get3A_9 : vector<2000x128xf32>
    %get3A_10 = arith.constant 0 : index
    %get3A_11 = arith.constant 0 : index
    %get3A_12 = vector.load %arg3[%get3A_10, %get3A_11] : memref<2000x128xf32, #tpu.memory_space<vmem>>, vector<2000x128xf32>
    %add3A_13 = arith.addf %add3A, %get3A_12 : vector<2000x128xf32>
    %mul3A = vector.broadcast %get3A_3 : vector<2000x1xf32> to vector<2000x128xf32>
    %mul3A_14 = arith.mulf %mul3A, %add3A_13 : vector<2000x128xf32>
    %get3A_15 = arith.constant 0 : index
    %get3A_16 = arith.constant 0 : index
    %get3A_17 = vector.load %arg5[%get3A_15, %get3A_16] : memref<1x128xf32, #tpu.memory_space<vmem>>, vector<1x128xf32>
    %add3A_18 = vector.broadcast %get3A_17 : vector<1x128xf32> to vector<2000x128xf32>
    %add3A_19 = arith.addf %mul3A_14, %add3A_18 : vector<2000x128xf32>
    %get3A_20 = arith.constant 0 : index
    %get3A_21 = arith.constant 0 : index
    %get3A_22 = vector.load %arg6[%get3A_20, %get3A_21] : memref<2000x1xi32, #tpu.memory_space<vmem>>, vector<2000x1xi32>
    %squeeze3A = vector.shape_cast %get3A_22 : vector<2000x1xi32> to vector<2000xi32>
    %iota3A = tpu.iota {dimensions = array<i32: 0>} : vector<64x2000xi32>
    %broadcast_in_dim3A = vector.shape_cast %squeeze3A : vector<2000xi32> to vector<1x2000xi32>
    %eq3A_23 = vector.broadcast %broadcast_in_dim3A : vector<1x2000xi32> to vector<64x2000xi32>
    %eq3A_24 = arith.cmpi eq, %iota3A, %eq3A_23 : vector<64x2000xi32>
    %convert_element_type3A_25 = arith.extui %eq3A_24 : vector<64x2000xi1> to vector<64x2000xi32>
    %convert_element_type3A_26 = arith.sitofp %convert_element_type3A_25 : vector<64x2000xi32> to vector<64x2000xf32>
    %get3A_27 = arith.constant 0 : index
    %get3A_28 = arith.constant 0 : index
    %get3A_29 = vector.load %arg10[%get3A_27, %get3A_28] : memref<64x128xf32, #tpu.memory_space<vmem>>, vector<64x128xf32>
    %dot_general3A = arith.constant dense<0.000000e+00> : vector<64x128xf32>
    %dot_general3A_30 = tpu.matmul %convert_element_type3A_26, %add3A_19, %dot_general3A {dimension_numbers = #tpu.dot_dimension_numbers<[1], [0], [0], [1], [0, 0, 1, 1], [], []>, transpose_lhs_hint = false} : vector<64x2000xf32>, vector<2000x128xf32>, vector<64x128xf32> -> vector<64x128xf32>
    %add3A_31 = arith.addf %get3A_29, %dot_general3A_30 : vector<64x128xf32>
    %swap3A = arith.constant 0 : index
    %swap3A_32 = arith.constant 0 : index
    %swap3A_33 = vector.load %arg10[%swap3A, %swap3A_32] : memref<64x128xf32, #tpu.memory_space<vmem>>, vector<64x128xf32>
    tpu.vector_store %arg10[%swap3A, %swap3A_32], %add3A_31 {strides = array<i32>} : memref<64x128xf32, #tpu.memory_space<vmem>>, vector<64x128xf32>,
    %get3A_34 = arith.constant 0 : index
    %get3A_35 = arith.constant 0 : index
    %get3A_36 = vector.load %arg11[%get3A_34, %get3A_35] : memref<64x1xf32, #tpu.memory_space<vmem>>, vector<64x1xf32>
    %reduce_sum3A = arith.constant dense<0.000000e+00> : vector<64xf32>
    %reduce_sum3A_37 = vector.multi_reduction <add>, %convert_element_type3A_26, %reduce_sum3A [1] : vector<64x2000xf32> to vector<64xf32>
    %broadcast_in_dim3A_38 = vector.shape_cast %reduce_sum3A_37 : vector<64xf32> to vector<64x1xf32>
    %add3A_39 = arith.addf %get3A_36, %broadcast_in_dim3A_38 : vector<64x1xf32>
    %swap3A_40 = arith.constant 0 : index
    %swap3A_41 = arith.constant 0 : index
    %swap3A_42 = vector.load %arg11[%swap3A_40, %swap3A_41] : memref<64x1xf32, #tpu.memory_space<vmem>>, vector<64x1xf32>
    tpu.vector_store %arg11[%swap3A_40, %swap3A_41], %add3A_39 {strides = array<i32>} : memref<64x1xf32, #tpu.memory_space<vmem>>, vector<64x1xf32>,
    %eq3A_43 = arith.constant 4 : i32
    %eq3A_44 = arith.cmpi eq, %arg0, %eq3A_43 : i32
    %convert_element_type3A_45 = arith.extui %eq3A_44 : i1 to i32
    %cond3A_46 = arith.constant 0 : i32
    %cond3A_47 = arith.cmpi ne, %convert_element_type3A_45, %cond3A_46 : i32
    scf.if %cond3A_47 {
      %get3A_48 = arith.constant 0 : index
      %get3A_49 = arith.constant 0 : index
      %get3A_50 = vector.load %arg10[%get3A_48, %get3A_49] : memref<64x128xf32, #tpu.memory_space<vmem>>, vector<64x128xf32>
      %get3A_51 = arith.constant 0 : index
      %get3A_52 = arith.constant 0 : index
      %get3A_53 = vector.load %arg11[%get3A_51, %get3A_52] : memref<64x1xf32, #tpu.memory_space<vmem>>, vector<64x1xf32>
      %max3A = arith.constant 1.000000e+00 : f32
      %max3A_54 = vector.broadcast %max3A : f32 to vector<64x1xf32>
      %max3A_55 = arith.maximumf %get3A_53, %max3A_54 : vector<64x1xf32>
      %div3A = vector.broadcast %max3A_55 : vector<64x1xf32> to vector<64x128xf32>
      %div3A_56 = arith.divf %get3A_50, %div3A : vector<64x128xf32>
      %get3A_57 = arith.constant 0 : index
      %get3A_58 = arith.constant 0 : index
      %get3A_59 = vector.load %arg7[%get3A_57, %get3A_58] : memref<128x64xf32, #tpu.memory_space<vmem>>, vector<128x64xf32>
      %dot_general3A_60 = arith.constant dense<0.000000e+00> : vector<64x64xf32>
      %dot_general3A_61 = tpu.matmul %div3A_56, %get3A_59, %dot_general3A_60 {dimension_numbers = #tpu.dot_dimension_numbers<[1], [0], [0], [1], [0, 0, 1, 1], [], []>, transpose_lhs_hint = false} : vector<64x128xf32>, vector<128x64xf32>, vector<64x64xf32> -> vector<64x64xf32>
      %get3A_62 = arith.constant 0 : index
      %get3A_63 = arith.constant 0 : index
      %get3A_64 = vector.load %arg8[%get3A_62, %get3A_63] : memref<1x64xf32, #tpu.memory_space<vmem>>, vector<1x64xf32>
      %add3A_65 = vector.broadcast %get3A_64 : vector<1x64xf32> to vector<64x64xf32>
      %add3A_66 = arith.addf %dot_general3A_61, %add3A_65 : vector<64x64xf32>
      %swap3A_67 = arith.constant 0 : index
      %swap3A_68 = arith.constant 0 : index
      %swap3A_69 = vector.load %arg9[%swap3A_67, %swap3A_68] : memref<64x64xf32, #tpu.memory_space<vmem>>, vector<64x64xf32>
      tpu.vector_store %arg9[%swap3A_67, %swap3A_68], %add3A_66 {strides = array<i32>} : memref<64x64xf32, #tpu.memory_space<vmem>>, vector<64x64xf32>,
    } else {
    }
    return
  }
  func.func @transform_0(%arg0: i32) -> (i32, i32) {
    %c0_i32 = arith.constant 0 : i32
    %c0_i32_0 = arith.constant 0 : i32
    return %arg0, %c0_i32 : i32, i32
  }
  func.func @transform_1(%arg0: i32) -> (i32, i32) {
    %c0_i32 = arith.constant 0 : i32
    %c0_i32_0 = arith.constant 0 : i32
    return %arg0, %c0_i32 : i32, i32
  }
  func.func @transform_2(%arg0: i32) -> (i32, i32) {
    %c0_i32 = arith.constant 0 : i32
    %c0_i32_0 = arith.constant 0 : i32
    return %arg0, %c0_i32 : i32, i32
  }
  func.func @transform_3(%arg0: i32) -> (i32, i32) {
    %c0_i32 = arith.constant 0 : i32
    %c0_i32_0 = arith.constant 0 : i32
    return %arg0, %c0_i32 : i32, i32
  }
  func.func @transform_4(%arg0: i32) -> (i32, i32) {
    %c0_i32 = arith.constant 0 : i32
    %c0_i32_0 = arith.constant 0 : i32
    %c0_i32_1 = arith.constant 0 : i32
    return %c0_i32, %c0_i32_0 : i32, i32
  }
  func.func @transform_5(%arg0: i32) -> (i32, i32) {
    %c0_i32 = arith.constant 0 : i32
    %c0_i32_0 = arith.constant 0 : i32
    return %arg0, %c0_i32 : i32, i32
  }
  func.func @transform_6(%arg0: i32) -> (i32, i32) {
    %c0_i32 = arith.constant 0 : i32
    %c0_i32_0 = arith.constant 0 : i32
    %c0_i32_1 = arith.constant 0 : i32
    return %c0_i32, %c0_i32_0 : i32, i32
  }
  func.func @transform_7(%arg0: i32) -> (i32, i32) {
    %c0_i32 = arith.constant 0 : i32
    %c0_i32_0 = arith.constant 0 : i32
    %c0_i32_1 = arith.constant 0 : i32
    return %c0_i32, %c0_i32_0 : i32, i32
  }
  func.func @transform_8(%arg0: i32) -> (i32, i32) {
    %c0_i32 = arith.constant 0 : i32
    %c0_i32_0 = arith.constant 0 : i32
    %c0_i32_1 = arith.constant 0 : i32
    return %c0_i32, %c0_i32_0 : i32, i32
  }
}

</mosaic_0001>

<sc_bundles>
// kernel: kernel.10.cloned.1.call-start
scs
__scs_entry_jumppad:
0x0: {  	(pc) =	sbr.rel $0x88, $3  }
0x1: {  	(tag) =	ssettag $0x0;
	lr =	simm.s32 $0x1  }
0x2: {  	[smem:$0x3F96] =	sst lr;
	_ =	strace $0xD0000000  }
0x3: {  	_ = 	snop  }
0x4: {  	_ = 	snop  }
0x5: {  	_ = 	snop  }
0x6: {  	_ = 	snop  }
0x7: {  	_ = 	snop  }
__scs_overlays_trampoline_lowered:
0x8: {  	[smem:$0x3FA5] =	sst s0  }
0x9: {  	[smem:$0x3FA6] =	sst s1  }
0xa: {  	[smem:$0x3FA7] =	sst s2  }
0xb: {  	[smem:$0x3FA8] =	sst s3  }
0xc: {  	[smem:$0x3FA9] =	sst s4  }
0xd: {  	[smem:$0x3FAA] =	sst s5  }
0xe: {  	[smem:$0x3FAB] =	sst s6  }
0xf: {  	[smem:$0x3FAC] =	sst s7  }
0x10: {  	[smem:$0x3FAD] =	sst s8  }
0x11: {  	[smem:$0x3FAE] =	sst s9;
	s0 =	simm.s32 @!p0 $0x0  }
0x12: {  	s1 =	sld [smem:$0x3F94];
	s0 =	simm.s32 @p0 $0x1  }
0x13: {  	[smem:$0x3FAF] =	sst s0;
	s0 =	simm.s32 @!p1 $0x0  }
0x14: {  	s2 =	sld [smem:$0x3F93];
	s0 =	simm.s32 @p1 $0x1  }
0x15: {  	[smem:$0x3FB0] =	sst s0;
	s0 =	simm.s32 @!p2 $0x0  }
0x16: {  	s3 =	sld [smem:$0x3FDB];
	s0 =	simm.s32 @p2 $0x1  }
0x17: {  	s4 =	simm.s32 $0x1BF5;
	[smem:$0x3FB2] =	sst s0  }
0x18: {  	s0 =	sld [smem:$0x3F95];
	_ =	swait.ge [sflag:s4], $0x0  }
0x19: {  	s7 =	sld [smem:$0x3F96]  }
0x1a: {  	s8 =	sadd.s32 $0xFFFFE003, lr  }
0x1b: {  	s9 =	sadd.s32 $0xFFFFFEF7, lr;
	s5 =	simm.s32 $0xFFFFFFFF;
	p2 =	slt.u32 s8, $0xFFFFF086  }
0x1c: {  	p1 =	slt.u32 s9, $0xF7A;
	s5 =	simm.s32 @!p2 $0x0  }
0x1d: {  	s5 =	simm.s32 @p1 $0x1;
	p0 =	seq.s32 s7, s2  }
0x1e: {  	s7 =	smul.u32 @!p0 $0xF7A, s2;
	p2 =	seq.s32 @!p0 s5, $0x0  }
0x1f: {  	s9 =	smul.u32 $0xF7A, s1;
	s8 =	simm.s32 @!p0 $0x1BF5;
	p2 =	por !p2, p0  }
0x20: {  	[sflag:s8] =	ssyncset.s32 @!p0 $0xFFFFF086;
	s6 =	sadd.s32 @!p0 s3, s7;
	s7 =	simm.s32 @!p0 $0x108  }
0x21: {  	s3 =	sadd.s32 s3, s9;
	s6 =	sadd.s32 @!p0 $0x88, s6;
	s7 =	simm.s32 @p2 $0x1082  }
0x22: {  	[simem:s7], [sflag:s8] =	dma.local @!p0 [hbm:s6], $0xF7A  }
0x23: {  	s9 =	sor.u32 $0xD0000000, s2;
	s6 =	simm.s32 $0x108;
	_ =	swait.ge @!p0 [sflag:s8], $0x0  }
0x24: {  	s3 =	sadd.s32 $0x88, s3;
	s6 =	simm.s32 @!p1 $0x1082;
	[sflag:s4] =	ssyncset.s32 $0xFFFFF086  }
0x25: {  	[simem:s6], [sflag:s4] =	dma.local [hbm:s3], $0xF7A  }
0x26: {  	[smem:$0x3F96] =	sst s1;
	(tag) =	ssettag s2;
	_ =	strace s9  }
0x27: {  	s1 =	sld [smem:$0x3FA6]  }
0x28: {  	s2 =	sld [smem:$0x3FA7]  }
0x29: {  	s4 =	sld [smem:$0x3FA9]  }
0x2a: {  	p0 =	seq.s32 s5, $0x0;
	s5 =	sld [smem:$0x3FAA]  }
0x2b: {  	s6 =	sld [smem:$0x3FAB]  }
0x2c: {  	s7 =	sld [smem:$0x3FAC]  }
0x2d: {  	s3 =	simm.s32 $0x108;
	s8 =	sld [smem:$0x3FAD]  }
0x2e: {  	s3 =	simm.s32 @!p0 $0x1082;
	s9 =	sld [smem:$0x3FAE]  }
0x2f: {  	lr =	sadd.s32 s0, s3;
	s0 =	sld [smem:$0x3FA5]  }
0x30: {  	s3 =	sld [smem:$0x3FA8]  }
0x31: {  	[smem:$0x3FB1] =	sst s10  }
0x32: {  	s10 =	sld [smem:$0x3FAF];
	_ =	sdelay $0x3  }
0x33: {  	p0 =	seq.s32 s10, $0x1;
	s10 =	sld [smem:$0x3FB1];
	_ =	sdelay $0x3  }
0x34: {  	[smem:$0x3FB1] =	sst s10  }
0x35: {  	s10 =	sld [smem:$0x3FB0];
	_ =	sdelay $0x3  }
0x36: {  	p1 =	seq.s32 s10, $0x1;
	s10 =	sld [smem:$0x3FB1];
	_ =	sdelay $0x3  }
0x37: {  	[smem:$0x3FB1] =	sst s10  }
0x38: {  	s10 =	sld [smem:$0x3FB2]  }
0x39: {  	_ = 	snop;
	(pc) =	sbr.ind lr, $3  }
0x3a: {  	_ = 	snop  }
0x3b: {  	_ = 	snop  }
0x3c: {  	p2 =	seq.s32 s10, $0x1;
	s10 =	sld [smem:$0x3FB1]  }
0x3d: {  	_ =	shalt  }
0x3e: {  	_ =	shalt  }
0x3f: {  	_ =	shalt  }
0x40: {  	_ =	shalt  }
0x41: {  	_ =	shalt  }
0x42: {  	_ =	shalt  }
0x43: {  	_ =	shalt  }
0x44: {  	_ =	shalt  }
0x45: {  	_ =	shalt  }
0x46: {  	_ =	shalt  }
0x47: {  	_ =	shalt  }
0x48: {  	_ =	shalt  }
0x49: {  	_ =	shalt  }
0x4a: {  	_ =	shalt  }
0x4b: {  	_ =	shalt  }
0x4c: {  	_ =	shalt  }
0x4d: {  	_ =	shalt  }
0x4e: {  	_ =	shalt  }
0x4f: {  	_ =	shalt  }
0x50: {  	_ =	shalt  }
0x51: {  	_ =	shalt  }
0x52: {  	_ =	shalt  }
0x53: {  	_ =	shalt  }
0x54: {  	_ =	shalt  }
0x55: {  	_ =	shalt  }
0x56: {  	_ =	shalt  }
0x57: {  	_ =	shalt  }
0x58: {  	_ =	shalt  }
0x59: {  	_ =	shalt  }
0x5a: {  	_ =	shalt  }
0x5b: {  	_ =	shalt  }
0x5c: {  	_ =	shalt  }
0x5d: {  	_ =	shalt  }
0x5e: {  	_ =	shalt  }
0x5f: {  	_ =	shalt  }
0x60: {  	_ =	shalt  }
0x61: {  	_ =	shalt  }
0x62: {  	_ =	shalt  }
0x63: {  	_ =	shalt  }
0x64: {  	_ =	shalt  }
0x65: {  	_ =	shalt  }
0x66: {  	_ =	shalt  }
0x67: {  	_ =	shalt  }
0x68: {  	_ =	shalt  }
0x69: {  	_ =	shalt  }
0x6a: {  	_ =	shalt  }
0x6b: {  	_ =	shalt  }
0x6c: {  	_ =	shalt  }
0x6d: {  	_ =	shalt  }
0x6e: {  	_ =	shalt  }
0x6f: {  	_ =	shalt  }
0x70: {  	_ =	shalt  }
0x71: {  	_ =	shalt  }
0x72: {  	_ =	shalt  }
0x73: {  	_ =	shalt  }
0x74: {  	_ =	shalt  }
0x75: {  	_ =	shalt  }
0x76: {  	_ =	shalt  }
0x77: {  	_ =	shalt  }
0x78: {  	_ =	shalt  }
0x79: {  	_ =	shalt  }
0x7a: {  	_ =	shalt  }
0x7b: {  	_ =	shalt  }
0x7c: {  	_ =	shalt  }
0x7d: {  	_ =	shalt  }
0x7e: {  	_ =	shalt  }
0x7f: {  	_ =	shalt  }
0x80: {  	_ =	shalt  }
0x81: {  	_ =	shalt  }
0x82: {  	_ =	shalt  }
0x83: {  	_ =	shalt  }
0x84: {  	_ =	shalt  }
0x85: {  	_ =	shalt  }
0x86: {  	_ =	shalt  }
0x87: {  	_ =	shalt  }
.Lfunc_end0:
.L_simem_size_0:
called_computation_lowered:
.L_overlay_start_0:
0x88: {  	s2 =	sld [smem:$0x3FD9]  }
0x89: {  	s3 =	sld [smem:$0x3FFE];
	_ =	sdelay $0x1  }
0x8a: {  	s1 =	srdreg.scid  }
0x8b: {  	s0 =	sand.u32 $0x1, s1  }
0x8c: {  	s16 =	sshll.u32 s0, $0xA;
	s2 =	sadd.s32 s3, s2  }
0x8d: {  	s2 =	sadd.s32 s2, s16  }
0x8e: {  	[smem:$0x3FBD] =	sst s2  }
0x8f: {  	_ = 	snop  }
0x90: {  	(tm) =	ssettm $0x1  }
0x91: {  	s17 =	sld [smem:$0x3FFB];
	_ =	sdelay $0x3  }
0x92: {  	_ =	strace s17  }
0x93: {  	s2 =	sld [smem:$0x3FFC];
	_ =	sdelay $0x3  }
0x94: {  	_ =	strace s2  }
0x95: {  	s2 =	sld [smem:$0x3FFD];
	_ =	sdelay $0x3  }
0x96: {  	_ =	strace s2  }
0x97: {  	_ =	strace $0x8FFFFFFF  }
0x98: {  	s18 =	sld [smem:$0x3FDB];
	_ =	sdelay $0x1  }
0x99: {  	s19 =	simm.s32 $_scs_section_size  }
0x9a: {  	s4 =	simm.s32 $_size__tile_overlayer_lowered;
	s5 =	simm.s32 $_tile_overlayer_lowered  }
0x9b: {  	s22 =	simm.s32 $0x1BFF;
	s21 =	sshll.u32 s5, $0x1;
	s2 =	sadd.s32 s19, s18  }
0x9c: {  	s6 =	simm.s32 $0x0;
	s20 =	sshll.u32 s4, $0x1;
	s4 =	sadd.s32 s21, s2  }
0x9d: {  	[timem:s6], [sflag:s22] =	dma.local [hbm:s4], s20  }
0x9e: {  	_ =	swait.ge [sflag:s22], s20  }
0x9f: {  	s3 =	ssub.s32 $0x0, s20;
	[sflag:s22] =	ssyncset.done $0x0  }
0xa0: {  	[sflag:s22] =	ssyncadd.s32 s3;
	_ =	sdelay $0x1  }
0xa1: {  	s23 =	simm.s32 $0x1B8B  }
0xa2: {  	_ =	swait.ge [sflag:s23], $0x1  }
0xa3: {  	[sflag:s23] =	ssyncset.done $0x0  }
0xa4: {  	s25 =	simm.s32 $0x1B8E;
	s24 =	sld [smem:$0x3FFE];
	[sflag:s23] =	ssyncadd.s32 $0xFFFFFFFF  }
0xa5: {  	s26 =	simm.s32 $execute0_lowered;
	[smem:$0x3FD2] =	sst s25  }
0xa6: {  	s4 =	sshll.u32 s26, $0x1;
	_ =	strace $0x80000046;
	[dreg:$0x1] =	wrdreg $0xFFFFFFFF  }
0xa7: {  	s28 =	simm.s32 $_size_execute0_lowered;
	s2 =	sadd.s32 s2, s4;
	[dreg:$0x0] =	wrdreg $0x0  }
0xa8: {  	s4 =	sshll.u32 s28, $0x1;
	[dreg:$0x2] =	wrdreg s2  }
0xa9: {  	[dreg:$0x3] =	wrdreg s4  }
0xaa: {  	[dreg:$0x4] =	wrdreg $0xC0  }
0xab: {  	_ =	task [dreg:s6], $0x5FFFF  }
0xac: {  	[dreg:$0x1] =	wrdreg $0xFFFFFFFF  }
0xad: {  	[dreg:$0x0] =	wrdreg $0x60  }
0xae: {  	[dreg:$0x2] =	wrdreg s24  }
0xaf: {  	[dreg:$0x3] =	wrdreg $0x28800  }
0xb0: {  	[dreg:$0x4] =	wrdreg $0x9  }
0xb1: {  	_ =	task.clear_ibuf [dreg:s6], $0x5FFFF;
	_ =	strace $0x90000046  }
0xb2: {  	s29 =	simm.s32 $0x9;
	_ =	strace $0x80000048  }
0xb3: {  	_ =	swait.ge [sflag:s29], $0x1  }
0xb4: {  	[sflag:s29] =	ssyncadd.s32 $0xFFFFFFFF  }
0xb5: {  	_ =	strace $0x90000048  }
0xb6: {  	_ =	sfence  }
0xb7: {  	s30 =	sld [smem:$0x0];
	_ =	sdelay $0x2  }
0xb8: {  	s31 =	sshll.u32 s1, $0xD;
	s1 =	sshrl.u32 s1, $0x2  }
0xb9: {  	s3 =	sand.u32 $0x4000, s31;
	s1 =	sadd.s32 s1, s30  }
0xba: {  	s0 =	sor.u32 s3, s0;
	s1 =	sshll.u32 s1, $0x11  }
0xbb: {  	s0 =	sor.u32 s1, s0  }
0xbc: {  	s0 =	sadd.s32 $0x8F2B, s0  }
0xbd: {  	[sflag:s0] =	ssyncadd.remote.s32 $0x1  }
0xbe: {  	_ =	sfence.sel $0xFFFF  }
0xbf: {  	[dreg:$0x0] =	wrdreg $0xFFFFFFFF;
	(pc) =	sbr.abs _section_cstart, $3  }
0xc0: {  	[dreg:$0x1] =	wrdreg $0xFFFFFFFF  }
0xc1: {  	_ =	task.clear_ibuf [dreg:s6], $0x2FFFF;
	_ =	strace $0x9FFFFFFF  }
0xc2: {  	(tm) =	ssettm $0x7FFFFFFF  }
0xc3: {  	_ =	shalt  }
tec
execute0_lowered:
.L_overlay_start_1:
0x0: {  	(tag) =	ssettag $0x1  }
0x1: {  	s8 =	rddreg [dreg:$0x0]  }
0x2: {  	s2 =	rddreg [dreg:$0x1]  }
0x3: {  	s0 =	rddreg [dreg:$0x2]  }
0x4: {  	s4 =	srdreg.scid;
	s1 =	stileid.u32;
	s3 =	simm.s32 $0x0  }
0x5: {  	s13 =	simm.s32 $0x2800;
	s14 =	simm.s32 $0x2;
	s15 =	simm.s32 $0x80  }
0x6: {  	s16 =	simm.s32 $0x1;
	s19 =	simm.s32 $0x20;
	s20 =	simm.s32 $0x10  }
0x7: {  	s21 =	simm.s32 $0x0;
	s4 =	sand.u32 $0x1, s4;
	s5 =	smul.u32 $0x500, s1  }
0x8: {  	[smem:$0x7FF] =	sst s3;
	s7 =	sshll.u32 s1, $0x1;
	s29 =	smul.u32 $0xA00, s1  }
0x9: {  	s17 =	sshll.u32 s1, $0x6;
	s6 =	sshll.u32 s4, $0x7;
	_ =	strace $0x80000047  }
0xa: {  	s24 =	ssub.s32 $0x2, s4;
	s4 =	sor.u32 s4, s7;
	s17 =	sor.u32 $0x1C02, s17  }
0xb: {  	s5 =	sor.u32 s6, s5;
	s25 =	sshrl.u32 s24, $0x1;
	s26 =	smax.u32 s4, $0x19  }
0xc: {  	s28 =	smul.u32 $0x2800, s4;
	p0 =	sgt.u32 s4, $0x18;
	p1 =	seq.s32 s4, $0x1F  }
0xd: {  	s4 =	simm.s32 $0x44;
	s30 =	sshrl.u32 s29, $0x2;
	s5 =	sshrl.u32 s5, $0x3  }
0xe: {  	s4 =	simm.s32 @!p1 $0x48;
	s11 =	sadd.s32 s5, s8;
	s5 =	sshll.u32 s26, $0xA  }
0xf: {  	s12 =	ssub.s32 s24, s25;
	s4 =	simm.s32 @!p0 $0x50;
	s5 =	ssub.s32 s28, s5  }
0x10: {  	s12 =	smax.u32 s12, $0x1;
	s31 =	sadd.s32 $0x6400, s5;
	s5 =	sadd.s32 s30, s2  }
0x11: {  	s11 =	sadd.s32 $0x19400, s11;
	s9 =	sshrl.u32 s31, $0x3;
	s6 =	sadd.s32 $0x80, s5  }
0x12: {  	s7 =	sadd.s32 $0x100, s5;
	s18 =	sshrl.u32 s5, $0x3;
	s10 =	sadd.s32 s8, s9  }
0x13: {  	v0 =	vimm.f32 $0.0e+00;
	v1 =	vimm.f32 $1.000000000e+00;
	s8 =	sadd.s32 $0x180, s5;
	s9 =	sadd.s32 $0x200, s5;
	s10 =	sadd.s32 $0xF680, s10  }
.LBB2_1:
0x14: {  	[tilespmem:$0x2800] =	vst v0  }
0x15: {  	[tilespmem:$0x2810] =	vst v0  }
0x16: {  	[tilespmem:$0x2820] =	vst v0  }
0x17: {  	[tilespmem:$0x2830] =	vst v0  }
0x18: {  	[tilespmem:$0x2840] =	vst v0  }
0x19: {  	[tilespmem:$0x2850] =	vst v0  }
0x1a: {  	[tilespmem:$0x2860] =	vst v0  }
0x1b: {  	[tilespmem:$0x2870] =	vst v0  }
0x1c: {  	[spmem:s5] =	stream.linear.scatter [tilespmem:s13], [sflag:$0x2], $0x80, $0x38;
	[tilespmem:$0x2B00] =	vst v63  }
0x1d: {  	_ =	swait.ge [sflag:s14], $0x80  }
0x1e: {  	[sflag:s14] =	ssyncset.done $0x0  }
0x1f: {  	[sflag:s14] =	ssyncadd.s32 $0xFFFFFF80  }
0x20: {  	[spmem:s6] =	stream.linear.scatter [tilespmem:s13], [sflag:$0x2], $0x80, $0x38;
	[tilespmem:$0x2B00] =	vst v63  }
0x21: {  	_ =	swait.ge [sflag:s14], $0x80  }
0x22: {  	[sflag:s14] =	ssyncset.done $0x0  }
0x23: {  	[sflag:s14] =	ssyncadd.s32 $0xFFFFFF80  }
0x24: {  	[spmem:s7] =	stream.linear.scatter [tilespmem:s13], [sflag:$0x2], $0x80, $0x38;
	[tilespmem:$0x2B00] =	vst v63  }
0x25: {  	_ =	swait.ge [sflag:s14], $0x80  }
0x26: {  	[sflag:s14] =	ssyncset.done $0x0  }
0x27: {  	[sflag:s14] =	ssyncadd.s32 $0xFFFFFF80  }
0x28: {  	[spmem:s8] =	stream.linear.scatter [tilespmem:s13], [sflag:$0x2], $0x80, $0x38;
	[tilespmem:$0x2B00] =	vst v63  }
0x29: {  	_ =	swait.ge [sflag:s14], $0x80  }
0x2a: {  	[sflag:s14] =	ssyncset.done $0x0  }
0x2b: {  	[sflag:s14] =	ssyncadd.s32 $0xFFFFFF80  }
0x2c: {  	[spmem:s9] =	stream.linear.scatter [tilespmem:s13], [sflag:$0x2], $0x80, $0x38;
	[tilespmem:$0x2B00] =	vst v63  }
0x2d: {  	_ =	swait.ge [sflag:s14], $0x80  }
0x2e: {  	[sflag:s14] =	ssyncset.done $0x0  }
0x2f: {  	[sflag:s14] =	ssyncadd.s32 $0xFFFFFF80  }
0x30: {  	[bflag:$0x0] =	sbarrier.arrive $0xFFFF  }
0x31: {  	[tilespmem:$0x2800] =	vst v1  }
0x32: {  	[tilespmem:$0x2810] =	vst v1  }
0x33: {  	[tilespmem:$0x2820] =	vst v1  }
0x34: {  	[tilespmem:$0x2830] =	vst v1  }
0x35: {  	[tilespmem:$0x2840] =	vst v1  }
0x36: {  	[tilespmem:$0x2850] =	vst v1  }
0x37: {  	[tilespmem:$0x2860] =	vst v1  }
0x38: {  	s22 =	simm.s32 @p0 $0x0;
	[tilespmem:$0x2870] =	vst v1  }
0x39: {  	[tilespmem:s22], [sflag:$0x2] =	stream.linear.gather @p0 [hbm4b:s10+s22], $0x2400, $0x38;
	[tilespmem:$0x2B00] =	vst v63  }
0x3a: {  	s22 =	simm.s32 @p0 $0x2  }
0x3b: {  	_ =	swait.ge @p0 [sflag:s22], $0x2400  }
0x3c: {  	[sflag:s22] =	ssyncset.done @p0 $0x0  }
0x3d: {  	p1 =	sne.s32 s4, $0x1;
	[sflag:s22] =	ssyncadd.s32 @p0 $0xFFFFDC00;
	s22 =	simm.s32 @!p0 $0x0  }
0x3e: {  	[tilespmem:s22], [sflag:$0x2] =	stream.linear.gather @!p0 [hbm4b:s10+s22], $0x2800, $0x38;
	[tilespmem:$0x2B00] =	vst v63  }
.Ltmp0:
0x3f: {  	s22 =	simm.s32 @!p0 $0x2;
	(pc) =	sbr.rel @!p1 .LBB2_3-.Ltmp0, $4  }
0x40: {  	_ =	swait.ge @!p0 [sflag:s22], $0x2800  }
0x41: {  	[sflag:s22] =	ssyncset.done @!p0 $0x0  }
0x42: {  	s23 =	simm.s32 $0x0;
	[sflag:s22] =	ssyncadd.s32 @!p0 $0xFFFFD800;
	s22 =	sadd.s32 $0xFFFFFFFF, s4  }
0x43: {  	[spmem:s2] =	stream.indirect.scatter.add.f32 [tilespmem:s13], [sflag:$0x1], $0x1, s3, s15, $0xb8;
	[tilespmem:$0x2B00] =	vst v63  }
.LBB2_2:
0x44: {  	p2 =	sne.s32 s22, $0x1  }
.Ltmp1:
0x45: {  	_ = 	snop;
	(pc) =	sbr.rel @p2 .LBB2_2-.Ltmp1, $3  }
0x46: {  	_ = 	snop  }
0x47: {  	s22 =	sadd.s32 $0xFFFFFFFF, s22;
	s23 =	sadd.s32 $0x80, s23;
	_ =	sdelay $0x1  }
0x48: {  	[spmem:s2] =	stream.indirect.scatter.add.f32 [tilespmem:s13], [sflag:$0x1], $0x1, s23, s15, $0xb8;
	[tilespmem:$0x2B00] =	vst v63  }
.LBB2_3:
.Ltmp2:
0x49: {  	(pc) =	sbr.rel @!p1 .LBB2_5-.Ltmp2, $3  }
0x4a: {  	_ =	sdelay $0x1  }
0x4b: {  	_ =	swait.ge [sflag:s16], $0x80  }
0x4c: {  	s22 =	sadd.s32 $0xFFFFFFFF, s4;
	[sflag:s16] =	ssyncset.done $0x0  }
.LBB2_4:
0x4d: {  	p1 =	sne.s32 s22, $0x1;
	s22 =	sadd.s32 $0xFFFFFFFF, s22;
	[sflag:s16] =	ssyncadd.s32 $0xFFFFFF80  }
.Ltmp3:
0x4e: {  	(pc) =	sbr.rel @p1 .LBB2_4-.Ltmp3, $3  }
0x4f: {  	_ =	sdelay $0x1  }
0x50: {  	_ =	swait.ge [sflag:s16], $0x80  }
0x51: {  	[sflag:s16] =	ssyncset.done $0x0  }
.LBB2_5:
0x52: {  	s21 =	sadd.s32 $0x1, s21  }
0x53: {  	[sflag:s16] =	ssyncadd.s32 $0xFFFFFF80;
	p1 =	sne.s32 s21, s12  }
.Ltmp4:
0x54: {  	[bflag:$0x0] =	sbarrier.arrive $0xFFFF;
	(pc) =	sbr.rel @p1 .LBB2_1-.Ltmp4, $4  }
0x55: {  	[hbm:s11@s19], [sflag:s17] =	dma.strided [spmem:s18@s20], $0x50, s16, $0x10   }
0x56: {  	_ =	swait.ge [sflag:s14], $0x50  }
0x57: {  	[sflag:s14] =	ssyncset.done $0x0  }
0x58: {  	[sflag:s14] =	ssyncadd.s32 $0xFFFFFFB0  }
0x59: {  	_ =	sfence.sel $0x180000  }
0x5a: {  	[bflag:$0x0] =	sbarrier.arrive $0xFFFF  }
0x5b: {  	p0 =	sne.s32 s1, $0x0;
	_ =	strace $0x90000047  }
0x5c: {  	s0 =	sadd.s32 @!p0 $0x100000, s0;
	[bflag:$0x2] =	sbarrier.arrive $0xFFFF  }
0x5d: {  	[sflag:s0] =	ssyncadd.tile.s32 @!p0 $0x1;
	_ =	shalt  }
.Lfunc_end2:
_tile_overlayer_lowered:
.L_overlay_start_2:
0x5e: {  	(tag) =	ssettag $0x2  }
0x5f: {  	s0 =	rddreg [dreg:$0x0];
	s2 =	stileid.u32  }
0x60: {  	s1 =	rddreg [dreg:$0x1];
	p0 =	sne.s32 s2, $0x0  }
0x61: {  	s3 =	rddreg [dreg:$0x2];
	[bflag:$0x3] =	sbarrier.arrive $0xFFFF;
	s2 =	simm.s32 @!p0 $0x1C02  }
0x62: {  	[timem:s3], [sflag:s2] =	dma.local @!p0 [hbm:s0], s1  }
0x63: {  	s0 =	simm.s32 @!p0 $0x2  }
0x64: {  	_ =	swait.ge @!p0 [sflag:s0], s1  }
0x65: {  	s1 =	ssub.s32 @!p0 $0x0, s1;
	[sflag:s0] =	ssyncset.done @!p0 $0x0  }
0x66: {  	[sflag:s0] =	ssyncadd.s32 @!p0 s1  }
0x67: {  	[bflag:$0x3] =	sbarrier.arrive $0xFFFF  }
0x68: {  	_ =	shalt  }

// kernel: kernel.13.cloned.1.call-start
scs
__scs_entry_jumppad:
0x0: {  	(pc) =	sbr.rel $0x88, $3  }
0x1: {  	(tag) =	ssettag $0x0;
	lr =	simm.s32 $0x1  }
0x2: {  	[smem:$0x3F96] =	sst lr;
	_ =	strace $0xD0000000  }
0x3: {  	_ = 	snop  }
0x4: {  	_ = 	snop  }
0x5: {  	_ = 	snop  }
0x6: {  	_ = 	snop  }
0x7: {  	_ = 	snop  }
__scs_overlays_trampoline_lowered:
0x8: {  	[smem:$0x3FA5] =	sst s0  }
0x9: {  	[smem:$0x3FA6] =	sst s1  }
0xa: {  	[smem:$0x3FA7] =	sst s2  }
0xb: {  	[smem:$0x3FA8] =	sst s3  }
0xc: {  	[smem:$0x3FA9] =	sst s4  }
0xd: {  	[smem:$0x3FAA] =	sst s5  }
0xe: {  	[smem:$0x3FAB] =	sst s6  }
0xf: {  	[smem:$0x3FAC] =	sst s7  }
0x10: {  	[smem:$0x3FAD] =	sst s8  }
0x11: {  	[smem:$0x3FAE] =	sst s9;
	s0 =	simm.s32 @!p0 $0x0  }
0x12: {  	s1 =	sld [smem:$0x3F94];
	s0 =	simm.s32 @p0 $0x1  }
0x13: {  	[smem:$0x3FAF] =	sst s0;
	s0 =	simm.s32 @!p1 $0x0  }
0x14: {  	s2 =	sld [smem:$0x3F93];
	s0 =	simm.s32 @p1 $0x1  }
0x15: {  	[smem:$0x3FB0] =	sst s0;
	s0 =	simm.s32 @!p2 $0x0  }
0x16: {  	s3 =	sld [smem:$0x3FDB];
	s0 =	simm.s32 @p2 $0x1  }
0x17: {  	s4 =	simm.s32 $0x1BF5;
	[smem:$0x3FB2] =	sst s0  }
0x18: {  	s0 =	sld [smem:$0x3F95];
	_ =	swait.ge [sflag:s4], $0x0  }
0x19: {  	s7 =	sld [smem:$0x3F96]  }
0x1a: {  	s8 =	sadd.s32 $0xFFFFE003, lr  }
0x1b: {  	s9 =	sadd.s32 $0xFFFFFEF7, lr;
	s5 =	simm.s32 $0xFFFFFFFF;
	p2 =	slt.u32 s8, $0xFFFFF086  }
0x1c: {  	p1 =	slt.u32 s9, $0xF7A;
	s5 =	simm.s32 @!p2 $0x0  }
0x1d: {  	s5 =	simm.s32 @p1 $0x1;
	p0 =	seq.s32 s7, s2  }
0x1e: {  	s7 =	smul.u32 @!p0 $0xF7A, s2;
	p2 =	seq.s32 @!p0 s5, $0x0  }
0x1f: {  	s9 =	smul.u32 $0xF7A, s1;
	s8 =	simm.s32 @!p0 $0x1BF5;
	p2 =	por !p2, p0  }
0x20: {  	[sflag:s8] =	ssyncset.s32 @!p0 $0xFFFFF086;
	s6 =	sadd.s32 @!p0 s3, s7;
	s7 =	simm.s32 @!p0 $0x108  }
0x21: {  	s3 =	sadd.s32 s3, s9;
	s6 =	sadd.s32 @!p0 $0x88, s6;
	s7 =	simm.s32 @p2 $0x1082  }
0x22: {  	[simem:s7], [sflag:s8] =	dma.local @!p0 [hbm:s6], $0xF7A  }
0x23: {  	s9 =	sor.u32 $0xD0000000, s2;
	s6 =	simm.s32 $0x108;
	_ =	swait.ge @!p0 [sflag:s8], $0x0  }
0x24: {  	s3 =	sadd.s32 $0x88, s3;
	s6 =	simm.s32 @!p1 $0x1082;
	[sflag:s4] =	ssyncset.s32 $0xFFFFF086  }
0x25: {  	[simem:s6], [sflag:s4] =	dma.local [hbm:s3], $0xF7A  }
0x26: {  	[smem:$0x3F96] =	sst s1;
	(tag) =	ssettag s2;
	_ =	strace s9  }
0x27: {  	s1 =	sld [smem:$0x3FA6]  }
0x28: {  	s2 =	sld [smem:$0x3FA7]  }
0x29: {  	s4 =	sld [smem:$0x3FA9]  }
0x2a: {  	p0 =	seq.s32 s5, $0x0;
	s5 =	sld [smem:$0x3FAA]  }
0x2b: {  	s6 =	sld [smem:$0x3FAB]  }
0x2c: {  	s7 =	sld [smem:$0x3FAC]  }
0x2d: {  	s3 =	simm.s32 $0x108;
	s8 =	sld [smem:$0x3FAD]  }
0x2e: {  	s3 =	simm.s32 @!p0 $0x1082;
	s9 =	sld [smem:$0x3FAE]  }
0x2f: {  	lr =	sadd.s32 s0, s3;
	s0 =	sld [smem:$0x3FA5]  }
0x30: {  	s3 =	sld [smem:$0x3FA8]  }
0x31: {  	[smem:$0x3FB1] =	sst s10  }
0x32: {  	s10 =	sld [smem:$0x3FAF];
	_ =	sdelay $0x3  }
0x33: {  	p0 =	seq.s32 s10, $0x1;
	s10 =	sld [smem:$0x3FB1];
	_ =	sdelay $0x3  }
0x34: {  	[smem:$0x3FB1] =	sst s10  }
0x35: {  	s10 =	sld [smem:$0x3FB0];
	_ =	sdelay $0x3  }
0x36: {  	p1 =	seq.s32 s10, $0x1;
	s10 =	sld [smem:$0x3FB1];
	_ =	sdelay $0x3  }
0x37: {  	[smem:$0x3FB1] =	sst s10  }
0x38: {  	s10 =	sld [smem:$0x3FB2]  }
0x39: {  	_ = 	snop;
	(pc) =	sbr.ind lr, $3  }
0x3a: {  	_ = 	snop  }
0x3b: {  	_ = 	snop  }
0x3c: {  	p2 =	seq.s32 s10, $0x1;
	s10 =	sld [smem:$0x3FB1]  }
0x3d: {  	_ =	shalt  }
0x3e: {  	_ =	shalt  }
0x3f: {  	_ =	shalt  }
0x40: {  	_ =	shalt  }
0x41: {  	_ =	shalt  }
0x42: {  	_ =	shalt  }
0x43: {  	_ =	shalt  }
0x44: {  	_ =	shalt  }
0x45: {  	_ =	shalt  }
0x46: {  	_ =	shalt  }
0x47: {  	_ =	shalt  }
0x48: {  	_ =	shalt  }
0x49: {  	_ =	shalt  }
0x4a: {  	_ =	shalt  }
0x4b: {  	_ =	shalt  }
0x4c: {  	_ =	shalt  }
0x4d: {  	_ =	shalt  }
0x4e: {  	_ =	shalt  }
0x4f: {  	_ =	shalt  }
0x50: {  	_ =	shalt  }
0x51: {  	_ =	shalt  }
0x52: {  	_ =	shalt  }
0x53: {  	_ =	shalt  }
0x54: {  	_ =	shalt  }
0x55: {  	_ =	shalt  }
0x56: {  	_ =	shalt  }
0x57: {  	_ =	shalt  }
0x58: {  	_ =	shalt  }
0x59: {  	_ =	shalt  }
0x5a: {  	_ =	shalt  }
0x5b: {  	_ =	shalt  }
0x5c: {  	_ =	shalt  }
0x5d: {  	_ =	shalt  }
0x5e: {  	_ =	shalt  }
0x5f: {  	_ =	shalt  }
0x60: {  	_ =	shalt  }
0x61: {  	_ =	shalt  }
0x62: {  	_ =	shalt  }
0x63: {  	_ =	shalt  }
0x64: {  	_ =	shalt  }
0x65: {  	_ =	shalt  }
0x66: {  	_ =	shalt  }
0x67: {  	_ =	shalt  }
0x68: {  	_ =	shalt  }
0x69: {  	_ =	shalt  }
0x6a: {  	_ =	shalt  }
0x6b: {  	_ =	shalt  }
0x6c: {  	_ =	shalt  }
0x6d: {  	_ =	shalt  }
0x6e: {  	_ =	shalt  }
0x6f: {  	_ =	shalt  }
0x70: {  	_ =	shalt  }
0x71: {  	_ =	shalt  }
0x72: {  	_ =	shalt  }
0x73: {  	_ =	shalt  }
0x74: {  	_ =	shalt  }
0x75: {  	_ =	shalt  }
0x76: {  	_ =	shalt  }
0x77: {  	_ =	shalt  }
0x78: {  	_ =	shalt  }
0x79: {  	_ =	shalt  }
0x7a: {  	_ =	shalt  }
0x7b: {  	_ =	shalt  }
0x7c: {  	_ =	shalt  }
0x7d: {  	_ =	shalt  }
0x7e: {  	_ =	shalt  }
0x7f: {  	_ =	shalt  }
0x80: {  	_ =	shalt  }
0x81: {  	_ =	shalt  }
0x82: {  	_ =	shalt  }
0x83: {  	_ =	shalt  }
0x84: {  	_ =	shalt  }
0x85: {  	_ =	shalt  }
0x86: {  	_ =	shalt  }
0x87: {  	_ =	shalt  }
.Lfunc_end0:
.L_simem_size_0:
called_computation.1_lowered:
.L_overlay_start_0:
0x88: {  	s2 =	sld [smem:$0x3FD9]  }
0x89: {  	s3 =	sld [smem:$0x3FFE];
	_ =	sdelay $0x1  }
0x8a: {  	s1 =	srdreg.scid  }
0x8b: {  	s0 =	sand.u32 $0x1, s1  }
0x8c: {  	s16 =	sshll.u32 s0, $0xA;
	s2 =	sadd.s32 s3, s2  }
0x8d: {  	s2 =	sadd.s32 s2, s16  }
0x8e: {  	[smem:$0x3FBD] =	sst s2  }
0x8f: {  	_ = 	snop  }
0x90: {  	(tm) =	ssettm $0x1  }
0x91: {  	s17 =	sld [smem:$0x3FFB];
	_ =	sdelay $0x3  }
0x92: {  	_ =	strace s17  }
0x93: {  	s2 =	sld [smem:$0x3FFC];
	_ =	sdelay $0x3  }
0x94: {  	_ =	strace s2  }
0x95: {  	s2 =	sld [smem:$0x3FFD];
	_ =	sdelay $0x3  }
0x96: {  	_ =	strace s2  }
0x97: {  	_ =	strace $0x8FFFFFFF  }
0x98: {  	s18 =	sld [smem:$0x3FDB];
	_ =	sdelay $0x1  }
0x99: {  	s19 =	simm.s32 $_scs_section_size  }
0x9a: {  	s4 =	simm.s32 $_size__tile_overlayer_lowered;
	s5 =	simm.s32 $_tile_overlayer_lowered  }
0x9b: {  	s22 =	simm.s32 $0x1BFF;
	s21 =	sshll.u32 s5, $0x1;
	s2 =	sadd.s32 s19, s18  }
0x9c: {  	s6 =	simm.s32 $0x0;
	s20 =	sshll.u32 s4, $0x1;
	s4 =	sadd.s32 s21, s2  }
0x9d: {  	[timem:s6], [sflag:s22] =	dma.local [hbm:s4], s20  }
0x9e: {  	_ =	swait.ge [sflag:s22], s20  }
0x9f: {  	s3 =	ssub.s32 $0x0, s20;
	[sflag:s22] =	ssyncset.done $0x0  }
0xa0: {  	[sflag:s22] =	ssyncadd.s32 s3;
	_ =	sdelay $0x1  }
0xa1: {  	s23 =	simm.s32 $0x1B8B  }
0xa2: {  	_ =	swait.ge [sflag:s23], $0x1  }
0xa3: {  	[sflag:s23] =	ssyncset.done $0x0  }
0xa4: {  	s25 =	simm.s32 $0x1B8E;
	s24 =	sld [smem:$0x3FFE];
	[sflag:s23] =	ssyncadd.s32 $0xFFFFFFFF  }
0xa5: {  	s26 =	simm.s32 $execute0_lowered;
	[smem:$0x3FD2] =	sst s25  }
0xa6: {  	s4 =	sshll.u32 s26, $0x1;
	_ =	strace $0x80000049;
	[dreg:$0x1] =	wrdreg $0xFFFFFFFF  }
0xa7: {  	s28 =	simm.s32 $_size_execute0_lowered;
	s2 =	sadd.s32 s2, s4;
	[dreg:$0x0] =	wrdreg $0x0  }
0xa8: {  	s4 =	sshll.u32 s28, $0x1;
	[dreg:$0x2] =	wrdreg s2  }
0xa9: {  	[dreg:$0x3] =	wrdreg s4  }
0xaa: {  	[dreg:$0x4] =	wrdreg $0xC0  }
0xab: {  	_ =	task [dreg:s6], $0x5FFFF  }
0xac: {  	[dreg:$0x1] =	wrdreg $0xFFFFFFFF  }
0xad: {  	[dreg:$0x0] =	wrdreg $0x60  }
0xae: {  	[dreg:$0x2] =	wrdreg s24  }
0xaf: {  	[dreg:$0x3] =	wrdreg $0xA8000  }
0xb0: {  	[dreg:$0x4] =	wrdreg $0x9  }
0xb1: {  	_ =	task.clear_ibuf [dreg:s6], $0x5FFFF;
	_ =	strace $0x90000049  }
0xb2: {  	s29 =	simm.s32 $0x9;
	_ =	strace $0x8000004B  }
0xb3: {  	_ =	swait.ge [sflag:s29], $0x1  }
0xb4: {  	[sflag:s29] =	ssyncadd.s32 $0xFFFFFFFF  }
0xb5: {  	_ =	strace $0x9000004B  }
0xb6: {  	_ =	sfence  }
0xb7: {  	s30 =	sld [smem:$0x0];
	_ =	sdelay $0x2  }
0xb8: {  	s31 =	sshll.u32 s1, $0xD;
	s1 =	sshrl.u32 s1, $0x2  }
0xb9: {  	s3 =	sand.u32 $0x4000, s31;
	s1 =	sadd.s32 s1, s30  }
0xba: {  	s0 =	sor.u32 s3, s0;
	s1 =	sshll.u32 s1, $0x11  }
0xbb: {  	s0 =	sor.u32 s1, s0  }
0xbc: {  	s0 =	sadd.s32 $0x8F2B, s0  }
0xbd: {  	[sflag:s0] =	ssyncadd.remote.s32 $0x1  }
0xbe: {  	_ =	sfence.sel $0xFFFF  }
0xbf: {  	[dreg:$0x0] =	wrdreg $0xFFFFFFFF;
	(pc) =	sbr.abs _section_cstart, $3  }
0xc0: {  	[dreg:$0x1] =	wrdreg $0xFFFFFFFF  }
0xc1: {  	_ =	task.clear_ibuf [dreg:s6], $0x2FFFF;
	_ =	strace $0x9FFFFFFF  }
0xc2: {  	(tm) =	ssettm $0x7FFFFFFF  }
0xc3: {  	_ =	shalt  }
tec
execute0_lowered:
.L_overlay_start_1:
0x0: {  	(tag) =	ssettag $0x1  }
0x1: {  	s0 =	rddreg [dreg:$0x0]  }
0x2: {  	s2 =	rddreg [dreg:$0x1];
	s3 =	simm.s32 $0x0  }
0x3: {  	s1 =	srdreg.scid;
	s11 =	stileid.u32;
	s28 =	simm.s32 $0x8800  }
0x4: {  	s29 =	simm.s32 $0x1;
	s30 =	simm.s32 $0x2;
	s31 =	simm.s32 $0x3  }
0x5: {  	[smem:$0x7FF] =	sst s3;
	s1 =	sand.u32 $0x1, s1;
	s10 =	smul.u32 $0x50000, s11  }
0x6: {  	s4 =	sshll.u32 s11, $0x1;
	s14 =	sadd.s32 $0x67800, s0;
	s23 =	smul.u32 $0x14000, s11  }
0x7: {  	s5 =	sor.u32 s1, s4;
	s6 =	ssub.s32 $0x2, s1;
	s1 =	smul.u32 $0x138800, s1  }
0x8: {  	_ =	strace $0x8000004A;
	s4 =	sadd.s32 $0x19400, s0;
	s7 =	smul.u32 $0x500, s5  }
0x9: {  	s8 =	sshrl.u32 s6, $0x1;
	s9 =	smax.u32 s5, $0x19;
	p0 =	sgt.u32 s5, $0x18  }
0xa: {  	s20 =	sshrl.u32 s10, $0x2;
	p1 =	seq.s32 s5, $0x1F;
	s6 =	ssub.s32 s6, s8  }
0xb: {  	s19 =	sshll.u32 s9, $0x7;
	s5 =	sadd.s32 s20, s2;
	s9 =	simm.s32 $0x1C  }
0xc: {  	s20 =	simm.s32 $0x40;
	s7 =	ssub.s32 s7, s19;
	s21 =	sadd.s32 $0x4000, s5  }
0xd: {  	s22 =	sadd.s32 $0x8000, s5;
	s8 =	sadd.s32 $0xC000, s5;
	[dreg:$0x4] =	wrdreg s21  }
0xe: {  	s24 =	sadd.s32 $0x10000, s5;
	s9 =	simm.s32 @!p1 $0x20;
	[dreg:$0x5] =	wrdreg s22  }
0xf: {  	s16 =	smax.u32 s6, $0x1;
	s19 =	simm.s32 $0x5;
	[dreg:$0x6] =	wrdreg s8  }
0x10: {  	p1 =	seq.s32 s11, $0xF;
	s0 =	sadd.s32 s0, s7;
	[dreg:$0x7] =	wrdreg s24  }
0x11: {  	s9 =	simm.s32 @!p0 $0x28;
	s21 =	simm.s32 $0x2800;
	s22 =	simm.s32 $0x4800  }
0x12: {  	s24 =	simm.s32 $0x80;
	s7 =	sadd.s32 $0x6680, s0;
	s12 =	sadd.s32 $0x6900, s0  }
0x13: {  	s26 =	sshrl.u32 s9, $0x1;
	s0 =	sadd.s32 $0x12C000, s2;
	[dreg:$0x3] =	wrdreg s7  }
0x14: {  	s7 =	sadd.s32 s23, s1;
	s1 =	sshrl.u32 s1, $0x3;
	[dreg:$0x8] =	wrdreg s26  }
0x15: {  	s23 =	simm.s32 $0x6800;
	s25 =	sshrl.u32 s7, $0x3;
	s1 =	sadd.s32 s14, s1  }
0x16: {  	s26 =	simm.s32 $0xC0;
	s14 =	sadd.s32 s14, s25;
	s15 =	sadd.s32 $0x25800, s1  }
0x17: {  	v0 =	vimm.f32 $0.0e+00;
	s25 =	sshrl.u32 @p1 s0, $0x3;
	s0 =	simm.s32 $0x4;
	s1 =	simm.s32 $0x0  }
.LBB2_1:
0x18: {  	s6 =	sand.u32 $0xFE00, s3  }
0x19: {  	s7 =	sand.u32 $0x70, s3;
	s8 =	sshrl.u32 s6, $0x2  }
0x1a: {  	s6 =	simm.s32 $0x40;
	s8 =	sor.u32 s7, s8;
	s7 =	simm.s32 $0x0  }
.LBB2_2:
0x1b: {  	p2 =	sne.s32 s6, $0xFFC0  }
0x1c: {  	[tilespmem:s8+$0x6800] =	vst v0;
	s7 =	sadd.s32 $0x10, s7;
	s8 =	smov.u32 s6;
	s6 =	sadd.s32 $0x40, s6  }
.Ltmp0:
0x1d: {  	(pc) =	sbr.rel @p2 .LBB2_2-.Ltmp0, $4  }
0x1e: {  	_ = 	snop  }
0x1f: {  	s8 =	sand.u32 $0xFE00, s8  }
0x20: {  	s17 =	sand.u32 $0x70, s7;
	s8 =	sshrl.u32 s8, $0x2  }
0x21: {  	s8 =	sor.u32 s17, s8  }
0x22: {  	s6 =	simm.s32 $0x0  }
0x23: {  	[tilespmem:s8+$0x6800] =	vst v0;
	s7 =	rddreg [dreg:$0x3];
	s13 =	simm.s32 $0x1400;
	s10 =	simm.s32 $0x4E400  }
0x24: {  	[tilespmem:s6], [sflag:$0x5] =	stream.strided.gather [hbm4b:s7+s13], $0x2800, s10, s13, $0x38;
	[tilespmem:$0x1E800] =	vst v63  }
0x25: {  	_ =	swait.ge [sflag:s19], $0x2800  }
0x26: {  	[sflag:s19] =	ssyncset.done $0x0  }
0x27: {  	[sflag:s19] =	ssyncadd.s32 $0xFFFFD800  }
0x28: {  	[tilespmem:s21], [sflag:$0x1] =	stream.indirect.gather [hbm4b:s4+s20], $0x80, s6, s20, $0xb8;
	[tilespmem:$0x1E800] =	vst v63  }
0x29: {  	_ = 	snop  }
0x2a: {  	[tilespmem:s22], [sflag:$0x2] =	stream.indirect.gather [hbm4b:s4+s20], $0x80, s20, s20, $0xb8;
	[tilespmem:$0x1E800] =	vst v63  }
0x2b: {  	_ = 	snop  }
0x2c: {  	[spmem:s5] =	stream.linear.scatter [tilespmem:s23], [sflag:$0x5], $0x4000, $0x38;
	[tilespmem:$0x1E800] =	vst v63  }
0x2d: {  	_ =	swait.ge [sflag:s19], $0x4000  }
0x2e: {  	[sflag:s19] =	ssyncset.done $0x0  }
0x2f: {  	s17 =	rddreg [dreg:$0x4];
	[sflag:s19] =	ssyncadd.s32 $0xFFFFC000  }
0x30: {  	[spmem:s17] =	stream.linear.scatter [tilespmem:s23], [sflag:$0x5], $0x4000, $0x38;
	[tilespmem:$0x1E800] =	vst v63  }
0x31: {  	_ =	swait.ge [sflag:s19], $0x4000  }
0x32: {  	[sflag:s19] =	ssyncset.done $0x0  }
0x33: {  	s18 =	rddreg [dreg:$0x5];
	[sflag:s19] =	ssyncadd.s32 $0xFFFFC000  }
0x34: {  	[spmem:s18] =	stream.linear.scatter [tilespmem:s23], [sflag:$0x5], $0x4000, $0x38;
	[tilespmem:$0x1E800] =	vst v63  }
0x35: {  	_ =	swait.ge [sflag:s19], $0x4000  }
0x36: {  	[sflag:s19] =	ssyncset.done $0x0  }
0x37: {  	s7 =	rddreg [dreg:$0x6];
	[sflag:s19] =	ssyncadd.s32 $0xFFFFC000  }
0x38: {  	[spmem:s7] =	stream.linear.scatter [tilespmem:s23], [sflag:$0x5], $0x4000, $0x38;
	[tilespmem:$0x1E800] =	vst v63  }
0x39: {  	_ =	swait.ge [sflag:s19], $0x4000  }
0x3a: {  	[sflag:s19] =	ssyncset.done $0x0  }
0x3b: {  	s8 =	rddreg [dreg:$0x7];
	[sflag:s19] =	ssyncadd.s32 $0xFFFFC000  }
0x3c: {  	[spmem:s8] =	stream.linear.scatter [tilespmem:s23], [sflag:$0x5], $0x4000, $0x38;
	[tilespmem:$0x1E800] =	vst v63  }
0x3d: {  	_ =	swait.ge [sflag:s19], $0x4000  }
0x3e: {  	[sflag:s19] =	ssyncset.done $0x0  }
0x3f: {  	[sflag:s19] =	ssyncadd.s32 $0xFFFFC000  }
0x40: {  	[bflag:$0x0] =	sbarrier.arrive $0xFFFF  }
0x41: {  	[tilespmem:s23], [sflag:$0x3] =	stream.indirect.gather [hbm4b:s4+s20], $0x80, s24, s20, $0xb8;
	[tilespmem:$0x1E800] =	vst v63  }
0x42: {  	_ = 	snop  }
0x43: {  	[tilespmem:s28], [sflag:$0x4] =	stream.indirect.gather [hbm4b:s4+s20], $0x80, s26, s20, $0xb8;
	[tilespmem:$0x1E800] =	vst v63  }
0x44: {  	_ =	swait.ge [sflag:s29], $0x2000  }
0x45: {  	[sflag:s29] =	ssyncset.done $0x0  }
0x46: {  	[sflag:s29] =	ssyncadd.s32 $0xFFFFE000  }
0x47: {  	_ =	swait.ge [sflag:s30], $0x2000  }
0x48: {  	[sflag:s30] =	ssyncset.done $0x0  }
0x49: {  	s10 =	simm.s32 $0x1400;
	[sflag:s30] =	ssyncadd.s32 $0xFFFFE000  }
0x4a: {  	[spmem:s2] =	stream.indirect.scatter.add.f32 [tilespmem:s21], [sflag:$0x5], $0x80, s10, s24, $0xb8;
	[tilespmem:$0x1E800] =	vst v63  }
0x4b: {  	_ =	swait.ge [sflag:s19], $0x4000  }
0x4c: {  	[sflag:s19] =	ssyncset.done $0x0  }
0x4d: {  	s11 =	simm.s32 $0x100;
	[sflag:s19] =	ssyncadd.s32 $0xFFFFC000  }
0x4e: {  	[tilespmem:s21], [sflag:$0x1] =	stream.indirect.gather [hbm4b:s4+s20], $0x80, s11, s20, $0xb8;
	[tilespmem:$0x1E800] =	vst v63  }
0x4f: {  	s13 =	simm.s32 $0x140  }
0x50: {  	[tilespmem:s22], [sflag:$0x2] =	stream.indirect.gather [hbm4b:s4+s20], $0x80, s13, s20, $0xb8;
	[tilespmem:$0x1E800] =	vst v63  }
0x51: {  	_ =	swait.ge [sflag:s31], $0x2000  }
0x52: {  	[sflag:s31] =	ssyncset.done $0x0  }
0x53: {  	[sflag:s31] =	ssyncadd.s32 $0xFFFFE000  }
0x54: {  	_ =	swait.ge [sflag:s0], $0x2000  }
0x55: {  	[sflag:s0] =	ssyncset.done $0x0  }
0x56: {  	s17 =	simm.s32 $0x1480;
	[sflag:s0] =	ssyncadd.s32 $0xFFFFE000  }
0x57: {  	[spmem:s2] =	stream.indirect.scatter.add.f32 [tilespmem:s23], [sflag:$0x5], $0x80, s17, s24, $0xb8;
	[tilespmem:$0x1E800] =	vst v63  }
0x58: {  	_ =	swait.ge [sflag:s19], $0x4000  }
0x59: {  	s6 =	simm.s32 $0x400;
	[sflag:s19] =	ssyncset.done $0x0  }
0x5a: {  	s18 =	simm.s32 $0x180;
	s7 =	simm.s32 $0x1C0;
	[sflag:s19] =	ssyncadd.s32 $0xFFFFC000  }
0x5b: {  	[tilespmem:s23], [sflag:$0x3] =	stream.indirect.gather [hbm4b:s4+s20], $0x80, s18, s20, $0xb8;
	[tilespmem:$0x1E800] =	vst v63  }
.LBB2_4:
0x5c: {  	[tilespmem:s28], [sflag:$0x4] =	stream.indirect.gather [hbm4b:s4+s20], $0x80, s7, s20, $0xb8;
	[tilespmem:$0x1E800] =	vst v63  }
0x5d: {  	s7 =	smov.u32 s6  }
0x5e: {  	p2 =	sne.s32 s6, $0x4800;
	s6 =	sadd.s32 $0x400, s6;
	_ =	swait.ge [sflag:s29], $0x2000  }
0x5f: {  	[sflag:s29] =	ssyncset.done $0x0  }
0x60: {  	[sflag:s29] =	ssyncadd.s32 $0xFFFFE000  }
0x61: {  	_ =	swait.ge [sflag:s30], $0x2000  }
0x62: {  	s7 =	sshra.s32 s7, $0x2;
	[sflag:s30] =	ssyncset.done $0x0  }
0x63: {  	s8 =	sadd.s32 $0x1400, s7;
	[sflag:s30] =	ssyncadd.s32 $0xFFFFE000  }
0x64: {  	[spmem:s2] =	stream.indirect.scatter.add.f32 [tilespmem:s21], [sflag:$0x5], $0x80, s8, s24, $0xb8;
	[tilespmem:$0x1E800] =	vst v63  }
0x65: {  	_ =	swait.ge [sflag:s19], $0x4000  }
0x66: {  	[sflag:s19] =	ssyncset.done $0x0  }
0x67: {  	s8 =	sadd.s32 $0x100, s7;
	[sflag:s19] =	ssyncadd.s32 $0xFFFFC000  }
0x68: {  	[tilespmem:s21], [sflag:$0x1] =	stream.indirect.gather [hbm4b:s4+s20], $0x80, s8, s20, $0xb8;
	[tilespmem:$0x1E800] =	vst v63  }
0x69: {  	s8 =	sadd.s32 $0x140, s7  }
0x6a: {  	[tilespmem:s22], [sflag:$0x2] =	stream.indirect.gather [hbm4b:s4+s20], $0x80, s8, s20, $0xb8;
	[tilespmem:$0x1E800] =	vst v63  }
0x6b: {  	_ =	swait.ge [sflag:s31], $0x2000  }
0x6c: {  	[sflag:s31] =	ssyncset.done $0x0  }
0x6d: {  	[sflag:s31] =	ssyncadd.s32 $0xFFFFE000  }
0x6e: {  	_ =	swait.ge [sflag:s0], $0x2000  }
0x6f: {  	[sflag:s0] =	ssyncset.done $0x0  }
0x70: {  	s8 =	sadd.s32 $0x1480, s7;
	[sflag:s0] =	ssyncadd.s32 $0xFFFFE000  }
0x71: {  	[spmem:s2] =	stream.indirect.scatter.add.f32 [tilespmem:s23], [sflag:$0x5], $0x80, s8, s24, $0xb8;
	[tilespmem:$0x1E800] =	vst v63  }
.Ltmp1:
0x72: {  	_ =	swait.ge [sflag:s19], $0x4000;
	(pc) =	sbr.rel @p2 .LBB2_4-.Ltmp1, $4  }
0x73: {  	[sflag:s19] =	ssyncset.done $0x0  }
0x74: {  	s8 =	sadd.s32 $0x180, s7;
	[sflag:s19] =	ssyncadd.s32 $0xFFFFC000  }
0x75: {  	[tilespmem:s23], [sflag:$0x3] =	stream.indirect.gather [hbm4b:s4+s20], $0x80, s8, s20, $0xb8;
	[tilespmem:$0x1E800] =	vst v63  }
0x76: {  	s7 =	sadd.s32 $0x1C0, s7  }
0x77: {  	[tilespmem:s28], [sflag:$0x4] =	stream.indirect.gather [hbm4b:s4+s20], $0x80, s7, s20, $0xb8;
	[tilespmem:$0x1E800] =	vst v63  }
0x78: {  	_ =	swait.ge [sflag:s29], $0x2000  }
0x79: {  	[sflag:s29] =	ssyncset.done $0x0  }
0x7a: {  	[sflag:s29] =	ssyncadd.s32 $0xFFFFE000  }
0x7b: {  	_ =	swait.ge [sflag:s30], $0x2000  }
0x7c: {  	[sflag:s30] =	ssyncset.done $0x0  }
0x7d: {  	s6 =	simm.s32 $0x2700;
	[sflag:s30] =	ssyncadd.s32 $0xFFFFE000  }
0x7e: {  	[spmem:s2] =	stream.indirect.scatter.add.f32 [tilespmem:s21], [sflag:$0x5], $0x80, s6, s24, $0xb8;
	[tilespmem:$0x1E800] =	vst v63  }
0x7f: {  	_ =	swait.ge [sflag:s19], $0x4000  }
0x80: {  	[sflag:s19] =	ssyncset.done $0x0  }
0x81: {  	[sflag:s19] =	ssyncadd.s32 $0xFFFFC000  }
0x82: {  	_ =	swait.ge [sflag:s31], $0x2000  }
0x83: {  	[sflag:s31] =	ssyncset.done $0x0  }
0x84: {  	[sflag:s31] =	ssyncadd.s32 $0xFFFFE000  }
0x85: {  	_ =	swait.ge [sflag:s0], $0x2000  }
0x86: {  	[sflag:s0] =	ssyncset.done $0x0  }
0x87: {  	s13 =	simm.s32 $0x2780;
	[sflag:s0] =	ssyncadd.s32 $0xFFFFE000  }
0x88: {  	[spmem:s2] =	stream.indirect.scatter.add.f32 [tilespmem:s23], [sflag:$0x5], $0x80, s13, s24, $0xb8;
	[tilespmem:$0x1E800] =	vst v63  }
0x89: {  	_ =	swait.ge [sflag:s19], $0x4000  }
0x8a: {  	[sflag:s19] =	ssyncset.done $0x0  }
0x8b: {  	s6 =	simm.s32 @p0 $0x0;
	[sflag:s19] =	ssyncadd.s32 $0xFFFFC000  }
0x8c: {  	[tilespmem:s6], [sflag:$0x5] =	stream.linear.gather @p0 [hbm4b:s12+s6], $0x1000, $0x38;
	[tilespmem:$0x1E800] =	vst v63  }
0x8d: {  	s7 =	sadd.s32 @p0 $0x9C80, s12;
	s8 =	simm.s32 @p0 $0x1400  }
0x8e: {  	[tilespmem:s8], [sflag:$0x5] =	stream.linear.gather @p0 [hbm4b:s7+s6], $0x1000, $0x38;
	[tilespmem:$0x1E800] =	vst v63  }
0x8f: {  	s6 =	simm.s32 @p0 $0x5  }
0x90: {  	_ =	swait.ge @p0 [sflag:s6], $0x2000  }
0x91: {  	s7 =	simm.s32 @!p0 $0x4E400;
	[sflag:s6] =	ssyncset.done @p0 $0x0  }
0x92: {  	s8 =	simm.s32 @!p0 $0x0;
	[sflag:s6] =	ssyncadd.s32 @p0 $0xFFFFE000;
	s6 =	simm.s32 @!p0 $0x1400  }
0x93: {  	[tilespmem:s8], [sflag:$0x5] =	stream.strided.gather @!p0 [hbm4b:s12+s6], $0x2800, s7, s6, $0x38;
	[tilespmem:$0x1E800] =	vst v63  }
0x94: {  	s6 =	simm.s32 @!p0 $0x5  }
0x95: {  	_ =	swait.ge @!p0 [sflag:s6], $0x2800  }
0x96: {  	[sflag:s6] =	ssyncset.done @!p0 $0x0  }
0x97: {  	[sflag:s6] =	ssyncadd.s32 @!p0 $0xFFFFD800  }
0x98: {  	[tilespmem:s21], [sflag:$0x1] =	stream.indirect.gather [hbm4b:s4+s20], $0x80, s3, s20, $0xb8;
	[tilespmem:$0x1E800] =	vst v63  }
0x99: {  	_ = 	snop  }
0x9a: {  	[tilespmem:s22], [sflag:$0x2] =	stream.indirect.gather [hbm4b:s4+s20], $0x80, s20, s20, $0xb8;
	[tilespmem:$0x1E800] =	vst v63  }
0x9b: {  	_ = 	snop  }
0x9c: {  	[tilespmem:s23], [sflag:$0x3] =	stream.indirect.gather [hbm4b:s4+s20], $0x80, s24, s20, $0xb8;
	[tilespmem:$0x1E800] =	vst v63  }
0x9d: {  	_ = 	snop  }
0x9e: {  	[tilespmem:s28], [sflag:$0x4] =	stream.indirect.gather [hbm4b:s4+s20], $0x80, s26, s20, $0xb8;
	[tilespmem:$0x1E800] =	vst v63  }
0x9f: {  	_ =	swait.ge [sflag:s29], $0x2000  }
0xa0: {  	[sflag:s29] =	ssyncset.done $0x0  }
0xa1: {  	[sflag:s29] =	ssyncadd.s32 $0xFFFFE000  }
0xa2: {  	_ =	swait.ge [sflag:s30], $0x2000  }
0xa3: {  	[sflag:s30] =	ssyncset.done $0x0  }
0xa4: {  	s17 =	simm.s32 $0x1400;
	[sflag:s30] =	ssyncadd.s32 $0xFFFFE000  }
0xa5: {  	[spmem:s2] =	stream.indirect.scatter.add.f32 [tilespmem:s21], [sflag:$0x5], $0x80, s17, s24, $0xb8;
	[tilespmem:$0x1E800] =	vst v63  }
0xa6: {  	p2 =	sle.u32 s9, $0x2;
	_ =	swait.ge [sflag:s19], $0x4000  }
0xa7: {  	s7 =	simm.s32 @!p2 $0x40;
	[sflag:s19] =	ssyncset.done $0x0  }
0xa8: {  	s8 =	simm.s32 @!p2 $0x2800;
	s6 =	simm.s32 @!p2 $0x100;
	[sflag:s19] =	ssyncadd.s32 $0xFFFFC000  }
0xa9: {  	[tilespmem:s8], [sflag:$0x1] =	stream.indirect.gather @!p2 [hbm4b:s4+s7], $0x80, s6, s7, $0xb8;
	[tilespmem:$0x1E800] =	vst v63  }
0xaa: {  	s6 =	simm.s32 @!p2 $0x140;
	s8 =	simm.s32 @!p2 $0x4800  }
0xab: {  	[tilespmem:s8], [sflag:$0x2] =	stream.indirect.gather @!p2 [hbm4b:s4+s7], $0x80, s6, s7, $0xb8;
	[tilespmem:$0x1E800] =	vst v63  }
0xac: {  	_ =	swait.ge [sflag:s31], $0x2000  }
0xad: {  	[sflag:s31] =	ssyncset.done $0x0  }
0xae: {  	[sflag:s31] =	ssyncadd.s32 $0xFFFFE000  }
0xaf: {  	_ =	swait.ge [sflag:s0], $0x2000  }
0xb0: {  	[sflag:s0] =	ssyncset.done $0x0  }
0xb1: {  	s17 =	simm.s32 $0x1480;
	[sflag:s0] =	ssyncadd.s32 $0xFFFFE000  }
0xb2: {  	[spmem:s2] =	stream.indirect.scatter.add.f32 [tilespmem:s23], [sflag:$0x5], $0x80, s17, s24, $0xb8;
	[tilespmem:$0x1E800] =	vst v63  }
0xb3: {  	_ =	swait.ge [sflag:s19], $0x4000  }
0xb4: {  	s18 =	rddreg [dreg:$0x8]  }
0xb5: {  	s18 =	sadd.s32 $0xFFFFFFFF, s18  }
0xb6: {  	p2 =	sne.s32 s18, $0x0  }
.Ltmp2:
0xb7: {  	p3 =	sle.u32 s9, $0x3;
	(pc) =	sbr.rel @!p2 .LBB2_7-.Ltmp2, $4  }
0xb8: {  	s6 =	simm.s32 @!p3 $0x180;
	[sflag:s19] =	ssyncset.done $0x0  }
0xb9: {  	s7 =	simm.s32 @!p3 $0x40;
	s8 =	simm.s32 @!p3 $0x6800;
	[sflag:s19] =	ssyncadd.s32 $0xFFFFC000  }
0xba: {  	[tilespmem:s8], [sflag:$0x3] =	stream.indirect.gather @!p3 [hbm4b:s4+s7], $0x80, s6, s7, $0xb8;
	[tilespmem:$0x1E800] =	vst v63  }
0xbb: {  	s6 =	simm.s32 $0x4;
	s8 =	simm.s32 @!p3 $0x8800  }
.LBB2_6:
0xbc: {  	s18 =	sadd.s32 $0xFFFFFFFF, s18;
	s10 =	sadd.s32 @!p3 $0xFFFFED40, s17;
	s17 =	sadd.s32 $0x100, s17  }
0xbd: {  	[tilespmem:s8], [sflag:$0x4] =	stream.indirect.gather @!p3 [hbm4b:s4+s7], $0x80, s10, s7, $0xb8;
	[tilespmem:$0x1E800] =	vst v63  }
0xbe: {  	p2 =	sne.s32 s18, $0x0;
	_ =	swait.ge [sflag:s29], $0x2000  }
0xbf: {  	[sflag:s29] =	ssyncset.done $0x0  }
0xc0: {  	[sflag:s29] =	ssyncadd.s32 $0xFFFFE000  }
0xc1: {  	_ =	swait.ge [sflag:s30], $0x2000  }
0xc2: {  	[sflag:s30] =	ssyncset.done $0x0  }
0xc3: {  	s7 =	sadd.s32 $0xFFFFFF80, s17;
	[sflag:s30] =	ssyncadd.s32 $0xFFFFE000  }
0xc4: {  	[spmem:s2] =	stream.indirect.scatter.add.f32 [tilespmem:s21], [sflag:$0x5], $0x80, s7, s24, $0xb8;
	[tilespmem:$0x1E800] =	vst v63  }
0xc5: {  	_ =	swait.ge [sflag:s19], $0x4000  }
0xc6: {  	p3 =	sge.u32 s6, s9;
	[sflag:s19] =	ssyncset.done $0x0  }
0xc7: {  	s8 =	simm.s32 @!p3 $0x40;
	s7 =	sadd.s32 @!p3 $0xFFFFEC80, s17;
	[sflag:s19] =	ssyncadd.s32 $0xFFFFC000  }
0xc8: {  	s10 =	simm.s32 @!p3 $0x2800;
	s11 =	sadd.s32 @!p3 $0xFFFFECC0, s17;
	s13 =	simm.s32 @!p3 $0x4800  }
0xc9: {  	[tilespmem:s10], [sflag:$0x1] =	stream.indirect.gather @!p3 [hbm4b:s4+s8], $0x80, s7, s8, $0xb8;
	[tilespmem:$0x1E800] =	vst v63  }
0xca: {  	_ = 	snop  }
0xcb: {  	[tilespmem:s13], [sflag:$0x2] =	stream.indirect.gather @!p3 [hbm4b:s4+s8], $0x80, s11, s8, $0xb8;
	[tilespmem:$0x1E800] =	vst v63  }
0xcc: {  	_ =	swait.ge [sflag:s31], $0x2000  }
0xcd: {  	[sflag:s31] =	ssyncset.done $0x0  }
0xce: {  	[sflag:s31] =	ssyncadd.s32 $0xFFFFE000  }
0xcf: {  	_ =	swait.ge [sflag:s0], $0x2000  }
0xd0: {  	[sflag:s0] =	ssyncset.done $0x0  }
0xd1: {  	s7 =	sadd.s32 $0x1, s6;
	[sflag:s0] =	ssyncadd.s32 $0xFFFFE000  }
0xd2: {  	[spmem:s2] =	stream.indirect.scatter.add.f32 [tilespmem:s23], [sflag:$0x5], $0x80, s17, s24, $0xb8;
	[tilespmem:$0x1E800] =	vst v63  }
.Ltmp3:
0xd3: {  	_ = 	snop;
	(pc) =	sbr.rel @p2 .LBB2_6-.Ltmp3, $4  }
0xd4: {  	s6 =	sadd.s32 $0x2, s6;
	p3 =	sge.u32 s7, s9;
	_ =	swait.ge [sflag:s19], $0x4000  }
0xd5: {  	s10 =	sadd.s32 @!p3 $0xFFFFED00, s17;
	s8 =	simm.s32 @!p3 $0x8800;
	[sflag:s19] =	ssyncset.done $0x0  }
0xd6: {  	s7 =	simm.s32 @!p3 $0x40;
	s11 =	simm.s32 @!p3 $0x6800;
	[sflag:s19] =	ssyncadd.s32 $0xFFFFC000  }
0xd7: {  	[tilespmem:s11], [sflag:$0x3] =	stream.indirect.gather @!p3 [hbm4b:s4+s7], $0x80, s10, s7, $0xb8;
	[tilespmem:$0x1E800] =	vst v63  }
.LBB2_7:
0xd8: {  	s6 =	sadd.s32 @!p3 $0xFFFFED40, s17  }
0xd9: {  	[tilespmem:s8], [sflag:$0x4] =	stream.indirect.gather @!p3 [hbm4b:s4+s7], $0x80, s6, s7, $0xb8;
	[tilespmem:$0x1E800] =	vst v63  }
0xda: {  	s6 =	simm.s32 @p1 $0x1FC5;
	[bflag:$0x0] =	sbarrier.arrive $0xFFFF  }
0xdb: {  	[hbm:s15], [sflag:s6] =	dma.local @p1 [spmem:s25], $0x1900  }
0xdc: {  	s6 =	simm.s32 @p1 $0x5  }
0xdd: {  	s1 =	sadd.s32 $0x1, s1;
	s7 =	stileid.u32;
	_ =	swait.ge @p1 [sflag:s6], $0x1900  }
0xde: {  	p2 =	sne.s32 s1, s16;
	s7 =	sshll.u32 @!p1 s7, $0x6;
	[sflag:s6] =	ssyncset.done @p1 $0x0  }
0xdf: {  	[sflag:s6] =	ssyncadd.s32 @p1 $0xFFFFE700;
	s6 =	sor.u32 @!p1 $0x1C05, s7;
	s7 =	sshrl.u32 @!p1 s5, $0x3  }
0xe0: {  	[hbm:s14], [sflag:s6] =	dma.local @!p1 [spmem:s7], $0x2800  }
.Ltmp4:
0xe1: {  	_ = 	snop;
	(pc) =	sbr.rel @p2 .LBB2_1-.Ltmp4, $4  }
0xe2: {  	s6 =	simm.s32 @!p1 $0x5  }
0xe3: {  	_ =	swait.ge @!p1 [sflag:s6], $0x2800  }
0xe4: {  	[sflag:s6] =	ssyncset.done @!p1 $0x0  }
0xe5: {  	[sflag:s6] =	ssyncadd.s32 @!p1 $0xFFFFD800  }
0xe6: {  	_ =	sfence.sel $0x180000  }
0xe7: {  	[bflag:$0x0] =	sbarrier.arrive $0xFFFF  }
0xe8: {  	_ =	strace $0x9000004A  }
0xe9: {  	s0 =	stileid.u32;
	[bflag:$0x2] =	sbarrier.arrive $0xFFFF  }
0xea: {  	p0 =	sne.s32 s0, $0x0;
	s0 =	rddreg [dreg:$0x2]  }
0xeb: {  	s0 =	sadd.s32 @!p0 $0x100000, s0  }
0xec: {  	[sflag:s0] =	ssyncadd.tile.s32 @!p0 $0x1;
	_ =	shalt  }
.Lfunc_end2:
_tile_overlayer_lowered:
.L_overlay_start_2:
0xed: {  	(tag) =	ssettag $0x2  }
0xee: {  	s0 =	rddreg [dreg:$0x0];
	s2 =	stileid.u32  }
0xef: {  	s1 =	rddreg [dreg:$0x1];
	p0 =	sne.s32 s2, $0x0  }
0xf0: {  	s3 =	rddreg [dreg:$0x2];
	[bflag:$0x3] =	sbarrier.arrive $0xFFFF;
	s2 =	simm.s32 @!p0 $0x1C05  }
0xf1: {  	[timem:s3], [sflag:s2] =	dma.local @!p0 [hbm:s0], s1  }
0xf2: {  	s0 =	simm.s32 @!p0 $0x5  }
0xf3: {  	_ =	swait.ge @!p0 [sflag:s0], s1  }
0xf4: {  	s1 =	ssub.s32 @!p0 $0x0, s1;
	[sflag:s0] =	ssyncset.done @!p0 $0x0  }
0xf5: {  	[sflag:s0] =	ssyncadd.s32 @!p0 s1  }
0xf6: {  	[bflag:$0x3] =	sbarrier.arrive $0xFFFF  }
0xf7: {  	_ =	shalt  }

// kernel: kernel.16.cloned.1.call-start
scs
__scs_entry_jumppad:
0x0: {  	(pc) =	sbr.rel $0x88, $3  }
0x1: {  	(tag) =	ssettag $0x0;
	lr =	simm.s32 $0x1  }
0x2: {  	[smem:$0x3F96] =	sst lr;
	_ =	strace $0xD0000000  }
0x3: {  	_ = 	snop  }
0x4: {  	_ = 	snop  }
0x5: {  	_ = 	snop  }
0x6: {  	_ = 	snop  }
0x7: {  	_ = 	snop  }
__scs_overlays_trampoline_lowered:
0x8: {  	[smem:$0x3FA5] =	sst s0  }
0x9: {  	[smem:$0x3FA6] =	sst s1  }
0xa: {  	[smem:$0x3FA7] =	sst s2  }
0xb: {  	[smem:$0x3FA8] =	sst s3  }
0xc: {  	[smem:$0x3FA9] =	sst s4  }
0xd: {  	[smem:$0x3FAA] =	sst s5  }
0xe: {  	[smem:$0x3FAB] =	sst s6  }
0xf: {  	[smem:$0x3FAC] =	sst s7  }
0x10: {  	[smem:$0x3FAD] =	sst s8  }
0x11: {  	[smem:$0x3FAE] =	sst s9;
	s0 =	simm.s32 @!p0 $0x0  }
0x12: {  	s1 =	sld [smem:$0x3F94];
	s0 =	simm.s32 @p0 $0x1  }
0x13: {  	[smem:$0x3FAF] =	sst s0;
	s0 =	simm.s32 @!p1 $0x0  }
0x14: {  	s2 =	sld [smem:$0x3F93];
	s0 =	simm.s32 @p1 $0x1  }
0x15: {  	[smem:$0x3FB0] =	sst s0;
	s0 =	simm.s32 @!p2 $0x0  }
0x16: {  	s3 =	sld [smem:$0x3FDB];
	s0 =	simm.s32 @p2 $0x1  }
0x17: {  	s4 =	simm.s32 $0x1BF5;
	[smem:$0x3FB2] =	sst s0  }
0x18: {  	s0 =	sld [smem:$0x3F95];
	_ =	swait.ge [sflag:s4], $0x0  }
0x19: {  	s7 =	sld [smem:$0x3F96]  }
0x1a: {  	s8 =	sadd.s32 $0xFFFFE003, lr  }
0x1b: {  	s9 =	sadd.s32 $0xFFFFFEF7, lr;
	s5 =	simm.s32 $0xFFFFFFFF;
	p2 =	slt.u32 s8, $0xFFFFF086  }
0x1c: {  	p1 =	slt.u32 s9, $0xF7A;
	s5 =	simm.s32 @!p2 $0x0  }
0x1d: {  	s5 =	simm.s32 @p1 $0x1;
	p0 =	seq.s32 s7, s2  }
0x1e: {  	s7 =	smul.u32 @!p0 $0xF7A, s2;
	p2 =	seq.s32 @!p0 s5, $0x0  }
0x1f: {  	s9 =	smul.u32 $0xF7A, s1;
	s8 =	simm.s32 @!p0 $0x1BF5;
	p2 =	por !p2, p0  }
0x20: {  	[sflag:s8] =	ssyncset.s32 @!p0 $0xFFFFF086;
	s6 =	sadd.s32 @!p0 s3, s7;
	s7 =	simm.s32 @!p0 $0x108  }
0x21: {  	s3 =	sadd.s32 s3, s9;
	s6 =	sadd.s32 @!p0 $0x88, s6;
	s7 =	simm.s32 @p2 $0x1082  }
0x22: {  	[simem:s7], [sflag:s8] =	dma.local @!p0 [hbm:s6], $0xF7A  }
0x23: {  	s9 =	sor.u32 $0xD0000000, s2;
	s6 =	simm.s32 $0x108;
	_ =	swait.ge @!p0 [sflag:s8], $0x0  }
0x24: {  	s3 =	sadd.s32 $0x88, s3;
	s6 =	simm.s32 @!p1 $0x1082;
	[sflag:s4] =	ssyncset.s32 $0xFFFFF086  }
0x25: {  	[simem:s6], [sflag:s4] =	dma.local [hbm:s3], $0xF7A  }
0x26: {  	[smem:$0x3F96] =	sst s1;
	(tag) =	ssettag s2;
	_ =	strace s9  }
0x27: {  	s1 =	sld [smem:$0x3FA6]  }
0x28: {  	s2 =	sld [smem:$0x3FA7]  }
0x29: {  	s4 =	sld [smem:$0x3FA9]  }
0x2a: {  	p0 =	seq.s32 s5, $0x0;
	s5 =	sld [smem:$0x3FAA]  }
0x2b: {  	s6 =	sld [smem:$0x3FAB]  }
0x2c: {  	s7 =	sld [smem:$0x3FAC]  }
0x2d: {  	s3 =	simm.s32 $0x108;
	s8 =	sld [smem:$0x3FAD]  }
0x2e: {  	s3 =	simm.s32 @!p0 $0x1082;
	s9 =	sld [smem:$0x3FAE]  }
0x2f: {  	lr =	sadd.s32 s0, s3;
	s0 =	sld [smem:$0x3FA5]  }
0x30: {  	s3 =	sld [smem:$0x3FA8]  }
0x31: {  	[smem:$0x3FB1] =	sst s10  }
0x32: {  	s10 =	sld [smem:$0x3FAF];
	_ =	sdelay $0x3  }
0x33: {  	p0 =	seq.s32 s10, $0x1;
	s10 =	sld [smem:$0x3FB1];
	_ =	sdelay $0x3  }
0x34: {  	[smem:$0x3FB1] =	sst s10  }
0x35: {  	s10 =	sld [smem:$0x3FB0];
	_ =	sdelay $0x3  }
0x36: {  	p1 =	seq.s32 s10, $0x1;
	s10 =	sld [smem:$0x3FB1];
	_ =	sdelay $0x3  }
0x37: {  	[smem:$0x3FB1] =	sst s10  }
0x38: {  	s10 =	sld [smem:$0x3FB2]  }
0x39: {  	_ = 	snop;
	(pc) =	sbr.ind lr, $3  }
0x3a: {  	_ = 	snop  }
0x3b: {  	_ = 	snop  }
0x3c: {  	p2 =	seq.s32 s10, $0x1;
	s10 =	sld [smem:$0x3FB1]  }
0x3d: {  	_ =	shalt  }
0x3e: {  	_ =	shalt  }
0x3f: {  	_ =	shalt  }
0x40: {  	_ =	shalt  }
0x41: {  	_ =	shalt  }
0x42: {  	_ =	shalt  }
0x43: {  	_ =	shalt  }
0x44: {  	_ =	shalt  }
0x45: {  	_ =	shalt  }
0x46: {  	_ =	shalt  }
0x47: {  	_ =	shalt  }
0x48: {  	_ =	shalt  }
0x49: {  	_ =	shalt  }
0x4a: {  	_ =	shalt  }
0x4b: {  	_ =	shalt  }
0x4c: {  	_ =	shalt  }
0x4d: {  	_ =	shalt  }
0x4e: {  	_ =	shalt  }
0x4f: {  	_ =	shalt  }
0x50: {  	_ =	shalt  }
0x51: {  	_ =	shalt  }
0x52: {  	_ =	shalt  }
0x53: {  	_ =	shalt  }
0x54: {  	_ =	shalt  }
0x55: {  	_ =	shalt  }
0x56: {  	_ =	shalt  }
0x57: {  	_ =	shalt  }
0x58: {  	_ =	shalt  }
0x59: {  	_ =	shalt  }
0x5a: {  	_ =	shalt  }
0x5b: {  	_ =	shalt  }
0x5c: {  	_ =	shalt  }
0x5d: {  	_ =	shalt  }
0x5e: {  	_ =	shalt  }
0x5f: {  	_ =	shalt  }
0x60: {  	_ =	shalt  }
0x61: {  	_ =	shalt  }
0x62: {  	_ =	shalt  }
0x63: {  	_ =	shalt  }
0x64: {  	_ =	shalt  }
0x65: {  	_ =	shalt  }
0x66: {  	_ =	shalt  }
0x67: {  	_ =	shalt  }
0x68: {  	_ =	shalt  }
0x69: {  	_ =	shalt  }
0x6a: {  	_ =	shalt  }
0x6b: {  	_ =	shalt  }
0x6c: {  	_ =	shalt  }
0x6d: {  	_ =	shalt  }
0x6e: {  	_ =	shalt  }
0x6f: {  	_ =	shalt  }
0x70: {  	_ =	shalt  }
0x71: {  	_ =	shalt  }
0x72: {  	_ =	shalt  }
0x73: {  	_ =	shalt  }
0x74: {  	_ =	shalt  }
0x75: {  	_ =	shalt  }
0x76: {  	_ =	shalt  }
0x77: {  	_ =	shalt  }
0x78: {  	_ =	shalt  }
0x79: {  	_ =	shalt  }
0x7a: {  	_ =	shalt  }
0x7b: {  	_ =	shalt  }
0x7c: {  	_ =	shalt  }
0x7d: {  	_ =	shalt  }
0x7e: {  	_ =	shalt  }
0x7f: {  	_ =	shalt  }
0x80: {  	_ =	shalt  }
0x81: {  	_ =	shalt  }
0x82: {  	_ =	shalt  }
0x83: {  	_ =	shalt  }
0x84: {  	_ =	shalt  }
0x85: {  	_ =	shalt  }
0x86: {  	_ =	shalt  }
0x87: {  	_ =	shalt  }
.Lfunc_end0:
.L_simem_size_0:
called_computation.2_lowered:
.L_overlay_start_0:
0x88: {  	s2 =	sld [smem:$0x3FD9]  }
0x89: {  	s3 =	sld [smem:$0x3FFE];
	_ =	sdelay $0x1  }
0x8a: {  	s1 =	srdreg.scid  }
0x8b: {  	s0 =	sand.u32 $0x1, s1  }
0x8c: {  	s16 =	sshll.u32 s0, $0xA;
	s2 =	sadd.s32 s3, s2  }
0x8d: {  	s2 =	sadd.s32 s2, s16  }
0x8e: {  	[smem:$0x3FBD] =	sst s2  }
0x8f: {  	_ = 	snop  }
0x90: {  	(tm) =	ssettm $0x1  }
0x91: {  	s17 =	sld [smem:$0x3FFB];
	_ =	sdelay $0x3  }
0x92: {  	_ =	strace s17  }
0x93: {  	s2 =	sld [smem:$0x3FFC];
	_ =	sdelay $0x3  }
0x94: {  	_ =	strace s2  }
0x95: {  	s2 =	sld [smem:$0x3FFD];
	_ =	sdelay $0x3  }
0x96: {  	_ =	strace s2  }
0x97: {  	_ =	strace $0x8FFFFFFF  }
0x98: {  	s18 =	sld [smem:$0x3FDB];
	_ =	sdelay $0x1  }
0x99: {  	s19 =	simm.s32 $_scs_section_size  }
0x9a: {  	s4 =	simm.s32 $_size__tile_overlayer_lowered;
	s5 =	simm.s32 $_tile_overlayer_lowered  }
0x9b: {  	s22 =	simm.s32 $0x1BFF;
	s21 =	sshll.u32 s5, $0x1;
	s2 =	sadd.s32 s19, s18  }
0x9c: {  	s6 =	simm.s32 $0x0;
	s20 =	sshll.u32 s4, $0x1;
	s4 =	sadd.s32 s21, s2  }
0x9d: {  	[timem:s6], [sflag:s22] =	dma.local [hbm:s4], s20  }
0x9e: {  	_ =	swait.ge [sflag:s22], s20  }
0x9f: {  	s3 =	ssub.s32 $0x0, s20;
	[sflag:s22] =	ssyncset.done $0x0  }
0xa0: {  	[sflag:s22] =	ssyncadd.s32 s3;
	_ =	sdelay $0x1  }
0xa1: {  	s23 =	simm.s32 $0x1B8B  }
0xa2: {  	_ =	swait.ge [sflag:s23], $0x1  }
0xa3: {  	[sflag:s23] =	ssyncset.done $0x0  }
0xa4: {  	s25 =	simm.s32 $0x1B8E;
	s24 =	sld [smem:$0x3FFE];
	[sflag:s23] =	ssyncadd.s32 $0xFFFFFFFF  }
0xa5: {  	s26 =	simm.s32 $execute0_lowered;
	[smem:$0x3FD2] =	sst s25  }
0xa6: {  	s4 =	sshll.u32 s26, $0x1;
	_ =	strace $0x8000004C;
	[dreg:$0x1] =	wrdreg $0xFFFFFFFF  }
0xa7: {  	s28 =	simm.s32 $_size_execute0_lowered;
	s2 =	sadd.s32 s2, s4;
	[dreg:$0x0] =	wrdreg $0x0  }
0xa8: {  	s4 =	sshll.u32 s28, $0x1;
	[dreg:$0x2] =	wrdreg s2  }
0xa9: {  	[dreg:$0x3] =	wrdreg s4  }
0xaa: {  	[dreg:$0x4] =	wrdreg $0xC0  }
0xab: {  	_ =	task [dreg:s6], $0x5FFFF  }
0xac: {  	[dreg:$0x1] =	wrdreg $0xFFFFFFFF  }
0xad: {  	[dreg:$0x0] =	wrdreg $0x60  }
0xae: {  	[dreg:$0x2] =	wrdreg s24  }
0xaf: {  	[dreg:$0x3] =	wrdreg $0xA8000  }
0xb0: {  	[dreg:$0x4] =	wrdreg $0x9  }
0xb1: {  	_ =	task.clear_ibuf [dreg:s6], $0x5FFFF;
	_ =	strace $0x9000004C  }
0xb2: {  	s29 =	simm.s32 $0x9;
	_ =	strace $0x8000004E  }
0xb3: {  	_ =	swait.ge [sflag:s29], $0x1  }
0xb4: {  	[sflag:s29] =	ssyncadd.s32 $0xFFFFFFFF  }
0xb5: {  	_ =	strace $0x9000004E  }
0xb6: {  	_ =	sfence  }
0xb7: {  	s30 =	sld [smem:$0x0];
	_ =	sdelay $0x2  }
0xb8: {  	s31 =	sshll.u32 s1, $0xD;
	s1 =	sshrl.u32 s1, $0x2  }
0xb9: {  	s3 =	sand.u32 $0x4000, s31;
	s1 =	sadd.s32 s1, s30  }
0xba: {  	s0 =	sor.u32 s3, s0;
	s1 =	sshll.u32 s1, $0x11  }
0xbb: {  	s0 =	sor.u32 s1, s0  }
0xbc: {  	s0 =	sadd.s32 $0x8F2B, s0  }
0xbd: {  	[sflag:s0] =	ssyncadd.remote.s32 $0x1  }
0xbe: {  	_ =	sfence.sel $0xFFFF  }
0xbf: {  	[dreg:$0x0] =	wrdreg $0xFFFFFFFF;
	(pc) =	sbr.abs _section_cstart, $3  }
0xc0: {  	[dreg:$0x1] =	wrdreg $0xFFFFFFFF  }
0xc1: {  	_ =	task.clear_ibuf [dreg:s6], $0x2FFFF;
	_ =	strace $0x9FFFFFFF  }
0xc2: {  	(tm) =	ssettm $0x7FFFFFFF  }
0xc3: {  	_ =	shalt  }
tec
execute0_lowered:
.L_overlay_start_1:
0x0: {  	(tag) =	ssettag $0x1  }
0x1: {  	s0 =	rddreg [dreg:$0x0]  }
0x2: {  	s2 =	rddreg [dreg:$0x1];
	s3 =	simm.s32 $0x0  }
0x3: {  	s1 =	srdreg.scid;
	s11 =	stileid.u32;
	s28 =	simm.s32 $0x8800  }
0x4: {  	s29 =	simm.s32 $0x1;
	s30 =	simm.s32 $0x2;
	s31 =	simm.s32 $0x3  }
0x5: {  	[smem:$0x7FF] =	sst s3;
	s1 =	sand.u32 $0x1, s1;
	s10 =	smul.u32 $0x50000, s11  }
0x6: {  	s4 =	sshll.u32 s11, $0x1;
	s14 =	sadd.s32 $0x67800, s0;
	s23 =	smul.u32 $0x14000, s11  }
0x7: {  	s5 =	sor.u32 s1, s4;
	s6 =	ssub.s32 $0x2, s1;
	s1 =	smul.u32 $0x138800, s1  }
0x8: {  	_ =	strace $0x8000004D;
	s4 =	sadd.s32 $0x19400, s0;
	s7 =	smul.u32 $0x500, s5  }
0x9: {  	s8 =	sshrl.u32 s6, $0x1;
	s9 =	smax.u32 s5, $0x19;
	p0 =	sgt.u32 s5, $0x18  }
0xa: {  	s20 =	sshrl.u32 s10, $0x2;
	p1 =	seq.s32 s5, $0x1F;
	s6 =	ssub.s32 s6, s8  }
0xb: {  	s19 =	sshll.u32 s9, $0x7;
	s5 =	sadd.s32 s20, s2;
	s9 =	simm.s32 $0x1C  }
0xc: {  	s20 =	simm.s32 $0x40;
	s7 =	ssub.s32 s7, s19;
	s21 =	sadd.s32 $0x4000, s5  }
0xd: {  	s22 =	sadd.s32 $0x8000, s5;
	s8 =	sadd.s32 $0xC000, s5;
	[dreg:$0x4] =	wrdreg s21  }
0xe: {  	s24 =	sadd.s32 $0x10000, s5;
	s9 =	simm.s32 @!p1 $0x20;
	[dreg:$0x5] =	wrdreg s22  }
0xf: {  	s16 =	smax.u32 s6, $0x1;
	s19 =	simm.s32 $0x5;
	[dreg:$0x6] =	wrdreg s8  }
0x10: {  	p1 =	seq.s32 s11, $0xF;
	s0 =	sadd.s32 s0, s7;
	[dreg:$0x7] =	wrdreg s24  }
0x11: {  	s9 =	simm.s32 @!p0 $0x28;
	s21 =	simm.s32 $0x2800;
	s22 =	simm.s32 $0x4800  }
0x12: {  	s24 =	simm.s32 $0x80;
	s7 =	sadd.s32 $0x6680, s0;
	s12 =	sadd.s32 $0x6900, s0  }
0x13: {  	s26 =	sshrl.u32 s9, $0x1;
	s0 =	sadd.s32 $0x12C000, s2;
	[dreg:$0x3] =	wrdreg s7  }
0x14: {  	s7 =	sadd.s32 s23, s1;
	s1 =	sshrl.u32 s1, $0x3;
	[dreg:$0x8] =	wrdreg s26  }
0x15: {  	s23 =	simm.s32 $0x6800;
	s25 =	sshrl.u32 s7, $0x3;
	s1 =	sadd.s32 s14, s1  }
0x16: {  	s26 =	simm.s32 $0xC0;
	s14 =	sadd.s32 s14, s25;
	s15 =	sadd.s32 $0x25800, s1  }
0x17: {  	v0 =	vimm.f32 $0.0e+00;
	s25 =	sshrl.u32 @p1 s0, $0x3;
	s0 =	simm.s32 $0x4;
	s1 =	simm.s32 $0x0  }
.LBB2_1:
0x18: {  	s6 =	sand.u32 $0xFE00, s3  }
0x19: {  	s7 =	sand.u32 $0x70, s3;
	s8 =	sshrl.u32 s6, $0x2  }
0x1a: {  	s6 =	simm.s32 $0x40;
	s8 =	sor.u32 s7, s8;
	s7 =	simm.s32 $0x0  }
.LBB2_2:
0x1b: {  	p2 =	sne.s32 s6, $0xFFC0  }
0x1c: {  	[tilespmem:s8+$0x6800] =	vst v0;
	s7 =	sadd.s32 $0x10, s7;
	s8 =	smov.u32 s6;
	s6 =	sadd.s32 $0x40, s6  }
.Ltmp0:
0x1d: {  	(pc) =	sbr.rel @p2 .LBB2_2-.Ltmp0, $4  }
0x1e: {  	_ = 	snop  }
0x1f: {  	s8 =	sand.u32 $0xFE00, s8  }
0x20: {  	s17 =	sand.u32 $0x70, s7;
	s8 =	sshrl.u32 s8, $0x2  }
0x21: {  	s8 =	sor.u32 s17, s8  }
0x22: {  	s6 =	simm.s32 $0x0  }
0x23: {  	[tilespmem:s8+$0x6800] =	vst v0;
	s7 =	rddreg [dreg:$0x3];
	s13 =	simm.s32 $0x1400;
	s10 =	simm.s32 $0x4E400  }
0x24: {  	[tilespmem:s6], [sflag:$0x5] =	stream.strided.gather [hbm4b:s7+s13], $0x2800, s10, s13, $0x38;
	[tilespmem:$0x1E800] =	vst v63  }
0x25: {  	_ =	swait.ge [sflag:s19], $0x2800  }
0x26: {  	[sflag:s19] =	ssyncset.done $0x0  }
0x27: {  	[sflag:s19] =	ssyncadd.s32 $0xFFFFD800  }
0x28: {  	[tilespmem:s21], [sflag:$0x1] =	stream.indirect.gather [hbm4b:s4+s20], $0x80, s6, s20, $0xb8;
	[tilespmem:$0x1E800] =	vst v63  }
0x29: {  	_ = 	snop  }
0x2a: {  	[tilespmem:s22], [sflag:$0x2] =	stream.indirect.gather [hbm4b:s4+s20], $0x80, s20, s20, $0xb8;
	[tilespmem:$0x1E800] =	vst v63  }
0x2b: {  	_ = 	snop  }
0x2c: {  	[spmem:s5] =	stream.linear.scatter [tilespmem:s23], [sflag:$0x5], $0x4000, $0x38;
	[tilespmem:$0x1E800] =	vst v63  }
0x2d: {  	_ =	swait.ge [sflag:s19], $0x4000  }
0x2e: {  	[sflag:s19] =	ssyncset.done $0x0  }
0x2f: {  	s17 =	rddreg [dreg:$0x4];
	[sflag:s19] =	ssyncadd.s32 $0xFFFFC000  }
0x30: {  	[spmem:s17] =	stream.linear.scatter [tilespmem:s23], [sflag:$0x5], $0x4000, $0x38;
	[tilespmem:$0x1E800] =	vst v63  }
0x31: {  	_ =	swait.ge [sflag:s19], $0x4000  }
0x32: {  	[sflag:s19] =	ssyncset.done $0x0  }
0x33: {  	s18 =	rddreg [dreg:$0x5];
	[sflag:s19] =	ssyncadd.s32 $0xFFFFC000  }
0x34: {  	[spmem:s18] =	stream.linear.scatter [tilespmem:s23], [sflag:$0x5], $0x4000, $0x38;
	[tilespmem:$0x1E800] =	vst v63  }
0x35: {  	_ =	swait.ge [sflag:s19], $0x4000  }
0x36: {  	[sflag:s19] =	ssyncset.done $0x0  }
0x37: {  	s7 =	rddreg [dreg:$0x6];
	[sflag:s19] =	ssyncadd.s32 $0xFFFFC000  }
0x38: {  	[spmem:s7] =	stream.linear.scatter [tilespmem:s23], [sflag:$0x5], $0x4000, $0x38;
	[tilespmem:$0x1E800] =	vst v63  }
0x39: {  	_ =	swait.ge [sflag:s19], $0x4000  }
0x3a: {  	[sflag:s19] =	ssyncset.done $0x0  }
0x3b: {  	s8 =	rddreg [dreg:$0x7];
	[sflag:s19] =	ssyncadd.s32 $0xFFFFC000  }
0x3c: {  	[spmem:s8] =	stream.linear.scatter [tilespmem:s23], [sflag:$0x5], $0x4000, $0x38;
	[tilespmem:$0x1E800] =	vst v63  }
0x3d: {  	_ =	swait.ge [sflag:s19], $0x4000  }
0x3e: {  	[sflag:s19] =	ssyncset.done $0x0  }
0x3f: {  	[sflag:s19] =	ssyncadd.s32 $0xFFFFC000  }
0x40: {  	[bflag:$0x0] =	sbarrier.arrive $0xFFFF  }
0x41: {  	[tilespmem:s23], [sflag:$0x3] =	stream.indirect.gather [hbm4b:s4+s20], $0x80, s24, s20, $0xb8;
	[tilespmem:$0x1E800] =	vst v63  }
0x42: {  	_ = 	snop  }
0x43: {  	[tilespmem:s28], [sflag:$0x4] =	stream.indirect.gather [hbm4b:s4+s20], $0x80, s26, s20, $0xb8;
	[tilespmem:$0x1E800] =	vst v63  }
0x44: {  	_ =	swait.ge [sflag:s29], $0x2000  }
0x45: {  	[sflag:s29] =	ssyncset.done $0x0  }
0x46: {  	[sflag:s29] =	ssyncadd.s32 $0xFFFFE000  }
0x47: {  	_ =	swait.ge [sflag:s30], $0x2000  }
0x48: {  	[sflag:s30] =	ssyncset.done $0x0  }
0x49: {  	s10 =	simm.s32 $0x1400;
	[sflag:s30] =	ssyncadd.s32 $0xFFFFE000  }
0x4a: {  	[spmem:s2] =	stream.indirect.scatter.add.f32 [tilespmem:s21], [sflag:$0x5], $0x80, s10, s24, $0xb8;
	[tilespmem:$0x1E800] =	vst v63  }
0x4b: {  	_ =	swait.ge [sflag:s19], $0x4000  }
0x4c: {  	[sflag:s19] =	ssyncset.done $0x0  }
0x4d: {  	s11 =	simm.s32 $0x100;
	[sflag:s19] =	ssyncadd.s32 $0xFFFFC000  }
0x4e: {  	[tilespmem:s21], [sflag:$0x1] =	stream.indirect.gather [hbm4b:s4+s20], $0x80, s11, s20, $0xb8;
	[tilespmem:$0x1E800] =	vst v63  }
0x4f: {  	s13 =	simm.s32 $0x140  }
0x50: {  	[tilespmem:s22], [sflag:$0x2] =	stream.indirect.gather [hbm4b:s4+s20], $0x80, s13, s20, $0xb8;
	[tilespmem:$0x1E800] =	vst v63  }
0x51: {  	_ =	swait.ge [sflag:s31], $0x2000  }
0x52: {  	[sflag:s31] =	ssyncset.done $0x0  }
0x53: {  	[sflag:s31] =	ssyncadd.s32 $0xFFFFE000  }
0x54: {  	_ =	swait.ge [sflag:s0], $0x2000  }
0x55: {  	[sflag:s0] =	ssyncset.done $0x0  }
0x56: {  	s17 =	simm.s32 $0x1480;
	[sflag:s0] =	ssyncadd.s32 $0xFFFFE000  }
0x57: {  	[spmem:s2] =	stream.indirect.scatter.add.f32 [tilespmem:s23], [sflag:$0x5], $0x80, s17, s24, $0xb8;
	[tilespmem:$0x1E800] =	vst v63  }
0x58: {  	_ =	swait.ge [sflag:s19], $0x4000  }
0x59: {  	s6 =	simm.s32 $0x400;
	[sflag:s19] =	ssyncset.done $0x0  }
0x5a: {  	s18 =	simm.s32 $0x180;
	s7 =	simm.s32 $0x1C0;
	[sflag:s19] =	ssyncadd.s32 $0xFFFFC000  }
0x5b: {  	[tilespmem:s23], [sflag:$0x3] =	stream.indirect.gather [hbm4b:s4+s20], $0x80, s18, s20, $0xb8;
	[tilespmem:$0x1E800] =	vst v63  }
.LBB2_4:
0x5c: {  	[tilespmem:s28], [sflag:$0x4] =	stream.indirect.gather [hbm4b:s4+s20], $0x80, s7, s20, $0xb8;
	[tilespmem:$0x1E800] =	vst v63  }
0x5d: {  	s7 =	smov.u32 s6  }
0x5e: {  	p2 =	sne.s32 s6, $0x4800;
	s6 =	sadd.s32 $0x400, s6;
	_ =	swait.ge [sflag:s29], $0x2000  }
0x5f: {  	[sflag:s29] =	ssyncset.done $0x0  }
0x60: {  	[sflag:s29] =	ssyncadd.s32 $0xFFFFE000  }
0x61: {  	_ =	swait.ge [sflag:s30], $0x2000  }
0x62: {  	s7 =	sshra.s32 s7, $0x2;
	[sflag:s30] =	ssyncset.done $0x0  }
0x63: {  	s8 =	sadd.s32 $0x1400, s7;
	[sflag:s30] =	ssyncadd.s32 $0xFFFFE000  }
0x64: {  	[spmem:s2] =	stream.indirect.scatter.add.f32 [tilespmem:s21], [sflag:$0x5], $0x80, s8, s24, $0xb8;
	[tilespmem:$0x1E800] =	vst v63  }
0x65: {  	_ =	swait.ge [sflag:s19], $0x4000  }
0x66: {  	[sflag:s19] =	ssyncset.done $0x0  }
0x67: {  	s8 =	sadd.s32 $0x100, s7;
	[sflag:s19] =	ssyncadd.s32 $0xFFFFC000  }
0x68: {  	[tilespmem:s21], [sflag:$0x1] =	stream.indirect.gather [hbm4b:s4+s20], $0x80, s8, s20, $0xb8;
	[tilespmem:$0x1E800] =	vst v63  }
0x69: {  	s8 =	sadd.s32 $0x140, s7  }
0x6a: {  	[tilespmem:s22], [sflag:$0x2] =	stream.indirect.gather [hbm4b:s4+s20], $0x80, s8, s20, $0xb8;
	[tilespmem:$0x1E800] =	vst v63  }
0x6b: {  	_ =	swait.ge [sflag:s31], $0x2000  }
0x6c: {  	[sflag:s31] =	ssyncset.done $0x0  }
0x6d: {  	[sflag:s31] =	ssyncadd.s32 $0xFFFFE000  }
0x6e: {  	_ =	swait.ge [sflag:s0], $0x2000  }
0x6f: {  	[sflag:s0] =	ssyncset.done $0x0  }
0x70: {  	s8 =	sadd.s32 $0x1480, s7;
	[sflag:s0] =	ssyncadd.s32 $0xFFFFE000  }
0x71: {  	[spmem:s2] =	stream.indirect.scatter.add.f32 [tilespmem:s23], [sflag:$0x5], $0x80, s8, s24, $0xb8;
	[tilespmem:$0x1E800] =	vst v63  }
.Ltmp1:
0x72: {  	_ =	swait.ge [sflag:s19], $0x4000;
	(pc) =	sbr.rel @p2 .LBB2_4-.Ltmp1, $4  }
0x73: {  	[sflag:s19] =	ssyncset.done $0x0  }
0x74: {  	s8 =	sadd.s32 $0x180, s7;
	[sflag:s19] =	ssyncadd.s32 $0xFFFFC000  }
0x75: {  	[tilespmem:s23], [sflag:$0x3] =	stream.indirect.gather [hbm4b:s4+s20], $0x80, s8, s20, $0xb8;
	[tilespmem:$0x1E800] =	vst v63  }
0x76: {  	s7 =	sadd.s32 $0x1C0, s7  }
0x77: {  	[tilespmem:s28], [sflag:$0x4] =	stream.indirect.gather [hbm4b:s4+s20], $0x80, s7, s20, $0xb8;
	[tilespmem:$0x1E800] =	vst v63  }
0x78: {  	_ =	swait.ge [sflag:s29], $0x2000  }
0x79: {  	[sflag:s29] =	ssyncset.done $0x0  }
0x7a: {  	[sflag:s29] =	ssyncadd.s32 $0xFFFFE000  }
0x7b: {  	_ =	swait.ge [sflag:s30], $0x2000  }
0x7c: {  	[sflag:s30] =	ssyncset.done $0x0  }
0x7d: {  	s6 =	simm.s32 $0x2700;
	[sflag:s30] =	ssyncadd.s32 $0xFFFFE000  }
0x7e: {  	[spmem:s2] =	stream.indirect.scatter.add.f32 [tilespmem:s21], [sflag:$0x5], $0x80, s6, s24, $0xb8;
	[tilespmem:$0x1E800] =	vst v63  }
0x7f: {  	_ =	swait.ge [sflag:s19], $0x4000  }
0x80: {  	[sflag:s19] =	ssyncset.done $0x0  }
0x81: {  	[sflag:s19] =	ssyncadd.s32 $0xFFFFC000  }
0x82: {  	_ =	swait.ge [sflag:s31], $0x2000  }
0x83: {  	[sflag:s31] =	ssyncset.done $0x0  }
0x84: {  	[sflag:s31] =	ssyncadd.s32 $0xFFFFE000  }
0x85: {  	_ =	swait.ge [sflag:s0], $0x2000  }
0x86: {  	[sflag:s0] =	ssyncset.done $0x0  }
0x87: {  	s13 =	simm.s32 $0x2780;
	[sflag:s0] =	ssyncadd.s32 $0xFFFFE000  }
0x88: {  	[spmem:s2] =	stream.indirect.scatter.add.f32 [tilespmem:s23], [sflag:$0x5], $0x80, s13, s24, $0xb8;
	[tilespmem:$0x1E800] =	vst v63  }
0x89: {  	_ =	swait.ge [sflag:s19], $0x4000  }
0x8a: {  	[sflag:s19] =	ssyncset.done $0x0  }
0x8b: {  	s6 =	simm.s32 @p0 $0x0;
	[sflag:s19] =	ssyncadd.s32 $0xFFFFC000  }
0x8c: {  	[tilespmem:s6], [sflag:$0x5] =	stream.linear.gather @p0 [hbm4b:s12+s6], $0x1000, $0x38;
	[tilespmem:$0x1E800] =	vst v63  }
0x8d: {  	s7 =	sadd.s32 @p0 $0x9C80, s12;
	s8 =	simm.s32 @p0 $0x1400  }
0x8e: {  	[tilespmem:s8], [sflag:$0x5] =	stream.linear.gather @p0 [hbm4b:s7+s6], $0x1000, $0x38;
	[tilespmem:$0x1E800] =	vst v63  }
0x8f: {  	s6 =	simm.s32 @p0 $0x5  }
0x90: {  	_ =	swait.ge @p0 [sflag:s6], $0x2000  }
0x91: {  	s7 =	simm.s32 @!p0 $0x4E400;
	[sflag:s6] =	ssyncset.done @p0 $0x0  }
0x92: {  	s8 =	simm.s32 @!p0 $0x0;
	[sflag:s6] =	ssyncadd.s32 @p0 $0xFFFFE000;
	s6 =	simm.s32 @!p0 $0x1400  }
0x93: {  	[tilespmem:s8], [sflag:$0x5] =	stream.strided.gather @!p0 [hbm4b:s12+s6], $0x2800, s7, s6, $0x38;
	[tilespmem:$0x1E800] =	vst v63  }
0x94: {  	s6 =	simm.s32 @!p0 $0x5  }
0x95: {  	_ =	swait.ge @!p0 [sflag:s6], $0x2800  }
0x96: {  	[sflag:s6] =	ssyncset.done @!p0 $0x0  }
0x97: {  	[sflag:s6] =	ssyncadd.s32 @!p0 $0xFFFFD800  }
0x98: {  	[tilespmem:s21], [sflag:$0x1] =	stream.indirect.gather [hbm4b:s4+s20], $0x80, s3, s20, $0xb8;
	[tilespmem:$0x1E800] =	vst v63  }
0x99: {  	_ = 	snop  }
0x9a: {  	[tilespmem:s22], [sflag:$0x2] =	stream.indirect.gather [hbm4b:s4+s20], $0x80, s20, s20, $0xb8;
	[tilespmem:$0x1E800] =	vst v63  }
0x9b: {  	_ = 	snop  }
0x9c: {  	[tilespmem:s23], [sflag:$0x3] =	stream.indirect.gather [hbm4b:s4+s20], $0x80, s24, s20, $0xb8;
	[tilespmem:$0x1E800] =	vst v63  }
0x9d: {  	_ = 	snop  }
0x9e: {  	[tilespmem:s28], [sflag:$0x4] =	stream.indirect.gather [hbm4b:s4+s20], $0x80, s26, s20, $0xb8;
	[tilespmem:$0x1E800] =	vst v63  }
0x9f: {  	_ =	swait.ge [sflag:s29], $0x2000  }
0xa0: {  	[sflag:s29] =	ssyncset.done $0x0  }
0xa1: {  	[sflag:s29] =	ssyncadd.s32 $0xFFFFE000  }
0xa2: {  	_ =	swait.ge [sflag:s30], $0x2000  }
0xa3: {  	[sflag:s30] =	ssyncset.done $0x0  }
0xa4: {  	s17 =	simm.s32 $0x1400;
	[sflag:s30] =	ssyncadd.s32 $0xFFFFE000  }
0xa5: {  	[spmem:s2] =	stream.indirect.scatter.add.f32 [tilespmem:s21], [sflag:$0x5], $0x80, s17, s24, $0xb8;
	[tilespmem:$0x1E800] =	vst v63  }
0xa6: {  	p2 =	sle.u32 s9, $0x2;
	_ =	swait.ge [sflag:s19], $0x4000  }
0xa7: {  	s7 =	simm.s32 @!p2 $0x40;
	[sflag:s19] =	ssyncset.done $0x0  }
0xa8: {  	s8 =	simm.s32 @!p2 $0x2800;
	s6 =	simm.s32 @!p2 $0x100;
	[sflag:s19] =	ssyncadd.s32 $0xFFFFC000  }
0xa9: {  	[tilespmem:s8], [sflag:$0x1] =	stream.indirect.gather @!p2 [hbm4b:s4+s7], $0x80, s6, s7, $0xb8;
	[tilespmem:$0x1E800] =	vst v63  }
0xaa: {  	s6 =	simm.s32 @!p2 $0x140;
	s8 =	simm.s32 @!p2 $0x4800  }
0xab: {  	[tilespmem:s8], [sflag:$0x2] =	stream.indirect.gather @!p2 [hbm4b:s4+s7], $0x80, s6, s7, $0xb8;
	[tilespmem:$0x1E800] =	vst v63  }
0xac: {  	_ =	swait.ge [sflag:s31], $0x2000  }
0xad: {  	[sflag:s31] =	ssyncset.done $0x0  }
0xae: {  	[sflag:s31] =	ssyncadd.s32 $0xFFFFE000  }
0xaf: {  	_ =	swait.ge [sflag:s0], $0x2000  }
0xb0: {  	[sflag:s0] =	ssyncset.done $0x0  }
0xb1: {  	s17 =	simm.s32 $0x1480;
	[sflag:s0] =	ssyncadd.s32 $0xFFFFE000  }
0xb2: {  	[spmem:s2] =	stream.indirect.scatter.add.f32 [tilespmem:s23], [sflag:$0x5], $0x80, s17, s24, $0xb8;
	[tilespmem:$0x1E800] =	vst v63  }
0xb3: {  	_ =	swait.ge [sflag:s19], $0x4000  }
0xb4: {  	s18 =	rddreg [dreg:$0x8]  }
0xb5: {  	s18 =	sadd.s32 $0xFFFFFFFF, s18  }
0xb6: {  	p2 =	sne.s32 s18, $0x0  }
.Ltmp2:
0xb7: {  	p3 =	sle.u32 s9, $0x3;
	(pc) =	sbr.rel @!p2 .LBB2_7-.Ltmp2, $4  }
0xb8: {  	s6 =	simm.s32 @!p3 $0x180;
	[sflag:s19] =	ssyncset.done $0x0  }
0xb9: {  	s7 =	simm.s32 @!p3 $0x40;
	s8 =	simm.s32 @!p3 $0x6800;
	[sflag:s19] =	ssyncadd.s32 $0xFFFFC000  }
0xba: {  	[tilespmem:s8], [sflag:$0x3] =	stream.indirect.gather @!p3 [hbm4b:s4+s7], $0x80, s6, s7, $0xb8;
	[tilespmem:$0x1E800] =	vst v63  }
0xbb: {  	s6 =	simm.s32 $0x4;
	s8 =	simm.s32 @!p3 $0x8800  }
.LBB2_6:
0xbc: {  	s18 =	sadd.s32 $0xFFFFFFFF, s18;
	s10 =	sadd.s32 @!p3 $0xFFFFED40, s17;
	s17 =	sadd.s32 $0x100, s17  }
0xbd: {  	[tilespmem:s8], [sflag:$0x4] =	stream.indirect.gather @!p3 [hbm4b:s4+s7], $0x80, s10, s7, $0xb8;
	[tilespmem:$0x1E800] =	vst v63  }
0xbe: {  	p2 =	sne.s32 s18, $0x0;
	_ =	swait.ge [sflag:s29], $0x2000  }
0xbf: {  	[sflag:s29] =	ssyncset.done $0x0  }
0xc0: {  	[sflag:s29] =	ssyncadd.s32 $0xFFFFE000  }
0xc1: {  	_ =	swait.ge [sflag:s30], $0x2000  }
0xc2: {  	[sflag:s30] =	ssyncset.done $0x0  }
0xc3: {  	s7 =	sadd.s32 $0xFFFFFF80, s17;
	[sflag:s30] =	ssyncadd.s32 $0xFFFFE000  }
0xc4: {  	[spmem:s2] =	stream.indirect.scatter.add.f32 [tilespmem:s21], [sflag:$0x5], $0x80, s7, s24, $0xb8;
	[tilespmem:$0x1E800] =	vst v63  }
0xc5: {  	_ =	swait.ge [sflag:s19], $0x4000  }
0xc6: {  	p3 =	sge.u32 s6, s9;
	[sflag:s19] =	ssyncset.done $0x0  }
0xc7: {  	s8 =	simm.s32 @!p3 $0x40;
	s7 =	sadd.s32 @!p3 $0xFFFFEC80, s17;
	[sflag:s19] =	ssyncadd.s32 $0xFFFFC000  }
0xc8: {  	s10 =	simm.s32 @!p3 $0x2800;
	s11 =	sadd.s32 @!p3 $0xFFFFECC0, s17;
	s13 =	simm.s32 @!p3 $0x4800  }
0xc9: {  	[tilespmem:s10], [sflag:$0x1] =	stream.indirect.gather @!p3 [hbm4b:s4+s8], $0x80, s7, s8, $0xb8;
	[tilespmem:$0x1E800] =	vst v63  }
0xca: {  	_ = 	snop  }
0xcb: {  	[tilespmem:s13], [sflag:$0x2] =	stream.indirect.gather @!p3 [hbm4b:s4+s8], $0x80, s11, s8, $0xb8;
	[tilespmem:$0x1E800] =	vst v63  }
0xcc: {  	_ =	swait.ge [sflag:s31], $0x2000  }
0xcd: {  	[sflag:s31] =	ssyncset.done $0x0  }
0xce: {  	[sflag:s31] =	ssyncadd.s32 $0xFFFFE000  }
0xcf: {  	_ =	swait.ge [sflag:s0], $0x2000  }
0xd0: {  	[sflag:s0] =	ssyncset.done $0x0  }
0xd1: {  	s7 =	sadd.s32 $0x1, s6;
	[sflag:s0] =	ssyncadd.s32 $0xFFFFE000  }
0xd2: {  	[spmem:s2] =	stream.indirect.scatter.add.f32 [tilespmem:s23], [sflag:$0x5], $0x80, s17, s24, $0xb8;
	[tilespmem:$0x1E800] =	vst v63  }
.Ltmp3:
0xd3: {  	_ = 	snop;
	(pc) =	sbr.rel @p2 .LBB2_6-.Ltmp3, $4  }
0xd4: {  	s6 =	sadd.s32 $0x2, s6;
	p3 =	sge.u32 s7, s9;
	_ =	swait.ge [sflag:s19], $0x4000  }
0xd5: {  	s10 =	sadd.s32 @!p3 $0xFFFFED00, s17;
	s8 =	simm.s32 @!p3 $0x8800;
	[sflag:s19] =	ssyncset.done $0x0  }
0xd6: {  	s7 =	simm.s32 @!p3 $0x40;
	s11 =	simm.s32 @!p3 $0x6800;
	[sflag:s19] =	ssyncadd.s32 $0xFFFFC000  }
0xd7: {  	[tilespmem:s11], [sflag:$0x3] =	stream.indirect.gather @!p3 [hbm4b:s4+s7], $0x80, s10, s7, $0xb8;
	[tilespmem:$0x1E800] =	vst v63  }
.LBB2_7:
0xd8: {  	s6 =	sadd.s32 @!p3 $0xFFFFED40, s17  }
0xd9: {  	[tilespmem:s8], [sflag:$0x4] =	stream.indirect.gather @!p3 [hbm4b:s4+s7], $0x80, s6, s7, $0xb8;
	[tilespmem:$0x1E800] =	vst v63  }
0xda: {  	s6 =	simm.s32 @p1 $0x1FC5;
	[bflag:$0x0] =	sbarrier.arrive $0xFFFF  }
0xdb: {  	[hbm:s15], [sflag:s6] =	dma.local @p1 [spmem:s25], $0x1900  }
0xdc: {  	s6 =	simm.s32 @p1 $0x5  }
0xdd: {  	s1 =	sadd.s32 $0x1, s1;
	s7 =	stileid.u32;
	_ =	swait.ge @p1 [sflag:s6], $0x1900  }
0xde: {  	p2 =	sne.s32 s1, s16;
	s7 =	sshll.u32 @!p1 s7, $0x6;
	[sflag:s6] =	ssyncset.done @p1 $0x0  }
0xdf: {  	[sflag:s6] =	ssyncadd.s32 @p1 $0xFFFFE700;
	s6 =	sor.u32 @!p1 $0x1C05, s7;
	s7 =	sshrl.u32 @!p1 s5, $0x3  }
0xe0: {  	[hbm:s14], [sflag:s6] =	dma.local @!p1 [spmem:s7], $0x2800  }
.Ltmp4:
0xe1: {  	_ = 	snop;
	(pc) =	sbr.rel @p2 .LBB2_1-.Ltmp4, $4  }
0xe2: {  	s6 =	simm.s32 @!p1 $0x5  }
0xe3: {  	_ =	swait.ge @!p1 [sflag:s6], $0x2800  }
0xe4: {  	[sflag:s6] =	ssyncset.done @!p1 $0x0  }
0xe5: {  	[sflag:s6] =	ssyncadd.s32 @!p1 $0xFFFFD800  }
0xe6: {  	_ =	sfence.sel $0x180000  }
0xe7: {  	[bflag:$0x0] =	sbarrier.arrive $0xFFFF  }
0xe8: {  	_ =	strace $0x9000004D  }
0xe9: {  	s0 =	stileid.u32;
	[bflag:$0x2] =	sbarrier.arrive $0xFFFF  }
0xea: {  	p0 =	sne.s32 s0, $0x0;
	s0 =	rddreg [dreg:$0x2]  }
0xeb: {  	s0 =	sadd.s32 @!p0 $0x100000, s0  }
0xec: {  	[sflag:s0] =	ssyncadd.tile.s32 @!p0 $0x1;
	_ =	shalt  }
.Lfunc_end2:
_tile_overlayer_lowered:
.L_overlay_start_2:
0xed: {  	(tag) =	ssettag $0x2  }
0xee: {  	s0 =	rddreg [dreg:$0x0];
	s2 =	stileid.u32  }
0xef: {  	s1 =	rddreg [dreg:$0x1];
	p0 =	sne.s32 s2, $0x0  }
0xf0: {  	s3 =	rddreg [dreg:$0x2];
	[bflag:$0x3] =	sbarrier.arrive $0xFFFF;
	s2 =	simm.s32 @!p0 $0x1C05  }
0xf1: {  	[timem:s3], [sflag:s2] =	dma.local @!p0 [hbm:s0], s1  }
0xf2: {  	s0 =	simm.s32 @!p0 $0x5  }
0xf3: {  	_ =	swait.ge @!p0 [sflag:s0], s1  }
0xf4: {  	s1 =	ssub.s32 @!p0 $0x0, s1;
	[sflag:s0] =	ssyncset.done @!p0 $0x0  }
0xf5: {  	[sflag:s0] =	ssyncadd.s32 @!p0 s1  }
0xf6: {  	[bflag:$0x3] =	sbarrier.arrive $0xFFFF  }
0xf7: {  	_ =	shalt  }

// kernel: kernel.19.cloned.1.call-start
scs
__scs_entry_jumppad:
0x0: {  	(pc) =	sbr.rel $0x88, $3  }
0x1: {  	(tag) =	ssettag $0x0;
	lr =	simm.s32 $0x1  }
0x2: {  	[smem:$0x3F96] =	sst lr;
	_ =	strace $0xD0000000  }
0x3: {  	_ = 	snop  }
0x4: {  	_ = 	snop  }
0x5: {  	_ = 	snop  }
0x6: {  	_ = 	snop  }
0x7: {  	_ = 	snop  }
__scs_overlays_trampoline_lowered:
0x8: {  	[smem:$0x3FA5] =	sst s0  }
0x9: {  	[smem:$0x3FA6] =	sst s1  }
0xa: {  	[smem:$0x3FA7] =	sst s2  }
0xb: {  	[smem:$0x3FA8] =	sst s3  }
0xc: {  	[smem:$0x3FA9] =	sst s4  }
0xd: {  	[smem:$0x3FAA] =	sst s5  }
0xe: {  	[smem:$0x3FAB] =	sst s6  }
0xf: {  	[smem:$0x3FAC] =	sst s7  }
0x10: {  	[smem:$0x3FAD] =	sst s8  }
0x11: {  	[smem:$0x3FAE] =	sst s9;
	s0 =	simm.s32 @!p0 $0x0  }
0x12: {  	s1 =	sld [smem:$0x3F94];
	s0 =	simm.s32 @p0 $0x1  }
0x13: {  	[smem:$0x3FAF] =	sst s0;
	s0 =	simm.s32 @!p1 $0x0  }
0x14: {  	s2 =	sld [smem:$0x3F93];
	s0 =	simm.s32 @p1 $0x1  }
0x15: {  	[smem:$0x3FB0] =	sst s0;
	s0 =	simm.s32 @!p2 $0x0  }
0x16: {  	s3 =	sld [smem:$0x3FDB];
	s0 =	simm.s32 @p2 $0x1  }
0x17: {  	s4 =	simm.s32 $0x1BF5;
	[smem:$0x3FB2] =	sst s0  }
0x18: {  	s0 =	sld [smem:$0x3F95];
	_ =	swait.ge [sflag:s4], $0x0  }
0x19: {  	s7 =	sld [smem:$0x3F96]  }
0x1a: {  	s8 =	sadd.s32 $0xFFFFE003, lr  }
0x1b: {  	s9 =	sadd.s32 $0xFFFFFEF7, lr;
	s5 =	simm.s32 $0xFFFFFFFF;
	p2 =	slt.u32 s8, $0xFFFFF086  }
0x1c: {  	p1 =	slt.u32 s9, $0xF7A;
	s5 =	simm.s32 @!p2 $0x0  }
0x1d: {  	s5 =	simm.s32 @p1 $0x1;
	p0 =	seq.s32 s7, s2  }
0x1e: {  	s7 =	smul.u32 @!p0 $0xF7A, s2;
	p2 =	seq.s32 @!p0 s5, $0x0  }
0x1f: {  	s9 =	smul.u32 $0xF7A, s1;
	s8 =	simm.s32 @!p0 $0x1BF5;
	p2 =	por !p2, p0  }
0x20: {  	[sflag:s8] =	ssyncset.s32 @!p0 $0xFFFFF086;
	s6 =	sadd.s32 @!p0 s3, s7;
	s7 =	simm.s32 @!p0 $0x108  }
0x21: {  	s3 =	sadd.s32 s3, s9;
	s6 =	sadd.s32 @!p0 $0x88, s6;
	s7 =	simm.s32 @p2 $0x1082  }
0x22: {  	[simem:s7], [sflag:s8] =	dma.local @!p0 [hbm:s6], $0xF7A  }
0x23: {  	s9 =	sor.u32 $0xD0000000, s2;
	s6 =	simm.s32 $0x108;
	_ =	swait.ge @!p0 [sflag:s8], $0x0  }
0x24: {  	s3 =	sadd.s32 $0x88, s3;
	s6 =	simm.s32 @!p1 $0x1082;
	[sflag:s4] =	ssyncset.s32 $0xFFFFF086  }
0x25: {  	[simem:s6], [sflag:s4] =	dma.local [hbm:s3], $0xF7A  }
0x26: {  	[smem:$0x3F96] =	sst s1;
	(tag) =	ssettag s2;
	_ =	strace s9  }
0x27: {  	s1 =	sld [smem:$0x3FA6]  }
0x28: {  	s2 =	sld [smem:$0x3FA7]  }
0x29: {  	s4 =	sld [smem:$0x3FA9]  }
0x2a: {  	p0 =	seq.s32 s5, $0x0;
	s5 =	sld [smem:$0x3FAA]  }
0x2b: {  	s6 =	sld [smem:$0x3FAB]  }
0x2c: {  	s7 =	sld [smem:$0x3FAC]  }
0x2d: {  	s3 =	simm.s32 $0x108;
	s8 =	sld [smem:$0x3FAD]  }
0x2e: {  	s3 =	simm.s32 @!p0 $0x1082;
	s9 =	sld [smem:$0x3FAE]  }
0x2f: {  	lr =	sadd.s32 s0, s3;
	s0 =	sld [smem:$0x3FA5]  }
0x30: {  	s3 =	sld [smem:$0x3FA8]  }
0x31: {  	[smem:$0x3FB1] =	sst s10  }
0x32: {  	s10 =	sld [smem:$0x3FAF];
	_ =	sdelay $0x3  }
0x33: {  	p0 =	seq.s32 s10, $0x1;
	s10 =	sld [smem:$0x3FB1];
	_ =	sdelay $0x3  }
0x34: {  	[smem:$0x3FB1] =	sst s10  }
0x35: {  	s10 =	sld [smem:$0x3FB0];
	_ =	sdelay $0x3  }
0x36: {  	p1 =	seq.s32 s10, $0x1;
	s10 =	sld [smem:$0x3FB1];
	_ =	sdelay $0x3  }
0x37: {  	[smem:$0x3FB1] =	sst s10  }
0x38: {  	s10 =	sld [smem:$0x3FB2]  }
0x39: {  	_ = 	snop;
	(pc) =	sbr.ind lr, $3  }
0x3a: {  	_ = 	snop  }
0x3b: {  	_ = 	snop  }
0x3c: {  	p2 =	seq.s32 s10, $0x1;
	s10 =	sld [smem:$0x3FB1]  }
0x3d: {  	_ =	shalt  }
0x3e: {  	_ =	shalt  }
0x3f: {  	_ =	shalt  }
0x40: {  	_ =	shalt  }
0x41: {  	_ =	shalt  }
0x42: {  	_ =	shalt  }
0x43: {  	_ =	shalt  }
0x44: {  	_ =	shalt  }
0x45: {  	_ =	shalt  }
0x46: {  	_ =	shalt  }
0x47: {  	_ =	shalt  }
0x48: {  	_ =	shalt  }
0x49: {  	_ =	shalt  }
0x4a: {  	_ =	shalt  }
0x4b: {  	_ =	shalt  }
0x4c: {  	_ =	shalt  }
0x4d: {  	_ =	shalt  }
0x4e: {  	_ =	shalt  }
0x4f: {  	_ =	shalt  }
0x50: {  	_ =	shalt  }
0x51: {  	_ =	shalt  }
0x52: {  	_ =	shalt  }
0x53: {  	_ =	shalt  }
0x54: {  	_ =	shalt  }
0x55: {  	_ =	shalt  }
0x56: {  	_ =	shalt  }
0x57: {  	_ =	shalt  }
0x58: {  	_ =	shalt  }
0x59: {  	_ =	shalt  }
0x5a: {  	_ =	shalt  }
0x5b: {  	_ =	shalt  }
0x5c: {  	_ =	shalt  }
0x5d: {  	_ =	shalt  }
0x5e: {  	_ =	shalt  }
0x5f: {  	_ =	shalt  }
0x60: {  	_ =	shalt  }
0x61: {  	_ =	shalt  }
0x62: {  	_ =	shalt  }
0x63: {  	_ =	shalt  }
0x64: {  	_ =	shalt  }
0x65: {  	_ =	shalt  }
0x66: {  	_ =	shalt  }
0x67: {  	_ =	shalt  }
0x68: {  	_ =	shalt  }
0x69: {  	_ =	shalt  }
0x6a: {  	_ =	shalt  }
0x6b: {  	_ =	shalt  }
0x6c: {  	_ =	shalt  }
0x6d: {  	_ =	shalt  }
0x6e: {  	_ =	shalt  }
0x6f: {  	_ =	shalt  }
0x70: {  	_ =	shalt  }
0x71: {  	_ =	shalt  }
0x72: {  	_ =	shalt  }
0x73: {  	_ =	shalt  }
0x74: {  	_ =	shalt  }
0x75: {  	_ =	shalt  }
0x76: {  	_ =	shalt  }
0x77: {  	_ =	shalt  }
0x78: {  	_ =	shalt  }
0x79: {  	_ =	shalt  }
0x7a: {  	_ =	shalt  }
0x7b: {  	_ =	shalt  }
0x7c: {  	_ =	shalt  }
0x7d: {  	_ =	shalt  }
0x7e: {  	_ =	shalt  }
0x7f: {  	_ =	shalt  }
0x80: {  	_ =	shalt  }
0x81: {  	_ =	shalt  }
0x82: {  	_ =	shalt  }
0x83: {  	_ =	shalt  }
0x84: {  	_ =	shalt  }
0x85: {  	_ =	shalt  }
0x86: {  	_ =	shalt  }
0x87: {  	_ =	shalt  }
.Lfunc_end0:
.L_simem_size_0:
called_computation.3_lowered:
.L_overlay_start_0:
0x88: {  	s2 =	sld [smem:$0x3FD9]  }
0x89: {  	s3 =	sld [smem:$0x3FFE];
	_ =	sdelay $0x1  }
0x8a: {  	s1 =	srdreg.scid  }
0x8b: {  	s0 =	sand.u32 $0x1, s1  }
0x8c: {  	s16 =	sshll.u32 s0, $0xA;
	s2 =	sadd.s32 s3, s2  }
0x8d: {  	s2 =	sadd.s32 s2, s16  }
0x8e: {  	[smem:$0x3FBD] =	sst s2  }
0x8f: {  	_ = 	snop  }
0x90: {  	(tm) =	ssettm $0x1  }
0x91: {  	s17 =	sld [smem:$0x3FFB];
	_ =	sdelay $0x3  }
0x92: {  	_ =	strace s17  }
0x93: {  	s2 =	sld [smem:$0x3FFC];
	_ =	sdelay $0x3  }
0x94: {  	_ =	strace s2  }
0x95: {  	s2 =	sld [smem:$0x3FFD];
	_ =	sdelay $0x3  }
0x96: {  	_ =	strace s2  }
0x97: {  	_ =	strace $0x8FFFFFFF  }
0x98: {  	s18 =	sld [smem:$0x3FDB];
	_ =	sdelay $0x1  }
0x99: {  	s19 =	simm.s32 $_scs_section_size  }
0x9a: {  	s4 =	simm.s32 $_size__tile_overlayer_lowered;
	s5 =	simm.s32 $_tile_overlayer_lowered  }
0x9b: {  	s22 =	simm.s32 $0x1BFF;
	s21 =	sshll.u32 s5, $0x1;
	s2 =	sadd.s32 s19, s18  }
0x9c: {  	s6 =	simm.s32 $0x0;
	s20 =	sshll.u32 s4, $0x1;
	s4 =	sadd.s32 s21, s2  }
0x9d: {  	[timem:s6], [sflag:s22] =	dma.local [hbm:s4], s20  }
0x9e: {  	_ =	swait.ge [sflag:s22], s20  }
0x9f: {  	s3 =	ssub.s32 $0x0, s20;
	[sflag:s22] =	ssyncset.done $0x0  }
0xa0: {  	[sflag:s22] =	ssyncadd.s32 s3;
	_ =	sdelay $0x1  }
0xa1: {  	s23 =	simm.s32 $0x1B8B  }
0xa2: {  	_ =	swait.ge [sflag:s23], $0x1  }
0xa3: {  	[sflag:s23] =	ssyncset.done $0x0  }
0xa4: {  	s25 =	simm.s32 $0x1B8E;
	s24 =	sld [smem:$0x3FFE];
	[sflag:s23] =	ssyncadd.s32 $0xFFFFFFFF  }
0xa5: {  	s26 =	simm.s32 $execute0_lowered;
	[smem:$0x3FD2] =	sst s25  }
0xa6: {  	s4 =	sshll.u32 s26, $0x1;
	_ =	strace $0x8000004F;
	[dreg:$0x1] =	wrdreg $0xFFFFFFFF  }
0xa7: {  	s28 =	simm.s32 $_size_execute0_lowered;
	s2 =	sadd.s32 s2, s4;
	[dreg:$0x0] =	wrdreg $0x0  }
0xa8: {  	s4 =	sshll.u32 s28, $0x1;
	[dreg:$0x2] =	wrdreg s2  }
0xa9: {  	[dreg:$0x3] =	wrdreg s4  }
0xaa: {  	[dreg:$0x4] =	wrdreg $0xC0  }
0xab: {  	_ =	task [dreg:s6], $0x5FFFF  }
0xac: {  	[dreg:$0x1] =	wrdreg $0xFFFFFFFF  }
0xad: {  	[dreg:$0x0] =	wrdreg $0x60  }
0xae: {  	[dreg:$0x2] =	wrdreg s24  }
0xaf: {  	[dreg:$0x3] =	wrdreg $0xA8000  }
0xb0: {  	[dreg:$0x4] =	wrdreg $0x9  }
0xb1: {  	_ =	task.clear_ibuf [dreg:s6], $0x5FFFF;
	_ =	strace $0x9000004F  }
0xb2: {  	s29 =	simm.s32 $0x9;
	_ =	strace $0x80000051  }
0xb3: {  	_ =	swait.ge [sflag:s29], $0x1  }
0xb4: {  	[sflag:s29] =	ssyncadd.s32 $0xFFFFFFFF  }
0xb5: {  	_ =	strace $0x90000051  }
0xb6: {  	_ =	sfence  }
0xb7: {  	s30 =	sld [smem:$0x0];
	_ =	sdelay $0x2  }
0xb8: {  	s31 =	sshll.u32 s1, $0xD;
	s1 =	sshrl.u32 s1, $0x2  }
0xb9: {  	s3 =	sand.u32 $0x4000, s31;
	s1 =	sadd.s32 s1, s30  }
0xba: {  	s0 =	sor.u32 s3, s0;
	s1 =	sshll.u32 s1, $0x11  }
0xbb: {  	s0 =	sor.u32 s1, s0  }
0xbc: {  	s0 =	sadd.s32 $0x8F2B, s0  }
0xbd: {  	[sflag:s0] =	ssyncadd.remote.s32 $0x1  }
0xbe: {  	_ =	sfence.sel $0xFFFF  }
0xbf: {  	[dreg:$0x0] =	wrdreg $0xFFFFFFFF;
	(pc) =	sbr.abs _section_cstart, $3  }
0xc0: {  	[dreg:$0x1] =	wrdreg $0xFFFFFFFF  }
0xc1: {  	_ =	task.clear_ibuf [dreg:s6], $0x2FFFF;
	_ =	strace $0x9FFFFFFF  }
0xc2: {  	(tm) =	ssettm $0x7FFFFFFF  }
0xc3: {  	_ =	shalt  }
tec
execute0_lowered:
.L_overlay_start_1:
0x0: {  	(tag) =	ssettag $0x1  }
0x1: {  	s0 =	rddreg [dreg:$0x0]  }
0x2: {  	s2 =	rddreg [dreg:$0x1];
	s3 =	simm.s32 $0x0  }
0x3: {  	s1 =	srdreg.scid;
	s11 =	stileid.u32;
	s28 =	simm.s32 $0x8800  }
0x4: {  	s29 =	simm.s32 $0x1;
	s30 =	simm.s32 $0x2;
	s31 =	simm.s32 $0x3  }
0x5: {  	[smem:$0x7FF] =	sst s3;
	s1 =	sand.u32 $0x1, s1;
	s10 =	smul.u32 $0x50000, s11  }
0x6: {  	s4 =	sshll.u32 s11, $0x1;
	s14 =	sadd.s32 $0x67800, s0;
	s23 =	smul.u32 $0x14000, s11  }
0x7: {  	s5 =	sor.u32 s1, s4;
	s6 =	ssub.s32 $0x2, s1;
	s1 =	smul.u32 $0x138800, s1  }
0x8: {  	_ =	strace $0x80000050;
	s4 =	sadd.s32 $0x19400, s0;
	s7 =	smul.u32 $0x500, s5  }
0x9: {  	s8 =	sshrl.u32 s6, $0x1;
	s9 =	smax.u32 s5, $0x19;
	p0 =	sgt.u32 s5, $0x18  }
0xa: {  	s20 =	sshrl.u32 s10, $0x2;
	p1 =	seq.s32 s5, $0x1F;
	s6 =	ssub.s32 s6, s8  }
0xb: {  	s19 =	sshll.u32 s9, $0x7;
	s5 =	sadd.s32 s20, s2;
	s9 =	simm.s32 $0x1C  }
0xc: {  	s20 =	simm.s32 $0x40;
	s7 =	ssub.s32 s7, s19;
	s21 =	sadd.s32 $0x4000, s5  }
0xd: {  	s22 =	sadd.s32 $0x8000, s5;
	s8 =	sadd.s32 $0xC000, s5;
	[dreg:$0x4] =	wrdreg s21  }
0xe: {  	s24 =	sadd.s32 $0x10000, s5;
	s9 =	simm.s32 @!p1 $0x20;
	[dreg:$0x5] =	wrdreg s22  }
0xf: {  	s16 =	smax.u32 s6, $0x1;
	s19 =	simm.s32 $0x5;
	[dreg:$0x6] =	wrdreg s8  }
0x10: {  	p1 =	seq.s32 s11, $0xF;
	s0 =	sadd.s32 s0, s7;
	[dreg:$0x7] =	wrdreg s24  }
0x11: {  	s9 =	simm.s32 @!p0 $0x28;
	s21 =	simm.s32 $0x2800;
	s22 =	simm.s32 $0x4800  }
0x12: {  	s24 =	simm.s32 $0x80;
	s7 =	sadd.s32 $0x6680, s0;
	s12 =	sadd.s32 $0x6900, s0  }
0x13: {  	s26 =	sshrl.u32 s9, $0x1;
	s0 =	sadd.s32 $0x12C000, s2;
	[dreg:$0x3] =	wrdreg s7  }
0x14: {  	s7 =	sadd.s32 s23, s1;
	s1 =	sshrl.u32 s1, $0x3;
	[dreg:$0x8] =	wrdreg s26  }
0x15: {  	s23 =	simm.s32 $0x6800;
	s25 =	sshrl.u32 s7, $0x3;
	s1 =	sadd.s32 s14, s1  }
0x16: {  	s26 =	simm.s32 $0xC0;
	s14 =	sadd.s32 s14, s25;
	s15 =	sadd.s32 $0x25800, s1  }
0x17: {  	v0 =	vimm.f32 $0.0e+00;
	s25 =	sshrl.u32 @p1 s0, $0x3;
	s0 =	simm.s32 $0x4;
	s1 =	simm.s32 $0x0  }
.LBB2_1:
0x18: {  	s6 =	sand.u32 $0xFE00, s3  }
0x19: {  	s7 =	sand.u32 $0x70, s3;
	s8 =	sshrl.u32 s6, $0x2  }
0x1a: {  	s6 =	simm.s32 $0x40;
	s8 =	sor.u32 s7, s8;
	s7 =	simm.s32 $0x0  }
.LBB2_2:
0x1b: {  	p2 =	sne.s32 s6, $0xFFC0  }
0x1c: {  	[tilespmem:s8+$0x6800] =	vst v0;
	s7 =	sadd.s32 $0x10, s7;
	s8 =	smov.u32 s6;
	s6 =	sadd.s32 $0x40, s6  }
.Ltmp0:
0x1d: {  	(pc) =	sbr.rel @p2 .LBB2_2-.Ltmp0, $4  }
0x1e: {  	_ = 	snop  }
0x1f: {  	s8 =	sand.u32 $0xFE00, s8  }
0x20: {  	s17 =	sand.u32 $0x70, s7;
	s8 =	sshrl.u32 s8, $0x2  }
0x21: {  	s8 =	sor.u32 s17, s8  }
0x22: {  	s6 =	simm.s32 $0x0  }
0x23: {  	[tilespmem:s8+$0x6800] =	vst v0;
	s7 =	rddreg [dreg:$0x3];
	s13 =	simm.s32 $0x1400;
	s10 =	simm.s32 $0x4E400  }
0x24: {  	[tilespmem:s6], [sflag:$0x5] =	stream.strided.gather [hbm4b:s7+s13], $0x2800, s10, s13, $0x38;
	[tilespmem:$0x1E800] =	vst v63  }
0x25: {  	_ =	swait.ge [sflag:s19], $0x2800  }
0x26: {  	[sflag:s19] =	ssyncset.done $0x0  }
0x27: {  	[sflag:s19] =	ssyncadd.s32 $0xFFFFD800  }
0x28: {  	[tilespmem:s21], [sflag:$0x1] =	stream.indirect.gather [hbm4b:s4+s20], $0x80, s6, s20, $0xb8;
	[tilespmem:$0x1E800] =	vst v63  }
0x29: {  	_ = 	snop  }
0x2a: {  	[tilespmem:s22], [sflag:$0x2] =	stream.indirect.gather [hbm4b:s4+s20], $0x80, s20, s20, $0xb8;
	[tilespmem:$0x1E800] =	vst v63  }
0x2b: {  	_ = 	snop  }
0x2c: {  	[spmem:s5] =	stream.linear.scatter [tilespmem:s23], [sflag:$0x5], $0x4000, $0x38;
	[tilespmem:$0x1E800] =	vst v63  }
0x2d: {  	_ =	swait.ge [sflag:s19], $0x4000  }
0x2e: {  	[sflag:s19] =	ssyncset.done $0x0  }
0x2f: {  	s17 =	rddreg [dreg:$0x4];
	[sflag:s19] =	ssyncadd.s32 $0xFFFFC000  }
0x30: {  	[spmem:s17] =	stream.linear.scatter [tilespmem:s23], [sflag:$0x5], $0x4000, $0x38;
	[tilespmem:$0x1E800] =	vst v63  }
0x31: {  	_ =	swait.ge [sflag:s19], $0x4000  }
0x32: {  	[sflag:s19] =	ssyncset.done $0x0  }
0x33: {  	s18 =	rddreg [dreg:$0x5];
	[sflag:s19] =	ssyncadd.s32 $0xFFFFC000  }
0x34: {  	[spmem:s18] =	stream.linear.scatter [tilespmem:s23], [sflag:$0x5], $0x4000, $0x38;
	[tilespmem:$0x1E800] =	vst v63  }
0x35: {  	_ =	swait.ge [sflag:s19], $0x4000  }
0x36: {  	[sflag:s19] =	ssyncset.done $0x0  }
0x37: {  	s7 =	rddreg [dreg:$0x6];
	[sflag:s19] =	ssyncadd.s32 $0xFFFFC000  }
0x38: {  	[spmem:s7] =	stream.linear.scatter [tilespmem:s23], [sflag:$0x5], $0x4000, $0x38;
	[tilespmem:$0x1E800] =	vst v63  }
0x39: {  	_ =	swait.ge [sflag:s19], $0x4000  }
0x3a: {  	[sflag:s19] =	ssyncset.done $0x0  }
0x3b: {  	s8 =	rddreg [dreg:$0x7];
	[sflag:s19] =	ssyncadd.s32 $0xFFFFC000  }
0x3c: {  	[spmem:s8] =	stream.linear.scatter [tilespmem:s23], [sflag:$0x5], $0x4000, $0x38;
	[tilespmem:$0x1E800] =	vst v63  }
0x3d: {  	_ =	swait.ge [sflag:s19], $0x4000  }
0x3e: {  	[sflag:s19] =	ssyncset.done $0x0  }
0x3f: {  	[sflag:s19] =	ssyncadd.s32 $0xFFFFC000  }
0x40: {  	[bflag:$0x0] =	sbarrier.arrive $0xFFFF  }
0x41: {  	[tilespmem:s23], [sflag:$0x3] =	stream.indirect.gather [hbm4b:s4+s20], $0x80, s24, s20, $0xb8;
	[tilespmem:$0x1E800] =	vst v63  }
0x42: {  	_ = 	snop  }
0x43: {  	[tilespmem:s28], [sflag:$0x4] =	stream.indirect.gather [hbm4b:s4+s20], $0x80, s26, s20, $0xb8;
	[tilespmem:$0x1E800] =	vst v63  }
0x44: {  	_ =	swait.ge [sflag:s29], $0x2000  }
0x45: {  	[sflag:s29] =	ssyncset.done $0x0  }
0x46: {  	[sflag:s29] =	ssyncadd.s32 $0xFFFFE000  }
0x47: {  	_ =	swait.ge [sflag:s30], $0x2000  }
0x48: {  	[sflag:s30] =	ssyncset.done $0x0  }
0x49: {  	s10 =	simm.s32 $0x1400;
	[sflag:s30] =	ssyncadd.s32 $0xFFFFE000  }
0x4a: {  	[spmem:s2] =	stream.indirect.scatter.add.f32 [tilespmem:s21], [sflag:$0x5], $0x80, s10, s24, $0xb8;
	[tilespmem:$0x1E800] =	vst v63  }
0x4b: {  	_ =	swait.ge [sflag:s19], $0x4000  }
0x4c: {  	[sflag:s19] =	ssyncset.done $0x0  }
0x4d: {  	s11 =	simm.s32 $0x100;
	[sflag:s19] =	ssyncadd.s32 $0xFFFFC000  }
0x4e: {  	[tilespmem:s21], [sflag:$0x1] =	stream.indirect.gather [hbm4b:s4+s20], $0x80, s11, s20, $0xb8;
	[tilespmem:$0x1E800] =	vst v63  }
0x4f: {  	s13 =	simm.s32 $0x140  }
0x50: {  	[tilespmem:s22], [sflag:$0x2] =	stream.indirect.gather [hbm4b:s4+s20], $0x80, s13, s20, $0xb8;
	[tilespmem:$0x1E800] =	vst v63  }
0x51: {  	_ =	swait.ge [sflag:s31], $0x2000  }
0x52: {  	[sflag:s31] =	ssyncset.done $0x0  }
0x53: {  	[sflag:s31] =	ssyncadd.s32 $0xFFFFE000  }
0x54: {  	_ =	swait.ge [sflag:s0], $0x2000  }
0x55: {  	[sflag:s0] =	ssyncset.done $0x0  }
0x56: {  	s17 =	simm.s32 $0x1480;
	[sflag:s0] =	ssyncadd.s32 $0xFFFFE000  }
0x57: {  	[spmem:s2] =	stream.indirect.scatter.add.f32 [tilespmem:s23], [sflag:$0x5], $0x80, s17, s24, $0xb8;
	[tilespmem:$0x1E800] =	vst v63  }
0x58: {  	_ =	swait.ge [sflag:s19], $0x4000  }
0x59: {  	s6 =	simm.s32 $0x400;
	[sflag:s19] =	ssyncset.done $0x0  }
0x5a: {  	s18 =	simm.s32 $0x180;
	s7 =	simm.s32 $0x1C0;
	[sflag:s19] =	ssyncadd.s32 $0xFFFFC000  }
0x5b: {  	[tilespmem:s23], [sflag:$0x3] =	stream.indirect.gather [hbm4b:s4+s20], $0x80, s18, s20, $0xb8;
	[tilespmem:$0x1E800] =	vst v63  }
.LBB2_4:
0x5c: {  	[tilespmem:s28], [sflag:$0x4] =	stream.indirect.gather [hbm4b:s4+s20], $0x80, s7, s20, $0xb8;
	[tilespmem:$0x1E800] =	vst v63  }
0x5d: {  	s7 =	smov.u32 s6  }
0x5e: {  	p2 =	sne.s32 s6, $0x4800;
	s6 =	sadd.s32 $0x400, s6;
	_ =	swait.ge [sflag:s29], $0x2000  }
0x5f: {  	[sflag:s29] =	ssyncset.done $0x0  }
0x60: {  	[sflag:s29] =	ssyncadd.s32 $0xFFFFE000  }
0x61: {  	_ =	swait.ge [sflag:s30], $0x2000  }
0x62: {  	s7 =	sshra.s32 s7, $0x2;
	[sflag:s30] =	ssyncset.done $0x0  }
0x63: {  	s8 =	sadd.s32 $0x1400, s7;
	[sflag:s30] =	ssyncadd.s32 $0xFFFFE000  }
0x64: {  	[spmem:s2] =	stream.indirect.scatter.add.f32 [tilespmem:s21], [sflag:$0x5], $0x80, s8, s24, $0xb8;
	[tilespmem:$0x1E800] =	vst v63  }
0x65: {  	_ =	swait.ge [sflag:s19], $0x4000  }
0x66: {  	[sflag:s19] =	ssyncset.done $0x0  }
0x67: {  	s8 =	sadd.s32 $0x100, s7;
	[sflag:s19] =	ssyncadd.s32 $0xFFFFC000  }
0x68: {  	[tilespmem:s21], [sflag:$0x1] =	stream.indirect.gather [hbm4b:s4+s20], $0x80, s8, s20, $0xb8;
	[tilespmem:$0x1E800] =	vst v63  }
0x69: {  	s8 =	sadd.s32 $0x140, s7  }
0x6a: {  	[tilespmem:s22], [sflag:$0x2] =	stream.indirect.gather [hbm4b:s4+s20], $0x80, s8, s20, $0xb8;
	[tilespmem:$0x1E800] =	vst v63  }
0x6b: {  	_ =	swait.ge [sflag:s31], $0x2000  }
0x6c: {  	[sflag:s31] =	ssyncset.done $0x0  }
0x6d: {  	[sflag:s31] =	ssyncadd.s32 $0xFFFFE000  }
0x6e: {  	_ =	swait.ge [sflag:s0], $0x2000  }
0x6f: {  	[sflag:s0] =	ssyncset.done $0x0  }
0x70: {  	s8 =	sadd.s32 $0x1480, s7;
	[sflag:s0] =	ssyncadd.s32 $0xFFFFE000  }
0x71: {  	[spmem:s2] =	stream.indirect.scatter.add.f32 [tilespmem:s23], [sflag:$0x5], $0x80, s8, s24, $0xb8;
	[tilespmem:$0x1E800] =	vst v63  }
.Ltmp1:
0x72: {  	_ =	swait.ge [sflag:s19], $0x4000;
	(pc) =	sbr.rel @p2 .LBB2_4-.Ltmp1, $4  }
0x73: {  	[sflag:s19] =	ssyncset.done $0x0  }
0x74: {  	s8 =	sadd.s32 $0x180, s7;
	[sflag:s19] =	ssyncadd.s32 $0xFFFFC000  }
0x75: {  	[tilespmem:s23], [sflag:$0x3] =	stream.indirect.gather [hbm4b:s4+s20], $0x80, s8, s20, $0xb8;
	[tilespmem:$0x1E800] =	vst v63  }
0x76: {  	s7 =	sadd.s32 $0x1C0, s7  }
0x77: {  	[tilespmem:s28], [sflag:$0x4] =	stream.indirect.gather [hbm4b:s4+s20], $0x80, s7, s20, $0xb8;
	[tilespmem:$0x1E800] =	vst v63  }
0x78: {  	_ =	swait.ge [sflag:s29], $0x2000  }
0x79: {  	[sflag:s29] =	ssyncset.done $0x0  }
0x7a: {  	[sflag:s29] =	ssyncadd.s32 $0xFFFFE000  }
0x7b: {  	_ =	swait.ge [sflag:s30], $0x2000  }
0x7c: {  	[sflag:s30] =	ssyncset.done $0x0  }
0x7d: {  	s6 =	simm.s32 $0x2700;
	[sflag:s30] =	ssyncadd.s32 $0xFFFFE000  }
0x7e: {  	[spmem:s2] =	stream.indirect.scatter.add.f32 [tilespmem:s21], [sflag:$0x5], $0x80, s6, s24, $0xb8;
	[tilespmem:$0x1E800] =	vst v63  }
0x7f: {  	_ =	swait.ge [sflag:s19], $0x4000  }
0x80: {  	[sflag:s19] =	ssyncset.done $0x0  }
0x81: {  	[sflag:s19] =	ssyncadd.s32 $0xFFFFC000  }
0x82: {  	_ =	swait.ge [sflag:s31], $0x2000  }
0x83: {  	[sflag:s31] =	ssyncset.done $0x0  }
0x84: {  	[sflag:s31] =	ssyncadd.s32 $0xFFFFE000  }
0x85: {  	_ =	swait.ge [sflag:s0], $0x2000  }
0x86: {  	[sflag:s0] =	ssyncset.done $0x0  }
0x87: {  	s13 =	simm.s32 $0x2780;
	[sflag:s0] =	ssyncadd.s32 $0xFFFFE000  }
0x88: {  	[spmem:s2] =	stream.indirect.scatter.add.f32 [tilespmem:s23], [sflag:$0x5], $0x80, s13, s24, $0xb8;
	[tilespmem:$0x1E800] =	vst v63  }
0x89: {  	_ =	swait.ge [sflag:s19], $0x4000  }
0x8a: {  	[sflag:s19] =	ssyncset.done $0x0  }
0x8b: {  	s6 =	simm.s32 @p0 $0x0;
	[sflag:s19] =	ssyncadd.s32 $0xFFFFC000  }
0x8c: {  	[tilespmem:s6], [sflag:$0x5] =	stream.linear.gather @p0 [hbm4b:s12+s6], $0x1000, $0x38;
	[tilespmem:$0x1E800] =	vst v63  }
0x8d: {  	s7 =	sadd.s32 @p0 $0x9C80, s12;
	s8 =	simm.s32 @p0 $0x1400  }
0x8e: {  	[tilespmem:s8], [sflag:$0x5] =	stream.linear.gather @p0 [hbm4b:s7+s6], $0x1000, $0x38;
	[tilespmem:$0x1E800] =	vst v63  }
0x8f: {  	s6 =	simm.s32 @p0 $0x5  }
0x90: {  	_ =	swait.ge @p0 [sflag:s6], $0x2000  }
0x91: {  	s7 =	simm.s32 @!p0 $0x4E400;
	[sflag:s6] =	ssyncset.done @p0 $0x0  }
0x92: {  	s8 =	simm.s32 @!p0 $0x0;
	[sflag:s6] =	ssyncadd.s32 @p0 $0xFFFFE000;
	s6 =	simm.s32 @!p0 $0x1400  }
0x93: {  	[tilespmem:s8], [sflag:$0x5] =	stream.strided.gather @!p0 [hbm4b:s12+s6], $0x2800, s7, s6, $0x38;
	[tilespmem:$0x1E800] =	vst v63  }
0x94: {  	s6 =	simm.s32 @!p0 $0x5  }
0x95: {  	_ =	swait.ge @!p0 [sflag:s6], $0x2800  }
0x96: {  	[sflag:s6] =	ssyncset.done @!p0 $0x0  }
0x97: {  	[sflag:s6] =	ssyncadd.s32 @!p0 $0xFFFFD800  }
0x98: {  	[tilespmem:s21], [sflag:$0x1] =	stream.indirect.gather [hbm4b:s4+s20], $0x80, s3, s20, $0xb8;
	[tilespmem:$0x1E800] =	vst v63  }
0x99: {  	_ = 	snop  }
0x9a: {  	[tilespmem:s22], [sflag:$0x2] =	stream.indirect.gather [hbm4b:s4+s20], $0x80, s20, s20, $0xb8;
	[tilespmem:$0x1E800] =	vst v63  }
0x9b: {  	_ = 	snop  }
0x9c: {  	[tilespmem:s23], [sflag:$0x3] =	stream.indirect.gather [hbm4b:s4+s20], $0x80, s24, s20, $0xb8;
	[tilespmem:$0x1E800] =	vst v63  }
0x9d: {  	_ = 	snop  }
0x9e: {  	[tilespmem:s28], [sflag:$0x4] =	stream.indirect.gather [hbm4b:s4+s20], $0x80, s26, s20, $0xb8;
	[tilespmem:$0x1E800] =	vst v63  }
0x9f: {  	_ =	swait.ge [sflag:s29], $0x2000  }
0xa0: {  	[sflag:s29] =	ssyncset.done $0x0  }
0xa1: {  	[sflag:s29] =	ssyncadd.s32 $0xFFFFE000  }
0xa2: {  	_ =	swait.ge [sflag:s30], $0x2000  }
0xa3: {  	[sflag:s30] =	ssyncset.done $0x0  }
0xa4: {  	s17 =	simm.s32 $0x1400;
	[sflag:s30] =	ssyncadd.s32 $0xFFFFE000  }
0xa5: {  	[spmem:s2] =	stream.indirect.scatter.add.f32 [tilespmem:s21], [sflag:$0x5], $0x80, s17, s24, $0xb8;
	[tilespmem:$0x1E800] =	vst v63  }
0xa6: {  	p2 =	sle.u32 s9, $0x2;
	_ =	swait.ge [sflag:s19], $0x4000  }
0xa7: {  	s7 =	simm.s32 @!p2 $0x40;
	[sflag:s19] =	ssyncset.done $0x0  }
0xa8: {  	s8 =	simm.s32 @!p2 $0x2800;
	s6 =	simm.s32 @!p2 $0x100;
	[sflag:s19] =	ssyncadd.s32 $0xFFFFC000  }
0xa9: {  	[tilespmem:s8], [sflag:$0x1] =	stream.indirect.gather @!p2 [hbm4b:s4+s7], $0x80, s6, s7, $0xb8;
	[tilespmem:$0x1E800] =	vst v63  }
0xaa: {  	s6 =	simm.s32 @!p2 $0x140;
	s8 =	simm.s32 @!p2 $0x4800  }
0xab: {  	[tilespmem:s8], [sflag:$0x2] =	stream.indirect.gather @!p2 [hbm4b:s4+s7], $0x80, s6, s7, $0xb8;
	[tilespmem:$0x1E800] =	vst v63  }
0xac: {  	_ =	swait.ge [sflag:s31], $0x2000  }
0xad: {  	[sflag:s31] =	ssyncset.done $0x0  }
0xae: {  	[sflag:s31] =	ssyncadd.s32 $0xFFFFE000  }
0xaf: {  	_ =	swait.ge [sflag:s0], $0x2000  }
0xb0: {  	[sflag:s0] =	ssyncset.done $0x0  }
0xb1: {  	s17 =	simm.s32 $0x1480;
	[sflag:s0] =	ssyncadd.s32 $0xFFFFE000  }
0xb2: {  	[spmem:s2] =	stream.indirect.scatter.add.f32 [tilespmem:s23], [sflag:$0x5], $0x80, s17, s24, $0xb8;
	[tilespmem:$0x1E800] =	vst v63  }
0xb3: {  	_ =	swait.ge [sflag:s19], $0x4000  }
0xb4: {  	s18 =	rddreg [dreg:$0x8]  }
0xb5: {  	s18 =	sadd.s32 $0xFFFFFFFF, s18  }
0xb6: {  	p2 =	sne.s32 s18, $0x0  }
.Ltmp2:
0xb7: {  	p3 =	sle.u32 s9, $0x3;
	(pc) =	sbr.rel @!p2 .LBB2_7-.Ltmp2, $4  }
0xb8: {  	s6 =	simm.s32 @!p3 $0x180;
	[sflag:s19] =	ssyncset.done $0x0  }
0xb9: {  	s7 =	simm.s32 @!p3 $0x40;
	s8 =	simm.s32 @!p3 $0x6800;
	[sflag:s19] =	ssyncadd.s32 $0xFFFFC000  }
0xba: {  	[tilespmem:s8], [sflag:$0x3] =	stream.indirect.gather @!p3 [hbm4b:s4+s7], $0x80, s6, s7, $0xb8;
	[tilespmem:$0x1E800] =	vst v63  }
0xbb: {  	s6 =	simm.s32 $0x4;
	s8 =	simm.s32 @!p3 $0x8800  }
.LBB2_6:
0xbc: {  	s18 =	sadd.s32 $0xFFFFFFFF, s18;
	s10 =	sadd.s32 @!p3 $0xFFFFED40, s17;
	s17 =	sadd.s32 $0x100, s17  }
0xbd: {  	[tilespmem:s8], [sflag:$0x4] =	stream.indirect.gather @!p3 [hbm4b:s4+s7], $0x80, s10, s7, $0xb8;
	[tilespmem:$0x1E800] =	vst v63  }
0xbe: {  	p2 =	sne.s32 s18, $0x0;
	_ =	swait.ge [sflag:s29], $0x2000  }
0xbf: {  	[sflag:s29] =	ssyncset.done $0x0  }
0xc0: {  	[sflag:s29] =	ssyncadd.s32 $0xFFFFE000  }
0xc1: {  	_ =	swait.ge [sflag:s30], $0x2000  }
0xc2: {  	[sflag:s30] =	ssyncset.done $0x0  }
0xc3: {  	s7 =	sadd.s32 $0xFFFFFF80, s17;
	[sflag:s30] =	ssyncadd.s32 $0xFFFFE000  }
0xc4: {  	[spmem:s2] =	stream.indirect.scatter.add.f32 [tilespmem:s21], [sflag:$0x5], $0x80, s7, s24, $0xb8;
	[tilespmem:$0x1E800] =	vst v63  }
0xc5: {  	_ =	swait.ge [sflag:s19], $0x4000  }
0xc6: {  	p3 =	sge.u32 s6, s9;
	[sflag:s19] =	ssyncset.done $0x0  }
0xc7: {  	s8 =	simm.s32 @!p3 $0x40;
	s7 =	sadd.s32 @!p3 $0xFFFFEC80, s17;
	[sflag:s19] =	ssyncadd.s32 $0xFFFFC000  }
0xc8: {  	s10 =	simm.s32 @!p3 $0x2800;
	s11 =	sadd.s32 @!p3 $0xFFFFECC0, s17;
	s13 =	simm.s32 @!p3 $0x4800  }
0xc9: {  	[tilespmem:s10], [sflag:$0x1] =	stream.indirect.gather @!p3 [hbm4b:s4+s8], $0x80, s7, s8, $0xb8;
	[tilespmem:$0x1E800] =	vst v63  }
0xca: {  	_ = 	snop  }
0xcb: {  	[tilespmem:s13], [sflag:$0x2] =	stream.indirect.gather @!p3 [hbm4b:s4+s8], $0x80, s11, s8, $0xb8;
	[tilespmem:$0x1E800] =	vst v63  }
0xcc: {  	_ =	swait.ge [sflag:s31], $0x2000  }
0xcd: {  	[sflag:s31] =	ssyncset.done $0x0  }
0xce: {  	[sflag:s31] =	ssyncadd.s32 $0xFFFFE000  }
0xcf: {  	_ =	swait.ge [sflag:s0], $0x2000  }
0xd0: {  	[sflag:s0] =	ssyncset.done $0x0  }
0xd1: {  	s7 =	sadd.s32 $0x1, s6;
	[sflag:s0] =	ssyncadd.s32 $0xFFFFE000  }
0xd2: {  	[spmem:s2] =	stream.indirect.scatter.add.f32 [tilespmem:s23], [sflag:$0x5], $0x80, s17, s24, $0xb8;
	[tilespmem:$0x1E800] =	vst v63  }
.Ltmp3:
0xd3: {  	_ = 	snop;
	(pc) =	sbr.rel @p2 .LBB2_6-.Ltmp3, $4  }
0xd4: {  	s6 =	sadd.s32 $0x2, s6;
	p3 =	sge.u32 s7, s9;
	_ =	swait.ge [sflag:s19], $0x4000  }
0xd5: {  	s10 =	sadd.s32 @!p3 $0xFFFFED00, s17;
	s8 =	simm.s32 @!p3 $0x8800;
	[sflag:s19] =	ssyncset.done $0x0  }
0xd6: {  	s7 =	simm.s32 @!p3 $0x40;
	s11 =	simm.s32 @!p3 $0x6800;
	[sflag:s19] =	ssyncadd.s32 $0xFFFFC000  }
0xd7: {  	[tilespmem:s11], [sflag:$0x3] =	stream.indirect.gather @!p3 [hbm4b:s4+s7], $0x80, s10, s7, $0xb8;
	[tilespmem:$0x1E800] =	vst v63  }
.LBB2_7:
0xd8: {  	s6 =	sadd.s32 @!p3 $0xFFFFED40, s17  }
0xd9: {  	[tilespmem:s8], [sflag:$0x4] =	stream.indirect.gather @!p3 [hbm4b:s4+s7], $0x80, s6, s7, $0xb8;
	[tilespmem:$0x1E800] =	vst v63  }
0xda: {  	s6 =	simm.s32 @p1 $0x1FC5;
	[bflag:$0x0] =	sbarrier.arrive $0xFFFF  }
0xdb: {  	[hbm:s15], [sflag:s6] =	dma.local @p1 [spmem:s25], $0x1900  }
0xdc: {  	s6 =	simm.s32 @p1 $0x5  }
0xdd: {  	s1 =	sadd.s32 $0x1, s1;
	s7 =	stileid.u32;
	_ =	swait.ge @p1 [sflag:s6], $0x1900  }
0xde: {  	p2 =	sne.s32 s1, s16;
	s7 =	sshll.u32 @!p1 s7, $0x6;
	[sflag:s6] =	ssyncset.done @p1 $0x0  }
0xdf: {  	[sflag:s6] =	ssyncadd.s32 @p1 $0xFFFFE700;
	s6 =	sor.u32 @!p1 $0x1C05, s7;
	s7 =	sshrl.u32 @!p1 s5, $0x3  }
0xe0: {  	[hbm:s14], [sflag:s6] =	dma.local @!p1 [spmem:s7], $0x2800  }
.Ltmp4:
0xe1: {  	_ = 	snop;
	(pc) =	sbr.rel @p2 .LBB2_1-.Ltmp4, $4  }
0xe2: {  	s6 =	simm.s32 @!p1 $0x5  }
0xe3: {  	_ =	swait.ge @!p1 [sflag:s6], $0x2800  }
0xe4: {  	[sflag:s6] =	ssyncset.done @!p1 $0x0  }
0xe5: {  	[sflag:s6] =	ssyncadd.s32 @!p1 $0xFFFFD800  }
0xe6: {  	_ =	sfence.sel $0x180000  }
0xe7: {  	[bflag:$0x0] =	sbarrier.arrive $0xFFFF  }
0xe8: {  	_ =	strace $0x90000050  }
0xe9: {  	s0 =	stileid.u32;
	[bflag:$0x2] =	sbarrier.arrive $0xFFFF  }
0xea: {  	p0 =	sne.s32 s0, $0x0;
	s0 =	rddreg [dreg:$0x2]  }
0xeb: {  	s0 =	sadd.s32 @!p0 $0x100000, s0  }
0xec: {  	[sflag:s0] =	ssyncadd.tile.s32 @!p0 $0x1;
	_ =	shalt  }
.Lfunc_end2:
_tile_overlayer_lowered:
.L_overlay_start_2:
0xed: {  	(tag) =	ssettag $0x2  }
0xee: {  	s0 =	rddreg [dreg:$0x0];
	s2 =	stileid.u32  }
0xef: {  	s1 =	rddreg [dreg:$0x1];
	p0 =	sne.s32 s2, $0x0  }
0xf0: {  	s3 =	rddreg [dreg:$0x2];
	[bflag:$0x3] =	sbarrier.arrive $0xFFFF;
	s2 =	simm.s32 @!p0 $0x1C05  }
0xf1: {  	[timem:s3], [sflag:s2] =	dma.local @!p0 [hbm:s0], s1  }
0xf2: {  	s0 =	simm.s32 @!p0 $0x5  }
0xf3: {  	_ =	swait.ge @!p0 [sflag:s0], s1  }
0xf4: {  	s1 =	ssub.s32 @!p0 $0x0, s1;
	[sflag:s0] =	ssyncset.done @!p0 $0x0  }
0xf5: {  	[sflag:s0] =	ssyncadd.s32 @!p0 s1  }
0xf6: {  	[bflag:$0x3] =	sbarrier.arrive $0xFFFF  }
0xf7: {  	_ =	shalt  }

</sc_bundles>
